<compile_context>
chip_gen: v7x
topology: tpu7x:2x2x1
jax: 0.10.2.dev20260603
libtpu: 0.0.44.dev20260713+nightly
codegen_flags: <defaults>
</compile_context>

<pallas_src>
import functools

import jax
import jax.numpy as jnp
from jax import lax
from jax.experimental import pallas as pl
from jax.experimental.pallas import tpu as pltpu
from jax.experimental.pallas import tpu_sc as plsc

_B, _N, _K, _C, _Ch = 4, 10000, 5, 256, 128
_BN = _B * _N
_NSLOT = _K + 1
_NC, _NS = 2, 16
_NW = _NC * _NS
_BNP = 40960
_NPC = 64
_TOTCH = _BNP // _NPC
_NCH0 = 20
_NCH1 = (_TOTCH - _NS * _NCH0) // _NS
_RT = 2000
_NRT = _N // _RT
_NRTG = _BN // _RT

def _dot3(x, mh, ml):
    xh = x.astype(jnp.bfloat16)
    xl = (x - xh.astype(jnp.float32)).astype(jnp.bfloat16)
    d = functools.partial(jax.lax.dot_general,
                          dimension_numbers=(((1,), (0,)), ((), ())),
                          preferred_element_type=jnp.float32)
    return (d(xh, mh) + d(xh, ml)) + d(xl, mh)


def _split_bf16(m):
    mh = m.astype(jnp.bfloat16)
    ml = (m - mh.astype(jnp.float32)).astype(jnp.bfloat16)
    return mh, ml


def _lrelu(x):
    return jnp.where(x >= 0, x, 0.01 * x)



def _store_slot(o, rj):
    o[...] = rj.astype(o.dtype)


def _mm_body(x_ref, mh_ref, ml_ref, *o_refs):
    r = _dot3(x_ref[...], mh_ref[...], ml_ref[...])
    for j, o in enumerate(o_refs):
        _store_slot(o, r[:, j * _Ch:(j + 1) * _Ch])


def _mm_multi(x, m, out_dtypes):
    cin = x.shape[1]
    nslots = m.shape[1] // _Ch
    mh, ml = _split_bf16(m)
    return pl.pallas_call(
        _mm_body,
        grid=(_NRTG,),
        in_specs=[pl.BlockSpec((_RT, cin), lambda i: (i, 0)),
                  pl.BlockSpec((cin, nslots * _Ch), lambda i: (0, 0)),
                  pl.BlockSpec((cin, nslots * _Ch), lambda i: (0, 0))],
        out_specs=[pl.BlockSpec((_RT, _Ch), lambda i: (i, 0))] * nslots,
        out_shape=[jax.ShapeDtypeStruct((_BN, _Ch), dt) for dt in out_dtypes],
    )(x, mh, ml)


def _norm_mm_body(xp_ref, self_ref, mean_ref, rstd_ref, mh_ref, ml_ref,
                  *o_refs):
    x = (xp_ref[...] + self_ref[...] - mean_ref[0, 0:1, :]) * rstd_ref[0, 0:1, :]
    r = _dot3(_lrelu(x), mh_ref[...], ml_ref[...])
    for j, o in enumerate(o_refs):
        _store_slot(o, r[:, j * _Ch:(j + 1) * _Ch])


def _norm_mm_multi(xp, selft, mean, rstd, m, out_dtypes):
    nslots = m.shape[1] // _Ch
    mh, ml = _split_bf16(m)
    return pl.pallas_call(
        _norm_mm_body,
        grid=(_NRTG,),
        in_specs=[pl.BlockSpec((_RT, _Ch), lambda i: (i, 0)),
                  pl.BlockSpec((_RT, _Ch), lambda i: (i, 0)),
                  pl.BlockSpec((1, 8, 128), lambda i: (i // _NRT, 0, 0)),
                  pl.BlockSpec((1, 8, 128), lambda i: (i // _NRT, 0, 0)),
                  pl.BlockSpec((_Ch, nslots * _Ch), lambda i: (0, 0)),
                  pl.BlockSpec((_Ch, nslots * _Ch), lambda i: (0, 0))],
        out_specs=[pl.BlockSpec((_RT, _Ch), lambda i: (i, 0))] * nslots,
        out_shape=[jax.ShapeDtypeStruct((_BN, _Ch), dt) for dt in out_dtypes],
    )(xp, selft, mean, rstd, mh, ml)


def _stats2_body(xp_ref, self_ref, mean_ref, rstd_ref):
    x = xp_ref[...] + self_ref[...]
    m = jnp.mean(x, axis=0, keepdims=True)
    v = jnp.mean((x - m) * (x - m), axis=0, keepdims=True)
    mean_ref[...] = jnp.broadcast_to(m[None], (1, 8, 128))
    rstd_ref[...] = jnp.broadcast_to(jax.lax.rsqrt(v + 1e-5)[None], (1, 8, 128))


def _stats2(xp, selft):
    return pl.pallas_call(
        _stats2_body,
        grid=(_B,),
        in_specs=[pl.BlockSpec((_N, _Ch), lambda b: (b, 0)),
                  pl.BlockSpec((_N, _Ch), lambda b: (b, 0))],
        out_specs=[pl.BlockSpec((1, 8, 128), lambda b: (b, 0, 0))] * 2,
        out_shape=[jax.ShapeDtypeStruct((_B, 8, 128), jnp.float32)] * 2,
    )(xp, selft)


def _stats3_body(xp_ref, self_ref, r_ref, mean_ref, rstd_ref, meanr_ref,
                 rstdr_ref):
    x = xp_ref[...] + self_ref[...]
    m = jnp.mean(x, axis=0, keepdims=True)
    v = jnp.mean((x - m) * (x - m), axis=0, keepdims=True)
    mean_ref[...] = jnp.broadcast_to(m[None], (1, 8, 128))
    rstd_ref[...] = jnp.broadcast_to(jax.lax.rsqrt(v + 1e-5)[None], (1, 8, 128))
    r = r_ref[...]
    mr = jnp.mean(r, axis=0, keepdims=True)
    vr = jnp.mean((r - mr) * (r - mr), axis=0, keepdims=True)
    meanr_ref[...] = jnp.broadcast_to(mr[None], (1, 8, 128))
    rstdr_ref[...] = jnp.broadcast_to(jax.lax.rsqrt(vr + 1e-5)[None],
                                      (1, 8, 128))


def _stats3(xp, selft, resid):
    return pl.pallas_call(
        _stats3_body,
        grid=(_B,),
        in_specs=[pl.BlockSpec((_N, _Ch), lambda b: (b, 0))] * 3,
        out_specs=[pl.BlockSpec((1, 8, 128), lambda b: (b, 0, 0))] * 4,
        out_shape=[jax.ShapeDtypeStruct((_B, 8, 128), jnp.float32)] * 4,
    )(xp, selft, resid)


def _final_body(x2_ref, self2_ref, r_ref, mean2_ref, rstd2_ref, meanr_ref,
                rstdr_ref, w4_ref, o_ref):
    x2n = ((x2_ref[...] + self2_ref[...] - mean2_ref[0, 0:1, :])
           * rstd2_ref[0, 0:1, :])
    rn = (r_ref[...] - meanr_ref[0, 0:1, :]) * rstdr_ref[0, 0:1, :]
    y = _lrelu(x2n + rn)
    s = jnp.sum(y * w4_ref[0:1, :], axis=1, keepdims=True)
    o_ref[...] = jnp.broadcast_to(s, (_RT, 8))


def _final(x2, self2, resid, mean2, rstd2, meanr, rstdr, w4b):
    return pl.pallas_call(
        _final_body,
        grid=(_NRTG,),
        in_specs=[pl.BlockSpec((_RT, _Ch), lambda i: (i, 0)),
                  pl.BlockSpec((_RT, _Ch), lambda i: (i, 0)),
                  pl.BlockSpec((_RT, _Ch), lambda i: (i, 0)),
                  pl.BlockSpec((1, 8, 128), lambda i: (i // _NRT, 0, 0)),
                  pl.BlockSpec((1, 8, 128), lambda i: (i // _NRT, 0, 0)),
                  pl.BlockSpec((1, 8, 128), lambda i: (i // _NRT, 0, 0)),
                  pl.BlockSpec((1, 8, 128), lambda i: (i // _NRT, 0, 0)),
                  pl.BlockSpec((8, 128), lambda i: (0, 0))],
        out_specs=pl.BlockSpec((_RT, 8), lambda i: (i, 0)),
        out_shape=jax.ShapeDtypeStruct((_BN, 8), jnp.float32),
    )(x2, self2, resid, mean2, rstd2, meanr, rstdr, w4b)



def _gather5_body(t0, t1, t2, t3, t4, idxs, out, idx_v, rows_v, acc_v,
                  gsem, osem):
    tables = (t0, t1, t2, t3, t4)
    cid = lax.axis_index("c")
    sid = lax.axis_index("s")
    start = jnp.where(cid == 0, sid * _NCH0, _NS * _NCH0 + sid * _NCH1)
    cnt = jnp.where(cid == 0, _NCH0, _NCH1)

    def gathers(buf):
        return [
            pltpu.make_async_copy(
                tables[k].at[idx_v.at[buf].at[pl.ds(k * _NPC, _NPC)]],
                rows_v.at[buf].at[k], gsem)
            for k in range(_K)
        ]

    def out_copy(ci, buf):
        return pltpu.make_async_copy(
            acc_v.at[buf], out.at[pl.ds((start + ci) * _NPC, _NPC)], osem)

    def fire(ci, buf):
        pltpu.sync_copy(idxs.at[start + ci], idx_v.at[buf])
        for cp in gathers(buf):
            cp.start()

    def chunk(ci, carry):
        p = lax.rem(ci, 2)

        @pl.when(ci < cnt - 1)
        def _():
            fire(ci + 1, 1 - p)

        for cp in gathers(p):
            cp.wait()

        @pl.when(ci >= 2)
        def _():
            out_copy(ci - 2, p).wait()

        def node(i, c2):
            for c8 in range(_Ch // 16):
                sl = pl.ds(c8 * 16, 16)
                acc_v[p, i, sl] = ((rows_v[p, 0, i, sl] + rows_v[p, 1, i, sl])
                                   + (rows_v[p, 2, i, sl] + rows_v[p, 3, i, sl])
                                   + rows_v[p, 4, i, sl])
            return c2

        lax.fori_loop(0, _NPC, node, 0)
        out_copy(ci, p).start()
        return carry

    fire(0, 0)
    lax.fori_loop(0, cnt, chunk, 0)
    out_copy(cnt - 2, lax.rem(cnt - 2, 2)).wait()
    out_copy(cnt - 1, lax.rem(cnt - 1, 2)).wait()


def _gather5(tables, idxs):
    mesh = plsc.VectorSubcoreMesh(core_axis_name="c", subcore_axis_name="s",
                                  num_cores=_NC, num_subcores=_NS)
    run = pl.kernel(
        _gather5_body,
        out_type=jax.ShapeDtypeStruct((_BNP, _Ch), jnp.float32),
        mesh=mesh,
        scratch_types=[
            pltpu.VMEM((2, _K * _NPC), jnp.int32),
            pltpu.VMEM((2, _K, _NPC, _Ch), jnp.float32),
            pltpu.VMEM((2, _NPC, _Ch), jnp.float32),
            pltpu.SemaphoreType.DMA,
            pltpu.SemaphoreType.DMA,
        ],
    )
    return run(*tables, idxs)


def _mk_idx(ni):
    npad = _BNP - _BN
    pad_rows = (jnp.arange(npad * _K, dtype=jnp.int32).reshape(npad, _K)
                * 79) % _BN
    fused = jnp.concatenate([ni, pad_rows], axis=0)
    return (fused.reshape(_TOTCH, _NPC, _K)
            .transpose(0, 2, 1).reshape(_TOTCH, _K * _NPC))



def kernel(features, neighbors_index, W1, b1, W2, b2, W3, b3, W4):
    del b1, b2, b3
    flat = features.reshape(_BN, _C)
    ni = neighbors_index.reshape(_BN, _K).astype(jnp.int32)

    w1t = W1.T
    m1 = jnp.concatenate(
        [w1t[_C * j:_C * (j + 1)] for j in range(_NSLOT)] + [W3.T], axis=1)
    w2t = W2.T
    m2 = jnp.concatenate(
        [w2t[_Ch * j:_Ch * (j + 1)] for j in range(_NSLOT)], axis=1)
    w4b = jnp.broadcast_to(W4, (8, 128))

    idx = _mk_idx(ni)

    bt = jnp.float32
    f32 = jnp.float32
    outs1 = _mm_multi(flat, m1, [f32] + [bt] * _K + [f32])
    self1, nbr1, resid = outs1[0], outs1[1:_NSLOT], outs1[_NSLOT]
    xpre1 = _gather5(nbr1, idx)
    mean1, rstd1 = _stats2(xpre1, self1)
    outs2 = _norm_mm_multi(xpre1, self1, mean1, rstd1, m2, [f32] + [bt] * _K)
    self2, nbr2 = outs2[0], outs2[1:]
    xpre2 = _gather5(nbr2, idx)
    mean2, rstd2, meanr, rstdr = _stats3(xpre2, self2, resid)
    out8 = _final(xpre2, self2, resid, mean2, rstd2, meanr, rstdr, w4b)
    return out8[:, 0:1].reshape(_B, _N, 1)

# --- scband reference (transcript-rebuilt; emitter-appended) ---
"""Pipeline reference for scband-feature2-delta-layer-14001593385271 (READ-ONLY COPY).

The authoritative reference and input builder live on the scoring server;
editing this copy changes nothing except your own understanding.
"""

import jax, jax.numpy as jnp
import numpy as np

B, N, K, C = 4, 10000, 5, 256
Ch = C // 2


def _lrelu(x):
    return jnp.where(x >= 0, x, 0.01 * x)


def _inorm(x):
    # x: [B, N, Cc]; InstanceNorm1d normalizes over the spatial (N) axis per (batch, channel),
    # affine=False, eps=1e-5, biased variance (matches PyTorch default)
    mean = jnp.mean(x, axis=1, keepdims=True)
    var = jnp.var(x, axis=1, keepdims=True)
    return (x - mean) / jnp.sqrt(var + 1e-5)


def setup_inputs(seed: int = 0) -> dict:
    key = jax.random.key(seed)
    ks = jax.random.split(key, 10)
    features = jax.random.normal(ks[0], (B, N, C), dtype=jnp.float32)
    neighbors_index = jax.random.randint(ks[1], (B, N, K), 0, B * N, dtype=jnp.int32)
    W1 = jax.random.normal(ks[2], (Ch, C * 6), dtype=jnp.float32) * 0.02
    b1 = jnp.zeros((Ch,), dtype=jnp.float32)
    W2 = jax.random.normal(ks[3], (Ch, Ch * 6), dtype=jnp.float32) * 0.02
    b2 = jnp.zeros((Ch,), dtype=jnp.float32)
    W3 = jax.random.normal(ks[4], (Ch, C), dtype=jnp.float32) * 0.02
    b3 = jnp.zeros((Ch,), dtype=jnp.float32)
    # NOTE: original module zero-inits conv4.weight; we use small randn so output/grads are nontrivial
    W4 = jax.random.normal(ks[5], (1, Ch), dtype=jnp.float32) * 0.02
    return {"features": features, "neighbors_index": neighbors_index,
            "W1": W1, "b1": b1, "W2": W2, "b2": b2, "W3": W3, "b3": b3, "W4": W4}


def reference(features, neighbors_index, W1, b1, W2, b2, W3, b3, W4):
    def gconv(x, W, b):
        Bx, Nx, Cx = x.shape
        flat = x.reshape(Bx * Nx, Cx)
        nf = jnp.take(flat, neighbors_index.reshape(-1), axis=0)
        nf = nf.reshape(Bx, Nx, neighbors_index.shape[-1] * Cx)
        cat = jnp.concatenate([x, nf], axis=-1)
        return cat @ W.T + b

    residual = features
    x = gconv(features, W1, b1)
    x = _inorm(x)
    x = _lrelu(x)
    x = gconv(x, W2, b2)
    x = _inorm(x)
    residual = residual @ W3.T + b3
    residual = _inorm(residual)
    x = x + residual
    x = _lrelu(x)
    out = x @ W4.T
    return out

if __name__ == "__main__":
    import jax
    _d = setup_inputs()
    print(jax.jit(kernel)(*tuple(_d.values())))

</pallas_src>

<mosaic_0001>
#map = affine_map<(d0, d1) -> (0, 0)>
module attributes {stable_mosaic.version = 14 : i64} {
  func.func @_gather5_body(%arg0: i32, %arg1: i32, %arg2: memref<40000x128xf32, #tpu.memory_space<hbm>>, %arg3: memref<40000x128xf32, #tpu.memory_space<hbm>>, %arg4: memref<40000x128xf32, #tpu.memory_space<hbm>>, %arg5: memref<40000x128xf32, #tpu.memory_space<hbm>>, %arg6: memref<40000x128xf32, #tpu.memory_space<hbm>>, %arg7: memref<640x320xi32, #tpu.memory_space<hbm>>, %arg8: memref<40960x128xf32, #tpu.memory_space<hbm>>, %arg9: memref<2x320xi32, #tpu.memory_space<vmem>>, %arg10: memref<2x5x64x128xf32, #tpu.memory_space<vmem>>, %arg11: memref<2x64x128xf32, #tpu.memory_space<vmem>>, %arg12: memref<!tpu.dma_semaphore, #tpu.memory_space<semaphore_mem>>, %arg13: memref<!tpu.dma_semaphore, #tpu.memory_space<semaphore_mem>>) attributes {dimension_semantics = [#tpu.dimension_semantics<core_parallel>, #tpu.dimension_semantics<subcore_parallel>], iteration_bounds = array<i64: 2, 16>, scalar_prefetch = 0 : i64, scratch_operands = 5 : i64, tpu.core_type = #tpu.core_type<sc_vector_subcore>, window_params = [{transform_indices = #map}, {transform_indices = #map}, {transform_indices = #map}, {transform_indices = #map}, {transform_indices = #map}, {transform_indices = #map}, {transform_indices = #map}]} {
    %eq3A = arith.constant 0 : i32
    %eq3A_0 = arith.cmpi eq, %arg0, %eq3A : i32
    %mul3A = arith.constant 20 : i32
    %mul3A_1 = arith.muli %arg1, %mul3A : i32
    %mul3A_2 = arith.constant 20 : i32
    %mul3A_3 = arith.muli %arg1, %mul3A_2 : i32
    %add3A = arith.constant 320 : i32
    %add3A_4 = arith.addi %add3A, %mul3A_3 : i32
    %select_n3A = arith.select %eq3A_0, %mul3A_1, %add3A_4 : i32
    %eq3A_5 = arith.constant 0 : i32
    %eq3A_6 = arith.cmpi eq, %arg0, %eq3A_5 : i32
    %jit3A = arith.constant 20 : i32
    %jit3A_7 = arith.constant 20 : i32
    %select_n3A_8 = arith.select %eq3A_6, %jit3A, %jit3A_7 : i32
    %add3A_9 = arith.constant 0 : i32
    %add3A_10 = arith.addi %select_n3A, %add3A_9 : i32
    %run_scoped3A = arith.constant 0 : i32
    "tpu.region"() ({
      %run_scoped3A_158 = tpu.sem_alloc : memref<!tpu.dma_semaphore, #tpu.memory_space<semaphore_mem>>
      %dma_start3A_159 = arith.constant 0 : i32
      %dma_start3A_160 = tpu.memref_slice %arg9[%run_scoped3A, %dma_start3A_159] : memref<2x320xi32, #tpu.memory_space<vmem>> -> memref<1x320xi32, #tpu.memory_space<vmem>>
      %dma_start3A_161 = tpu.memref_squeeze %dma_start3A_160 : memref<1x320xi32, #tpu.memory_space<vmem>> -> memref<320xi32, #tpu.memory_space<vmem>>
      %dma_start3A_162 = arith.constant 0 : i32
      %dma_start3A_163 = tpu.memref_slice %arg7[%add3A_10, %dma_start3A_162] : memref<640x320xi32, #tpu.memory_space<hbm>> -> memref<1x320xi32, #tpu.memory_space<hbm>>
      %dma_start3A_164 = tpu.memref_squeeze %dma_start3A_163 : memref<1x320xi32, #tpu.memory_space<hbm>> -> memref<320xi32, #tpu.memory_space<hbm>>
      %dma_start3A_165 = arith.constant 0 : i32
      %dma_start3A_166 = tpu.memref_slice %arg9[%run_scoped3A, %dma_start3A_165] : memref<2x320xi32, #tpu.memory_space<vmem>> -> memref<1x320xi32, #tpu.memory_space<vmem>>
      %dma_start3A_167 = tpu.memref_squeeze %dma_start3A_166 : memref<1x320xi32, #tpu.memory_space<vmem>> -> memref<320xi32, #tpu.memory_space<vmem>>
      %dma_start3A_168 = arith.constant 0 : i32
      %dma_start3A_169 = tpu.memref_slice %arg7[%add3A_10, %dma_start3A_168] : memref<640x320xi32, #tpu.memory_space<hbm>> -> memref<1x320xi32, #tpu.memory_space<hbm>>
      %dma_start3A_170 = tpu.memref_squeeze %dma_start3A_169 : memref<1x320xi32, #tpu.memory_space<hbm>> -> memref<320xi32, #tpu.memory_space<hbm>>
      tpu.enqueue_dma source(%dma_start3A_170 : memref<320xi32, #tpu.memory_space<hbm>>) target(%dma_start3A_167 : memref<320xi32, #tpu.memory_space<vmem>>) target_semaphore(%run_scoped3A_158 : memref<!tpu.dma_semaphore, #tpu.memory_space<semaphore_mem>>)
      %dma_wait3A_171 = arith.constant 0 : i32
      %dma_wait3A_172 = tpu.memref_slice %arg9[%run_scoped3A, %dma_wait3A_171] : memref<2x320xi32, #tpu.memory_space<vmem>> -> memref<1x320xi32, #tpu.memory_space<vmem>>
      %dma_wait3A_173 = tpu.memref_squeeze %dma_wait3A_172 : memref<1x320xi32, #tpu.memory_space<vmem>> -> memref<320xi32, #tpu.memory_space<vmem>>
      %dma_wait3A_174 = arith.constant 0 : i32
      %dma_wait3A_175 = tpu.memref_slice %arg7[%add3A_10, %dma_wait3A_174] : memref<640x320xi32, #tpu.memory_space<hbm>> -> memref<1x320xi32, #tpu.memory_space<hbm>>
      %dma_wait3A_176 = tpu.memref_squeeze %dma_wait3A_175 : memref<1x320xi32, #tpu.memory_space<hbm>> -> memref<320xi32, #tpu.memory_space<hbm>>
      %dma_wait3A_177 = arith.constant 0 : i32
      %dma_wait3A_178 = tpu.memref_slice %arg9[%run_scoped3A, %dma_wait3A_177] : memref<2x320xi32, #tpu.memory_space<vmem>> -> memref<1x320xi32, #tpu.memory_space<vmem>>
      %dma_wait3A_179 = tpu.memref_squeeze %dma_wait3A_178 : memref<1x320xi32, #tpu.memory_space<vmem>> -> memref<320xi32, #tpu.memory_space<vmem>>
      %dma_wait3A_180 = arith.constant 0 : i32
      %dma_wait3A_181 = tpu.memref_slice %arg7[%add3A_10, %dma_wait3A_180] : memref<640x320xi32, #tpu.memory_space<hbm>> -> memref<1x320xi32, #tpu.memory_space<hbm>>
      %dma_wait3A_182 = tpu.memref_squeeze %dma_wait3A_181 : memref<1x320xi32, #tpu.memory_space<hbm>> -> memref<320xi32, #tpu.memory_space<hbm>>
      tpu.wait_dma2 semaphore(%run_scoped3A_158 : memref<!tpu.dma_semaphore, #tpu.memory_space<semaphore_mem>>) src(%dma_wait3A_182 : memref<320xi32, #tpu.memory_space<hbm>>) dst(%dma_wait3A_179 : memref<320xi32, #tpu.memory_space<vmem>>)
      tpu.yield
    }) : () -> ()
    %dma_start3A = arith.constant 0 : i32
    %dma_start3A_11 = arith.constant 0 : i32
    %dma_start3A_12 = arith.constant 0 : i32
    %dma_start3A_13 = arith.constant 0 : i32
    %dma_start3A_14 = arith.constant 0 : i32
    %dma_start3A_15 = arith.constant 0 : i32
    %dma_start3A_16 = tpu.memref_slice %arg10[%dma_start3A_11, %dma_start3A_13, %dma_start3A_14, %dma_start3A_15] : memref<2x5x64x128xf32, #tpu.memory_space<vmem>> -> memref<1x5x64x128xf32, #tpu.memory_space<vmem>>
    %dma_start3A_17 = tpu.memref_squeeze %dma_start3A_16 : memref<1x5x64x128xf32, #tpu.memory_space<vmem>> -> memref<5x64x128xf32, #tpu.memory_space<vmem>>
    %dma_start3A_18 = arith.constant 0 : i32
    %dma_start3A_19 = arith.constant 0 : i32
    %dma_start3A_20 = tpu.memref_slice %dma_start3A_17[%dma_start3A_12, %dma_start3A_18, %dma_start3A_19] : memref<5x64x128xf32, #tpu.memory_space<vmem>> -> memref<1x64x128xf32, #tpu.memory_space<vmem>>
    %dma_start3A_21 = tpu.memref_squeeze %dma_start3A_20 : memref<1x64x128xf32, #tpu.memory_space<vmem>> -> memref<64x128xf32, #tpu.memory_space<vmem>>
    %dma_start3A_22 = arith.constant 0 : i32
    %dma_start3A_23 = tpu.memref_slice %arg9[%dma_start3A, %dma_start3A_22] : memref<2x320xi32, #tpu.memory_space<vmem>> -> memref<1x320xi32, #tpu.memory_space<vmem>>
    %dma_start3A_24 = tpu.memref_squeeze %dma_start3A_23 : memref<1x320xi32, #tpu.memory_space<vmem>> -> memref<320xi32, #tpu.memory_space<vmem>>
    %dma_start3A_25 = arith.constant 0 : i32
    %dma_start3A_26 = tpu.memref_slice %dma_start3A_24[%dma_start3A_25] : memref<320xi32, #tpu.memory_space<vmem>> -> memref<64xi32, #tpu.memory_space<vmem>>
    %dma_start3A_27 = arith.constant 0 : i32
    %dma_start3A_28 = arith.constant 0 : i32
    %dma_start3A_29 = tpu.memref_slice %arg2[%dma_start3A_27, %dma_start3A_28] : memref<40000x128xf32, #tpu.memory_space<hbm>> -> memref<40000x128xf32, #tpu.memory_space<hbm>>
    tpu.enqueue_indirect_dma source(%dma_start3A_29 : memref<40000x128xf32, #tpu.memory_space<hbm>>) target(%dma_start3A_21 : memref<64x128xf32, #tpu.memory_space<vmem>>) offsets(%dma_start3A_26 : memref<64xi32, #tpu.memory_space<vmem>>) semaphore(%arg12 : memref<!tpu.dma_semaphore, #tpu.memory_space<semaphore_mem>>)
    %dma_start3A_30 = arith.constant 0 : i32
    %dma_start3A_31 = arith.constant 0 : i32
    %dma_start3A_32 = arith.constant 1 : i32
    %dma_start3A_33 = arith.constant 0 : i32
    %dma_start3A_34 = arith.constant 0 : i32
    %dma_start3A_35 = arith.constant 0 : i32
    %dma_start3A_36 = tpu.memref_slice %arg10[%dma_start3A_31, %dma_start3A_33, %dma_start3A_34, %dma_start3A_35] : memref<2x5x64x128xf32, #tpu.memory_space<vmem>> -> memref<1x5x64x128xf32, #tpu.memory_space<vmem>>
    %dma_start3A_37 = tpu.memref_squeeze %dma_start3A_36 : memref<1x5x64x128xf32, #tpu.memory_space<vmem>> -> memref<5x64x128xf32, #tpu.memory_space<vmem>>
    %dma_start3A_38 = arith.constant 0 : i32
    %dma_start3A_39 = arith.constant 0 : i32
    %dma_start3A_40 = tpu.memref_slice %dma_start3A_37[%dma_start3A_32, %dma_start3A_38, %dma_start3A_39] : memref<5x64x128xf32, #tpu.memory_space<vmem>> -> memref<1x64x128xf32, #tpu.memory_space<vmem>>
    %dma_start3A_41 = tpu.memref_squeeze %dma_start3A_40 : memref<1x64x128xf32, #tpu.memory_space<vmem>> -> memref<64x128xf32, #tpu.memory_space<vmem>>
    %dma_start3A_42 = arith.constant 0 : i32
    %dma_start3A_43 = tpu.memref_slice %arg9[%dma_start3A_30, %dma_start3A_42] : memref<2x320xi32, #tpu.memory_space<vmem>> -> memref<1x320xi32, #tpu.memory_space<vmem>>
    %dma_start3A_44 = tpu.memref_squeeze %dma_start3A_43 : memref<1x320xi32, #tpu.memory_space<vmem>> -> memref<320xi32, #tpu.memory_space<vmem>>
    %dma_start3A_45 = arith.constant 64 : i32
    %dma_start3A_46 = tpu.memref_slice %dma_start3A_44[%dma_start3A_45] : memref<320xi32, #tpu.memory_space<vmem>> -> memref<64xi32, #tpu.memory_space<vmem>>
    %dma_start3A_47 = arith.constant 0 : i32
    %dma_start3A_48 = arith.constant 0 : i32
    %dma_start3A_49 = tpu.memref_slice %arg3[%dma_start3A_47, %dma_start3A_48] : memref<40000x128xf32, #tpu.memory_space<hbm>> -> memref<40000x128xf32, #tpu.memory_space<hbm>>
    tpu.enqueue_indirect_dma source(%dma_start3A_49 : memref<40000x128xf32, #tpu.memory_space<hbm>>) target(%dma_start3A_41 : memref<64x128xf32, #tpu.memory_space<vmem>>) offsets(%dma_start3A_46 : memref<64xi32, #tpu.memory_space<vmem>>) semaphore(%arg12 : memref<!tpu.dma_semaphore, #tpu.memory_space<semaphore_mem>>)
    %dma_start3A_50 = arith.constant 0 : i32
    %dma_start3A_51 = arith.constant 0 : i32
    %dma_start3A_52 = arith.constant 2 : i32
    %dma_start3A_53 = arith.constant 0 : i32
    %dma_start3A_54 = arith.constant 0 : i32
    %dma_start3A_55 = arith.constant 0 : i32
    %dma_start3A_56 = tpu.memref_slice %arg10[%dma_start3A_51, %dma_start3A_53, %dma_start3A_54, %dma_start3A_55] : memref<2x5x64x128xf32, #tpu.memory_space<vmem>> -> memref<1x5x64x128xf32, #tpu.memory_space<vmem>>
    %dma_start3A_57 = tpu.memref_squeeze %dma_start3A_56 : memref<1x5x64x128xf32, #tpu.memory_space<vmem>> -> memref<5x64x128xf32, #tpu.memory_space<vmem>>
    %dma_start3A_58 = arith.constant 0 : i32
    %dma_start3A_59 = arith.constant 0 : i32
    %dma_start3A_60 = tpu.memref_slice %dma_start3A_57[%dma_start3A_52, %dma_start3A_58, %dma_start3A_59] : memref<5x64x128xf32, #tpu.memory_space<vmem>> -> memref<1x64x128xf32, #tpu.memory_space<vmem>>
    %dma_start3A_61 = tpu.memref_squeeze %dma_start3A_60 : memref<1x64x128xf32, #tpu.memory_space<vmem>> -> memref<64x128xf32, #tpu.memory_space<vmem>>
    %dma_start3A_62 = arith.constant 0 : i32
    %dma_start3A_63 = tpu.memref_slice %arg9[%dma_start3A_50, %dma_start3A_62] : memref<2x320xi32, #tpu.memory_space<vmem>> -> memref<1x320xi32, #tpu.memory_space<vmem>>
    %dma_start3A_64 = tpu.memref_squeeze %dma_start3A_63 : memref<1x320xi32, #tpu.memory_space<vmem>> -> memref<320xi32, #tpu.memory_space<vmem>>
    %dma_start3A_65 = arith.constant 128 : i32
    %dma_start3A_66 = tpu.memref_slice %dma_start3A_64[%dma_start3A_65] : memref<320xi32, #tpu.memory_space<vmem>> -> memref<64xi32, #tpu.memory_space<vmem>>
    %dma_start3A_67 = arith.constant 0 : i32
    %dma_start3A_68 = arith.constant 0 : i32
    %dma_start3A_69 = tpu.memref_slice %arg4[%dma_start3A_67, %dma_start3A_68] : memref<40000x128xf32, #tpu.memory_space<hbm>> -> memref<40000x128xf32, #tpu.memory_space<hbm>>
    tpu.enqueue_indirect_dma source(%dma_start3A_69 : memref<40000x128xf32, #tpu.memory_space<hbm>>) target(%dma_start3A_61 : memref<64x128xf32, #tpu.memory_space<vmem>>) offsets(%dma_start3A_66 : memref<64xi32, #tpu.memory_space<vmem>>) semaphore(%arg12 : memref<!tpu.dma_semaphore, #tpu.memory_space<semaphore_mem>>)
    %dma_start3A_70 = arith.constant 0 : i32
    %dma_start3A_71 = arith.constant 0 : i32
    %dma_start3A_72 = arith.constant 3 : i32
    %dma_start3A_73 = arith.constant 0 : i32
    %dma_start3A_74 = arith.constant 0 : i32
    %dma_start3A_75 = arith.constant 0 : i32
    %dma_start3A_76 = tpu.memref_slice %arg10[%dma_start3A_71, %dma_start3A_73, %dma_start3A_74, %dma_start3A_75] : memref<2x5x64x128xf32, #tpu.memory_space<vmem>> -> memref<1x5x64x128xf32, #tpu.memory_space<vmem>>
    %dma_start3A_77 = tpu.memref_squeeze %dma_start3A_76 : memref<1x5x64x128xf32, #tpu.memory_space<vmem>> -> memref<5x64x128xf32, #tpu.memory_space<vmem>>
    %dma_start3A_78 = arith.constant 0 : i32
    %dma_start3A_79 = arith.constant 0 : i32
    %dma_start3A_80 = tpu.memref_slice %dma_start3A_77[%dma_start3A_72, %dma_start3A_78, %dma_start3A_79] : memref<5x64x128xf32, #tpu.memory_space<vmem>> -> memref<1x64x128xf32, #tpu.memory_space<vmem>>
    %dma_start3A_81 = tpu.memref_squeeze %dma_start3A_80 : memref<1x64x128xf32, #tpu.memory_space<vmem>> -> memref<64x128xf32, #tpu.memory_space<vmem>>
    %dma_start3A_82 = arith.constant 0 : i32
    %dma_start3A_83 = tpu.memref_slice %arg9[%dma_start3A_70, %dma_start3A_82] : memref<2x320xi32, #tpu.memory_space<vmem>> -> memref<1x320xi32, #tpu.memory_space<vmem>>
    %dma_start3A_84 = tpu.memref_squeeze %dma_start3A_83 : memref<1x320xi32, #tpu.memory_space<vmem>> -> memref<320xi32, #tpu.memory_space<vmem>>
    %dma_start3A_85 = arith.constant 192 : i32
    %dma_start3A_86 = tpu.memref_slice %dma_start3A_84[%dma_start3A_85] : memref<320xi32, #tpu.memory_space<vmem>> -> memref<64xi32, #tpu.memory_space<vmem>>
    %dma_start3A_87 = arith.constant 0 : i32
    %dma_start3A_88 = arith.constant 0 : i32
    %dma_start3A_89 = tpu.memref_slice %arg5[%dma_start3A_87, %dma_start3A_88] : memref<40000x128xf32, #tpu.memory_space<hbm>> -> memref<40000x128xf32, #tpu.memory_space<hbm>>
    tpu.enqueue_indirect_dma source(%dma_start3A_89 : memref<40000x128xf32, #tpu.memory_space<hbm>>) target(%dma_start3A_81 : memref<64x128xf32, #tpu.memory_space<vmem>>) offsets(%dma_start3A_86 : memref<64xi32, #tpu.memory_space<vmem>>) semaphore(%arg12 : memref<!tpu.dma_semaphore, #tpu.memory_space<semaphore_mem>>)
    %dma_start3A_90 = arith.constant 0 : i32
    %dma_start3A_91 = arith.constant 0 : i32
    %dma_start3A_92 = arith.constant 4 : i32
    %dma_start3A_93 = arith.constant 0 : i32
    %dma_start3A_94 = arith.constant 0 : i32
    %dma_start3A_95 = arith.constant 0 : i32
    %dma_start3A_96 = tpu.memref_slice %arg10[%dma_start3A_91, %dma_start3A_93, %dma_start3A_94, %dma_start3A_95] : memref<2x5x64x128xf32, #tpu.memory_space<vmem>> -> memref<1x5x64x128xf32, #tpu.memory_space<vmem>>
    %dma_start3A_97 = tpu.memref_squeeze %dma_start3A_96 : memref<1x5x64x128xf32, #tpu.memory_space<vmem>> -> memref<5x64x128xf32, #tpu.memory_space<vmem>>
    %dma_start3A_98 = arith.constant 0 : i32
    %dma_start3A_99 = arith.constant 0 : i32
    %dma_start3A_100 = tpu.memref_slice %dma_start3A_97[%dma_start3A_92, %dma_start3A_98, %dma_start3A_99] : memref<5x64x128xf32, #tpu.memory_space<vmem>> -> memref<1x64x128xf32, #tpu.memory_space<vmem>>
    %dma_start3A_101 = tpu.memref_squeeze %dma_start3A_100 : memref<1x64x128xf32, #tpu.memory_space<vmem>> -> memref<64x128xf32, #tpu.memory_space<vmem>>
    %dma_start3A_102 = arith.constant 0 : i32
    %dma_start3A_103 = tpu.memref_slice %arg9[%dma_start3A_90, %dma_start3A_102] : memref<2x320xi32, #tpu.memory_space<vmem>> -> memref<1x320xi32, #tpu.memory_space<vmem>>
    %dma_start3A_104 = tpu.memref_squeeze %dma_start3A_103 : memref<1x320xi32, #tpu.memory_space<vmem>> -> memref<320xi32, #tpu.memory_space<vmem>>
    %dma_start3A_105 = arith.constant 256 : i32
    %dma_start3A_106 = tpu.memref_slice %dma_start3A_104[%dma_start3A_105] : memref<320xi32, #tpu.memory_space<vmem>> -> memref<64xi32, #tpu.memory_space<vmem>>
    %dma_start3A_107 = arith.constant 0 : i32
    %dma_start3A_108 = arith.constant 0 : i32
    %dma_start3A_109 = tpu.memref_slice %arg6[%dma_start3A_107, %dma_start3A_108] : memref<40000x128xf32, #tpu.memory_space<hbm>> -> memref<40000x128xf32, #tpu.memory_space<hbm>>
    tpu.enqueue_indirect_dma source(%dma_start3A_109 : memref<40000x128xf32, #tpu.memory_space<hbm>>) target(%dma_start3A_101 : memref<64x128xf32, #tpu.memory_space<vmem>>) offsets(%dma_start3A_106 : memref<64xi32, #tpu.memory_space<vmem>>) semaphore(%arg12 : memref<!tpu.dma_semaphore, #tpu.memory_space<semaphore_mem>>)
    %while3A = arith.constant 0 : i32
    %while3A_110 = arith.constant 0 : i32
    %while3A_111 = arith.subi %select_n3A_8, %while3A_110 : i32
    %while3A_112 = arith.addi %while3A_110, %while3A_111 : i32
    %while3A_113 = arith.constant 1 : i32
    %while3A_114 = arith.divsi %while3A_111, %while3A_113 : i32
    %while3A_115 = arith.muli %while3A_114, %while3A_113 : i32
    %while3A_116 = arith.addi %while3A_110, %while3A_115 : i32
    %while3A_117 = arith.constant 1 : i32
    scf.for %while3A_158 = %while3A_110 to %while3A_116 step %while3A_117  : i32 {
      %rem3A_159 = arith.constant 2 : i32
      %rem3A_160 = arith.remsi %while3A_158, %rem3A_159 : i32
      %sub3A_161 = arith.constant 1 : i32
      %sub3A_162 = arith.subi %select_n3A_8, %sub3A_161 : i32
      %lt3A = arith.cmpi slt, %while3A_158, %sub3A_162 : i32
      %convert_element_type3A = arith.extui %lt3A : i1 to i32
      %cond3A = arith.constant 0 : i32
      %cond3A_163 = arith.cmpi ne, %convert_element_type3A, %cond3A : i32
      scf.if %cond3A_163 {
        %add3A_278 = arith.constant 1 : i32
        %add3A_279 = arith.addi %while3A_158, %add3A_278 : i32
        %sub3A_280 = arith.constant 1 : i32
        %sub3A_281 = arith.subi %sub3A_280, %rem3A_160 : i32
        %add3A_282 = arith.addi %select_n3A, %add3A_279 : i32
        "tpu.region"() ({
          %run_scoped3A_373 = tpu.sem_alloc : memref<!tpu.dma_semaphore, #tpu.memory_space<semaphore_mem>>
          %dma_start3A_374 = arith.constant 0 : i32
          %dma_start3A_375 = tpu.memref_slice %arg9[%sub3A_281, %dma_start3A_374] : memref<2x320xi32, #tpu.memory_space<vmem>> -> memref<1x320xi32, #tpu.memory_space<vmem>>
          %dma_start3A_376 = tpu.memref_squeeze %dma_start3A_375 : memref<1x320xi32, #tpu.memory_space<vmem>> -> memref<320xi32, #tpu.memory_space<vmem>>
          %dma_start3A_377 = arith.constant 0 : i32
          %dma_start3A_378 = tpu.memref_slice %arg7[%add3A_282, %dma_start3A_377] : memref<640x320xi32, #tpu.memory_space<hbm>> -> memref<1x320xi32, #tpu.memory_space<hbm>>
          %dma_start3A_379 = tpu.memref_squeeze %dma_start3A_378 : memref<1x320xi32, #tpu.memory_space<hbm>> -> memref<320xi32, #tpu.memory_space<hbm>>
          %dma_start3A_380 = arith.constant 0 : i32
          %dma_start3A_381 = tpu.memref_slice %arg9[%sub3A_281, %dma_start3A_380] : memref<2x320xi32, #tpu.memory_space<vmem>> -> memref<1x320xi32, #tpu.memory_space<vmem>>
          %dma_start3A_382 = tpu.memref_squeeze %dma_start3A_381 : memref<1x320xi32, #tpu.memory_space<vmem>> -> memref<320xi32, #tpu.memory_space<vmem>>
          %dma_start3A_383 = arith.constant 0 : i32
          %dma_start3A_384 = tpu.memref_slice %arg7[%add3A_282, %dma_start3A_383] : memref<640x320xi32, #tpu.memory_space<hbm>> -> memref<1x320xi32, #tpu.memory_space<hbm>>
          %dma_start3A_385 = tpu.memref_squeeze %dma_start3A_384 : memref<1x320xi32, #tpu.memory_space<hbm>> -> memref<320xi32, #tpu.memory_space<hbm>>
          tpu.enqueue_dma source(%dma_start3A_385 : memref<320xi32, #tpu.memory_space<hbm>>) target(%dma_start3A_382 : memref<320xi32, #tpu.memory_space<vmem>>) target_semaphore(%run_scoped3A_373 : memref<!tpu.dma_semaphore, #tpu.memory_space<semaphore_mem>>)
          %dma_wait3A_386 = arith.constant 0 : i32
          %dma_wait3A_387 = tpu.memref_slice %arg9[%sub3A_281, %dma_wait3A_386] : memref<2x320xi32, #tpu.memory_space<vmem>> -> memref<1x320xi32, #tpu.memory_space<vmem>>
          %dma_wait3A_388 = tpu.memref_squeeze %dma_wait3A_387 : memref<1x320xi32, #tpu.memory_space<vmem>> -> memref<320xi32, #tpu.memory_space<vmem>>
          %dma_wait3A_389 = arith.constant 0 : i32
          %dma_wait3A_390 = tpu.memref_slice %arg7[%add3A_282, %dma_wait3A_389] : memref<640x320xi32, #tpu.memory_space<hbm>> -> memref<1x320xi32, #tpu.memory_space<hbm>>
          %dma_wait3A_391 = tpu.memref_squeeze %dma_wait3A_390 : memref<1x320xi32, #tpu.memory_space<hbm>> -> memref<320xi32, #tpu.memory_space<hbm>>
          %dma_wait3A_392 = arith.constant 0 : i32
          %dma_wait3A_393 = tpu.memref_slice %arg9[%sub3A_281, %dma_wait3A_392] : memref<2x320xi32, #tpu.memory_space<vmem>> -> memref<1x320xi32, #tpu.memory_space<vmem>>
          %dma_wait3A_394 = tpu.memref_squeeze %dma_wait3A_393 : memref<1x320xi32, #tpu.memory_space<vmem>> -> memref<320xi32, #tpu.memory_space<vmem>>
          %dma_wait3A_395 = arith.constant 0 : i32
          %dma_wait3A_396 = tpu.memref_slice %arg7[%add3A_282, %dma_wait3A_395] : memref<640x320xi32, #tpu.memory_space<hbm>> -> memref<1x320xi32, #tpu.memory_space<hbm>>
          %dma_wait3A_397 = tpu.memref_squeeze %dma_wait3A_396 : memref<1x320xi32, #tpu.memory_space<hbm>> -> memref<320xi32, #tpu.memory_space<hbm>>
          tpu.wait_dma2 semaphore(%run_scoped3A_373 : memref<!tpu.dma_semaphore, #tpu.memory_space<semaphore_mem>>) src(%dma_wait3A_397 : memref<320xi32, #tpu.memory_space<hbm>>) dst(%dma_wait3A_394 : memref<320xi32, #tpu.memory_space<vmem>>)
          tpu.yield
        }) : () -> ()
        %dma_start3A_283 = arith.constant 0 : i32
        %dma_start3A_284 = arith.constant 0 : i32
        %dma_start3A_285 = arith.constant 0 : i32
        %dma_start3A_286 = arith.constant 0 : i32
        %dma_start3A_287 = tpu.memref_slice %arg10[%sub3A_281, %dma_start3A_284, %dma_start3A_285, %dma_start3A_286] : memref<2x5x64x128xf32, #tpu.memory_space<vmem>> -> memref<1x5x64x128xf32, #tpu.memory_space<vmem>>
        %dma_start3A_288 = tpu.memref_squeeze %dma_start3A_287 : memref<1x5x64x128xf32, #tpu.memory_space<vmem>> -> memref<5x64x128xf32, #tpu.memory_space<vmem>>
        %dma_start3A_289 = arith.constant 0 : i32
        %dma_start3A_290 = arith.constant 0 : i32
        %dma_start3A_291 = tpu.memref_slice %dma_start3A_288[%dma_start3A_283, %dma_start3A_289, %dma_start3A_290] : memref<5x64x128xf32, #tpu.memory_space<vmem>> -> memref<1x64x128xf32, #tpu.memory_space<vmem>>
        %dma_start3A_292 = tpu.memref_squeeze %dma_start3A_291 : memref<1x64x128xf32, #tpu.memory_space<vmem>> -> memref<64x128xf32, #tpu.memory_space<vmem>>
        %dma_start3A_293 = arith.constant 0 : i32
        %dma_start3A_294 = tpu.memref_slice %arg9[%sub3A_281, %dma_start3A_293] : memref<2x320xi32, #tpu.memory_space<vmem>> -> memref<1x320xi32, #tpu.memory_space<vmem>>
        %dma_start3A_295 = tpu.memref_squeeze %dma_start3A_294 : memref<1x320xi32, #tpu.memory_space<vmem>> -> memref<320xi32, #tpu.memory_space<vmem>>
        %dma_start3A_296 = arith.constant 0 : i32
        %dma_start3A_297 = tpu.memref_slice %dma_start3A_295[%dma_start3A_296] : memref<320xi32, #tpu.memory_space<vmem>> -> memref<64xi32, #tpu.memory_space<vmem>>
        %dma_start3A_298 = arith.constant 0 : i32
        %dma_start3A_299 = arith.constant 0 : i32
        %dma_start3A_300 = tpu.memref_slice %arg2[%dma_start3A_298, %dma_start3A_299] : memref<40000x128xf32, #tpu.memory_space<hbm>> -> memref<40000x128xf32, #tpu.memory_space<hbm>>
        tpu.enqueue_indirect_dma source(%dma_start3A_300 : memref<40000x128xf32, #tpu.memory_space<hbm>>) target(%dma_start3A_292 : memref<64x128xf32, #tpu.memory_space<vmem>>) offsets(%dma_start3A_297 : memref<64xi32, #tpu.memory_space<vmem>>) semaphore(%arg12 : memref<!tpu.dma_semaphore, #tpu.memory_space<semaphore_mem>>)
        %dma_start3A_301 = arith.constant 1 : i32
        %dma_start3A_302 = arith.constant 0 : i32
        %dma_start3A_303 = arith.constant 0 : i32
        %dma_start3A_304 = arith.constant 0 : i32
        %dma_start3A_305 = tpu.memref_slice %arg10[%sub3A_281, %dma_start3A_302, %dma_start3A_303, %dma_start3A_304] : memref<2x5x64x128xf32, #tpu.memory_space<vmem>> -> memref<1x5x64x128xf32, #tpu.memory_space<vmem>>
        %dma_start3A_306 = tpu.memref_squeeze %dma_start3A_305 : memref<1x5x64x128xf32, #tpu.memory_space<vmem>> -> memref<5x64x128xf32, #tpu.memory_space<vmem>>
        %dma_start3A_307 = arith.constant 0 : i32
        %dma_start3A_308 = arith.constant 0 : i32
        %dma_start3A_309 = tpu.memref_slice %dma_start3A_306[%dma_start3A_301, %dma_start3A_307, %dma_start3A_308] : memref<5x64x128xf32, #tpu.memory_space<vmem>> -> memref<1x64x128xf32, #tpu.memory_space<vmem>>
        %dma_start3A_310 = tpu.memref_squeeze %dma_start3A_309 : memref<1x64x128xf32, #tpu.memory_space<vmem>> -> memref<64x128xf32, #tpu.memory_space<vmem>>
        %dma_start3A_311 = arith.constant 0 : i32
        %dma_start3A_312 = tpu.memref_slice %arg9[%sub3A_281, %dma_start3A_311] : memref<2x320xi32, #tpu.memory_space<vmem>> -> memref<1x320xi32, #tpu.memory_space<vmem>>
        %dma_start3A_313 = tpu.memref_squeeze %dma_start3A_312 : memref<1x320xi32, #tpu.memory_space<vmem>> -> memref<320xi32, #tpu.memory_space<vmem>>
        %dma_start3A_314 = arith.constant 64 : i32
        %dma_start3A_315 = tpu.memref_slice %dma_start3A_313[%dma_start3A_314] : memref<320xi32, #tpu.memory_space<vmem>> -> memref<64xi32, #tpu.memory_space<vmem>>
        %dma_start3A_316 = arith.constant 0 : i32
        %dma_start3A_317 = arith.constant 0 : i32
        %dma_start3A_318 = tpu.memref_slice %arg3[%dma_start3A_316, %dma_start3A_317] : memref<40000x128xf32, #tpu.memory_space<hbm>> -> memref<40000x128xf32, #tpu.memory_space<hbm>>
        tpu.enqueue_indirect_dma source(%dma_start3A_318 : memref<40000x128xf32, #tpu.memory_space<hbm>>) target(%dma_start3A_310 : memref<64x128xf32, #tpu.memory_space<vmem>>) offsets(%dma_start3A_315 : memref<64xi32, #tpu.memory_space<vmem>>) semaphore(%arg12 : memref<!tpu.dma_semaphore, #tpu.memory_space<semaphore_mem>>)
        %dma_start3A_319 = arith.constant 2 : i32
        %dma_start3A_320 = arith.constant 0 : i32
        %dma_start3A_321 = arith.constant 0 : i32
        %dma_start3A_322 = arith.constant 0 : i32
        %dma_start3A_323 = tpu.memref_slice %arg10[%sub3A_281, %dma_start3A_320, %dma_start3A_321, %dma_start3A_322] : memref<2x5x64x128xf32, #tpu.memory_space<vmem>> -> memref<1x5x64x128xf32, #tpu.memory_space<vmem>>
        %dma_start3A_324 = tpu.memref_squeeze %dma_start3A_323 : memref<1x5x64x128xf32, #tpu.memory_space<vmem>> -> memref<5x64x128xf32, #tpu.memory_space<vmem>>
        %dma_start3A_325 = arith.constant 0 : i32
        %dma_start3A_326 = arith.constant 0 : i32
        %dma_start3A_327 = tpu.memref_slice %dma_start3A_324[%dma_start3A_319, %dma_start3A_325, %dma_start3A_326] : memref<5x64x128xf32, #tpu.memory_space<vmem>> -> memref<1x64x128xf32, #tpu.memory_space<vmem>>
        %dma_start3A_328 = tpu.memref_squeeze %dma_start3A_327 : memref<1x64x128xf32, #tpu.memory_space<vmem>> -> memref<64x128xf32, #tpu.memory_space<vmem>>
        %dma_start3A_329 = arith.constant 0 : i32
        %dma_start3A_330 = tpu.memref_slice %arg9[%sub3A_281, %dma_start3A_329] : memref<2x320xi32, #tpu.memory_space<vmem>> -> memref<1x320xi32, #tpu.memory_space<vmem>>
        %dma_start3A_331 = tpu.memref_squeeze %dma_start3A_330 : memref<1x320xi32, #tpu.memory_space<vmem>> -> memref<320xi32, #tpu.memory_space<vmem>>
        %dma_start3A_332 = arith.constant 128 : i32
        %dma_start3A_333 = tpu.memref_slice %dma_start3A_331[%dma_start3A_332] : memref<320xi32, #tpu.memory_space<vmem>> -> memref<64xi32, #tpu.memory_space<vmem>>
        %dma_start3A_334 = arith.constant 0 : i32
        %dma_start3A_335 = arith.constant 0 : i32
        %dma_start3A_336 = tpu.memref_slice %arg4[%dma_start3A_334, %dma_start3A_335] : memref<40000x128xf32, #tpu.memory_space<hbm>> -> memref<40000x128xf32, #tpu.memory_space<hbm>>
        tpu.enqueue_indirect_dma source(%dma_start3A_336 : memref<40000x128xf32, #tpu.memory_space<hbm>>) target(%dma_start3A_328 : memref<64x128xf32, #tpu.memory_space<vmem>>) offsets(%dma_start3A_333 : memref<64xi32, #tpu.memory_space<vmem>>) semaphore(%arg12 : memref<!tpu.dma_semaphore, #tpu.memory_space<semaphore_mem>>)
        %dma_start3A_337 = arith.constant 3 : i32
        %dma_start3A_338 = arith.constant 0 : i32
        %dma_start3A_339 = arith.constant 0 : i32
        %dma_start3A_340 = arith.constant 0 : i32
        %dma_start3A_341 = tpu.memref_slice %arg10[%sub3A_281, %dma_start3A_338, %dma_start3A_339, %dma_start3A_340] : memref<2x5x64x128xf32, #tpu.memory_space<vmem>> -> memref<1x5x64x128xf32, #tpu.memory_space<vmem>>
        %dma_start3A_342 = tpu.memref_squeeze %dma_start3A_341 : memref<1x5x64x128xf32, #tpu.memory_space<vmem>> -> memref<5x64x128xf32, #tpu.memory_space<vmem>>
        %dma_start3A_343 = arith.constant 0 : i32
        %dma_start3A_344 = arith.constant 0 : i32
        %dma_start3A_345 = tpu.memref_slice %dma_start3A_342[%dma_start3A_337, %dma_start3A_343, %dma_start3A_344] : memref<5x64x128xf32, #tpu.memory_space<vmem>> -> memref<1x64x128xf32, #tpu.memory_space<vmem>>
        %dma_start3A_346 = tpu.memref_squeeze %dma_start3A_345 : memref<1x64x128xf32, #tpu.memory_space<vmem>> -> memref<64x128xf32, #tpu.memory_space<vmem>>
        %dma_start3A_347 = arith.constant 0 : i32
        %dma_start3A_348 = tpu.memref_slice %arg9[%sub3A_281, %dma_start3A_347] : memref<2x320xi32, #tpu.memory_space<vmem>> -> memref<1x320xi32, #tpu.memory_space<vmem>>
        %dma_start3A_349 = tpu.memref_squeeze %dma_start3A_348 : memref<1x320xi32, #tpu.memory_space<vmem>> -> memref<320xi32, #tpu.memory_space<vmem>>
        %dma_start3A_350 = arith.constant 192 : i32
        %dma_start3A_351 = tpu.memref_slice %dma_start3A_349[%dma_start3A_350] : memref<320xi32, #tpu.memory_space<vmem>> -> memref<64xi32, #tpu.memory_space<vmem>>
        %dma_start3A_352 = arith.constant 0 : i32
        %dma_start3A_353 = arith.constant 0 : i32
        %dma_start3A_354 = tpu.memref_slice %arg5[%dma_start3A_352, %dma_start3A_353] : memref<40000x128xf32, #tpu.memory_space<hbm>> -> memref<40000x128xf32, #tpu.memory_space<hbm>>
        tpu.enqueue_indirect_dma source(%dma_start3A_354 : memref<40000x128xf32, #tpu.memory_space<hbm>>) target(%dma_start3A_346 : memref<64x128xf32, #tpu.memory_space<vmem>>) offsets(%dma_start3A_351 : memref<64xi32, #tpu.memory_space<vmem>>) semaphore(%arg12 : memref<!tpu.dma_semaphore, #tpu.memory_space<semaphore_mem>>)
        %dma_start3A_355 = arith.constant 4 : i32
        %dma_start3A_356 = arith.constant 0 : i32
        %dma_start3A_357 = arith.constant 0 : i32
        %dma_start3A_358 = arith.constant 0 : i32
        %dma_start3A_359 = tpu.memref_slice %arg10[%sub3A_281, %dma_start3A_356, %dma_start3A_357, %dma_start3A_358] : memref<2x5x64x128xf32, #tpu.memory_space<vmem>> -> memref<1x5x64x128xf32, #tpu.memory_space<vmem>>
        %dma_start3A_360 = tpu.memref_squeeze %dma_start3A_359 : memref<1x5x64x128xf32, #tpu.memory_space<vmem>> -> memref<5x64x128xf32, #tpu.memory_space<vmem>>
        %dma_start3A_361 = arith.constant 0 : i32
        %dma_start3A_362 = arith.constant 0 : i32
        %dma_start3A_363 = tpu.memref_slice %dma_start3A_360[%dma_start3A_355, %dma_start3A_361, %dma_start3A_362] : memref<5x64x128xf32, #tpu.memory_space<vmem>> -> memref<1x64x128xf32, #tpu.memory_space<vmem>>
        %dma_start3A_364 = tpu.memref_squeeze %dma_start3A_363 : memref<1x64x128xf32, #tpu.memory_space<vmem>> -> memref<64x128xf32, #tpu.memory_space<vmem>>
        %dma_start3A_365 = arith.constant 0 : i32
        %dma_start3A_366 = tpu.memref_slice %arg9[%sub3A_281, %dma_start3A_365] : memref<2x320xi32, #tpu.memory_space<vmem>> -> memref<1x320xi32, #tpu.memory_space<vmem>>
        %dma_start3A_367 = tpu.memref_squeeze %dma_start3A_366 : memref<1x320xi32, #tpu.memory_space<vmem>> -> memref<320xi32, #tpu.memory_space<vmem>>
        %dma_start3A_368 = arith.constant 256 : i32
        %dma_start3A_369 = tpu.memref_slice %dma_start3A_367[%dma_start3A_368] : memref<320xi32, #tpu.memory_space<vmem>> -> memref<64xi32, #tpu.memory_space<vmem>>
        %dma_start3A_370 = arith.constant 0 : i32
        %dma_start3A_371 = arith.constant 0 : i32
        %dma_start3A_372 = tpu.memref_slice %arg6[%dma_start3A_370, %dma_start3A_371] : memref<40000x128xf32, #tpu.memory_space<hbm>> -> memref<40000x128xf32, #tpu.memory_space<hbm>>
        tpu.enqueue_indirect_dma source(%dma_start3A_372 : memref<40000x128xf32, #tpu.memory_space<hbm>>) target(%dma_start3A_364 : memref<64x128xf32, #tpu.memory_space<vmem>>) offsets(%dma_start3A_369 : memref<64xi32, #tpu.memory_space<vmem>>) semaphore(%arg12 : memref<!tpu.dma_semaphore, #tpu.memory_space<semaphore_mem>>)
      } else {
      }
      %dma_wait3A_164 = arith.constant 0 : i32
      %dma_wait3A_165 = arith.constant 0 : i32
      %dma_wait3A_166 = arith.constant 0 : i32
      %dma_wait3A_167 = arith.constant 0 : i32
      %dma_wait3A_168 = tpu.memref_slice %arg10[%rem3A_160, %dma_wait3A_165, %dma_wait3A_166, %dma_wait3A_167] : memref<2x5x64x128xf32, #tpu.memory_space<vmem>> -> memref<1x5x64x128xf32, #tpu.memory_space<vmem>>
      %dma_wait3A_169 = tpu.memref_squeeze %dma_wait3A_168 : memref<1x5x64x128xf32, #tpu.memory_space<vmem>> -> memref<5x64x128xf32, #tpu.memory_space<vmem>>
      %dma_wait3A_170 = arith.constant 0 : i32
      %dma_wait3A_171 = arith.constant 0 : i32
      %dma_wait3A_172 = tpu.memref_slice %dma_wait3A_169[%dma_wait3A_164, %dma_wait3A_170, %dma_wait3A_171] : memref<5x64x128xf32, #tpu.memory_space<vmem>> -> memref<1x64x128xf32, #tpu.memory_space<vmem>>
      %dma_wait3A_173 = tpu.memref_squeeze %dma_wait3A_172 : memref<1x64x128xf32, #tpu.memory_space<vmem>> -> memref<64x128xf32, #tpu.memory_space<vmem>>
      %dma_wait3A_174 = arith.constant 0 : i32
      %dma_wait3A_175 = tpu.memref_slice %arg9[%rem3A_160, %dma_wait3A_174] : memref<2x320xi32, #tpu.memory_space<vmem>> -> memref<1x320xi32, #tpu.memory_space<vmem>>
      %dma_wait3A_176 = tpu.memref_squeeze %dma_wait3A_175 : memref<1x320xi32, #tpu.memory_space<vmem>> -> memref<320xi32, #tpu.memory_space<vmem>>
      %dma_wait3A_177 = arith.constant 0 : i32
      %dma_wait3A_178 = tpu.memref_slice %dma_wait3A_176[%dma_wait3A_177] : memref<320xi32, #tpu.memory_space<vmem>> -> memref<64xi32, #tpu.memory_space<vmem>>
      %dma_wait3A_179 = arith.constant 0 : i32
      %dma_wait3A_180 = arith.constant 0 : i32
      %dma_wait3A_181 = tpu.memref_slice %arg2[%dma_wait3A_179, %dma_wait3A_180] : memref<40000x128xf32, #tpu.memory_space<hbm>> -> memref<40000x128xf32, #tpu.memory_space<hbm>>
      tpu.wait_indirect_dma semaphore(%arg12 : memref<!tpu.dma_semaphore, #tpu.memory_space<semaphore_mem>>) src(%dma_wait3A_181 : memref<40000x128xf32, #tpu.memory_space<hbm>>) dst(%dma_wait3A_173 : memref<64x128xf32, #tpu.memory_space<vmem>>)
      %dma_wait3A_182 = arith.constant 1 : i32
      %dma_wait3A_183 = arith.constant 0 : i32
      %dma_wait3A_184 = arith.constant 0 : i32
      %dma_wait3A_185 = arith.constant 0 : i32
      %dma_wait3A_186 = tpu.memref_slice %arg10[%rem3A_160, %dma_wait3A_183, %dma_wait3A_184, %dma_wait3A_185] : memref<2x5x64x128xf32, #tpu.memory_space<vmem>> -> memref<1x5x64x128xf32, #tpu.memory_space<vmem>>
      %dma_wait3A_187 = tpu.memref_squeeze %dma_wait3A_186 : memref<1x5x64x128xf32, #tpu.memory_space<vmem>> -> memref<5x64x128xf32, #tpu.memory_space<vmem>>
      %dma_wait3A_188 = arith.constant 0 : i32
      %dma_wait3A_189 = arith.constant 0 : i32
      %dma_wait3A_190 = tpu.memref_slice %dma_wait3A_187[%dma_wait3A_182, %dma_wait3A_188, %dma_wait3A_189] : memref<5x64x128xf32, #tpu.memory_space<vmem>> -> memref<1x64x128xf32, #tpu.memory_space<vmem>>
      %dma_wait3A_191 = tpu.memref_squeeze %dma_wait3A_190 : memref<1x64x128xf32, #tpu.memory_space<vmem>> -> memref<64x128xf32, #tpu.memory_space<vmem>>
      %dma_wait3A_192 = arith.constant 0 : i32
      %dma_wait3A_193 = tpu.memref_slice %arg9[%rem3A_160, %dma_wait3A_192] : memref<2x320xi32, #tpu.memory_space<vmem>> -> memref<1x320xi32, #tpu.memory_space<vmem>>
      %dma_wait3A_194 = tpu.memref_squeeze %dma_wait3A_193 : memref<1x320xi32, #tpu.memory_space<vmem>> -> memref<320xi32, #tpu.memory_space<vmem>>
      %dma_wait3A_195 = arith.constant 64 : i32
      %dma_wait3A_196 = tpu.memref_slice %dma_wait3A_194[%dma_wait3A_195] : memref<320xi32, #tpu.memory_space<vmem>> -> memref<64xi32, #tpu.memory_space<vmem>>
      %dma_wait3A_197 = arith.constant 0 : i32
      %dma_wait3A_198 = arith.constant 0 : i32
      %dma_wait3A_199 = tpu.memref_slice %arg3[%dma_wait3A_197, %dma_wait3A_198] : memref<40000x128xf32, #tpu.memory_space<hbm>> -> memref<40000x128xf32, #tpu.memory_space<hbm>>
      tpu.wait_indirect_dma semaphore(%arg12 : memref<!tpu.dma_semaphore, #tpu.memory_space<semaphore_mem>>) src(%dma_wait3A_199 : memref<40000x128xf32, #tpu.memory_space<hbm>>) dst(%dma_wait3A_191 : memref<64x128xf32, #tpu.memory_space<vmem>>)
      %dma_wait3A_200 = arith.constant 2 : i32
      %dma_wait3A_201 = arith.constant 0 : i32
      %dma_wait3A_202 = arith.constant 0 : i32
      %dma_wait3A_203 = arith.constant 0 : i32
      %dma_wait3A_204 = tpu.memref_slice %arg10[%rem3A_160, %dma_wait3A_201, %dma_wait3A_202, %dma_wait3A_203] : memref<2x5x64x128xf32, #tpu.memory_space<vmem>> -> memref<1x5x64x128xf32, #tpu.memory_space<vmem>>
      %dma_wait3A_205 = tpu.memref_squeeze %dma_wait3A_204 : memref<1x5x64x128xf32, #tpu.memory_space<vmem>> -> memref<5x64x128xf32, #tpu.memory_space<vmem>>
      %dma_wait3A_206 = arith.constant 0 : i32
      %dma_wait3A_207 = arith.constant 0 : i32
      %dma_wait3A_208 = tpu.memref_slice %dma_wait3A_205[%dma_wait3A_200, %dma_wait3A_206, %dma_wait3A_207] : memref<5x64x128xf32, #tpu.memory_space<vmem>> -> memref<1x64x128xf32, #tpu.memory_space<vmem>>
      %dma_wait3A_209 = tpu.memref_squeeze %dma_wait3A_208 : memref<1x64x128xf32, #tpu.memory_space<vmem>> -> memref<64x128xf32, #tpu.memory_space<vmem>>
      %dma_wait3A_210 = arith.constant 0 : i32
      %dma_wait3A_211 = tpu.memref_slice %arg9[%rem3A_160, %dma_wait3A_210] : memref<2x320xi32, #tpu.memory_space<vmem>> -> memref<1x320xi32, #tpu.memory_space<vmem>>
      %dma_wait3A_212 = tpu.memref_squeeze %dma_wait3A_211 : memref<1x320xi32, #tpu.memory_space<vmem>> -> memref<320xi32, #tpu.memory_space<vmem>>
      %dma_wait3A_213 = arith.constant 128 : i32
      %dma_wait3A_214 = tpu.memref_slice %dma_wait3A_212[%dma_wait3A_213] : memref<320xi32, #tpu.memory_space<vmem>> -> memref<64xi32, #tpu.memory_space<vmem>>
      %dma_wait3A_215 = arith.constant 0 : i32
      %dma_wait3A_216 = arith.constant 0 : i32
      %dma_wait3A_217 = tpu.memref_slice %arg4[%dma_wait3A_215, %dma_wait3A_216] : memref<40000x128xf32, #tpu.memory_space<hbm>> -> memref<40000x128xf32, #tpu.memory_space<hbm>>
      tpu.wait_indirect_dma semaphore(%arg12 : memref<!tpu.dma_semaphore, #tpu.memory_space<semaphore_mem>>) src(%dma_wait3A_217 : memref<40000x128xf32, #tpu.memory_space<hbm>>) dst(%dma_wait3A_209 : memref<64x128xf32, #tpu.memory_space<vmem>>)
      %dma_wait3A_218 = arith.constant 3 : i32
      %dma_wait3A_219 = arith.constant 0 : i32
      %dma_wait3A_220 = arith.constant 0 : i32
      %dma_wait3A_221 = arith.constant 0 : i32
      %dma_wait3A_222 = tpu.memref_slice %arg10[%rem3A_160, %dma_wait3A_219, %dma_wait3A_220, %dma_wait3A_221] : memref<2x5x64x128xf32, #tpu.memory_space<vmem>> -> memref<1x5x64x128xf32, #tpu.memory_space<vmem>>
      %dma_wait3A_223 = tpu.memref_squeeze %dma_wait3A_222 : memref<1x5x64x128xf32, #tpu.memory_space<vmem>> -> memref<5x64x128xf32, #tpu.memory_space<vmem>>
      %dma_wait3A_224 = arith.constant 0 : i32
      %dma_wait3A_225 = arith.constant 0 : i32
      %dma_wait3A_226 = tpu.memref_slice %dma_wait3A_223[%dma_wait3A_218, %dma_wait3A_224, %dma_wait3A_225] : memref<5x64x128xf32, #tpu.memory_space<vmem>> -> memref<1x64x128xf32, #tpu.memory_space<vmem>>
      %dma_wait3A_227 = tpu.memref_squeeze %dma_wait3A_226 : memref<1x64x128xf32, #tpu.memory_space<vmem>> -> memref<64x128xf32, #tpu.memory_space<vmem>>
      %dma_wait3A_228 = arith.constant 0 : i32
      %dma_wait3A_229 = tpu.memref_slice %arg9[%rem3A_160, %dma_wait3A_228] : memref<2x320xi32, #tpu.memory_space<vmem>> -> memref<1x320xi32, #tpu.memory_space<vmem>>
      %dma_wait3A_230 = tpu.memref_squeeze %dma_wait3A_229 : memref<1x320xi32, #tpu.memory_space<vmem>> -> memref<320xi32, #tpu.memory_space<vmem>>
      %dma_wait3A_231 = arith.constant 192 : i32
      %dma_wait3A_232 = tpu.memref_slice %dma_wait3A_230[%dma_wait3A_231] : memref<320xi32, #tpu.memory_space<vmem>> -> memref<64xi32, #tpu.memory_space<vmem>>
      %dma_wait3A_233 = arith.constant 0 : i32
      %dma_wait3A_234 = arith.constant 0 : i32
      %dma_wait3A_235 = tpu.memref_slice %arg5[%dma_wait3A_233, %dma_wait3A_234] : memref<40000x128xf32, #tpu.memory_space<hbm>> -> memref<40000x128xf32, #tpu.memory_space<hbm>>
      tpu.wait_indirect_dma semaphore(%arg12 : memref<!tpu.dma_semaphore, #tpu.memory_space<semaphore_mem>>) src(%dma_wait3A_235 : memref<40000x128xf32, #tpu.memory_space<hbm>>) dst(%dma_wait3A_227 : memref<64x128xf32, #tpu.memory_space<vmem>>)
      %dma_wait3A_236 = arith.constant 4 : i32
      %dma_wait3A_237 = arith.constant 0 : i32
      %dma_wait3A_238 = arith.constant 0 : i32
      %dma_wait3A_239 = arith.constant 0 : i32
      %dma_wait3A_240 = tpu.memref_slice %arg10[%rem3A_160, %dma_wait3A_237, %dma_wait3A_238, %dma_wait3A_239] : memref<2x5x64x128xf32, #tpu.memory_space<vmem>> -> memref<1x5x64x128xf32, #tpu.memory_space<vmem>>
      %dma_wait3A_241 = tpu.memref_squeeze %dma_wait3A_240 : memref<1x5x64x128xf32, #tpu.memory_space<vmem>> -> memref<5x64x128xf32, #tpu.memory_space<vmem>>
      %dma_wait3A_242 = arith.constant 0 : i32
      %dma_wait3A_243 = arith.constant 0 : i32
      %dma_wait3A_244 = tpu.memref_slice %dma_wait3A_241[%dma_wait3A_236, %dma_wait3A_242, %dma_wait3A_243] : memref<5x64x128xf32, #tpu.memory_space<vmem>> -> memref<1x64x128xf32, #tpu.memory_space<vmem>>
      %dma_wait3A_245 = tpu.memref_squeeze %dma_wait3A_244 : memref<1x64x128xf32, #tpu.memory_space<vmem>> -> memref<64x128xf32, #tpu.memory_space<vmem>>
      %dma_wait3A_246 = arith.constant 0 : i32
      %dma_wait3A_247 = tpu.memref_slice %arg9[%rem3A_160, %dma_wait3A_246] : memref<2x320xi32, #tpu.memory_space<vmem>> -> memref<1x320xi32, #tpu.memory_space<vmem>>
      %dma_wait3A_248 = tpu.memref_squeeze %dma_wait3A_247 : memref<1x320xi32, #tpu.memory_space<vmem>> -> memref<320xi32, #tpu.memory_space<vmem>>
      %dma_wait3A_249 = arith.constant 256 : i32
      %dma_wait3A_250 = tpu.memref_slice %dma_wait3A_248[%dma_wait3A_249] : memref<320xi32, #tpu.memory_space<vmem>> -> memref<64xi32, #tpu.memory_space<vmem>>
      %dma_wait3A_251 = arith.constant 0 : i32
      %dma_wait3A_252 = arith.constant 0 : i32
      %dma_wait3A_253 = tpu.memref_slice %arg6[%dma_wait3A_251, %dma_wait3A_252] : memref<40000x128xf32, #tpu.memory_space<hbm>> -> memref<40000x128xf32, #tpu.memory_space<hbm>>
      tpu.wait_indirect_dma semaphore(%arg12 : memref<!tpu.dma_semaphore, #tpu.memory_space<semaphore_mem>>) src(%dma_wait3A_253 : memref<40000x128xf32, #tpu.memory_space<hbm>>) dst(%dma_wait3A_245 : memref<64x128xf32, #tpu.memory_space<vmem>>)
      %ge3A = arith.constant 2 : i32
      %ge3A_254 = arith.cmpi sge, %while3A_158, %ge3A : i32
      %convert_element_type3A_255 = arith.extui %ge3A_254 : i1 to i32
      %cond3A_256 = arith.constant 0 : i32
      %cond3A_257 = arith.cmpi ne, %convert_element_type3A_255, %cond3A_256 : i32
      scf.if %cond3A_257 {
        %sub3A_278 = arith.constant 2 : i32
        %sub3A_279 = arith.subi %while3A_158, %sub3A_278 : i32
        %add3A_280 = arith.addi %select_n3A, %sub3A_279 : i32
        %mul3A_281 = arith.constant 64 : i32
        %mul3A_282 = arith.muli %add3A_280, %mul3A_281 : i32
        %dma_wait3A_283 = arith.constant 0 : i32
        %dma_wait3A_284 = arith.constant 0 : i32
        %dma_wait3A_285 = tpu.memref_slice %arg11[%rem3A_160, %dma_wait3A_283, %dma_wait3A_284] : memref<2x64x128xf32, #tpu.memory_space<vmem>> -> memref<1x64x128xf32, #tpu.memory_space<vmem>>
        %dma_wait3A_286 = tpu.memref_squeeze %dma_wait3A_285 : memref<1x64x128xf32, #tpu.memory_space<vmem>> -> memref<64x128xf32, #tpu.memory_space<vmem>>
        %dma_wait3A_287 = arith.constant 0 : i32
        %dma_wait3A_288 = tpu.memref_slice %arg8[%mul3A_282, %dma_wait3A_287] : memref<40960x128xf32, #tpu.memory_space<hbm>> -> memref<64x128xf32, #tpu.memory_space<hbm>>
        %dma_wait3A_289 = arith.constant 0 : i32
        %dma_wait3A_290 = tpu.memref_slice %arg8[%mul3A_282, %dma_wait3A_289] : memref<40960x128xf32, #tpu.memory_space<hbm>> -> memref<64x128xf32, #tpu.memory_space<hbm>>
        %dma_wait3A_291 = arith.constant 0 : i32
        %dma_wait3A_292 = arith.constant 0 : i32
        %dma_wait3A_293 = tpu.memref_slice %arg11[%rem3A_160, %dma_wait3A_291, %dma_wait3A_292] : memref<2x64x128xf32, #tpu.memory_space<vmem>> -> memref<1x64x128xf32, #tpu.memory_space<vmem>>
        %dma_wait3A_294 = tpu.memref_squeeze %dma_wait3A_293 : memref<1x64x128xf32, #tpu.memory_space<vmem>> -> memref<64x128xf32, #tpu.memory_space<vmem>>
        tpu.wait_dma2 semaphore(%arg13 : memref<!tpu.dma_semaphore, #tpu.memory_space<semaphore_mem>>) src(%dma_wait3A_294 : memref<64x128xf32, #tpu.memory_space<vmem>>) dst(%dma_wait3A_290 : memref<64x128xf32, #tpu.memory_space<hbm>>)
      } else {
      }
      %scan3A = arith.constant 0 : i32
      %scan3A_258 = arith.constant 0 : i32
      %scan3A_259 = arith.constant 64 : i32
      %scan3A_260 = arith.addi %scan3A_258, %scan3A_259 : i32
      %scan3A_261 = arith.constant 1 : i32
      scf.for %scan3A_278 = %scan3A_258 to %scan3A_260 step %scan3A_261  : i32 {
        %get3A = arith.constant 0 : i32
        %get3A_279 = arith.index_cast %rem3A_160 : i32 to index
        %get3A_280 = arith.index_cast %get3A : i32 to index
        %get3A_281 = arith.index_cast %scan3A_278 : i32 to index
        %get3A_282 = arith.constant 0 : index
        %get3A_283 = tpu.vector_load %arg10[%get3A_279, %get3A_280, %get3A_281, %get3A_282] {strides = array<i32>} : memref<2x5x64x128xf32, #tpu.memory_space<vmem>>, vector<1x1x1x16xf32>,
        %get3A_284 = vector.shape_cast %get3A_283 : vector<1x1x1x16xf32> to vector<16xf32>
        %get3A_285 = arith.constant 1 : i32
        %get3A_286 = arith.index_cast %rem3A_160 : i32 to index
        %get3A_287 = arith.index_cast %get3A_285 : i32 to index
        %get3A_288 = arith.index_cast %scan3A_278 : i32 to index
        %get3A_289 = arith.constant 0 : index
        %get3A_290 = tpu.vector_load %arg10[%get3A_286, %get3A_287, %get3A_288, %get3A_289] {strides = array<i32>} : memref<2x5x64x128xf32, #tpu.memory_space<vmem>>, vector<1x1x1x16xf32>,
        %get3A_291 = vector.shape_cast %get3A_290 : vector<1x1x1x16xf32> to vector<16xf32>
        %add3A_292 = arith.addf %get3A_284, %get3A_291 : vector<16xf32>
        %get3A_293 = arith.constant 2 : i32
        %get3A_294 = arith.index_cast %rem3A_160 : i32 to index
        %get3A_295 = arith.index_cast %get3A_293 : i32 to index
        %get3A_296 = arith.index_cast %scan3A_278 : i32 to index
        %get3A_297 = arith.constant 0 : index
        %get3A_298 = tpu.vector_load %arg10[%get3A_294, %get3A_295, %get3A_296, %get3A_297] {strides = array<i32>} : memref<2x5x64x128xf32, #tpu.memory_space<vmem>>, vector<1x1x1x16xf32>,
        %get3A_299 = vector.shape_cast %get3A_298 : vector<1x1x1x16xf32> to vector<16xf32>
        %get3A_300 = arith.constant 3 : i32
        %get3A_301 = arith.index_cast %rem3A_160 : i32 to index
        %get3A_302 = arith.index_cast %get3A_300 : i32 to index
        %get3A_303 = arith.index_cast %scan3A_278 : i32 to index
        %get3A_304 = arith.constant 0 : index
        %get3A_305 = tpu.vector_load %arg10[%get3A_301, %get3A_302, %get3A_303, %get3A_304] {strides = array<i32>} : memref<2x5x64x128xf32, #tpu.memory_space<vmem>>, vector<1x1x1x16xf32>,
        %get3A_306 = vector.shape_cast %get3A_305 : vector<1x1x1x16xf32> to vector<16xf32>
        %add3A_307 = arith.addf %get3A_299, %get3A_306 : vector<16xf32>
        %add3A_308 = arith.addf %add3A_292, %add3A_307 : vector<16xf32>
        %get3A_309 = arith.constant 4 : i32
        %get3A_310 = arith.index_cast %rem3A_160 : i32 to index
        %get3A_311 = arith.index_cast %get3A_309 : i32 to index
        %get3A_312 = arith.index_cast %scan3A_278 : i32 to index
        %get3A_313 = arith.constant 0 : index
        %get3A_314 = tpu.vector_load %arg10[%get3A_310, %get3A_311, %get3A_312, %get3A_313] {strides = array<i32>} : memref<2x5x64x128xf32, #tpu.memory_space<vmem>>, vector<1x1x1x16xf32>,
        %get3A_315 = vector.shape_cast %get3A_314 : vector<1x1x1x16xf32> to vector<16xf32>
        %add3A_316 = arith.addf %add3A_308, %get3A_315 : vector<16xf32>
        %swap3A = arith.index_cast %rem3A_160 : i32 to index
        %swap3A_317 = arith.index_cast %scan3A_278 : i32 to index
        %swap3A_318 = arith.constant 0 : index
        %swap3A_319 = tpu.vector_load %arg11[%swap3A, %swap3A_317, %swap3A_318] {strides = array<i32>} : memref<2x64x128xf32, #tpu.memory_space<vmem>>, vector<1x1x16xf32>,
        %swap3A_320 = vector.shape_cast %swap3A_319 : vector<1x1x16xf32> to vector<16xf32>
        %swap3A_321 = vector.shape_cast %add3A_316 : vector<16xf32> to vector<1x1x16xf32>
        tpu.vector_store %arg11[%swap3A, %swap3A_317, %swap3A_318], %swap3A_321 {strides = array<i32>} : memref<2x64x128xf32, #tpu.memory_space<vmem>>, vector<1x1x16xf32>,
        %get3A_322 = arith.constant 0 : i32
        %get3A_323 = arith.index_cast %rem3A_160 : i32 to index
        %get3A_324 = arith.index_cast %get3A_322 : i32 to index
        %get3A_325 = arith.index_cast %scan3A_278 : i32 to index
        %get3A_326 = arith.constant 16 : index
        %get3A_327 = tpu.vector_load %arg10[%get3A_323, %get3A_324, %get3A_325, %get3A_326] {strides = array<i32>} : memref<2x5x64x128xf32, #tpu.memory_space<vmem>>, vector<1x1x1x16xf32>,
        %get3A_328 = vector.shape_cast %get3A_327 : vector<1x1x1x16xf32> to vector<16xf32>
        %get3A_329 = arith.constant 1 : i32
        %get3A_330 = arith.index_cast %rem3A_160 : i32 to index
        %get3A_331 = arith.index_cast %get3A_329 : i32 to index
        %get3A_332 = arith.index_cast %scan3A_278 : i32 to index
        %get3A_333 = arith.constant 16 : index
        %get3A_334 = tpu.vector_load %arg10[%get3A_330, %get3A_331, %get3A_332, %get3A_333] {strides = array<i32>} : memref<2x5x64x128xf32, #tpu.memory_space<vmem>>, vector<1x1x1x16xf32>,
        %get3A_335 = vector.shape_cast %get3A_334 : vector<1x1x1x16xf32> to vector<16xf32>
        %add3A_336 = arith.addf %get3A_328, %get3A_335 : vector<16xf32>
        %get3A_337 = arith.constant 2 : i32
        %get3A_338 = arith.index_cast %rem3A_160 : i32 to index
        %get3A_339 = arith.index_cast %get3A_337 : i32 to index
        %get3A_340 = arith.index_cast %scan3A_278 : i32 to index
        %get3A_341 = arith.constant 16 : index
        %get3A_342 = tpu.vector_load %arg10[%get3A_338, %get3A_339, %get3A_340, %get3A_341] {strides = array<i32>} : memref<2x5x64x128xf32, #tpu.memory_space<vmem>>, vector<1x1x1x16xf32>,
        %get3A_343 = vector.shape_cast %get3A_342 : vector<1x1x1x16xf32> to vector<16xf32>
        %get3A_344 = arith.constant 3 : i32
        %get3A_345 = arith.index_cast %rem3A_160 : i32 to index
        %get3A_346 = arith.index_cast %get3A_344 : i32 to index
        %get3A_347 = arith.index_cast %scan3A_278 : i32 to index
        %get3A_348 = arith.constant 16 : index
        %get3A_349 = tpu.vector_load %arg10[%get3A_345, %get3A_346, %get3A_347, %get3A_348] {strides = array<i32>} : memref<2x5x64x128xf32, #tpu.memory_space<vmem>>, vector<1x1x1x16xf32>,
        %get3A_350 = vector.shape_cast %get3A_349 : vector<1x1x1x16xf32> to vector<16xf32>
        %add3A_351 = arith.addf %get3A_343, %get3A_350 : vector<16xf32>
        %add3A_352 = arith.addf %add3A_336, %add3A_351 : vector<16xf32>
        %get3A_353 = arith.constant 4 : i32
        %get3A_354 = arith.index_cast %rem3A_160 : i32 to index
        %get3A_355 = arith.index_cast %get3A_353 : i32 to index
        %get3A_356 = arith.index_cast %scan3A_278 : i32 to index
        %get3A_357 = arith.constant 16 : index
        %get3A_358 = tpu.vector_load %arg10[%get3A_354, %get3A_355, %get3A_356, %get3A_357] {strides = array<i32>} : memref<2x5x64x128xf32, #tpu.memory_space<vmem>>, vector<1x1x1x16xf32>,
        %get3A_359 = vector.shape_cast %get3A_358 : vector<1x1x1x16xf32> to vector<16xf32>
        %add3A_360 = arith.addf %add3A_352, %get3A_359 : vector<16xf32>
        %swap3A_361 = arith.index_cast %rem3A_160 : i32 to index
        %swap3A_362 = arith.index_cast %scan3A_278 : i32 to index
        %swap3A_363 = arith.constant 16 : index
        %swap3A_364 = tpu.vector_load %arg11[%swap3A_361, %swap3A_362, %swap3A_363] {strides = array<i32>} : memref<2x64x128xf32, #tpu.memory_space<vmem>>, vector<1x1x16xf32>,
        %swap3A_365 = vector.shape_cast %swap3A_364 : vector<1x1x16xf32> to vector<16xf32>
        %swap3A_366 = vector.shape_cast %add3A_360 : vector<16xf32> to vector<1x1x16xf32>
        tpu.vector_store %arg11[%swap3A_361, %swap3A_362, %swap3A_363], %swap3A_366 {strides = array<i32>} : memref<2x64x128xf32, #tpu.memory_space<vmem>>, vector<1x1x16xf32>,
        %get3A_367 = arith.constant 0 : i32
        %get3A_368 = arith.index_cast %rem3A_160 : i32 to index
        %get3A_369 = arith.index_cast %get3A_367 : i32 to index
        %get3A_370 = arith.index_cast %scan3A_278 : i32 to index
        %get3A_371 = arith.constant 32 : index
        %get3A_372 = tpu.vector_load %arg10[%get3A_368, %get3A_369, %get3A_370, %get3A_371] {strides = array<i32>} : memref<2x5x64x128xf32, #tpu.memory_space<vmem>>, vector<1x1x1x16xf32>,
        %get3A_373 = vector.shape_cast %get3A_372 : vector<1x1x1x16xf32> to vector<16xf32>
        %get3A_374 = arith.constant 1 : i32
        %get3A_375 = arith.index_cast %rem3A_160 : i32 to index
        %get3A_376 = arith.index_cast %get3A_374 : i32 to index
        %get3A_377 = arith.index_cast %scan3A_278 : i32 to index
        %get3A_378 = arith.constant 32 : index
        %get3A_379 = tpu.vector_load %arg10[%get3A_375, %get3A_376, %get3A_377, %get3A_378] {strides = array<i32>} : memref<2x5x64x128xf32, #tpu.memory_space<vmem>>, vector<1x1x1x16xf32>,
        %get3A_380 = vector.shape_cast %get3A_379 : vector<1x1x1x16xf32> to vector<16xf32>
        %add3A_381 = arith.addf %get3A_373, %get3A_380 : vector<16xf32>
        %get3A_382 = arith.constant 2 : i32
        %get3A_383 = arith.index_cast %rem3A_160 : i32 to index
        %get3A_384 = arith.index_cast %get3A_382 : i32 to index
        %get3A_385 = arith.index_cast %scan3A_278 : i32 to index
        %get3A_386 = arith.constant 32 : index
        %get3A_387 = tpu.vector_load %arg10[%get3A_383, %get3A_384, %get3A_385, %get3A_386] {strides = array<i32>} : memref<2x5x64x128xf32, #tpu.memory_space<vmem>>, vector<1x1x1x16xf32>,
        %get3A_388 = vector.shape_cast %get3A_387 : vector<1x1x1x16xf32> to vector<16xf32>
        %get3A_389 = arith.constant 3 : i32
        %get3A_390 = arith.index_cast %rem3A_160 : i32 to index
        %get3A_391 = arith.index_cast %get3A_389 : i32 to index
        %get3A_392 = arith.index_cast %scan3A_278 : i32 to index
        %get3A_393 = arith.constant 32 : index
        %get3A_394 = tpu.vector_load %arg10[%get3A_390, %get3A_391, %get3A_392, %get3A_393] {strides = array<i32>} : memref<2x5x64x128xf32, #tpu.memory_space<vmem>>, vector<1x1x1x16xf32>,
        %get3A_395 = vector.shape_cast %get3A_394 : vector<1x1x1x16xf32> to vector<16xf32>
        %add3A_396 = arith.addf %get3A_388, %get3A_395 : vector<16xf32>
        %add3A_397 = arith.addf %add3A_381, %add3A_396 : vector<16xf32>
        %get3A_398 = arith.constant 4 : i32
        %get3A_399 = arith.index_cast %rem3A_160 : i32 to index
        %get3A_400 = arith.index_cast %get3A_398 : i32 to index
        %get3A_401 = arith.index_cast %scan3A_278 : i32 to index
        %get3A_402 = arith.constant 32 : index
        %get3A_403 = tpu.vector_load %arg10[%get3A_399, %get3A_400, %get3A_401, %get3A_402] {strides = array<i32>} : memref<2x5x64x128xf32, #tpu.memory_space<vmem>>, vector<1x1x1x16xf32>,
        %get3A_404 = vector.shape_cast %get3A_403 : vector<1x1x1x16xf32> to vector<16xf32>
        %add3A_405 = arith.addf %add3A_397, %get3A_404 : vector<16xf32>
        %swap3A_406 = arith.index_cast %rem3A_160 : i32 to index
        %swap3A_407 = arith.index_cast %scan3A_278 : i32 to index
        %swap3A_408 = arith.constant 32 : index
        %swap3A_409 = tpu.vector_load %arg11[%swap3A_406, %swap3A_407, %swap3A_408] {strides = array<i32>} : memref<2x64x128xf32, #tpu.memory_space<vmem>>, vector<1x1x16xf32>,
        %swap3A_410 = vector.shape_cast %swap3A_409 : vector<1x1x16xf32> to vector<16xf32>
        %swap3A_411 = vector.shape_cast %add3A_405 : vector<16xf32> to vector<1x1x16xf32>
        tpu.vector_store %arg11[%swap3A_406, %swap3A_407, %swap3A_408], %swap3A_411 {strides = array<i32>} : memref<2x64x128xf32, #tpu.memory_space<vmem>>, vector<1x1x16xf32>,
        %get3A_412 = arith.constant 0 : i32
        %get3A_413 = arith.index_cast %rem3A_160 : i32 to index
        %get3A_414 = arith.index_cast %get3A_412 : i32 to index
        %get3A_415 = arith.index_cast %scan3A_278 : i32 to index
        %get3A_416 = arith.constant 48 : index
        %get3A_417 = tpu.vector_load %arg10[%get3A_413, %get3A_414, %get3A_415, %get3A_416] {strides = array<i32>} : memref<2x5x64x128xf32, #tpu.memory_space<vmem>>, vector<1x1x1x16xf32>,
        %get3A_418 = vector.shape_cast %get3A_417 : vector<1x1x1x16xf32> to vector<16xf32>
        %get3A_419 = arith.constant 1 : i32
        %get3A_420 = arith.index_cast %rem3A_160 : i32 to index
        %get3A_421 = arith.index_cast %get3A_419 : i32 to index
        %get3A_422 = arith.index_cast %scan3A_278 : i32 to index
        %get3A_423 = arith.constant 48 : index
        %get3A_424 = tpu.vector_load %arg10[%get3A_420, %get3A_421, %get3A_422, %get3A_423] {strides = array<i32>} : memref<2x5x64x128xf32, #tpu.memory_space<vmem>>, vector<1x1x1x16xf32>,
        %get3A_425 = vector.shape_cast %get3A_424 : vector<1x1x1x16xf32> to vector<16xf32>
        %add3A_426 = arith.addf %get3A_418, %get3A_425 : vector<16xf32>
        %get3A_427 = arith.constant 2 : i32
        %get3A_428 = arith.index_cast %rem3A_160 : i32 to index
        %get3A_429 = arith.index_cast %get3A_427 : i32 to index
        %get3A_430 = arith.index_cast %scan3A_278 : i32 to index
        %get3A_431 = arith.constant 48 : index
        %get3A_432 = tpu.vector_load %arg10[%get3A_428, %get3A_429, %get3A_430, %get3A_431] {strides = array<i32>} : memref<2x5x64x128xf32, #tpu.memory_space<vmem>>, vector<1x1x1x16xf32>,
        %get3A_433 = vector.shape_cast %get3A_432 : vector<1x1x1x16xf32> to vector<16xf32>
        %get3A_434 = arith.constant 3 : i32
        %get3A_435 = arith.index_cast %rem3A_160 : i32 to index
        %get3A_436 = arith.index_cast %get3A_434 : i32 to index
        %get3A_437 = arith.index_cast %scan3A_278 : i32 to index
        %get3A_438 = arith.constant 48 : index
        %get3A_439 = tpu.vector_load %arg10[%get3A_435, %get3A_436, %get3A_437, %get3A_438] {strides = array<i32>} : memref<2x5x64x128xf32, #tpu.memory_space<vmem>>, vector<1x1x1x16xf32>,
        %get3A_440 = vector.shape_cast %get3A_439 : vector<1x1x1x16xf32> to vector<16xf32>
        %add3A_441 = arith.addf %get3A_433, %get3A_440 : vector<16xf32>
        %add3A_442 = arith.addf %add3A_426, %add3A_441 : vector<16xf32>
        %get3A_443 = arith.constant 4 : i32
        %get3A_444 = arith.index_cast %rem3A_160 : i32 to index
        %get3A_445 = arith.index_cast %get3A_443 : i32 to index
        %get3A_446 = arith.index_cast %scan3A_278 : i32 to index
        %get3A_447 = arith.constant 48 : index
        %get3A_448 = tpu.vector_load %arg10[%get3A_444, %get3A_445, %get3A_446, %get3A_447] {strides = array<i32>} : memref<2x5x64x128xf32, #tpu.memory_space<vmem>>, vector<1x1x1x16xf32>,
        %get3A_449 = vector.shape_cast %get3A_448 : vector<1x1x1x16xf32> to vector<16xf32>
        %add3A_450 = arith.addf %add3A_442, %get3A_449 : vector<16xf32>
        %swap3A_451 = arith.index_cast %rem3A_160 : i32 to index
        %swap3A_452 = arith.index_cast %scan3A_278 : i32 to index
        %swap3A_453 = arith.constant 48 : index
        %swap3A_454 = tpu.vector_load %arg11[%swap3A_451, %swap3A_452, %swap3A_453] {strides = array<i32>} : memref<2x64x128xf32, #tpu.memory_space<vmem>>, vector<1x1x16xf32>,
        %swap3A_455 = vector.shape_cast %swap3A_454 : vector<1x1x16xf32> to vector<16xf32>
        %swap3A_456 = vector.shape_cast %add3A_450 : vector<16xf32> to vector<1x1x16xf32>
        tpu.vector_store %arg11[%swap3A_451, %swap3A_452, %swap3A_453], %swap3A_456 {strides = array<i32>} : memref<2x64x128xf32, #tpu.memory_space<vmem>>, vector<1x1x16xf32>,
        %get3A_457 = arith.constant 0 : i32
        %get3A_458 = arith.index_cast %rem3A_160 : i32 to index
        %get3A_459 = arith.index_cast %get3A_457 : i32 to index
        %get3A_460 = arith.index_cast %scan3A_278 : i32 to index
        %get3A_461 = arith.constant 64 : index
        %get3A_462 = tpu.vector_load %arg10[%get3A_458, %get3A_459, %get3A_460, %get3A_461] {strides = array<i32>} : memref<2x5x64x128xf32, #tpu.memory_space<vmem>>, vector<1x1x1x16xf32>,
        %get3A_463 = vector.shape_cast %get3A_462 : vector<1x1x1x16xf32> to vector<16xf32>
        %get3A_464 = arith.constant 1 : i32
        %get3A_465 = arith.index_cast %rem3A_160 : i32 to index
        %get3A_466 = arith.index_cast %get3A_464 : i32 to index
        %get3A_467 = arith.index_cast %scan3A_278 : i32 to index
        %get3A_468 = arith.constant 64 : index
        %get3A_469 = tpu.vector_load %arg10[%get3A_465, %get3A_466, %get3A_467, %get3A_468] {strides = array<i32>} : memref<2x5x64x128xf32, #tpu.memory_space<vmem>>, vector<1x1x1x16xf32>,
        %get3A_470 = vector.shape_cast %get3A_469 : vector<1x1x1x16xf32> to vector<16xf32>
        %add3A_471 = arith.addf %get3A_463, %get3A_470 : vector<16xf32>
        %get3A_472 = arith.constant 2 : i32
        %get3A_473 = arith.index_cast %rem3A_160 : i32 to index
        %get3A_474 = arith.index_cast %get3A_472 : i32 to index
        %get3A_475 = arith.index_cast %scan3A_278 : i32 to index
        %get3A_476 = arith.constant 64 : index
        %get3A_477 = tpu.vector_load %arg10[%get3A_473, %get3A_474, %get3A_475, %get3A_476] {strides = array<i32>} : memref<2x5x64x128xf32, #tpu.memory_space<vmem>>, vector<1x1x1x16xf32>,
        %get3A_478 = vector.shape_cast %get3A_477 : vector<1x1x1x16xf32> to vector<16xf32>
        %get3A_479 = arith.constant 3 : i32
        %get3A_480 = arith.index_cast %rem3A_160 : i32 to index
        %get3A_481 = arith.index_cast %get3A_479 : i32 to index
        %get3A_482 = arith.index_cast %scan3A_278 : i32 to index
        %get3A_483 = arith.constant 64 : index
        %get3A_484 = tpu.vector_load %arg10[%get3A_480, %get3A_481, %get3A_482, %get3A_483] {strides = array<i32>} : memref<2x5x64x128xf32, #tpu.memory_space<vmem>>, vector<1x1x1x16xf32>,
        %get3A_485 = vector.shape_cast %get3A_484 : vector<1x1x1x16xf32> to vector<16xf32>
        %add3A_486 = arith.addf %get3A_478, %get3A_485 : vector<16xf32>
        %add3A_487 = arith.addf %add3A_471, %add3A_486 : vector<16xf32>
        %get3A_488 = arith.constant 4 : i32
        %get3A_489 = arith.index_cast %rem3A_160 : i32 to index
        %get3A_490 = arith.index_cast %get3A_488 : i32 to index
        %get3A_491 = arith.index_cast %scan3A_278 : i32 to index
        %get3A_492 = arith.constant 64 : index
        %get3A_493 = tpu.vector_load %arg10[%get3A_489, %get3A_490, %get3A_491, %get3A_492] {strides = array<i32>} : memref<2x5x64x128xf32, #tpu.memory_space<vmem>>, vector<1x1x1x16xf32>,
        %get3A_494 = vector.shape_cast %get3A_493 : vector<1x1x1x16xf32> to vector<16xf32>
        %add3A_495 = arith.addf %add3A_487, %get3A_494 : vector<16xf32>
        %swap3A_496 = arith.index_cast %rem3A_160 : i32 to index
        %swap3A_497 = arith.index_cast %scan3A_278 : i32 to index
        %swap3A_498 = arith.constant 64 : index
        %swap3A_499 = tpu.vector_load %arg11[%swap3A_496, %swap3A_497, %swap3A_498] {strides = array<i32>} : memref<2x64x128xf32, #tpu.memory_space<vmem>>, vector<1x1x16xf32>,
        %swap3A_500 = vector.shape_cast %swap3A_499 : vector<1x1x16xf32> to vector<16xf32>
        %swap3A_501 = vector.shape_cast %add3A_495 : vector<16xf32> to vector<1x1x16xf32>
        tpu.vector_store %arg11[%swap3A_496, %swap3A_497, %swap3A_498], %swap3A_501 {strides = array<i32>} : memref<2x64x128xf32, #tpu.memory_space<vmem>>, vector<1x1x16xf32>,
        %get3A_502 = arith.constant 0 : i32
        %get3A_503 = arith.index_cast %rem3A_160 : i32 to index
        %get3A_504 = arith.index_cast %get3A_502 : i32 to index
        %get3A_505 = arith.index_cast %scan3A_278 : i32 to index
        %get3A_506 = arith.constant 80 : index
        %get3A_507 = tpu.vector_load %arg10[%get3A_503, %get3A_504, %get3A_505, %get3A_506] {strides = array<i32>} : memref<2x5x64x128xf32, #tpu.memory_space<vmem>>, vector<1x1x1x16xf32>,
        %get3A_508 = vector.shape_cast %get3A_507 : vector<1x1x1x16xf32> to vector<16xf32>
        %get3A_509 = arith.constant 1 : i32
        %get3A_510 = arith.index_cast %rem3A_160 : i32 to index
        %get3A_511 = arith.index_cast %get3A_509 : i32 to index
        %get3A_512 = arith.index_cast %scan3A_278 : i32 to index
        %get3A_513 = arith.constant 80 : index
        %get3A_514 = tpu.vector_load %arg10[%get3A_510, %get3A_511, %get3A_512, %get3A_513] {strides = array<i32>} : memref<2x5x64x128xf32, #tpu.memory_space<vmem>>, vector<1x1x1x16xf32>,
        %get3A_515 = vector.shape_cast %get3A_514 : vector<1x1x1x16xf32> to vector<16xf32>
        %add3A_516 = arith.addf %get3A_508, %get3A_515 : vector<16xf32>
        %get3A_517 = arith.constant 2 : i32
        %get3A_518 = arith.index_cast %rem3A_160 : i32 to index
        %get3A_519 = arith.index_cast %get3A_517 : i32 to index
        %get3A_520 = arith.index_cast %scan3A_278 : i32 to index
        %get3A_521 = arith.constant 80 : index
        %get3A_522 = tpu.vector_load %arg10[%get3A_518, %get3A_519, %get3A_520, %get3A_521] {strides = array<i32>} : memref<2x5x64x128xf32, #tpu.memory_space<vmem>>, vector<1x1x1x16xf32>,
        %get3A_523 = vector.shape_cast %get3A_522 : vector<1x1x1x16xf32> to vector<16xf32>
        %get3A_524 = arith.constant 3 : i32
        %get3A_525 = arith.index_cast %rem3A_160 : i32 to index
        %get3A_526 = arith.index_cast %get3A_524 : i32 to index
        %get3A_527 = arith.index_cast %scan3A_278 : i32 to index
        %get3A_528 = arith.constant 80 : index
        %get3A_529 = tpu.vector_load %arg10[%get3A_525, %get3A_526, %get3A_527, %get3A_528] {strides = array<i32>} : memref<2x5x64x128xf32, #tpu.memory_space<vmem>>, vector<1x1x1x16xf32>,
        %get3A_530 = vector.shape_cast %get3A_529 : vector<1x1x1x16xf32> to vector<16xf32>
        %add3A_531 = arith.addf %get3A_523, %get3A_530 : vector<16xf32>
        %add3A_532 = arith.addf %add3A_516, %add3A_531 : vector<16xf32>
        %get3A_533 = arith.constant 4 : i32
        %get3A_534 = arith.index_cast %rem3A_160 : i32 to index
        %get3A_535 = arith.index_cast %get3A_533 : i32 to index
        %get3A_536 = arith.index_cast %scan3A_278 : i32 to index
        %get3A_537 = arith.constant 80 : index
        %get3A_538 = tpu.vector_load %arg10[%get3A_534, %get3A_535, %get3A_536, %get3A_537] {strides = array<i32>} : memref<2x5x64x128xf32, #tpu.memory_space<vmem>>, vector<1x1x1x16xf32>,
        %get3A_539 = vector.shape_cast %get3A_538 : vector<1x1x1x16xf32> to vector<16xf32>
        %add3A_540 = arith.addf %add3A_532, %get3A_539 : vector<16xf32>
        %swap3A_541 = arith.index_cast %rem3A_160 : i32 to index
        %swap3A_542 = arith.index_cast %scan3A_278 : i32 to index
        %swap3A_543 = arith.constant 80 : index
        %swap3A_544 = tpu.vector_load %arg11[%swap3A_541, %swap3A_542, %swap3A_543] {strides = array<i32>} : memref<2x64x128xf32, #tpu.memory_space<vmem>>, vector<1x1x16xf32>,
        %swap3A_545 = vector.shape_cast %swap3A_544 : vector<1x1x16xf32> to vector<16xf32>
        %swap3A_546 = vector.shape_cast %add3A_540 : vector<16xf32> to vector<1x1x16xf32>
        tpu.vector_store %arg11[%swap3A_541, %swap3A_542, %swap3A_543], %swap3A_546 {strides = array<i32>} : memref<2x64x128xf32, #tpu.memory_space<vmem>>, vector<1x1x16xf32>,
        %get3A_547 = arith.constant 0 : i32
        %get3A_548 = arith.index_cast %rem3A_160 : i32 to index
        %get3A_549 = arith.index_cast %get3A_547 : i32 to index
        %get3A_550 = arith.index_cast %scan3A_278 : i32 to index
        %get3A_551 = arith.constant 96 : index
        %get3A_552 = tpu.vector_load %arg10[%get3A_548, %get3A_549, %get3A_550, %get3A_551] {strides = array<i32>} : memref<2x5x64x128xf32, #tpu.memory_space<vmem>>, vector<1x1x1x16xf32>,
        %get3A_553 = vector.shape_cast %get3A_552 : vector<1x1x1x16xf32> to vector<16xf32>
        %get3A_554 = arith.constant 1 : i32
        %get3A_555 = arith.index_cast %rem3A_160 : i32 to index
        %get3A_556 = arith.index_cast %get3A_554 : i32 to index
        %get3A_557 = arith.index_cast %scan3A_278 : i32 to index
        %get3A_558 = arith.constant 96 : index
        %get3A_559 = tpu.vector_load %arg10[%get3A_555, %get3A_556, %get3A_557, %get3A_558] {strides = array<i32>} : memref<2x5x64x128xf32, #tpu.memory_space<vmem>>, vector<1x1x1x16xf32>,
        %get3A_560 = vector.shape_cast %get3A_559 : vector<1x1x1x16xf32> to vector<16xf32>
        %add3A_561 = arith.addf %get3A_553, %get3A_560 : vector<16xf32>
        %get3A_562 = arith.constant 2 : i32
        %get3A_563 = arith.index_cast %rem3A_160 : i32 to index
        %get3A_564 = arith.index_cast %get3A_562 : i32 to index
        %get3A_565 = arith.index_cast %scan3A_278 : i32 to index
        %get3A_566 = arith.constant 96 : index
        %get3A_567 = tpu.vector_load %arg10[%get3A_563, %get3A_564, %get3A_565, %get3A_566] {strides = array<i32>} : memref<2x5x64x128xf32, #tpu.memory_space<vmem>>, vector<1x1x1x16xf32>,
        %get3A_568 = vector.shape_cast %get3A_567 : vector<1x1x1x16xf32> to vector<16xf32>
        %get3A_569 = arith.constant 3 : i32
        %get3A_570 = arith.index_cast %rem3A_160 : i32 to index
        %get3A_571 = arith.index_cast %get3A_569 : i32 to index
        %get3A_572 = arith.index_cast %scan3A_278 : i32 to index
        %get3A_573 = arith.constant 96 : index
        %get3A_574 = tpu.vector_load %arg10[%get3A_570, %get3A_571, %get3A_572, %get3A_573] {strides = array<i32>} : memref<2x5x64x128xf32, #tpu.memory_space<vmem>>, vector<1x1x1x16xf32>,
        %get3A_575 = vector.shape_cast %get3A_574 : vector<1x1x1x16xf32> to vector<16xf32>
        %add3A_576 = arith.addf %get3A_568, %get3A_575 : vector<16xf32>
        %add3A_577 = arith.addf %add3A_561, %add3A_576 : vector<16xf32>
        %get3A_578 = arith.constant 4 : i32
        %get3A_579 = arith.index_cast %rem3A_160 : i32 to index
        %get3A_580 = arith.index_cast %get3A_578 : i32 to index
        %get3A_581 = arith.index_cast %scan3A_278 : i32 to index
        %get3A_582 = arith.constant 96 : index
        %get3A_583 = tpu.vector_load %arg10[%get3A_579, %get3A_580, %get3A_581, %get3A_582] {strides = array<i32>} : memref<2x5x64x128xf32, #tpu.memory_space<vmem>>, vector<1x1x1x16xf32>,
        %get3A_584 = vector.shape_cast %get3A_583 : vector<1x1x1x16xf32> to vector<16xf32>
        %add3A_585 = arith.addf %add3A_577, %get3A_584 : vector<16xf32>
        %swap3A_586 = arith.index_cast %rem3A_160 : i32 to index
        %swap3A_587 = arith.index_cast %scan3A_278 : i32 to index
        %swap3A_588 = arith.constant 96 : index
        %swap3A_589 = tpu.vector_load %arg11[%swap3A_586, %swap3A_587, %swap3A_588] {strides = array<i32>} : memref<2x64x128xf32, #tpu.memory_space<vmem>>, vector<1x1x16xf32>,
        %swap3A_590 = vector.shape_cast %swap3A_589 : vector<1x1x16xf32> to vector<16xf32>
        %swap3A_591 = vector.shape_cast %add3A_585 : vector<16xf32> to vector<1x1x16xf32>
        tpu.vector_store %arg11[%swap3A_586, %swap3A_587, %swap3A_588], %swap3A_591 {strides = array<i32>} : memref<2x64x128xf32, #tpu.memory_space<vmem>>, vector<1x1x16xf32>,
        %get3A_592 = arith.constant 0 : i32
        %get3A_593 = arith.index_cast %rem3A_160 : i32 to index
        %get3A_594 = arith.index_cast %get3A_592 : i32 to index
        %get3A_595 = arith.index_cast %scan3A_278 : i32 to index
        %get3A_596 = arith.constant 112 : index
        %get3A_597 = tpu.vector_load %arg10[%get3A_593, %get3A_594, %get3A_595, %get3A_596] {strides = array<i32>} : memref<2x5x64x128xf32, #tpu.memory_space<vmem>>, vector<1x1x1x16xf32>,
        %get3A_598 = vector.shape_cast %get3A_597 : vector<1x1x1x16xf32> to vector<16xf32>
        %get3A_599 = arith.constant 1 : i32
        %get3A_600 = arith.index_cast %rem3A_160 : i32 to index
        %get3A_601 = arith.index_cast %get3A_599 : i32 to index
        %get3A_602 = arith.index_cast %scan3A_278 : i32 to index
        %get3A_603 = arith.constant 112 : index
        %get3A_604 = tpu.vector_load %arg10[%get3A_600, %get3A_601, %get3A_602, %get3A_603] {strides = array<i32>} : memref<2x5x64x128xf32, #tpu.memory_space<vmem>>, vector<1x1x1x16xf32>,
        %get3A_605 = vector.shape_cast %get3A_604 : vector<1x1x1x16xf32> to vector<16xf32>
        %add3A_606 = arith.addf %get3A_598, %get3A_605 : vector<16xf32>
        %get3A_607 = arith.constant 2 : i32
        %get3A_608 = arith.index_cast %rem3A_160 : i32 to index
        %get3A_609 = arith.index_cast %get3A_607 : i32 to index
        %get3A_610 = arith.index_cast %scan3A_278 : i32 to index
        %get3A_611 = arith.constant 112 : index
        %get3A_612 = tpu.vector_load %arg10[%get3A_608, %get3A_609, %get3A_610, %get3A_611] {strides = array<i32>} : memref<2x5x64x128xf32, #tpu.memory_space<vmem>>, vector<1x1x1x16xf32>,
        %get3A_613 = vector.shape_cast %get3A_612 : vector<1x1x1x16xf32> to vector<16xf32>
        %get3A_614 = arith.constant 3 : i32
        %get3A_615 = arith.index_cast %rem3A_160 : i32 to index
        %get3A_616 = arith.index_cast %get3A_614 : i32 to index
        %get3A_617 = arith.index_cast %scan3A_278 : i32 to index
        %get3A_618 = arith.constant 112 : index
        %get3A_619 = tpu.vector_load %arg10[%get3A_615, %get3A_616, %get3A_617, %get3A_618] {strides = array<i32>} : memref<2x5x64x128xf32, #tpu.memory_space<vmem>>, vector<1x1x1x16xf32>,
        %get3A_620 = vector.shape_cast %get3A_619 : vector<1x1x1x16xf32> to vector<16xf32>
        %add3A_621 = arith.addf %get3A_613, %get3A_620 : vector<16xf32>
        %add3A_622 = arith.addf %add3A_606, %add3A_621 : vector<16xf32>
        %get3A_623 = arith.constant 4 : i32
        %get3A_624 = arith.index_cast %rem3A_160 : i32 to index
        %get3A_625 = arith.index_cast %get3A_623 : i32 to index
        %get3A_626 = arith.index_cast %scan3A_278 : i32 to index
        %get3A_627 = arith.constant 112 : index
        %get3A_628 = tpu.vector_load %arg10[%get3A_624, %get3A_625, %get3A_626, %get3A_627] {strides = array<i32>} : memref<2x5x64x128xf32, #tpu.memory_space<vmem>>, vector<1x1x1x16xf32>,
        %get3A_629 = vector.shape_cast %get3A_628 : vector<1x1x1x16xf32> to vector<16xf32>
        %add3A_630 = arith.addf %add3A_622, %get3A_629 : vector<16xf32>
        %swap3A_631 = arith.index_cast %rem3A_160 : i32 to index
        %swap3A_632 = arith.index_cast %scan3A_278 : i32 to index
        %swap3A_633 = arith.constant 112 : index
        %swap3A_634 = tpu.vector_load %arg11[%swap3A_631, %swap3A_632, %swap3A_633] {strides = array<i32>} : memref<2x64x128xf32, #tpu.memory_space<vmem>>, vector<1x1x16xf32>,
        %swap3A_635 = vector.shape_cast %swap3A_634 : vector<1x1x16xf32> to vector<16xf32>
        %swap3A_636 = vector.shape_cast %add3A_630 : vector<16xf32> to vector<1x1x16xf32>
        tpu.vector_store %arg11[%swap3A_631, %swap3A_632, %swap3A_633], %swap3A_636 {strides = array<i32>} : memref<2x64x128xf32, #tpu.memory_space<vmem>>, vector<1x1x16xf32>,
      }
      %scan3A_262 = arith.constant 64 : i32
      %add3A_263 = arith.addi %select_n3A, %while3A_158 : i32
      %mul3A_264 = arith.constant 64 : i32
      %mul3A_265 = arith.muli %add3A_263, %mul3A_264 : i32
      %dma_start3A_266 = arith.constant 0 : i32
      %dma_start3A_267 = arith.constant 0 : i32
      %dma_start3A_268 = tpu.memref_slice %arg11[%rem3A_160, %dma_start3A_266, %dma_start3A_267] : memref<2x64x128xf32, #tpu.memory_space<vmem>> -> memref<1x64x128xf32, #tpu.memory_space<vmem>>
      %dma_start3A_269 = tpu.memref_squeeze %dma_start3A_268 : memref<1x64x128xf32, #tpu.memory_space<vmem>> -> memref<64x128xf32, #tpu.memory_space<vmem>>
      %dma_start3A_270 = arith.constant 0 : i32
      %dma_start3A_271 = tpu.memref_slice %arg8[%mul3A_265, %dma_start3A_270] : memref<40960x128xf32, #tpu.memory_space<hbm>> -> memref<64x128xf32, #tpu.memory_space<hbm>>
      %dma_start3A_272 = arith.constant 0 : i32
      %dma_start3A_273 = tpu.memref_slice %arg8[%mul3A_265, %dma_start3A_272] : memref<40960x128xf32, #tpu.memory_space<hbm>> -> memref<64x128xf32, #tpu.memory_space<hbm>>
      %dma_start3A_274 = arith.constant 0 : i32
      %dma_start3A_275 = arith.constant 0 : i32
      %dma_start3A_276 = tpu.memref_slice %arg11[%rem3A_160, %dma_start3A_274, %dma_start3A_275] : memref<2x64x128xf32, #tpu.memory_space<vmem>> -> memref<1x64x128xf32, #tpu.memory_space<vmem>>
      %dma_start3A_277 = tpu.memref_squeeze %dma_start3A_276 : memref<1x64x128xf32, #tpu.memory_space<vmem>> -> memref<64x128xf32, #tpu.memory_space<vmem>>
      tpu.enqueue_dma source(%dma_start3A_277 : memref<64x128xf32, #tpu.memory_space<vmem>>) target(%dma_start3A_273 : memref<64x128xf32, #tpu.memory_space<hbm>>) target_semaphore(%arg13 : memref<!tpu.dma_semaphore, #tpu.memory_space<semaphore_mem>>)
    }
    %while3A_118 = arith.constant 1 : i32
    scf.for %while3A_158 = %while3A_116 to %while3A_112 step %while3A_118  : i32 {
      %rem3A_159 = arith.constant 2 : i32
      %rem3A_160 = arith.remsi %while3A_158, %rem3A_159 : i32
      %sub3A_161 = arith.constant 1 : i32
      %sub3A_162 = arith.subi %select_n3A_8, %sub3A_161 : i32
      %lt3A = arith.cmpi slt, %while3A_158, %sub3A_162 : i32
      %convert_element_type3A = arith.extui %lt3A : i1 to i32
      %cond3A = arith.constant 0 : i32
      %cond3A_163 = arith.cmpi ne, %convert_element_type3A, %cond3A : i32
      scf.if %cond3A_163 {
        %add3A_278 = arith.constant 1 : i32
        %add3A_279 = arith.addi %while3A_158, %add3A_278 : i32
        %sub3A_280 = arith.constant 1 : i32
        %sub3A_281 = arith.subi %sub3A_280, %rem3A_160 : i32
        %add3A_282 = arith.addi %select_n3A, %add3A_279 : i32
        "tpu.region"() ({
          %run_scoped3A_373 = tpu.sem_alloc : memref<!tpu.dma_semaphore, #tpu.memory_space<semaphore_mem>>
          %dma_start3A_374 = arith.constant 0 : i32
          %dma_start3A_375 = tpu.memref_slice %arg9[%sub3A_281, %dma_start3A_374] : memref<2x320xi32, #tpu.memory_space<vmem>> -> memref<1x320xi32, #tpu.memory_space<vmem>>
          %dma_start3A_376 = tpu.memref_squeeze %dma_start3A_375 : memref<1x320xi32, #tpu.memory_space<vmem>> -> memref<320xi32, #tpu.memory_space<vmem>>
          %dma_start3A_377 = arith.constant 0 : i32
          %dma_start3A_378 = tpu.memref_slice %arg7[%add3A_282, %dma_start3A_377] : memref<640x320xi32, #tpu.memory_space<hbm>> -> memref<1x320xi32, #tpu.memory_space<hbm>>
          %dma_start3A_379 = tpu.memref_squeeze %dma_start3A_378 : memref<1x320xi32, #tpu.memory_space<hbm>> -> memref<320xi32, #tpu.memory_space<hbm>>
          %dma_start3A_380 = arith.constant 0 : i32
          %dma_start3A_381 = tpu.memref_slice %arg9[%sub3A_281, %dma_start3A_380] : memref<2x320xi32, #tpu.memory_space<vmem>> -> memref<1x320xi32, #tpu.memory_space<vmem>>
          %dma_start3A_382 = tpu.memref_squeeze %dma_start3A_381 : memref<1x320xi32, #tpu.memory_space<vmem>> -> memref<320xi32, #tpu.memory_space<vmem>>
          %dma_start3A_383 = arith.constant 0 : i32
          %dma_start3A_384 = tpu.memref_slice %arg7[%add3A_282, %dma_start3A_383] : memref<640x320xi32, #tpu.memory_space<hbm>> -> memref<1x320xi32, #tpu.memory_space<hbm>>
          %dma_start3A_385 = tpu.memref_squeeze %dma_start3A_384 : memref<1x320xi32, #tpu.memory_space<hbm>> -> memref<320xi32, #tpu.memory_space<hbm>>
          tpu.enqueue_dma source(%dma_start3A_385 : memref<320xi32, #tpu.memory_space<hbm>>) target(%dma_start3A_382 : memref<320xi32, #tpu.memory_space<vmem>>) target_semaphore(%run_scoped3A_373 : memref<!tpu.dma_semaphore, #tpu.memory_space<semaphore_mem>>)
          %dma_wait3A_386 = arith.constant 0 : i32
          %dma_wait3A_387 = tpu.memref_slice %arg9[%sub3A_281, %dma_wait3A_386] : memref<2x320xi32, #tpu.memory_space<vmem>> -> memref<1x320xi32, #tpu.memory_space<vmem>>
          %dma_wait3A_388 = tpu.memref_squeeze %dma_wait3A_387 : memref<1x320xi32, #tpu.memory_space<vmem>> -> memref<320xi32, #tpu.memory_space<vmem>>
          %dma_wait3A_389 = arith.constant 0 : i32
          %dma_wait3A_390 = tpu.memref_slice %arg7[%add3A_282, %dma_wait3A_389] : memref<640x320xi32, #tpu.memory_space<hbm>> -> memref<1x320xi32, #tpu.memory_space<hbm>>
          %dma_wait3A_391 = tpu.memref_squeeze %dma_wait3A_390 : memref<1x320xi32, #tpu.memory_space<hbm>> -> memref<320xi32, #tpu.memory_space<hbm>>
          %dma_wait3A_392 = arith.constant 0 : i32
          %dma_wait3A_393 = tpu.memref_slice %arg9[%sub3A_281, %dma_wait3A_392] : memref<2x320xi32, #tpu.memory_space<vmem>> -> memref<1x320xi32, #tpu.memory_space<vmem>>
          %dma_wait3A_394 = tpu.memref_squeeze %dma_wait3A_393 : memref<1x320xi32, #tpu.memory_space<vmem>> -> memref<320xi32, #tpu.memory_space<vmem>>
          %dma_wait3A_395 = arith.constant 0 : i32
          %dma_wait3A_396 = tpu.memref_slice %arg7[%add3A_282, %dma_wait3A_395] : memref<640x320xi32, #tpu.memory_space<hbm>> -> memref<1x320xi32, #tpu.memory_space<hbm>>
          %dma_wait3A_397 = tpu.memref_squeeze %dma_wait3A_396 : memref<1x320xi32, #tpu.memory_space<hbm>> -> memref<320xi32, #tpu.memory_space<hbm>>
          tpu.wait_dma2 semaphore(%run_scoped3A_373 : memref<!tpu.dma_semaphore, #tpu.memory_space<semaphore_mem>>) src(%dma_wait3A_397 : memref<320xi32, #tpu.memory_space<hbm>>) dst(%dma_wait3A_394 : memref<320xi32, #tpu.memory_space<vmem>>)
          tpu.yield
        }) : () -> ()
        %dma_start3A_283 = arith.constant 0 : i32
        %dma_start3A_284 = arith.constant 0 : i32
        %dma_start3A_285 = arith.constant 0 : i32
        %dma_start3A_286 = arith.constant 0 : i32
        %dma_start3A_287 = tpu.memref_slice %arg10[%sub3A_281, %dma_start3A_284, %dma_start3A_285, %dma_start3A_286] : memref<2x5x64x128xf32, #tpu.memory_space<vmem>> -> memref<1x5x64x128xf32, #tpu.memory_space<vmem>>
        %dma_start3A_288 = tpu.memref_squeeze %dma_start3A_287 : memref<1x5x64x128xf32, #tpu.memory_space<vmem>> -> memref<5x64x128xf32, #tpu.memory_space<vmem>>
        %dma_start3A_289 = arith.constant 0 : i32
        %dma_start3A_290 = arith.constant 0 : i32
        %dma_start3A_291 = tpu.memref_slice %dma_start3A_288[%dma_start3A_283, %dma_start3A_289, %dma_start3A_290] : memref<5x64x128xf32, #tpu.memory_space<vmem>> -> memref<1x64x128xf32, #tpu.memory_space<vmem>>
        %dma_start3A_292 = tpu.memref_squeeze %dma_start3A_291 : memref<1x64x128xf32, #tpu.memory_space<vmem>> -> memref<64x128xf32, #tpu.memory_space<vmem>>
        %dma_start3A_293 = arith.constant 0 : i32
        %dma_start3A_294 = tpu.memref_slice %arg9[%sub3A_281, %dma_start3A_293] : memref<2x320xi32, #tpu.memory_space<vmem>> -> memref<1x320xi32, #tpu.memory_space<vmem>>
        %dma_start3A_295 = tpu.memref_squeeze %dma_start3A_294 : memref<1x320xi32, #tpu.memory_space<vmem>> -> memref<320xi32, #tpu.memory_space<vmem>>
        %dma_start3A_296 = arith.constant 0 : i32
        %dma_start3A_297 = tpu.memref_slice %dma_start3A_295[%dma_start3A_296] : memref<320xi32, #tpu.memory_space<vmem>> -> memref<64xi32, #tpu.memory_space<vmem>>
        %dma_start3A_298 = arith.constant 0 : i32
        %dma_start3A_299 = arith.constant 0 : i32
        %dma_start3A_300 = tpu.memref_slice %arg2[%dma_start3A_298, %dma_start3A_299] : memref<40000x128xf32, #tpu.memory_space<hbm>> -> memref<40000x128xf32, #tpu.memory_space<hbm>>
        tpu.enqueue_indirect_dma source(%dma_start3A_300 : memref<40000x128xf32, #tpu.memory_space<hbm>>) target(%dma_start3A_292 : memref<64x128xf32, #tpu.memory_space<vmem>>) offsets(%dma_start3A_297 : memref<64xi32, #tpu.memory_space<vmem>>) semaphore(%arg12 : memref<!tpu.dma_semaphore, #tpu.memory_space<semaphore_mem>>)
        %dma_start3A_301 = arith.constant 1 : i32
        %dma_start3A_302 = arith.constant 0 : i32
        %dma_start3A_303 = arith.constant 0 : i32
        %dma_start3A_304 = arith.constant 0 : i32
        %dma_start3A_305 = tpu.memref_slice %arg10[%sub3A_281, %dma_start3A_302, %dma_start3A_303, %dma_start3A_304] : memref<2x5x64x128xf32, #tpu.memory_space<vmem>> -> memref<1x5x64x128xf32, #tpu.memory_space<vmem>>
        %dma_start3A_306 = tpu.memref_squeeze %dma_start3A_305 : memref<1x5x64x128xf32, #tpu.memory_space<vmem>> -> memref<5x64x128xf32, #tpu.memory_space<vmem>>
        %dma_start3A_307 = arith.constant 0 : i32
        %dma_start3A_308 = arith.constant 0 : i32
        %dma_start3A_309 = tpu.memref_slice %dma_start3A_306[%dma_start3A_301, %dma_start3A_307, %dma_start3A_308] : memref<5x64x128xf32, #tpu.memory_space<vmem>> -> memref<1x64x128xf32, #tpu.memory_space<vmem>>
        %dma_start3A_310 = tpu.memref_squeeze %dma_start3A_309 : memref<1x64x128xf32, #tpu.memory_space<vmem>> -> memref<64x128xf32, #tpu.memory_space<vmem>>
        %dma_start3A_311 = arith.constant 0 : i32
        %dma_start3A_312 = tpu.memref_slice %arg9[%sub3A_281, %dma_start3A_311] : memref<2x320xi32, #tpu.memory_space<vmem>> -> memref<1x320xi32, #tpu.memory_space<vmem>>
        %dma_start3A_313 = tpu.memref_squeeze %dma_start3A_312 : memref<1x320xi32, #tpu.memory_space<vmem>> -> memref<320xi32, #tpu.memory_space<vmem>>
        %dma_start3A_314 = arith.constant 64 : i32
        %dma_start3A_315 = tpu.memref_slice %dma_start3A_313[%dma_start3A_314] : memref<320xi32, #tpu.memory_space<vmem>> -> memref<64xi32, #tpu.memory_space<vmem>>
        %dma_start3A_316 = arith.constant 0 : i32
        %dma_start3A_317 = arith.constant 0 : i32
        %dma_start3A_318 = tpu.memref_slice %arg3[%dma_start3A_316, %dma_start3A_317] : memref<40000x128xf32, #tpu.memory_space<hbm>> -> memref<40000x128xf32, #tpu.memory_space<hbm>>
        tpu.enqueue_indirect_dma source(%dma_start3A_318 : memref<40000x128xf32, #tpu.memory_space<hbm>>) target(%dma_start3A_310 : memref<64x128xf32, #tpu.memory_space<vmem>>) offsets(%dma_start3A_315 : memref<64xi32, #tpu.memory_space<vmem>>) semaphore(%arg12 : memref<!tpu.dma_semaphore, #tpu.memory_space<semaphore_mem>>)
        %dma_start3A_319 = arith.constant 2 : i32
        %dma_start3A_320 = arith.constant 0 : i32
        %dma_start3A_321 = arith.constant 0 : i32
        %dma_start3A_322 = arith.constant 0 : i32
        %dma_start3A_323 = tpu.memref_slice %arg10[%sub3A_281, %dma_start3A_320, %dma_start3A_321, %dma_start3A_322] : memref<2x5x64x128xf32, #tpu.memory_space<vmem>> -> memref<1x5x64x128xf32, #tpu.memory_space<vmem>>
        %dma_start3A_324 = tpu.memref_squeeze %dma_start3A_323 : memref<1x5x64x128xf32, #tpu.memory_space<vmem>> -> memref<5x64x128xf32, #tpu.memory_space<vmem>>
        %dma_start3A_325 = arith.constant 0 : i32
        %dma_start3A_326 = arith.constant 0 : i32
        %dma_start3A_327 = tpu.memref_slice %dma_start3A_324[%dma_start3A_319, %dma_start3A_325, %dma_start3A_326] : memref<5x64x128xf32, #tpu.memory_space<vmem>> -> memref<1x64x128xf32, #tpu.memory_space<vmem>>
        %dma_start3A_328 = tpu.memref_squeeze %dma_start3A_327 : memref<1x64x128xf32, #tpu.memory_space<vmem>> -> memref<64x128xf32, #tpu.memory_space<vmem>>
        %dma_start3A_329 = arith.constant 0 : i32
        %dma_start3A_330 = tpu.memref_slice %arg9[%sub3A_281, %dma_start3A_329] : memref<2x320xi32, #tpu.memory_space<vmem>> -> memref<1x320xi32, #tpu.memory_space<vmem>>
        %dma_start3A_331 = tpu.memref_squeeze %dma_start3A_330 : memref<1x320xi32, #tpu.memory_space<vmem>> -> memref<320xi32, #tpu.memory_space<vmem>>
        %dma_start3A_332 = arith.constant 128 : i32
        %dma_start3A_333 = tpu.memref_slice %dma_start3A_331[%dma_start3A_332] : memref<320xi32, #tpu.memory_space<vmem>> -> memref<64xi32, #tpu.memory_space<vmem>>
        %dma_start3A_334 = arith.constant 0 : i32
        %dma_start3A_335 = arith.constant 0 : i32
        %dma_start3A_336 = tpu.memref_slice %arg4[%dma_start3A_334, %dma_start3A_335] : memref<40000x128xf32, #tpu.memory_space<hbm>> -> memref<40000x128xf32, #tpu.memory_space<hbm>>
        tpu.enqueue_indirect_dma source(%dma_start3A_336 : memref<40000x128xf32, #tpu.memory_space<hbm>>) target(%dma_start3A_328 : memref<64x128xf32, #tpu.memory_space<vmem>>) offsets(%dma_start3A_333 : memref<64xi32, #tpu.memory_space<vmem>>) semaphore(%arg12 : memref<!tpu.dma_semaphore, #tpu.memory_space<semaphore_mem>>)
        %dma_start3A_337 = arith.constant 3 : i32
        %dma_start3A_338 = arith.constant 0 : i32
        %dma_start3A_339 = arith.constant 0 : i32
        %dma_start3A_340 = arith.constant 0 : i32
        %dma_start3A_341 = tpu.memref_slice %arg10[%sub3A_281, %dma_start3A_338, %dma_start3A_339, %dma_start3A_340] : memref<2x5x64x128xf32, #tpu.memory_space<vmem>> -> memref<1x5x64x128xf32, #tpu.memory_space<vmem>>
        %dma_start3A_342 = tpu.memref_squeeze %dma_start3A_341 : memref<1x5x64x128xf32, #tpu.memory_space<vmem>> -> memref<5x64x128xf32, #tpu.memory_space<vmem>>
        %dma_start3A_343 = arith.constant 0 : i32
        %dma_start3A_344 = arith.constant 0 : i32
        %dma_start3A_345 = tpu.memref_slice %dma_start3A_342[%dma_start3A_337, %dma_start3A_343, %dma_start3A_344] : memref<5x64x128xf32, #tpu.memory_space<vmem>> -> memref<1x64x128xf32, #tpu.memory_space<vmem>>
        %dma_start3A_346 = tpu.memref_squeeze %dma_start3A_345 : memref<1x64x128xf32, #tpu.memory_space<vmem>> -> memref<64x128xf32, #tpu.memory_space<vmem>>
        %dma_start3A_347 = arith.constant 0 : i32
        %dma_start3A_348 = tpu.memref_slice %arg9[%sub3A_281, %dma_start3A_347] : memref<2x320xi32, #tpu.memory_space<vmem>> -> memref<1x320xi32, #tpu.memory_space<vmem>>
        %dma_start3A_349 = tpu.memref_squeeze %dma_start3A_348 : memref<1x320xi32, #tpu.memory_space<vmem>> -> memref<320xi32, #tpu.memory_space<vmem>>
        %dma_start3A_350 = arith.constant 192 : i32
        %dma_start3A_351 = tpu.memref_slice %dma_start3A_349[%dma_start3A_350] : memref<320xi32, #tpu.memory_space<vmem>> -> memref<64xi32, #tpu.memory_space<vmem>>
        %dma_start3A_352 = arith.constant 0 : i32
        %dma_start3A_353 = arith.constant 0 : i32
        %dma_start3A_354 = tpu.memref_slice %arg5[%dma_start3A_352, %dma_start3A_353] : memref<40000x128xf32, #tpu.memory_space<hbm>> -> memref<40000x128xf32, #tpu.memory_space<hbm>>
        tpu.enqueue_indirect_dma source(%dma_start3A_354 : memref<40000x128xf32, #tpu.memory_space<hbm>>) target(%dma_start3A_346 : memref<64x128xf32, #tpu.memory_space<vmem>>) offsets(%dma_start3A_351 : memref<64xi32, #tpu.memory_space<vmem>>) semaphore(%arg12 : memref<!tpu.dma_semaphore, #tpu.memory_space<semaphore_mem>>)
        %dma_start3A_355 = arith.constant 4 : i32
        %dma_start3A_356 = arith.constant 0 : i32
        %dma_start3A_357 = arith.constant 0 : i32
        %dma_start3A_358 = arith.constant 0 : i32
        %dma_start3A_359 = tpu.memref_slice %arg10[%sub3A_281, %dma_start3A_356, %dma_start3A_357, %dma_start3A_358] : memref<2x5x64x128xf32, #tpu.memory_space<vmem>> -> memref<1x5x64x128xf32, #tpu.memory_space<vmem>>
        %dma_start3A_360 = tpu.memref_squeeze %dma_start3A_359 : memref<1x5x64x128xf32, #tpu.memory_space<vmem>> -> memref<5x64x128xf32, #tpu.memory_space<vmem>>
        %dma_start3A_361 = arith.constant 0 : i32
        %dma_start3A_362 = arith.constant 0 : i32
        %dma_start3A_363 = tpu.memref_slice %dma_start3A_360[%dma_start3A_355, %dma_start3A_361, %dma_start3A_362] : memref<5x64x128xf32, #tpu.memory_space<vmem>> -> memref<1x64x128xf32, #tpu.memory_space<vmem>>
        %dma_start3A_364 = tpu.memref_squeeze %dma_start3A_363 : memref<1x64x128xf32, #tpu.memory_space<vmem>> -> memref<64x128xf32, #tpu.memory_space<vmem>>
        %dma_start3A_365 = arith.constant 0 : i32
        %dma_start3A_366 = tpu.memref_slice %arg9[%sub3A_281, %dma_start3A_365] : memref<2x320xi32, #tpu.memory_space<vmem>> -> memref<1x320xi32, #tpu.memory_space<vmem>>
        %dma_start3A_367 = tpu.memref_squeeze %dma_start3A_366 : memref<1x320xi32, #tpu.memory_space<vmem>> -> memref<320xi32, #tpu.memory_space<vmem>>
        %dma_start3A_368 = arith.constant 256 : i32
        %dma_start3A_369 = tpu.memref_slice %dma_start3A_367[%dma_start3A_368] : memref<320xi32, #tpu.memory_space<vmem>> -> memref<64xi32, #tpu.memory_space<vmem>>
        %dma_start3A_370 = arith.constant 0 : i32
        %dma_start3A_371 = arith.constant 0 : i32
        %dma_start3A_372 = tpu.memref_slice %arg6[%dma_start3A_370, %dma_start3A_371] : memref<40000x128xf32, #tpu.memory_space<hbm>> -> memref<40000x128xf32, #tpu.memory_space<hbm>>
        tpu.enqueue_indirect_dma source(%dma_start3A_372 : memref<40000x128xf32, #tpu.memory_space<hbm>>) target(%dma_start3A_364 : memref<64x128xf32, #tpu.memory_space<vmem>>) offsets(%dma_start3A_369 : memref<64xi32, #tpu.memory_space<vmem>>) semaphore(%arg12 : memref<!tpu.dma_semaphore, #tpu.memory_space<semaphore_mem>>)
      } else {
      }
      %dma_wait3A_164 = arith.constant 0 : i32
      %dma_wait3A_165 = arith.constant 0 : i32
      %dma_wait3A_166 = arith.constant 0 : i32
      %dma_wait3A_167 = arith.constant 0 : i32
      %dma_wait3A_168 = tpu.memref_slice %arg10[%rem3A_160, %dma_wait3A_165, %dma_wait3A_166, %dma_wait3A_167] : memref<2x5x64x128xf32, #tpu.memory_space<vmem>> -> memref<1x5x64x128xf32, #tpu.memory_space<vmem>>
      %dma_wait3A_169 = tpu.memref_squeeze %dma_wait3A_168 : memref<1x5x64x128xf32, #tpu.memory_space<vmem>> -> memref<5x64x128xf32, #tpu.memory_space<vmem>>
      %dma_wait3A_170 = arith.constant 0 : i32
      %dma_wait3A_171 = arith.constant 0 : i32
      %dma_wait3A_172 = tpu.memref_slice %dma_wait3A_169[%dma_wait3A_164, %dma_wait3A_170, %dma_wait3A_171] : memref<5x64x128xf32, #tpu.memory_space<vmem>> -> memref<1x64x128xf32, #tpu.memory_space<vmem>>
      %dma_wait3A_173 = tpu.memref_squeeze %dma_wait3A_172 : memref<1x64x128xf32, #tpu.memory_space<vmem>> -> memref<64x128xf32, #tpu.memory_space<vmem>>
      %dma_wait3A_174 = arith.constant 0 : i32
      %dma_wait3A_175 = tpu.memref_slice %arg9[%rem3A_160, %dma_wait3A_174] : memref<2x320xi32, #tpu.memory_space<vmem>> -> memref<1x320xi32, #tpu.memory_space<vmem>>
      %dma_wait3A_176 = tpu.memref_squeeze %dma_wait3A_175 : memref<1x320xi32, #tpu.memory_space<vmem>> -> memref<320xi32, #tpu.memory_space<vmem>>
      %dma_wait3A_177 = arith.constant 0 : i32
      %dma_wait3A_178 = tpu.memref_slice %dma_wait3A_176[%dma_wait3A_177] : memref<320xi32, #tpu.memory_space<vmem>> -> memref<64xi32, #tpu.memory_space<vmem>>
      %dma_wait3A_179 = arith.constant 0 : i32
      %dma_wait3A_180 = arith.constant 0 : i32
      %dma_wait3A_181 = tpu.memref_slice %arg2[%dma_wait3A_179, %dma_wait3A_180] : memref<40000x128xf32, #tpu.memory_space<hbm>> -> memref<40000x128xf32, #tpu.memory_space<hbm>>
      tpu.wait_indirect_dma semaphore(%arg12 : memref<!tpu.dma_semaphore, #tpu.memory_space<semaphore_mem>>) src(%dma_wait3A_181 : memref<40000x128xf32, #tpu.memory_space<hbm>>) dst(%dma_wait3A_173 : memref<64x128xf32, #tpu.memory_space<vmem>>)
      %dma_wait3A_182 = arith.constant 1 : i32
      %dma_wait3A_183 = arith.constant 0 : i32
      %dma_wait3A_184 = arith.constant 0 : i32
      %dma_wait3A_185 = arith.constant 0 : i32
      %dma_wait3A_186 = tpu.memref_slice %arg10[%rem3A_160, %dma_wait3A_183, %dma_wait3A_184, %dma_wait3A_185] : memref<2x5x64x128xf32, #tpu.memory_space<vmem>> -> memref<1x5x64x128xf32, #tpu.memory_space<vmem>>
      %dma_wait3A_187 = tpu.memref_squeeze %dma_wait3A_186 : memref<1x5x64x128xf32, #tpu.memory_space<vmem>> -> memref<5x64x128xf32, #tpu.memory_space<vmem>>
      %dma_wait3A_188 = arith.constant 0 : i32
      %dma_wait3A_189 = arith.constant 0 : i32
      %dma_wait3A_190 = tpu.memref_slice %dma_wait3A_187[%dma_wait3A_182, %dma_wait3A_188, %dma_wait3A_189] : memref<5x64x128xf32, #tpu.memory_space<vmem>> -> memref<1x64x128xf32, #tpu.memory_space<vmem>>
      %dma_wait3A_191 = tpu.memref_squeeze %dma_wait3A_190 : memref<1x64x128xf32, #tpu.memory_space<vmem>> -> memref<64x128xf32, #tpu.memory_space<vmem>>
      %dma_wait3A_192 = arith.constant 0 : i32
      %dma_wait3A_193 = tpu.memref_slice %arg9[%rem3A_160, %dma_wait3A_192] : memref<2x320xi32, #tpu.memory_space<vmem>> -> memref<1x320xi32, #tpu.memory_space<vmem>>
      %dma_wait3A_194 = tpu.memref_squeeze %dma_wait3A_193 : memref<1x320xi32, #tpu.memory_space<vmem>> -> memref<320xi32, #tpu.memory_space<vmem>>
      %dma_wait3A_195 = arith.constant 64 : i32
      %dma_wait3A_196 = tpu.memref_slice %dma_wait3A_194[%dma_wait3A_195] : memref<320xi32, #tpu.memory_space<vmem>> -> memref<64xi32, #tpu.memory_space<vmem>>
      %dma_wait3A_197 = arith.constant 0 : i32
      %dma_wait3A_198 = arith.constant 0 : i32
      %dma_wait3A_199 = tpu.memref_slice %arg3[%dma_wait3A_197, %dma_wait3A_198] : memref<40000x128xf32, #tpu.memory_space<hbm>> -> memref<40000x128xf32, #tpu.memory_space<hbm>>
      tpu.wait_indirect_dma semaphore(%arg12 : memref<!tpu.dma_semaphore, #tpu.memory_space<semaphore_mem>>) src(%dma_wait3A_199 : memref<40000x128xf32, #tpu.memory_space<hbm>>) dst(%dma_wait3A_191 : memref<64x128xf32, #tpu.memory_space<vmem>>)
      %dma_wait3A_200 = arith.constant 2 : i32
      %dma_wait3A_201 = arith.constant 0 : i32
      %dma_wait3A_202 = arith.constant 0 : i32
      %dma_wait3A_203 = arith.constant 0 : i32
      %dma_wait3A_204 = tpu.memref_slice %arg10[%rem3A_160, %dma_wait3A_201, %dma_wait3A_202, %dma_wait3A_203] : memref<2x5x64x128xf32, #tpu.memory_space<vmem>> -> memref<1x5x64x128xf32, #tpu.memory_space<vmem>>
      %dma_wait3A_205 = tpu.memref_squeeze %dma_wait3A_204 : memref<1x5x64x128xf32, #tpu.memory_space<vmem>> -> memref<5x64x128xf32, #tpu.memory_space<vmem>>
      %dma_wait3A_206 = arith.constant 0 : i32
      %dma_wait3A_207 = arith.constant 0 : i32
      %dma_wait3A_208 = tpu.memref_slice %dma_wait3A_205[%dma_wait3A_200, %dma_wait3A_206, %dma_wait3A_207] : memref<5x64x128xf32, #tpu.memory_space<vmem>> -> memref<1x64x128xf32, #tpu.memory_space<vmem>>
      %dma_wait3A_209 = tpu.memref_squeeze %dma_wait3A_208 : memref<1x64x128xf32, #tpu.memory_space<vmem>> -> memref<64x128xf32, #tpu.memory_space<vmem>>
      %dma_wait3A_210 = arith.constant 0 : i32
      %dma_wait3A_211 = tpu.memref_slice %arg9[%rem3A_160, %dma_wait3A_210] : memref<2x320xi32, #tpu.memory_space<vmem>> -> memref<1x320xi32, #tpu.memory_space<vmem>>
      %dma_wait3A_212 = tpu.memref_squeeze %dma_wait3A_211 : memref<1x320xi32, #tpu.memory_space<vmem>> -> memref<320xi32, #tpu.memory_space<vmem>>
      %dma_wait3A_213 = arith.constant 128 : i32
      %dma_wait3A_214 = tpu.memref_slice %dma_wait3A_212[%dma_wait3A_213] : memref<320xi32, #tpu.memory_space<vmem>> -> memref<64xi32, #tpu.memory_space<vmem>>
      %dma_wait3A_215 = arith.constant 0 : i32
      %dma_wait3A_216 = arith.constant 0 : i32
      %dma_wait3A_217 = tpu.memref_slice %arg4[%dma_wait3A_215, %dma_wait3A_216] : memref<40000x128xf32, #tpu.memory_space<hbm>> -> memref<40000x128xf32, #tpu.memory_space<hbm>>
      tpu.wait_indirect_dma semaphore(%arg12 : memref<!tpu.dma_semaphore, #tpu.memory_space<semaphore_mem>>) src(%dma_wait3A_217 : memref<40000x128xf32, #tpu.memory_space<hbm>>) dst(%dma_wait3A_209 : memref<64x128xf32, #tpu.memory_space<vmem>>)
      %dma_wait3A_218 = arith.constant 3 : i32
      %dma_wait3A_219 = arith.constant 0 : i32
      %dma_wait3A_220 = arith.constant 0 : i32
      %dma_wait3A_221 = arith.constant 0 : i32
      %dma_wait3A_222 = tpu.memref_slice %arg10[%rem3A_160, %dma_wait3A_219, %dma_wait3A_220, %dma_wait3A_221] : memref<2x5x64x128xf32, #tpu.memory_space<vmem>> -> memref<1x5x64x128xf32, #tpu.memory_space<vmem>>
      %dma_wait3A_223 = tpu.memref_squeeze %dma_wait3A_222 : memref<1x5x64x128xf32, #tpu.memory_space<vmem>> -> memref<5x64x128xf32, #tpu.memory_space<vmem>>
      %dma_wait3A_224 = arith.constant 0 : i32
      %dma_wait3A_225 = arith.constant 0 : i32
      %dma_wait3A_226 = tpu.memref_slice %dma_wait3A_223[%dma_wait3A_218, %dma_wait3A_224, %dma_wait3A_225] : memref<5x64x128xf32, #tpu.memory_space<vmem>> -> memref<1x64x128xf32, #tpu.memory_space<vmem>>
      %dma_wait3A_227 = tpu.memref_squeeze %dma_wait3A_226 : memref<1x64x128xf32, #tpu.memory_space<vmem>> -> memref<64x128xf32, #tpu.memory_space<vmem>>
      %dma_wait3A_228 = arith.constant 0 : i32
      %dma_wait3A_229 = tpu.memref_slice %arg9[%rem3A_160, %dma_wait3A_228] : memref<2x320xi32, #tpu.memory_space<vmem>> -> memref<1x320xi32, #tpu.memory_space<vmem>>
      %dma_wait3A_230 = tpu.memref_squeeze %dma_wait3A_229 : memref<1x320xi32, #tpu.memory_space<vmem>> -> memref<320xi32, #tpu.memory_space<vmem>>
      %dma_wait3A_231 = arith.constant 192 : i32
      %dma_wait3A_232 = tpu.memref_slice %dma_wait3A_230[%dma_wait3A_231] : memref<320xi32, #tpu.memory_space<vmem>> -> memref<64xi32, #tpu.memory_space<vmem>>
      %dma_wait3A_233 = arith.constant 0 : i32
      %dma_wait3A_234 = arith.constant 0 : i32
      %dma_wait3A_235 = tpu.memref_slice %arg5[%dma_wait3A_233, %dma_wait3A_234] : memref<40000x128xf32, #tpu.memory_space<hbm>> -> memref<40000x128xf32, #tpu.memory_space<hbm>>
      tpu.wait_indirect_dma semaphore(%arg12 : memref<!tpu.dma_semaphore, #tpu.memory_space<semaphore_mem>>) src(%dma_wait3A_235 : memref<40000x128xf32, #tpu.memory_space<hbm>>) dst(%dma_wait3A_227 : memref<64x128xf32, #tpu.memory_space<vmem>>)
      %dma_wait3A_236 = arith.constant 4 : i32
      %dma_wait3A_237 = arith.constant 0 : i32
      %dma_wait3A_238 = arith.constant 0 : i32
      %dma_wait3A_239 = arith.constant 0 : i32
      %dma_wait3A_240 = tpu.memref_slice %arg10[%rem3A_160, %dma_wait3A_237, %dma_wait3A_238, %dma_wait3A_239] : memref<2x5x64x128xf32, #tpu.memory_space<vmem>> -> memref<1x5x64x128xf32, #tpu.memory_space<vmem>>
      %dma_wait3A_241 = tpu.memref_squeeze %dma_wait3A_240 : memref<1x5x64x128xf32, #tpu.memory_space<vmem>> -> memref<5x64x128xf32, #tpu.memory_space<vmem>>
      %dma_wait3A_242 = arith.constant 0 : i32
      %dma_wait3A_243 = arith.constant 0 : i32
      %dma_wait3A_244 = tpu.memref_slice %dma_wait3A_241[%dma_wait3A_236, %dma_wait3A_242, %dma_wait3A_243] : memref<5x64x128xf32, #tpu.memory_space<vmem>> -> memref<1x64x128xf32, #tpu.memory_space<vmem>>
      %dma_wait3A_245 = tpu.memref_squeeze %dma_wait3A_244 : memref<1x64x128xf32, #tpu.memory_space<vmem>> -> memref<64x128xf32, #tpu.memory_space<vmem>>
      %dma_wait3A_246 = arith.constant 0 : i32
      %dma_wait3A_247 = tpu.memref_slice %arg9[%rem3A_160, %dma_wait3A_246] : memref<2x320xi32, #tpu.memory_space<vmem>> -> memref<1x320xi32, #tpu.memory_space<vmem>>
      %dma_wait3A_248 = tpu.memref_squeeze %dma_wait3A_247 : memref<1x320xi32, #tpu.memory_space<vmem>> -> memref<320xi32, #tpu.memory_space<vmem>>
      %dma_wait3A_249 = arith.constant 256 : i32
      %dma_wait3A_250 = tpu.memref_slice %dma_wait3A_248[%dma_wait3A_249] : memref<320xi32, #tpu.memory_space<vmem>> -> memref<64xi32, #tpu.memory_space<vmem>>
      %dma_wait3A_251 = arith.constant 0 : i32
      %dma_wait3A_252 = arith.constant 0 : i32
      %dma_wait3A_253 = tpu.memref_slice %arg6[%dma_wait3A_251, %dma_wait3A_252] : memref<40000x128xf32, #tpu.memory_space<hbm>> -> memref<40000x128xf32, #tpu.memory_space<hbm>>
      tpu.wait_indirect_dma semaphore(%arg12 : memref<!tpu.dma_semaphore, #tpu.memory_space<semaphore_mem>>) src(%dma_wait3A_253 : memref<40000x128xf32, #tpu.memory_space<hbm>>) dst(%dma_wait3A_245 : memref<64x128xf32, #tpu.memory_space<vmem>>)
      %ge3A = arith.constant 2 : i32
      %ge3A_254 = arith.cmpi sge, %while3A_158, %ge3A : i32
      %convert_element_type3A_255 = arith.extui %ge3A_254 : i1 to i32
      %cond3A_256 = arith.constant 0 : i32
      %cond3A_257 = arith.cmpi ne, %convert_element_type3A_255, %cond3A_256 : i32
      scf.if %cond3A_257 {
        %sub3A_278 = arith.constant 2 : i32
        %sub3A_279 = arith.subi %while3A_158, %sub3A_278 : i32
        %add3A_280 = arith.addi %select_n3A, %sub3A_279 : i32
        %mul3A_281 = arith.constant 64 : i32
        %mul3A_282 = arith.muli %add3A_280, %mul3A_281 : i32
        %dma_wait3A_283 = arith.constant 0 : i32
        %dma_wait3A_284 = arith.constant 0 : i32
        %dma_wait3A_285 = tpu.memref_slice %arg11[%rem3A_160, %dma_wait3A_283, %dma_wait3A_284] : memref<2x64x128xf32, #tpu.memory_space<vmem>> -> memref<1x64x128xf32, #tpu.memory_space<vmem>>
        %dma_wait3A_286 = tpu.memref_squeeze %dma_wait3A_285 : memref<1x64x128xf32, #tpu.memory_space<vmem>> -> memref<64x128xf32, #tpu.memory_space<vmem>>
        %dma_wait3A_287 = arith.constant 0 : i32
        %dma_wait3A_288 = tpu.memref_slice %arg8[%mul3A_282, %dma_wait3A_287] : memref<40960x128xf32, #tpu.memory_space<hbm>> -> memref<64x128xf32, #tpu.memory_space<hbm>>
        %dma_wait3A_289 = arith.constant 0 : i32
        %dma_wait3A_290 = tpu.memref_slice %arg8[%mul3A_282, %dma_wait3A_289] : memref<40960x128xf32, #tpu.memory_space<hbm>> -> memref<64x128xf32, #tpu.memory_space<hbm>>
        %dma_wait3A_291 = arith.constant 0 : i32
        %dma_wait3A_292 = arith.constant 0 : i32
        %dma_wait3A_293 = tpu.memref_slice %arg11[%rem3A_160, %dma_wait3A_291, %dma_wait3A_292] : memref<2x64x128xf32, #tpu.memory_space<vmem>> -> memref<1x64x128xf32, #tpu.memory_space<vmem>>
        %dma_wait3A_294 = tpu.memref_squeeze %dma_wait3A_293 : memref<1x64x128xf32, #tpu.memory_space<vmem>> -> memref<64x128xf32, #tpu.memory_space<vmem>>
        tpu.wait_dma2 semaphore(%arg13 : memref<!tpu.dma_semaphore, #tpu.memory_space<semaphore_mem>>) src(%dma_wait3A_294 : memref<64x128xf32, #tpu.memory_space<vmem>>) dst(%dma_wait3A_290 : memref<64x128xf32, #tpu.memory_space<hbm>>)
      } else {
      }
      %scan3A = arith.constant 0 : i32
      %scan3A_258 = arith.constant 0 : i32
      %scan3A_259 = arith.constant 64 : i32
      %scan3A_260 = arith.addi %scan3A_258, %scan3A_259 : i32
      %scan3A_261 = arith.constant 1 : i32
      scf.for %scan3A_278 = %scan3A_258 to %scan3A_260 step %scan3A_261  : i32 {
        %get3A = arith.constant 0 : i32
        %get3A_279 = arith.index_cast %rem3A_160 : i32 to index
        %get3A_280 = arith.index_cast %get3A : i32 to index
        %get3A_281 = arith.index_cast %scan3A_278 : i32 to index
        %get3A_282 = arith.constant 0 : index
        %get3A_283 = tpu.vector_load %arg10[%get3A_279, %get3A_280, %get3A_281, %get3A_282] {strides = array<i32>} : memref<2x5x64x128xf32, #tpu.memory_space<vmem>>, vector<1x1x1x16xf32>,
        %get3A_284 = vector.shape_cast %get3A_283 : vector<1x1x1x16xf32> to vector<16xf32>
        %get3A_285 = arith.constant 1 : i32
        %get3A_286 = arith.index_cast %rem3A_160 : i32 to index
        %get3A_287 = arith.index_cast %get3A_285 : i32 to index
        %get3A_288 = arith.index_cast %scan3A_278 : i32 to index
        %get3A_289 = arith.constant 0 : index
        %get3A_290 = tpu.vector_load %arg10[%get3A_286, %get3A_287, %get3A_288, %get3A_289] {strides = array<i32>} : memref<2x5x64x128xf32, #tpu.memory_space<vmem>>, vector<1x1x1x16xf32>,
        %get3A_291 = vector.shape_cast %get3A_290 : vector<1x1x1x16xf32> to vector<16xf32>
        %add3A_292 = arith.addf %get3A_284, %get3A_291 : vector<16xf32>
        %get3A_293 = arith.constant 2 : i32
        %get3A_294 = arith.index_cast %rem3A_160 : i32 to index
        %get3A_295 = arith.index_cast %get3A_293 : i32 to index
        %get3A_296 = arith.index_cast %scan3A_278 : i32 to index
        %get3A_297 = arith.constant 0 : index
        %get3A_298 = tpu.vector_load %arg10[%get3A_294, %get3A_295, %get3A_296, %get3A_297] {strides = array<i32>} : memref<2x5x64x128xf32, #tpu.memory_space<vmem>>, vector<1x1x1x16xf32>,
        %get3A_299 = vector.shape_cast %get3A_298 : vector<1x1x1x16xf32> to vector<16xf32>
        %get3A_300 = arith.constant 3 : i32
        %get3A_301 = arith.index_cast %rem3A_160 : i32 to index
        %get3A_302 = arith.index_cast %get3A_300 : i32 to index
        %get3A_303 = arith.index_cast %scan3A_278 : i32 to index
        %get3A_304 = arith.constant 0 : index
        %get3A_305 = tpu.vector_load %arg10[%get3A_301, %get3A_302, %get3A_303, %get3A_304] {strides = array<i32>} : memref<2x5x64x128xf32, #tpu.memory_space<vmem>>, vector<1x1x1x16xf32>,
        %get3A_306 = vector.shape_cast %get3A_305 : vector<1x1x1x16xf32> to vector<16xf32>
        %add3A_307 = arith.addf %get3A_299, %get3A_306 : vector<16xf32>
        %add3A_308 = arith.addf %add3A_292, %add3A_307 : vector<16xf32>
        %get3A_309 = arith.constant 4 : i32
        %get3A_310 = arith.index_cast %rem3A_160 : i32 to index
        %get3A_311 = arith.index_cast %get3A_309 : i32 to index
        %get3A_312 = arith.index_cast %scan3A_278 : i32 to index
        %get3A_313 = arith.constant 0 : index
        %get3A_314 = tpu.vector_load %arg10[%get3A_310, %get3A_311, %get3A_312, %get3A_313] {strides = array<i32>} : memref<2x5x64x128xf32, #tpu.memory_space<vmem>>, vector<1x1x1x16xf32>,
        %get3A_315 = vector.shape_cast %get3A_314 : vector<1x1x1x16xf32> to vector<16xf32>
        %add3A_316 = arith.addf %add3A_308, %get3A_315 : vector<16xf32>
        %swap3A = arith.index_cast %rem3A_160 : i32 to index
        %swap3A_317 = arith.index_cast %scan3A_278 : i32 to index
        %swap3A_318 = arith.constant 0 : index
        %swap3A_319 = tpu.vector_load %arg11[%swap3A, %swap3A_317, %swap3A_318] {strides = array<i32>} : memref<2x64x128xf32, #tpu.memory_space<vmem>>, vector<1x1x16xf32>,
        %swap3A_320 = vector.shape_cast %swap3A_319 : vector<1x1x16xf32> to vector<16xf32>
        %swap3A_321 = vector.shape_cast %add3A_316 : vector<16xf32> to vector<1x1x16xf32>
        tpu.vector_store %arg11[%swap3A, %swap3A_317, %swap3A_318], %swap3A_321 {strides = array<i32>} : memref<2x64x128xf32, #tpu.memory_space<vmem>>, vector<1x1x16xf32>,
        %get3A_322 = arith.constant 0 : i32
        %get3A_323 = arith.index_cast %rem3A_160 : i32 to index
        %get3A_324 = arith.index_cast %get3A_322 : i32 to index
        %get3A_325 = arith.index_cast %scan3A_278 : i32 to index
        %get3A_326 = arith.constant 16 : index
        %get3A_327 = tpu.vector_load %arg10[%get3A_323, %get3A_324, %get3A_325, %get3A_326] {strides = array<i32>} : memref<2x5x64x128xf32, #tpu.memory_space<vmem>>, vector<1x1x1x16xf32>,
        %get3A_328 = vector.shape_cast %get3A_327 : vector<1x1x1x16xf32> to vector<16xf32>
        %get3A_329 = arith.constant 1 : i32
        %get3A_330 = arith.index_cast %rem3A_160 : i32 to index
        %get3A_331 = arith.index_cast %get3A_329 : i32 to index
        %get3A_332 = arith.index_cast %scan3A_278 : i32 to index
        %get3A_333 = arith.constant 16 : index
        %get3A_334 = tpu.vector_load %arg10[%get3A_330, %get3A_331, %get3A_332, %get3A_333] {strides = array<i32>} : memref<2x5x64x128xf32, #tpu.memory_space<vmem>>, vector<1x1x1x16xf32>,
        %get3A_335 = vector.shape_cast %get3A_334 : vector<1x1x1x16xf32> to vector<16xf32>
        %add3A_336 = arith.addf %get3A_328, %get3A_335 : vector<16xf32>
        %get3A_337 = arith.constant 2 : i32
        %get3A_338 = arith.index_cast %rem3A_160 : i32 to index
        %get3A_339 = arith.index_cast %get3A_337 : i32 to index
        %get3A_340 = arith.index_cast %scan3A_278 : i32 to index
        %get3A_341 = arith.constant 16 : index
        %get3A_342 = tpu.vector_load %arg10[%get3A_338, %get3A_339, %get3A_340, %get3A_341] {strides = array<i32>} : memref<2x5x64x128xf32, #tpu.memory_space<vmem>>, vector<1x1x1x16xf32>,
        %get3A_343 = vector.shape_cast %get3A_342 : vector<1x1x1x16xf32> to vector<16xf32>
        %get3A_344 = arith.constant 3 : i32
        %get3A_345 = arith.index_cast %rem3A_160 : i32 to index
        %get3A_346 = arith.index_cast %get3A_344 : i32 to index
        %get3A_347 = arith.index_cast %scan3A_278 : i32 to index
        %get3A_348 = arith.constant 16 : index
        %get3A_349 = tpu.vector_load %arg10[%get3A_345, %get3A_346, %get3A_347, %get3A_348] {strides = array<i32>} : memref<2x5x64x128xf32, #tpu.memory_space<vmem>>, vector<1x1x1x16xf32>,
        %get3A_350 = vector.shape_cast %get3A_349 : vector<1x1x1x16xf32> to vector<16xf32>
        %add3A_351 = arith.addf %get3A_343, %get3A_350 : vector<16xf32>
        %add3A_352 = arith.addf %add3A_336, %add3A_351 : vector<16xf32>
        %get3A_353 = arith.constant 4 : i32
        %get3A_354 = arith.index_cast %rem3A_160 : i32 to index
        %get3A_355 = arith.index_cast %get3A_353 : i32 to index
        %get3A_356 = arith.index_cast %scan3A_278 : i32 to index
        %get3A_357 = arith.constant 16 : index
        %get3A_358 = tpu.vector_load %arg10[%get3A_354, %get3A_355, %get3A_356, %get3A_357] {strides = array<i32>} : memref<2x5x64x128xf32, #tpu.memory_space<vmem>>, vector<1x1x1x16xf32>,
        %get3A_359 = vector.shape_cast %get3A_358 : vector<1x1x1x16xf32> to vector<16xf32>
        %add3A_360 = arith.addf %add3A_352, %get3A_359 : vector<16xf32>
        %swap3A_361 = arith.index_cast %rem3A_160 : i32 to index
        %swap3A_362 = arith.index_cast %scan3A_278 : i32 to index
        %swap3A_363 = arith.constant 16 : index
        %swap3A_364 = tpu.vector_load %arg11[%swap3A_361, %swap3A_362, %swap3A_363] {strides = array<i32>} : memref<2x64x128xf32, #tpu.memory_space<vmem>>, vector<1x1x16xf32>,
        %swap3A_365 = vector.shape_cast %swap3A_364 : vector<1x1x16xf32> to vector<16xf32>
        %swap3A_366 = vector.shape_cast %add3A_360 : vector<16xf32> to vector<1x1x16xf32>
        tpu.vector_store %arg11[%swap3A_361, %swap3A_362, %swap3A_363], %swap3A_366 {strides = array<i32>} : memref<2x64x128xf32, #tpu.memory_space<vmem>>, vector<1x1x16xf32>,
        %get3A_367 = arith.constant 0 : i32
        %get3A_368 = arith.index_cast %rem3A_160 : i32 to index
        %get3A_369 = arith.index_cast %get3A_367 : i32 to index
        %get3A_370 = arith.index_cast %scan3A_278 : i32 to index
        %get3A_371 = arith.constant 32 : index
        %get3A_372 = tpu.vector_load %arg10[%get3A_368, %get3A_369, %get3A_370, %get3A_371] {strides = array<i32>} : memref<2x5x64x128xf32, #tpu.memory_space<vmem>>, vector<1x1x1x16xf32>,
        %get3A_373 = vector.shape_cast %get3A_372 : vector<1x1x1x16xf32> to vector<16xf32>
        %get3A_374 = arith.constant 1 : i32
        %get3A_375 = arith.index_cast %rem3A_160 : i32 to index
        %get3A_376 = arith.index_cast %get3A_374 : i32 to index
        %get3A_377 = arith.index_cast %scan3A_278 : i32 to index
        %get3A_378 = arith.constant 32 : index
        %get3A_379 = tpu.vector_load %arg10[%get3A_375, %get3A_376, %get3A_377, %get3A_378] {strides = array<i32>} : memref<2x5x64x128xf32, #tpu.memory_space<vmem>>, vector<1x1x1x16xf32>,
        %get3A_380 = vector.shape_cast %get3A_379 : vector<1x1x1x16xf32> to vector<16xf32>
        %add3A_381 = arith.addf %get3A_373, %get3A_380 : vector<16xf32>
        %get3A_382 = arith.constant 2 : i32
        %get3A_383 = arith.index_cast %rem3A_160 : i32 to index
        %get3A_384 = arith.index_cast %get3A_382 : i32 to index
        %get3A_385 = arith.index_cast %scan3A_278 : i32 to index
        %get3A_386 = arith.constant 32 : index
        %get3A_387 = tpu.vector_load %arg10[%get3A_383, %get3A_384, %get3A_385, %get3A_386] {strides = array<i32>} : memref<2x5x64x128xf32, #tpu.memory_space<vmem>>, vector<1x1x1x16xf32>,
        %get3A_388 = vector.shape_cast %get3A_387 : vector<1x1x1x16xf32> to vector<16xf32>
        %get3A_389 = arith.constant 3 : i32
        %get3A_390 = arith.index_cast %rem3A_160 : i32 to index
        %get3A_391 = arith.index_cast %get3A_389 : i32 to index
        %get3A_392 = arith.index_cast %scan3A_278 : i32 to index
        %get3A_393 = arith.constant 32 : index
        %get3A_394 = tpu.vector_load %arg10[%get3A_390, %get3A_391, %get3A_392, %get3A_393] {strides = array<i32>} : memref<2x5x64x128xf32, #tpu.memory_space<vmem>>, vector<1x1x1x16xf32>,
        %get3A_395 = vector.shape_cast %get3A_394 : vector<1x1x1x16xf32> to vector<16xf32>
        %add3A_396 = arith.addf %get3A_388, %get3A_395 : vector<16xf32>
        %add3A_397 = arith.addf %add3A_381, %add3A_396 : vector<16xf32>
        %get3A_398 = arith.constant 4 : i32
        %get3A_399 = arith.index_cast %rem3A_160 : i32 to index
        %get3A_400 = arith.index_cast %get3A_398 : i32 to index
        %get3A_401 = arith.index_cast %scan3A_278 : i32 to index
        %get3A_402 = arith.constant 32 : index
        %get3A_403 = tpu.vector_load %arg10[%get3A_399, %get3A_400, %get3A_401, %get3A_402] {strides = array<i32>} : memref<2x5x64x128xf32, #tpu.memory_space<vmem>>, vector<1x1x1x16xf32>,
        %get3A_404 = vector.shape_cast %get3A_403 : vector<1x1x1x16xf32> to vector<16xf32>
        %add3A_405 = arith.addf %add3A_397, %get3A_404 : vector<16xf32>
        %swap3A_406 = arith.index_cast %rem3A_160 : i32 to index
        %swap3A_407 = arith.index_cast %scan3A_278 : i32 to index
        %swap3A_408 = arith.constant 32 : index
        %swap3A_409 = tpu.vector_load %arg11[%swap3A_406, %swap3A_407, %swap3A_408] {strides = array<i32>} : memref<2x64x128xf32, #tpu.memory_space<vmem>>, vector<1x1x16xf32>,
        %swap3A_410 = vector.shape_cast %swap3A_409 : vector<1x1x16xf32> to vector<16xf32>
        %swap3A_411 = vector.shape_cast %add3A_405 : vector<16xf32> to vector<1x1x16xf32>
        tpu.vector_store %arg11[%swap3A_406, %swap3A_407, %swap3A_408], %swap3A_411 {strides = array<i32>} : memref<2x64x128xf32, #tpu.memory_space<vmem>>, vector<1x1x16xf32>,
        %get3A_412 = arith.constant 0 : i32
        %get3A_413 = arith.index_cast %rem3A_160 : i32 to index
        %get3A_414 = arith.index_cast %get3A_412 : i32 to index
        %get3A_415 = arith.index_cast %scan3A_278 : i32 to index
        %get3A_416 = arith.constant 48 : index
        %get3A_417 = tpu.vector_load %arg10[%get3A_413, %get3A_414, %get3A_415, %get3A_416] {strides = array<i32>} : memref<2x5x64x128xf32, #tpu.memory_space<vmem>>, vector<1x1x1x16xf32>,
        %get3A_418 = vector.shape_cast %get3A_417 : vector<1x1x1x16xf32> to vector<16xf32>
        %get3A_419 = arith.constant 1 : i32
        %get3A_420 = arith.index_cast %rem3A_160 : i32 to index
        %get3A_421 = arith.index_cast %get3A_419 : i32 to index
        %get3A_422 = arith.index_cast %scan3A_278 : i32 to index
        %get3A_423 = arith.constant 48 : index
        %get3A_424 = tpu.vector_load %arg10[%get3A_420, %get3A_421, %get3A_422, %get3A_423] {strides = array<i32>} : memref<2x5x64x128xf32, #tpu.memory_space<vmem>>, vector<1x1x1x16xf32>,
        %get3A_425 = vector.shape_cast %get3A_424 : vector<1x1x1x16xf32> to vector<16xf32>
        %add3A_426 = arith.addf %get3A_418, %get3A_425 : vector<16xf32>
        %get3A_427 = arith.constant 2 : i32
        %get3A_428 = arith.index_cast %rem3A_160 : i32 to index
        %get3A_429 = arith.index_cast %get3A_427 : i32 to index
        %get3A_430 = arith.index_cast %scan3A_278 : i32 to index
        %get3A_431 = arith.constant 48 : index
        %get3A_432 = tpu.vector_load %arg10[%get3A_428, %get3A_429, %get3A_430, %get3A_431] {strides = array<i32>} : memref<2x5x64x128xf32, #tpu.memory_space<vmem>>, vector<1x1x1x16xf32>,
        %get3A_433 = vector.shape_cast %get3A_432 : vector<1x1x1x16xf32> to vector<16xf32>
        %get3A_434 = arith.constant 3 : i32
        %get3A_435 = arith.index_cast %rem3A_160 : i32 to index
        %get3A_436 = arith.index_cast %get3A_434 : i32 to index
        %get3A_437 = arith.index_cast %scan3A_278 : i32 to index
        %get3A_438 = arith.constant 48 : index
        %get3A_439 = tpu.vector_load %arg10[%get3A_435, %get3A_436, %get3A_437, %get3A_438] {strides = array<i32>} : memref<2x5x64x128xf32, #tpu.memory_space<vmem>>, vector<1x1x1x16xf32>,
        %get3A_440 = vector.shape_cast %get3A_439 : vector<1x1x1x16xf32> to vector<16xf32>
        %add3A_441 = arith.addf %get3A_433, %get3A_440 : vector<16xf32>
        %add3A_442 = arith.addf %add3A_426, %add3A_441 : vector<16xf32>
        %get3A_443 = arith.constant 4 : i32
        %get3A_444 = arith.index_cast %rem3A_160 : i32 to index
        %get3A_445 = arith.index_cast %get3A_443 : i32 to index
        %get3A_446 = arith.index_cast %scan3A_278 : i32 to index
        %get3A_447 = arith.constant 48 : index
        %get3A_448 = tpu.vector_load %arg10[%get3A_444, %get3A_445, %get3A_446, %get3A_447] {strides = array<i32>} : memref<2x5x64x128xf32, #tpu.memory_space<vmem>>, vector<1x1x1x16xf32>,
        %get3A_449 = vector.shape_cast %get3A_448 : vector<1x1x1x16xf32> to vector<16xf32>
        %add3A_450 = arith.addf %add3A_442, %get3A_449 : vector<16xf32>
        %swap3A_451 = arith.index_cast %rem3A_160 : i32 to index
        %swap3A_452 = arith.index_cast %scan3A_278 : i32 to index
        %swap3A_453 = arith.constant 48 : index
        %swap3A_454 = tpu.vector_load %arg11[%swap3A_451, %swap3A_452, %swap3A_453] {strides = array<i32>} : memref<2x64x128xf32, #tpu.memory_space<vmem>>, vector<1x1x16xf32>,
        %swap3A_455 = vector.shape_cast %swap3A_454 : vector<1x1x16xf32> to vector<16xf32>
        %swap3A_456 = vector.shape_cast %add3A_450 : vector<16xf32> to vector<1x1x16xf32>
        tpu.vector_store %arg11[%swap3A_451, %swap3A_452, %swap3A_453], %swap3A_456 {strides = array<i32>} : memref<2x64x128xf32, #tpu.memory_space<vmem>>, vector<1x1x16xf32>,
        %get3A_457 = arith.constant 0 : i32
        %get3A_458 = arith.index_cast %rem3A_160 : i32 to index
        %get3A_459 = arith.index_cast %get3A_457 : i32 to index
        %get3A_460 = arith.index_cast %scan3A_278 : i32 to index
        %get3A_461 = arith.constant 64 : index
        %get3A_462 = tpu.vector_load %arg10[%get3A_458, %get3A_459, %get3A_460, %get3A_461] {strides = array<i32>} : memref<2x5x64x128xf32, #tpu.memory_space<vmem>>, vector<1x1x1x16xf32>,
        %get3A_463 = vector.shape_cast %get3A_462 : vector<1x1x1x16xf32> to vector<16xf32>
        %get3A_464 = arith.constant 1 : i32
        %get3A_465 = arith.index_cast %rem3A_160 : i32 to index
        %get3A_466 = arith.index_cast %get3A_464 : i32 to index
        %get3A_467 = arith.index_cast %scan3A_278 : i32 to index
        %get3A_468 = arith.constant 64 : index
        %get3A_469 = tpu.vector_load %arg10[%get3A_465, %get3A_466, %get3A_467, %get3A_468] {strides = array<i32>} : memref<2x5x64x128xf32, #tpu.memory_space<vmem>>, vector<1x1x1x16xf32>,
        %get3A_470 = vector.shape_cast %get3A_469 : vector<1x1x1x16xf32> to vector<16xf32>
        %add3A_471 = arith.addf %get3A_463, %get3A_470 : vector<16xf32>
        %get3A_472 = arith.constant 2 : i32
        %get3A_473 = arith.index_cast %rem3A_160 : i32 to index
        %get3A_474 = arith.index_cast %get3A_472 : i32 to index
        %get3A_475 = arith.index_cast %scan3A_278 : i32 to index
        %get3A_476 = arith.constant 64 : index
        %get3A_477 = tpu.vector_load %arg10[%get3A_473, %get3A_474, %get3A_475, %get3A_476] {strides = array<i32>} : memref<2x5x64x128xf32, #tpu.memory_space<vmem>>, vector<1x1x1x16xf32>,
        %get3A_478 = vector.shape_cast %get3A_477 : vector<1x1x1x16xf32> to vector<16xf32>
        %get3A_479 = arith.constant 3 : i32
        %get3A_480 = arith.index_cast %rem3A_160 : i32 to index
        %get3A_481 = arith.index_cast %get3A_479 : i32 to index
        %get3A_482 = arith.index_cast %scan3A_278 : i32 to index
        %get3A_483 = arith.constant 64 : index
        %get3A_484 = tpu.vector_load %arg10[%get3A_480, %get3A_481, %get3A_482, %get3A_483] {strides = array<i32>} : memref<2x5x64x128xf32, #tpu.memory_space<vmem>>, vector<1x1x1x16xf32>,
        %get3A_485 = vector.shape_cast %get3A_484 : vector<1x1x1x16xf32> to vector<16xf32>
        %add3A_486 = arith.addf %get3A_478, %get3A_485 : vector<16xf32>
        %add3A_487 = arith.addf %add3A_471, %add3A_486 : vector<16xf32>
        %get3A_488 = arith.constant 4 : i32
        %get3A_489 = arith.index_cast %rem3A_160 : i32 to index
        %get3A_490 = arith.index_cast %get3A_488 : i32 to index
        %get3A_491 = arith.index_cast %scan3A_278 : i32 to index
        %get3A_492 = arith.constant 64 : index
        %get3A_493 = tpu.vector_load %arg10[%get3A_489, %get3A_490, %get3A_491, %get3A_492] {strides = array<i32>} : memref<2x5x64x128xf32, #tpu.memory_space<vmem>>, vector<1x1x1x16xf32>,
        %get3A_494 = vector.shape_cast %get3A_493 : vector<1x1x1x16xf32> to vector<16xf32>
        %add3A_495 = arith.addf %add3A_487, %get3A_494 : vector<16xf32>
        %swap3A_496 = arith.index_cast %rem3A_160 : i32 to index
        %swap3A_497 = arith.index_cast %scan3A_278 : i32 to index
        %swap3A_498 = arith.constant 64 : index
        %swap3A_499 = tpu.vector_load %arg11[%swap3A_496, %swap3A_497, %swap3A_498] {strides = array<i32>} : memref<2x64x128xf32, #tpu.memory_space<vmem>>, vector<1x1x16xf32>,
        %swap3A_500 = vector.shape_cast %swap3A_499 : vector<1x1x16xf32> to vector<16xf32>
        %swap3A_501 = vector.shape_cast %add3A_495 : vector<16xf32> to vector<1x1x16xf32>
        tpu.vector_store %arg11[%swap3A_496, %swap3A_497, %swap3A_498], %swap3A_501 {strides = array<i32>} : memref<2x64x128xf32, #tpu.memory_space<vmem>>, vector<1x1x16xf32>,
        %get3A_502 = arith.constant 0 : i32
        %get3A_503 = arith.index_cast %rem3A_160 : i32 to index
        %get3A_504 = arith.index_cast %get3A_502 : i32 to index
        %get3A_505 = arith.index_cast %scan3A_278 : i32 to index
        %get3A_506 = arith.constant 80 : index
        %get3A_507 = tpu.vector_load %arg10[%get3A_503, %get3A_504, %get3A_505, %get3A_506] {strides = array<i32>} : memref<2x5x64x128xf32, #tpu.memory_space<vmem>>, vector<1x1x1x16xf32>,
        %get3A_508 = vector.shape_cast %get3A_507 : vector<1x1x1x16xf32> to vector<16xf32>
        %get3A_509 = arith.constant 1 : i32
        %get3A_510 = arith.index_cast %rem3A_160 : i32 to index
        %get3A_511 = arith.index_cast %get3A_509 : i32 to index
        %get3A_512 = arith.index_cast %scan3A_278 : i32 to index
        %get3A_513 = arith.constant 80 : index
        %get3A_514 = tpu.vector_load %arg10[%get3A_510, %get3A_511, %get3A_512, %get3A_513] {strides = array<i32>} : memref<2x5x64x128xf32, #tpu.memory_space<vmem>>, vector<1x1x1x16xf32>,
        %get3A_515 = vector.shape_cast %get3A_514 : vector<1x1x1x16xf32> to vector<16xf32>
        %add3A_516 = arith.addf %get3A_508, %get3A_515 : vector<16xf32>
        %get3A_517 = arith.constant 2 : i32
        %get3A_518 = arith.index_cast %rem3A_160 : i32 to index
        %get3A_519 = arith.index_cast %get3A_517 : i32 to index
        %get3A_520 = arith.index_cast %scan3A_278 : i32 to index
        %get3A_521 = arith.constant 80 : index
        %get3A_522 = tpu.vector_load %arg10[%get3A_518, %get3A_519, %get3A_520, %get3A_521] {strides = array<i32>} : memref<2x5x64x128xf32, #tpu.memory_space<vmem>>, vector<1x1x1x16xf32>,
        %get3A_523 = vector.shape_cast %get3A_522 : vector<1x1x1x16xf32> to vector<16xf32>
        %get3A_524 = arith.constant 3 : i32
        %get3A_525 = arith.index_cast %rem3A_160 : i32 to index
        %get3A_526 = arith.index_cast %get3A_524 : i32 to index
        %get3A_527 = arith.index_cast %scan3A_278 : i32 to index
        %get3A_528 = arith.constant 80 : index
        %get3A_529 = tpu.vector_load %arg10[%get3A_525, %get3A_526, %get3A_527, %get3A_528] {strides = array<i32>} : memref<2x5x64x128xf32, #tpu.memory_space<vmem>>, vector<1x1x1x16xf32>,
        %get3A_530 = vector.shape_cast %get3A_529 : vector<1x1x1x16xf32> to vector<16xf32>
        %add3A_531 = arith.addf %get3A_523, %get3A_530 : vector<16xf32>
        %add3A_532 = arith.addf %add3A_516, %add3A_531 : vector<16xf32>
        %get3A_533 = arith.constant 4 : i32
        %get3A_534 = arith.index_cast %rem3A_160 : i32 to index
        %get3A_535 = arith.index_cast %get3A_533 : i32 to index
        %get3A_536 = arith.index_cast %scan3A_278 : i32 to index
        %get3A_537 = arith.constant 80 : index
        %get3A_538 = tpu.vector_load %arg10[%get3A_534, %get3A_535, %get3A_536, %get3A_537] {strides = array<i32>} : memref<2x5x64x128xf32, #tpu.memory_space<vmem>>, vector<1x1x1x16xf32>,
        %get3A_539 = vector.shape_cast %get3A_538 : vector<1x1x1x16xf32> to vector<16xf32>
        %add3A_540 = arith.addf %add3A_532, %get3A_539 : vector<16xf32>
        %swap3A_541 = arith.index_cast %rem3A_160 : i32 to index
        %swap3A_542 = arith.index_cast %scan3A_278 : i32 to index
        %swap3A_543 = arith.constant 80 : index
        %swap3A_544 = tpu.vector_load %arg11[%swap3A_541, %swap3A_542, %swap3A_543] {strides = array<i32>} : memref<2x64x128xf32, #tpu.memory_space<vmem>>, vector<1x1x16xf32>,
        %swap3A_545 = vector.shape_cast %swap3A_544 : vector<1x1x16xf32> to vector<16xf32>
        %swap3A_546 = vector.shape_cast %add3A_540 : vector<16xf32> to vector<1x1x16xf32>
        tpu.vector_store %arg11[%swap3A_541, %swap3A_542, %swap3A_543], %swap3A_546 {strides = array<i32>} : memref<2x64x128xf32, #tpu.memory_space<vmem>>, vector<1x1x16xf32>,
        %get3A_547 = arith.constant 0 : i32
        %get3A_548 = arith.index_cast %rem3A_160 : i32 to index
        %get3A_549 = arith.index_cast %get3A_547 : i32 to index
        %get3A_550 = arith.index_cast %scan3A_278 : i32 to index
        %get3A_551 = arith.constant 96 : index
        %get3A_552 = tpu.vector_load %arg10[%get3A_548, %get3A_549, %get3A_550, %get3A_551] {strides = array<i32>} : memref<2x5x64x128xf32, #tpu.memory_space<vmem>>, vector<1x1x1x16xf32>,
        %get3A_553 = vector.shape_cast %get3A_552 : vector<1x1x1x16xf32> to vector<16xf32>
        %get3A_554 = arith.constant 1 : i32
        %get3A_555 = arith.index_cast %rem3A_160 : i32 to index
        %get3A_556 = arith.index_cast %get3A_554 : i32 to index
        %get3A_557 = arith.index_cast %scan3A_278 : i32 to index
        %get3A_558 = arith.constant 96 : index
        %get3A_559 = tpu.vector_load %arg10[%get3A_555, %get3A_556, %get3A_557, %get3A_558] {strides = array<i32>} : memref<2x5x64x128xf32, #tpu.memory_space<vmem>>, vector<1x1x1x16xf32>,
        %get3A_560 = vector.shape_cast %get3A_559 : vector<1x1x1x16xf32> to vector<16xf32>
        %add3A_561 = arith.addf %get3A_553, %get3A_560 : vector<16xf32>
        %get3A_562 = arith.constant 2 : i32
        %get3A_563 = arith.index_cast %rem3A_160 : i32 to index
        %get3A_564 = arith.index_cast %get3A_562 : i32 to index
        %get3A_565 = arith.index_cast %scan3A_278 : i32 to index
        %get3A_566 = arith.constant 96 : index
        %get3A_567 = tpu.vector_load %arg10[%get3A_563, %get3A_564, %get3A_565, %get3A_566] {strides = array<i32>} : memref<2x5x64x128xf32, #tpu.memory_space<vmem>>, vector<1x1x1x16xf32>,
        %get3A_568 = vector.shape_cast %get3A_567 : vector<1x1x1x16xf32> to vector<16xf32>
        %get3A_569 = arith.constant 3 : i32
        %get3A_570 = arith.index_cast %rem3A_160 : i32 to index
        %get3A_571 = arith.index_cast %get3A_569 : i32 to index
        %get3A_572 = arith.index_cast %scan3A_278 : i32 to index
        %get3A_573 = arith.constant 96 : index
        %get3A_574 = tpu.vector_load %arg10[%get3A_570, %get3A_571, %get3A_572, %get3A_573] {strides = array<i32>} : memref<2x5x64x128xf32, #tpu.memory_space<vmem>>, vector<1x1x1x16xf32>,
        %get3A_575 = vector.shape_cast %get3A_574 : vector<1x1x1x16xf32> to vector<16xf32>
        %add3A_576 = arith.addf %get3A_568, %get3A_575 : vector<16xf32>
        %add3A_577 = arith.addf %add3A_561, %add3A_576 : vector<16xf32>
        %get3A_578 = arith.constant 4 : i32
        %get3A_579 = arith.index_cast %rem3A_160 : i32 to index
        %get3A_580 = arith.index_cast %get3A_578 : i32 to index
        %get3A_581 = arith.index_cast %scan3A_278 : i32 to index
        %get3A_582 = arith.constant 96 : index
        %get3A_583 = tpu.vector_load %arg10[%get3A_579, %get3A_580, %get3A_581, %get3A_582] {strides = array<i32>} : memref<2x5x64x128xf32, #tpu.memory_space<vmem>>, vector<1x1x1x16xf32>,
        %get3A_584 = vector.shape_cast %get3A_583 : vector<1x1x1x16xf32> to vector<16xf32>
        %add3A_585 = arith.addf %add3A_577, %get3A_584 : vector<16xf32>
        %swap3A_586 = arith.index_cast %rem3A_160 : i32 to index
        %swap3A_587 = arith.index_cast %scan3A_278 : i32 to index
        %swap3A_588 = arith.constant 96 : index
        %swap3A_589 = tpu.vector_load %arg11[%swap3A_586, %swap3A_587, %swap3A_588] {strides = array<i32>} : memref<2x64x128xf32, #tpu.memory_space<vmem>>, vector<1x1x16xf32>,
        %swap3A_590 = vector.shape_cast %swap3A_589 : vector<1x1x16xf32> to vector<16xf32>
        %swap3A_591 = vector.shape_cast %add3A_585 : vector<16xf32> to vector<1x1x16xf32>
        tpu.vector_store %arg11[%swap3A_586, %swap3A_587, %swap3A_588], %swap3A_591 {strides = array<i32>} : memref<2x64x128xf32, #tpu.memory_space<vmem>>, vector<1x1x16xf32>,
        %get3A_592 = arith.constant 0 : i32
        %get3A_593 = arith.index_cast %rem3A_160 : i32 to index
        %get3A_594 = arith.index_cast %get3A_592 : i32 to index
        %get3A_595 = arith.index_cast %scan3A_278 : i32 to index
        %get3A_596 = arith.constant 112 : index
        %get3A_597 = tpu.vector_load %arg10[%get3A_593, %get3A_594, %get3A_595, %get3A_596] {strides = array<i32>} : memref<2x5x64x128xf32, #tpu.memory_space<vmem>>, vector<1x1x1x16xf32>,
        %get3A_598 = vector.shape_cast %get3A_597 : vector<1x1x1x16xf32> to vector<16xf32>
        %get3A_599 = arith.constant 1 : i32
        %get3A_600 = arith.index_cast %rem3A_160 : i32 to index
        %get3A_601 = arith.index_cast %get3A_599 : i32 to index
        %get3A_602 = arith.index_cast %scan3A_278 : i32 to index
        %get3A_603 = arith.constant 112 : index
        %get3A_604 = tpu.vector_load %arg10[%get3A_600, %get3A_601, %get3A_602, %get3A_603] {strides = array<i32>} : memref<2x5x64x128xf32, #tpu.memory_space<vmem>>, vector<1x1x1x16xf32>,
        %get3A_605 = vector.shape_cast %get3A_604 : vector<1x1x1x16xf32> to vector<16xf32>
        %add3A_606 = arith.addf %get3A_598, %get3A_605 : vector<16xf32>
        %get3A_607 = arith.constant 2 : i32
        %get3A_608 = arith.index_cast %rem3A_160 : i32 to index
        %get3A_609 = arith.index_cast %get3A_607 : i32 to index
        %get3A_610 = arith.index_cast %scan3A_278 : i32 to index
        %get3A_611 = arith.constant 112 : index
        %get3A_612 = tpu.vector_load %arg10[%get3A_608, %get3A_609, %get3A_610, %get3A_611] {strides = array<i32>} : memref<2x5x64x128xf32, #tpu.memory_space<vmem>>, vector<1x1x1x16xf32>,
        %get3A_613 = vector.shape_cast %get3A_612 : vector<1x1x1x16xf32> to vector<16xf32>
        %get3A_614 = arith.constant 3 : i32
        %get3A_615 = arith.index_cast %rem3A_160 : i32 to index
        %get3A_616 = arith.index_cast %get3A_614 : i32 to index
        %get3A_617 = arith.index_cast %scan3A_278 : i32 to index
        %get3A_618 = arith.constant 112 : index
        %get3A_619 = tpu.vector_load %arg10[%get3A_615, %get3A_616, %get3A_617, %get3A_618] {strides = array<i32>} : memref<2x5x64x128xf32, #tpu.memory_space<vmem>>, vector<1x1x1x16xf32>,
        %get3A_620 = vector.shape_cast %get3A_619 : vector<1x1x1x16xf32> to vector<16xf32>
        %add3A_621 = arith.addf %get3A_613, %get3A_620 : vector<16xf32>
        %add3A_622 = arith.addf %add3A_606, %add3A_621 : vector<16xf32>
        %get3A_623 = arith.constant 4 : i32
        %get3A_624 = arith.index_cast %rem3A_160 : i32 to index
        %get3A_625 = arith.index_cast %get3A_623 : i32 to index
        %get3A_626 = arith.index_cast %scan3A_278 : i32 to index
        %get3A_627 = arith.constant 112 : index
        %get3A_628 = tpu.vector_load %arg10[%get3A_624, %get3A_625, %get3A_626, %get3A_627] {strides = array<i32>} : memref<2x5x64x128xf32, #tpu.memory_space<vmem>>, vector<1x1x1x16xf32>,
        %get3A_629 = vector.shape_cast %get3A_628 : vector<1x1x1x16xf32> to vector<16xf32>
        %add3A_630 = arith.addf %add3A_622, %get3A_629 : vector<16xf32>
        %swap3A_631 = arith.index_cast %rem3A_160 : i32 to index
        %swap3A_632 = arith.index_cast %scan3A_278 : i32 to index
        %swap3A_633 = arith.constant 112 : index
        %swap3A_634 = tpu.vector_load %arg11[%swap3A_631, %swap3A_632, %swap3A_633] {strides = array<i32>} : memref<2x64x128xf32, #tpu.memory_space<vmem>>, vector<1x1x16xf32>,
        %swap3A_635 = vector.shape_cast %swap3A_634 : vector<1x1x16xf32> to vector<16xf32>
        %swap3A_636 = vector.shape_cast %add3A_630 : vector<16xf32> to vector<1x1x16xf32>
        tpu.vector_store %arg11[%swap3A_631, %swap3A_632, %swap3A_633], %swap3A_636 {strides = array<i32>} : memref<2x64x128xf32, #tpu.memory_space<vmem>>, vector<1x1x16xf32>,
      }
      %scan3A_262 = arith.constant 64 : i32
      %add3A_263 = arith.addi %select_n3A, %while3A_158 : i32
      %mul3A_264 = arith.constant 64 : i32
      %mul3A_265 = arith.muli %add3A_263, %mul3A_264 : i32
      %dma_start3A_266 = arith.constant 0 : i32
      %dma_start3A_267 = arith.constant 0 : i32
      %dma_start3A_268 = tpu.memref_slice %arg11[%rem3A_160, %dma_start3A_266, %dma_start3A_267] : memref<2x64x128xf32, #tpu.memory_space<vmem>> -> memref<1x64x128xf32, #tpu.memory_space<vmem>>
      %dma_start3A_269 = tpu.memref_squeeze %dma_start3A_268 : memref<1x64x128xf32, #tpu.memory_space<vmem>> -> memref<64x128xf32, #tpu.memory_space<vmem>>
      %dma_start3A_270 = arith.constant 0 : i32
      %dma_start3A_271 = tpu.memref_slice %arg8[%mul3A_265, %dma_start3A_270] : memref<40960x128xf32, #tpu.memory_space<hbm>> -> memref<64x128xf32, #tpu.memory_space<hbm>>
      %dma_start3A_272 = arith.constant 0 : i32
      %dma_start3A_273 = tpu.memref_slice %arg8[%mul3A_265, %dma_start3A_272] : memref<40960x128xf32, #tpu.memory_space<hbm>> -> memref<64x128xf32, #tpu.memory_space<hbm>>
      %dma_start3A_274 = arith.constant 0 : i32
      %dma_start3A_275 = arith.constant 0 : i32
      %dma_start3A_276 = tpu.memref_slice %arg11[%rem3A_160, %dma_start3A_274, %dma_start3A_275] : memref<2x64x128xf32, #tpu.memory_space<vmem>> -> memref<1x64x128xf32, #tpu.memory_space<vmem>>
      %dma_start3A_277 = tpu.memref_squeeze %dma_start3A_276 : memref<1x64x128xf32, #tpu.memory_space<vmem>> -> memref<64x128xf32, #tpu.memory_space<vmem>>
      tpu.enqueue_dma source(%dma_start3A_277 : memref<64x128xf32, #tpu.memory_space<vmem>>) target(%dma_start3A_273 : memref<64x128xf32, #tpu.memory_space<hbm>>) target_semaphore(%arg13 : memref<!tpu.dma_semaphore, #tpu.memory_space<semaphore_mem>>)
    }
    %sub3A = arith.constant 2 : i32
    %sub3A_119 = arith.subi %select_n3A_8, %sub3A : i32
    %sub3A_120 = arith.constant 2 : i32
    %sub3A_121 = arith.subi %select_n3A_8, %sub3A_120 : i32
    %rem3A = arith.constant 2 : i32
    %rem3A_122 = arith.remsi %sub3A_121, %rem3A : i32
    %add3A_123 = arith.addi %select_n3A, %sub3A_119 : i32
    %mul3A_124 = arith.constant 64 : i32
    %mul3A_125 = arith.muli %add3A_123, %mul3A_124 : i32
    %dma_wait3A = arith.constant 0 : i32
    %dma_wait3A_126 = arith.constant 0 : i32
    %dma_wait3A_127 = tpu.memref_slice %arg11[%rem3A_122, %dma_wait3A, %dma_wait3A_126] : memref<2x64x128xf32, #tpu.memory_space<vmem>> -> memref<1x64x128xf32, #tpu.memory_space<vmem>>
    %dma_wait3A_128 = tpu.memref_squeeze %dma_wait3A_127 : memref<1x64x128xf32, #tpu.memory_space<vmem>> -> memref<64x128xf32, #tpu.memory_space<vmem>>
    %dma_wait3A_129 = arith.constant 0 : i32
    %dma_wait3A_130 = tpu.memref_slice %arg8[%mul3A_125, %dma_wait3A_129] : memref<40960x128xf32, #tpu.memory_space<hbm>> -> memref<64x128xf32, #tpu.memory_space<hbm>>
    %dma_wait3A_131 = arith.constant 0 : i32
    %dma_wait3A_132 = tpu.memref_slice %arg8[%mul3A_125, %dma_wait3A_131] : memref<40960x128xf32, #tpu.memory_space<hbm>> -> memref<64x128xf32, #tpu.memory_space<hbm>>
    %dma_wait3A_133 = arith.constant 0 : i32
    %dma_wait3A_134 = arith.constant 0 : i32
    %dma_wait3A_135 = tpu.memref_slice %arg11[%rem3A_122, %dma_wait3A_133, %dma_wait3A_134] : memref<2x64x128xf32, #tpu.memory_space<vmem>> -> memref<1x64x128xf32, #tpu.memory_space<vmem>>
    %dma_wait3A_136 = tpu.memref_squeeze %dma_wait3A_135 : memref<1x64x128xf32, #tpu.memory_space<vmem>> -> memref<64x128xf32, #tpu.memory_space<vmem>>
    tpu.wait_dma2 semaphore(%arg13 : memref<!tpu.dma_semaphore, #tpu.memory_space<semaphore_mem>>) src(%dma_wait3A_136 : memref<64x128xf32, #tpu.memory_space<vmem>>) dst(%dma_wait3A_132 : memref<64x128xf32, #tpu.memory_space<hbm>>)
    %sub3A_137 = arith.constant 1 : i32
    %sub3A_138 = arith.subi %select_n3A_8, %sub3A_137 : i32
    %sub3A_139 = arith.constant 1 : i32
    %sub3A_140 = arith.subi %select_n3A_8, %sub3A_139 : i32
    %rem3A_141 = arith.constant 2 : i32
    %rem3A_142 = arith.remsi %sub3A_140, %rem3A_141 : i32
    %add3A_143 = arith.addi %select_n3A, %sub3A_138 : i32
    %mul3A_144 = arith.constant 64 : i32
    %mul3A_145 = arith.muli %add3A_143, %mul3A_144 : i32
    %dma_wait3A_146 = arith.constant 0 : i32
    %dma_wait3A_147 = arith.constant 0 : i32
    %dma_wait3A_148 = tpu.memref_slice %arg11[%rem3A_142, %dma_wait3A_146, %dma_wait3A_147] : memref<2x64x128xf32, #tpu.memory_space<vmem>> -> memref<1x64x128xf32, #tpu.memory_space<vmem>>
    %dma_wait3A_149 = tpu.memref_squeeze %dma_wait3A_148 : memref<1x64x128xf32, #tpu.memory_space<vmem>> -> memref<64x128xf32, #tpu.memory_space<vmem>>
    %dma_wait3A_150 = arith.constant 0 : i32
    %dma_wait3A_151 = tpu.memref_slice %arg8[%mul3A_145, %dma_wait3A_150] : memref<40960x128xf32, #tpu.memory_space<hbm>> -> memref<64x128xf32, #tpu.memory_space<hbm>>
    %dma_wait3A_152 = arith.constant 0 : i32
    %dma_wait3A_153 = tpu.memref_slice %arg8[%mul3A_145, %dma_wait3A_152] : memref<40960x128xf32, #tpu.memory_space<hbm>> -> memref<64x128xf32, #tpu.memory_space<hbm>>
    %dma_wait3A_154 = arith.constant 0 : i32
    %dma_wait3A_155 = arith.constant 0 : i32
    %dma_wait3A_156 = tpu.memref_slice %arg11[%rem3A_142, %dma_wait3A_154, %dma_wait3A_155] : memref<2x64x128xf32, #tpu.memory_space<vmem>> -> memref<1x64x128xf32, #tpu.memory_space<vmem>>
    %dma_wait3A_157 = tpu.memref_squeeze %dma_wait3A_156 : memref<1x64x128xf32, #tpu.memory_space<vmem>> -> memref<64x128xf32, #tpu.memory_space<vmem>>
    tpu.wait_dma2 semaphore(%arg13 : memref<!tpu.dma_semaphore, #tpu.memory_space<semaphore_mem>>) src(%dma_wait3A_157 : memref<64x128xf32, #tpu.memory_space<vmem>>) dst(%dma_wait3A_153 : memref<64x128xf32, #tpu.memory_space<hbm>>)
    return
  }
}

#map = affine_map<(d0, d1) -> (0, 0)>
module attributes {stable_mosaic.version = 14 : i64} {
  func.func @_gather5_body(%arg0: i32, %arg1: i32, %arg2: memref<40000x128xf32, #tpu.memory_space<hbm>>, %arg3: memref<40000x128xf32, #tpu.memory_space<hbm>>, %arg4: memref<40000x128xf32, #tpu.memory_space<hbm>>, %arg5: memref<40000x128xf32, #tpu.memory_space<hbm>>, %arg6: memref<40000x128xf32, #tpu.memory_space<hbm>>, %arg7: memref<640x320xi32, #tpu.memory_space<hbm>>, %arg8: memref<40960x128xf32, #tpu.memory_space<hbm>>, %arg9: memref<2x320xi32, #tpu.memory_space<vmem>>, %arg10: memref<2x5x64x128xf32, #tpu.memory_space<vmem>>, %arg11: memref<2x64x128xf32, #tpu.memory_space<vmem>>, %arg12: memref<!tpu.dma_semaphore, #tpu.memory_space<semaphore_mem>>, %arg13: memref<!tpu.dma_semaphore, #tpu.memory_space<semaphore_mem>>) attributes {dimension_semantics = [#tpu.dimension_semantics<core_parallel>, #tpu.dimension_semantics<subcore_parallel>], iteration_bounds = array<i64: 2, 16>, scalar_prefetch = 0 : i64, scratch_operands = 5 : i64, tpu.core_type = #tpu.core_type<sc_vector_subcore>, window_params = [{transform_indices = #map}, {transform_indices = #map}, {transform_indices = #map}, {transform_indices = #map}, {transform_indices = #map}, {transform_indices = #map}, {transform_indices = #map}]} {
    %eq3A = arith.constant 0 : i32
    %eq3A_0 = arith.cmpi eq, %arg0, %eq3A : i32
    %mul3A = arith.constant 20 : i32
    %mul3A_1 = arith.muli %arg1, %mul3A : i32
    %mul3A_2 = arith.constant 20 : i32
    %mul3A_3 = arith.muli %arg1, %mul3A_2 : i32
    %add3A = arith.constant 320 : i32
    %add3A_4 = arith.addi %add3A, %mul3A_3 : i32
    %select_n3A = arith.select %eq3A_0, %mul3A_1, %add3A_4 : i32
    %eq3A_5 = arith.constant 0 : i32
    %eq3A_6 = arith.cmpi eq, %arg0, %eq3A_5 : i32
    %jit3A = arith.constant 20 : i32
    %jit3A_7 = arith.constant 20 : i32
    %select_n3A_8 = arith.select %eq3A_6, %jit3A, %jit3A_7 : i32
    %add3A_9 = arith.constant 0 : i32
    %add3A_10 = arith.addi %select_n3A, %add3A_9 : i32
    %run_scoped3A = arith.constant 0 : i32
    "tpu.region"() ({
      %run_scoped3A_158 = tpu.sem_alloc : memref<!tpu.dma_semaphore, #tpu.memory_space<semaphore_mem>>
      %dma_start3A_159 = arith.constant 0 : i32
      %dma_start3A_160 = tpu.memref_slice %arg9[%run_scoped3A, %dma_start3A_159] : memref<2x320xi32, #tpu.memory_space<vmem>> -> memref<1x320xi32, #tpu.memory_space<vmem>>
      %dma_start3A_161 = tpu.memref_squeeze %dma_start3A_160 : memref<1x320xi32, #tpu.memory_space<vmem>> -> memref<320xi32, #tpu.memory_space<vmem>>
      %dma_start3A_162 = arith.constant 0 : i32
      %dma_start3A_163 = tpu.memref_slice %arg7[%add3A_10, %dma_start3A_162] : memref<640x320xi32, #tpu.memory_space<hbm>> -> memref<1x320xi32, #tpu.memory_space<hbm>>
      %dma_start3A_164 = tpu.memref_squeeze %dma_start3A_163 : memref<1x320xi32, #tpu.memory_space<hbm>> -> memref<320xi32, #tpu.memory_space<hbm>>
      %dma_start3A_165 = arith.constant 0 : i32
      %dma_start3A_166 = tpu.memref_slice %arg9[%run_scoped3A, %dma_start3A_165] : memref<2x320xi32, #tpu.memory_space<vmem>> -> memref<1x320xi32, #tpu.memory_space<vmem>>
      %dma_start3A_167 = tpu.memref_squeeze %dma_start3A_166 : memref<1x320xi32, #tpu.memory_space<vmem>> -> memref<320xi32, #tpu.memory_space<vmem>>
      %dma_start3A_168 = arith.constant 0 : i32
      %dma_start3A_169 = tpu.memref_slice %arg7[%add3A_10, %dma_start3A_168] : memref<640x320xi32, #tpu.memory_space<hbm>> -> memref<1x320xi32, #tpu.memory_space<hbm>>
      %dma_start3A_170 = tpu.memref_squeeze %dma_start3A_169 : memref<1x320xi32, #tpu.memory_space<hbm>> -> memref<320xi32, #tpu.memory_space<hbm>>
      tpu.enqueue_dma source(%dma_start3A_170 : memref<320xi32, #tpu.memory_space<hbm>>) target(%dma_start3A_167 : memref<320xi32, #tpu.memory_space<vmem>>) target_semaphore(%run_scoped3A_158 : memref<!tpu.dma_semaphore, #tpu.memory_space<semaphore_mem>>)
      %dma_wait3A_171 = arith.constant 0 : i32
      %dma_wait3A_172 = tpu.memref_slice %arg9[%run_scoped3A, %dma_wait3A_171] : memref<2x320xi32, #tpu.memory_space<vmem>> -> memref<1x320xi32, #tpu.memory_space<vmem>>
      %dma_wait3A_173 = tpu.memref_squeeze %dma_wait3A_172 : memref<1x320xi32, #tpu.memory_space<vmem>> -> memref<320xi32, #tpu.memory_space<vmem>>
      %dma_wait3A_174 = arith.constant 0 : i32
      %dma_wait3A_175 = tpu.memref_slice %arg7[%add3A_10, %dma_wait3A_174] : memref<640x320xi32, #tpu.memory_space<hbm>> -> memref<1x320xi32, #tpu.memory_space<hbm>>
      %dma_wait3A_176 = tpu.memref_squeeze %dma_wait3A_175 : memref<1x320xi32, #tpu.memory_space<hbm>> -> memref<320xi32, #tpu.memory_space<hbm>>
      %dma_wait3A_177 = arith.constant 0 : i32
      %dma_wait3A_178 = tpu.memref_slice %arg9[%run_scoped3A, %dma_wait3A_177] : memref<2x320xi32, #tpu.memory_space<vmem>> -> memref<1x320xi32, #tpu.memory_space<vmem>>
      %dma_wait3A_179 = tpu.memref_squeeze %dma_wait3A_178 : memref<1x320xi32, #tpu.memory_space<vmem>> -> memref<320xi32, #tpu.memory_space<vmem>>
      %dma_wait3A_180 = arith.constant 0 : i32
      %dma_wait3A_181 = tpu.memref_slice %arg7[%add3A_10, %dma_wait3A_180] : memref<640x320xi32, #tpu.memory_space<hbm>> -> memref<1x320xi32, #tpu.memory_space<hbm>>
      %dma_wait3A_182 = tpu.memref_squeeze %dma_wait3A_181 : memref<1x320xi32, #tpu.memory_space<hbm>> -> memref<320xi32, #tpu.memory_space<hbm>>
      tpu.wait_dma2 semaphore(%run_scoped3A_158 : memref<!tpu.dma_semaphore, #tpu.memory_space<semaphore_mem>>) src(%dma_wait3A_182 : memref<320xi32, #tpu.memory_space<hbm>>) dst(%dma_wait3A_179 : memref<320xi32, #tpu.memory_space<vmem>>)
      tpu.yield
    }) : () -> ()
    %dma_start3A = arith.constant 0 : i32
    %dma_start3A_11 = arith.constant 0 : i32
    %dma_start3A_12 = arith.constant 0 : i32
    %dma_start3A_13 = arith.constant 0 : i32
    %dma_start3A_14 = arith.constant 0 : i32
    %dma_start3A_15 = arith.constant 0 : i32
    %dma_start3A_16 = tpu.memref_slice %arg10[%dma_start3A_11, %dma_start3A_13, %dma_start3A_14, %dma_start3A_15] : memref<2x5x64x128xf32, #tpu.memory_space<vmem>> -> memref<1x5x64x128xf32, #tpu.memory_space<vmem>>
    %dma_start3A_17 = tpu.memref_squeeze %dma_start3A_16 : memref<1x5x64x128xf32, #tpu.memory_space<vmem>> -> memref<5x64x128xf32, #tpu.memory_space<vmem>>
    %dma_start3A_18 = arith.constant 0 : i32
    %dma_start3A_19 = arith.constant 0 : i32
    %dma_start3A_20 = tpu.memref_slice %dma_start3A_17[%dma_start3A_12, %dma_start3A_18, %dma_start3A_19] : memref<5x64x128xf32, #tpu.memory_space<vmem>> -> memref<1x64x128xf32, #tpu.memory_space<vmem>>
    %dma_start3A_21 = tpu.memref_squeeze %dma_start3A_20 : memref<1x64x128xf32, #tpu.memory_space<vmem>> -> memref<64x128xf32, #tpu.memory_space<vmem>>
    %dma_start3A_22 = arith.constant 0 : i32
    %dma_start3A_23 = tpu.memref_slice %arg9[%dma_start3A, %dma_start3A_22] : memref<2x320xi32, #tpu.memory_space<vmem>> -> memref<1x320xi32, #tpu.memory_space<vmem>>
    %dma_start3A_24 = tpu.memref_squeeze %dma_start3A_23 : memref<1x320xi32, #tpu.memory_space<vmem>> -> memref<320xi32, #tpu.memory_space<vmem>>
    %dma_start3A_25 = arith.constant 0 : i32
    %dma_start3A_26 = tpu.memref_slice %dma_start3A_24[%dma_start3A_25] : memref<320xi32, #tpu.memory_space<vmem>> -> memref<64xi32, #tpu.memory_space<vmem>>
    %dma_start3A_27 = arith.constant 0 : i32
    %dma_start3A_28 = arith.constant 0 : i32
    %dma_start3A_29 = tpu.memref_slice %arg2[%dma_start3A_27, %dma_start3A_28] : memref<40000x128xf32, #tpu.memory_space<hbm>> -> memref<40000x128xf32, #tpu.memory_space<hbm>>
    tpu.enqueue_indirect_dma source(%dma_start3A_29 : memref<40000x128xf32, #tpu.memory_space<hbm>>) target(%dma_start3A_21 : memref<64x128xf32, #tpu.memory_space<vmem>>) offsets(%dma_start3A_26 : memref<64xi32, #tpu.memory_space<vmem>>) semaphore(%arg12 : memref<!tpu.dma_semaphore, #tpu.memory_space<semaphore_mem>>)
    %dma_start3A_30 = arith.constant 0 : i32
    %dma_start3A_31 = arith.constant 0 : i32
    %dma_start3A_32 = arith.constant 1 : i32
    %dma_start3A_33 = arith.constant 0 : i32
    %dma_start3A_34 = arith.constant 0 : i32
    %dma_start3A_35 = arith.constant 0 : i32
    %dma_start3A_36 = tpu.memref_slice %arg10[%dma_start3A_31, %dma_start3A_33, %dma_start3A_34, %dma_start3A_35] : memref<2x5x64x128xf32, #tpu.memory_space<vmem>> -> memref<1x5x64x128xf32, #tpu.memory_space<vmem>>
    %dma_start3A_37 = tpu.memref_squeeze %dma_start3A_36 : memref<1x5x64x128xf32, #tpu.memory_space<vmem>> -> memref<5x64x128xf32, #tpu.memory_space<vmem>>
    %dma_start3A_38 = arith.constant 0 : i32
    %dma_start3A_39 = arith.constant 0 : i32
    %dma_start3A_40 = tpu.memref_slice %dma_start3A_37[%dma_start3A_32, %dma_start3A_38, %dma_start3A_39] : memref<5x64x128xf32, #tpu.memory_space<vmem>> -> memref<1x64x128xf32, #tpu.memory_space<vmem>>
    %dma_start3A_41 = tpu.memref_squeeze %dma_start3A_40 : memref<1x64x128xf32, #tpu.memory_space<vmem>> -> memref<64x128xf32, #tpu.memory_space<vmem>>
    %dma_start3A_42 = arith.constant 0 : i32
    %dma_start3A_43 = tpu.memref_slice %arg9[%dma_start3A_30, %dma_start3A_42] : memref<2x320xi32, #tpu.memory_space<vmem>> -> memref<1x320xi32, #tpu.memory_space<vmem>>
    %dma_start3A_44 = tpu.memref_squeeze %dma_start3A_43 : memref<1x320xi32, #tpu.memory_space<vmem>> -> memref<320xi32, #tpu.memory_space<vmem>>
    %dma_start3A_45 = arith.constant 64 : i32
    %dma_start3A_46 = tpu.memref_slice %dma_start3A_44[%dma_start3A_45] : memref<320xi32, #tpu.memory_space<vmem>> -> memref<64xi32, #tpu.memory_space<vmem>>
    %dma_start3A_47 = arith.constant 0 : i32
    %dma_start3A_48 = arith.constant 0 : i32
    %dma_start3A_49 = tpu.memref_slice %arg3[%dma_start3A_47, %dma_start3A_48] : memref<40000x128xf32, #tpu.memory_space<hbm>> -> memref<40000x128xf32, #tpu.memory_space<hbm>>
    tpu.enqueue_indirect_dma source(%dma_start3A_49 : memref<40000x128xf32, #tpu.memory_space<hbm>>) target(%dma_start3A_41 : memref<64x128xf32, #tpu.memory_space<vmem>>) offsets(%dma_start3A_46 : memref<64xi32, #tpu.memory_space<vmem>>) semaphore(%arg12 : memref<!tpu.dma_semaphore, #tpu.memory_space<semaphore_mem>>)
    %dma_start3A_50 = arith.constant 0 : i32
    %dma_start3A_51 = arith.constant 0 : i32
    %dma_start3A_52 = arith.constant 2 : i32
    %dma_start3A_53 = arith.constant 0 : i32
    %dma_start3A_54 = arith.constant 0 : i32
    %dma_start3A_55 = arith.constant 0 : i32
    %dma_start3A_56 = tpu.memref_slice %arg10[%dma_start3A_51, %dma_start3A_53, %dma_start3A_54, %dma_start3A_55] : memref<2x5x64x128xf32, #tpu.memory_space<vmem>> -> memref<1x5x64x128xf32, #tpu.memory_space<vmem>>
    %dma_start3A_57 = tpu.memref_squeeze %dma_start3A_56 : memref<1x5x64x128xf32, #tpu.memory_space<vmem>> -> memref<5x64x128xf32, #tpu.memory_space<vmem>>
    %dma_start3A_58 = arith.constant 0 : i32
    %dma_start3A_59 = arith.constant 0 : i32
    %dma_start3A_60 = tpu.memref_slice %dma_start3A_57[%dma_start3A_52, %dma_start3A_58, %dma_start3A_59] : memref<5x64x128xf32, #tpu.memory_space<vmem>> -> memref<1x64x128xf32, #tpu.memory_space<vmem>>
    %dma_start3A_61 = tpu.memref_squeeze %dma_start3A_60 : memref<1x64x128xf32, #tpu.memory_space<vmem>> -> memref<64x128xf32, #tpu.memory_space<vmem>>
    %dma_start3A_62 = arith.constant 0 : i32
    %dma_start3A_63 = tpu.memref_slice %arg9[%dma_start3A_50, %dma_start3A_62] : memref<2x320xi32, #tpu.memory_space<vmem>> -> memref<1x320xi32, #tpu.memory_space<vmem>>
    %dma_start3A_64 = tpu.memref_squeeze %dma_start3A_63 : memref<1x320xi32, #tpu.memory_space<vmem>> -> memref<320xi32, #tpu.memory_space<vmem>>
    %dma_start3A_65 = arith.constant 128 : i32
    %dma_start3A_66 = tpu.memref_slice %dma_start3A_64[%dma_start3A_65] : memref<320xi32, #tpu.memory_space<vmem>> -> memref<64xi32, #tpu.memory_space<vmem>>
    %dma_start3A_67 = arith.constant 0 : i32
    %dma_start3A_68 = arith.constant 0 : i32
    %dma_start3A_69 = tpu.memref_slice %arg4[%dma_start3A_67, %dma_start3A_68] : memref<40000x128xf32, #tpu.memory_space<hbm>> -> memref<40000x128xf32, #tpu.memory_space<hbm>>
    tpu.enqueue_indirect_dma source(%dma_start3A_69 : memref<40000x128xf32, #tpu.memory_space<hbm>>) target(%dma_start3A_61 : memref<64x128xf32, #tpu.memory_space<vmem>>) offsets(%dma_start3A_66 : memref<64xi32, #tpu.memory_space<vmem>>) semaphore(%arg12 : memref<!tpu.dma_semaphore, #tpu.memory_space<semaphore_mem>>)
    %dma_start3A_70 = arith.constant 0 : i32
    %dma_start3A_71 = arith.constant 0 : i32
    %dma_start3A_72 = arith.constant 3 : i32
    %dma_start3A_73 = arith.constant 0 : i32
    %dma_start3A_74 = arith.constant 0 : i32
    %dma_start3A_75 = arith.constant 0 : i32
    %dma_start3A_76 = tpu.memref_slice %arg10[%dma_start3A_71, %dma_start3A_73, %dma_start3A_74, %dma_start3A_75] : memref<2x5x64x128xf32, #tpu.memory_space<vmem>> -> memref<1x5x64x128xf32, #tpu.memory_space<vmem>>
    %dma_start3A_77 = tpu.memref_squeeze %dma_start3A_76 : memref<1x5x64x128xf32, #tpu.memory_space<vmem>> -> memref<5x64x128xf32, #tpu.memory_space<vmem>>
    %dma_start3A_78 = arith.constant 0 : i32
    %dma_start3A_79 = arith.constant 0 : i32
    %dma_start3A_80 = tpu.memref_slice %dma_start3A_77[%dma_start3A_72, %dma_start3A_78, %dma_start3A_79] : memref<5x64x128xf32, #tpu.memory_space<vmem>> -> memref<1x64x128xf32, #tpu.memory_space<vmem>>
    %dma_start3A_81 = tpu.memref_squeeze %dma_start3A_80 : memref<1x64x128xf32, #tpu.memory_space<vmem>> -> memref<64x128xf32, #tpu.memory_space<vmem>>
    %dma_start3A_82 = arith.constant 0 : i32
    %dma_start3A_83 = tpu.memref_slice %arg9[%dma_start3A_70, %dma_start3A_82] : memref<2x320xi32, #tpu.memory_space<vmem>> -> memref<1x320xi32, #tpu.memory_space<vmem>>
    %dma_start3A_84 = tpu.memref_squeeze %dma_start3A_83 : memref<1x320xi32, #tpu.memory_space<vmem>> -> memref<320xi32, #tpu.memory_space<vmem>>
    %dma_start3A_85 = arith.constant 192 : i32
    %dma_start3A_86 = tpu.memref_slice %dma_start3A_84[%dma_start3A_85] : memref<320xi32, #tpu.memory_space<vmem>> -> memref<64xi32, #tpu.memory_space<vmem>>
    %dma_start3A_87 = arith.constant 0 : i32
    %dma_start3A_88 = arith.constant 0 : i32
    %dma_start3A_89 = tpu.memref_slice %arg5[%dma_start3A_87, %dma_start3A_88] : memref<40000x128xf32, #tpu.memory_space<hbm>> -> memref<40000x128xf32, #tpu.memory_space<hbm>>
    tpu.enqueue_indirect_dma source(%dma_start3A_89 : memref<40000x128xf32, #tpu.memory_space<hbm>>) target(%dma_start3A_81 : memref<64x128xf32, #tpu.memory_space<vmem>>) offsets(%dma_start3A_86 : memref<64xi32, #tpu.memory_space<vmem>>) semaphore(%arg12 : memref<!tpu.dma_semaphore, #tpu.memory_space<semaphore_mem>>)
    %dma_start3A_90 = arith.constant 0 : i32
    %dma_start3A_91 = arith.constant 0 : i32
    %dma_start3A_92 = arith.constant 4 : i32
    %dma_start3A_93 = arith.constant 0 : i32
    %dma_start3A_94 = arith.constant 0 : i32
    %dma_start3A_95 = arith.constant 0 : i32
    %dma_start3A_96 = tpu.memref_slice %arg10[%dma_start3A_91, %dma_start3A_93, %dma_start3A_94, %dma_start3A_95] : memref<2x5x64x128xf32, #tpu.memory_space<vmem>> -> memref<1x5x64x128xf32, #tpu.memory_space<vmem>>
    %dma_start3A_97 = tpu.memref_squeeze %dma_start3A_96 : memref<1x5x64x128xf32, #tpu.memory_space<vmem>> -> memref<5x64x128xf32, #tpu.memory_space<vmem>>
    %dma_start3A_98 = arith.constant 0 : i32
    %dma_start3A_99 = arith.constant 0 : i32
    %dma_start3A_100 = tpu.memref_slice %dma_start3A_97[%dma_start3A_92, %dma_start3A_98, %dma_start3A_99] : memref<5x64x128xf32, #tpu.memory_space<vmem>> -> memref<1x64x128xf32, #tpu.memory_space<vmem>>
    %dma_start3A_101 = tpu.memref_squeeze %dma_start3A_100 : memref<1x64x128xf32, #tpu.memory_space<vmem>> -> memref<64x128xf32, #tpu.memory_space<vmem>>
    %dma_start3A_102 = arith.constant 0 : i32
    %dma_start3A_103 = tpu.memref_slice %arg9[%dma_start3A_90, %dma_start3A_102] : memref<2x320xi32, #tpu.memory_space<vmem>> -> memref<1x320xi32, #tpu.memory_space<vmem>>
    %dma_start3A_104 = tpu.memref_squeeze %dma_start3A_103 : memref<1x320xi32, #tpu.memory_space<vmem>> -> memref<320xi32, #tpu.memory_space<vmem>>
    %dma_start3A_105 = arith.constant 256 : i32
    %dma_start3A_106 = tpu.memref_slice %dma_start3A_104[%dma_start3A_105] : memref<320xi32, #tpu.memory_space<vmem>> -> memref<64xi32, #tpu.memory_space<vmem>>
    %dma_start3A_107 = arith.constant 0 : i32
    %dma_start3A_108 = arith.constant 0 : i32
    %dma_start3A_109 = tpu.memref_slice %arg6[%dma_start3A_107, %dma_start3A_108] : memref<40000x128xf32, #tpu.memory_space<hbm>> -> memref<40000x128xf32, #tpu.memory_space<hbm>>
    tpu.enqueue_indirect_dma source(%dma_start3A_109 : memref<40000x128xf32, #tpu.memory_space<hbm>>) target(%dma_start3A_101 : memref<64x128xf32, #tpu.memory_space<vmem>>) offsets(%dma_start3A_106 : memref<64xi32, #tpu.memory_space<vmem>>) semaphore(%arg12 : memref<!tpu.dma_semaphore, #tpu.memory_space<semaphore_mem>>)
    %while3A = arith.constant 0 : i32
    %while3A_110 = arith.constant 0 : i32
    %while3A_111 = arith.subi %select_n3A_8, %while3A_110 : i32
    %while3A_112 = arith.addi %while3A_110, %while3A_111 : i32
    %while3A_113 = arith.constant 1 : i32
    %while3A_114 = arith.divsi %while3A_111, %while3A_113 : i32
    %while3A_115 = arith.muli %while3A_114, %while3A_113 : i32
    %while3A_116 = arith.addi %while3A_110, %while3A_115 : i32
    %while3A_117 = arith.constant 1 : i32
    scf.for %while3A_158 = %while3A_110 to %while3A_116 step %while3A_117  : i32 {
      %rem3A_159 = arith.constant 2 : i32
      %rem3A_160 = arith.remsi %while3A_158, %rem3A_159 : i32
      %sub3A_161 = arith.constant 1 : i32
      %sub3A_162 = arith.subi %select_n3A_8, %sub3A_161 : i32
      %lt3A = arith.cmpi slt, %while3A_158, %sub3A_162 : i32
      %convert_element_type3A = arith.extui %lt3A : i1 to i32
      %cond3A = arith.constant 0 : i32
      %cond3A_163 = arith.cmpi ne, %convert_element_type3A, %cond3A : i32
      scf.if %cond3A_163 {
        %add3A_278 = arith.constant 1 : i32
        %add3A_279 = arith.addi %while3A_158, %add3A_278 : i32
        %sub3A_280 = arith.constant 1 : i32
        %sub3A_281 = arith.subi %sub3A_280, %rem3A_160 : i32
        %add3A_282 = arith.addi %select_n3A, %add3A_279 : i32
        "tpu.region"() ({
          %run_scoped3A_373 = tpu.sem_alloc : memref<!tpu.dma_semaphore, #tpu.memory_space<semaphore_mem>>
          %dma_start3A_374 = arith.constant 0 : i32
          %dma_start3A_375 = tpu.memref_slice %arg9[%sub3A_281, %dma_start3A_374] : memref<2x320xi32, #tpu.memory_space<vmem>> -> memref<1x320xi32, #tpu.memory_space<vmem>>
          %dma_start3A_376 = tpu.memref_squeeze %dma_start3A_375 : memref<1x320xi32, #tpu.memory_space<vmem>> -> memref<320xi32, #tpu.memory_space<vmem>>
          %dma_start3A_377 = arith.constant 0 : i32
          %dma_start3A_378 = tpu.memref_slice %arg7[%add3A_282, %dma_start3A_377] : memref<640x320xi32, #tpu.memory_space<hbm>> -> memref<1x320xi32, #tpu.memory_space<hbm>>
          %dma_start3A_379 = tpu.memref_squeeze %dma_start3A_378 : memref<1x320xi32, #tpu.memory_space<hbm>> -> memref<320xi32, #tpu.memory_space<hbm>>
          %dma_start3A_380 = arith.constant 0 : i32
          %dma_start3A_381 = tpu.memref_slice %arg9[%sub3A_281, %dma_start3A_380] : memref<2x320xi32, #tpu.memory_space<vmem>> -> memref<1x320xi32, #tpu.memory_space<vmem>>
          %dma_start3A_382 = tpu.memref_squeeze %dma_start3A_381 : memref<1x320xi32, #tpu.memory_space<vmem>> -> memref<320xi32, #tpu.memory_space<vmem>>
          %dma_start3A_383 = arith.constant 0 : i32
          %dma_start3A_384 = tpu.memref_slice %arg7[%add3A_282, %dma_start3A_383] : memref<640x320xi32, #tpu.memory_space<hbm>> -> memref<1x320xi32, #tpu.memory_space<hbm>>
          %dma_start3A_385 = tpu.memref_squeeze %dma_start3A_384 : memref<1x320xi32, #tpu.memory_space<hbm>> -> memref<320xi32, #tpu.memory_space<hbm>>
          tpu.enqueue_dma source(%dma_start3A_385 : memref<320xi32, #tpu.memory_space<hbm>>) target(%dma_start3A_382 : memref<320xi32, #tpu.memory_space<vmem>>) target_semaphore(%run_scoped3A_373 : memref<!tpu.dma_semaphore, #tpu.memory_space<semaphore_mem>>)
          %dma_wait3A_386 = arith.constant 0 : i32
          %dma_wait3A_387 = tpu.memref_slice %arg9[%sub3A_281, %dma_wait3A_386] : memref<2x320xi32, #tpu.memory_space<vmem>> -> memref<1x320xi32, #tpu.memory_space<vmem>>
          %dma_wait3A_388 = tpu.memref_squeeze %dma_wait3A_387 : memref<1x320xi32, #tpu.memory_space<vmem>> -> memref<320xi32, #tpu.memory_space<vmem>>
          %dma_wait3A_389 = arith.constant 0 : i32
          %dma_wait3A_390 = tpu.memref_slice %arg7[%add3A_282, %dma_wait3A_389] : memref<640x320xi32, #tpu.memory_space<hbm>> -> memref<1x320xi32, #tpu.memory_space<hbm>>
          %dma_wait3A_391 = tpu.memref_squeeze %dma_wait3A_390 : memref<1x320xi32, #tpu.memory_space<hbm>> -> memref<320xi32, #tpu.memory_space<hbm>>
          %dma_wait3A_392 = arith.constant 0 : i32
          %dma_wait3A_393 = tpu.memref_slice %arg9[%sub3A_281, %dma_wait3A_392] : memref<2x320xi32, #tpu.memory_space<vmem>> -> memref<1x320xi32, #tpu.memory_space<vmem>>
          %dma_wait3A_394 = tpu.memref_squeeze %dma_wait3A_393 : memref<1x320xi32, #tpu.memory_space<vmem>> -> memref<320xi32, #tpu.memory_space<vmem>>
          %dma_wait3A_395 = arith.constant 0 : i32
          %dma_wait3A_396 = tpu.memref_slice %arg7[%add3A_282, %dma_wait3A_395] : memref<640x320xi32, #tpu.memory_space<hbm>> -> memref<1x320xi32, #tpu.memory_space<hbm>>
          %dma_wait3A_397 = tpu.memref_squeeze %dma_wait3A_396 : memref<1x320xi32, #tpu.memory_space<hbm>> -> memref<320xi32, #tpu.memory_space<hbm>>
          tpu.wait_dma2 semaphore(%run_scoped3A_373 : memref<!tpu.dma_semaphore, #tpu.memory_space<semaphore_mem>>) src(%dma_wait3A_397 : memref<320xi32, #tpu.memory_space<hbm>>) dst(%dma_wait3A_394 : memref<320xi32, #tpu.memory_space<vmem>>)
          tpu.yield
        }) : () -> ()
        %dma_start3A_283 = arith.constant 0 : i32
        %dma_start3A_284 = arith.constant 0 : i32
        %dma_start3A_285 = arith.constant 0 : i32
        %dma_start3A_286 = arith.constant 0 : i32
        %dma_start3A_287 = tpu.memref_slice %arg10[%sub3A_281, %dma_start3A_284, %dma_start3A_285, %dma_start3A_286] : memref<2x5x64x128xf32, #tpu.memory_space<vmem>> -> memref<1x5x64x128xf32, #tpu.memory_space<vmem>>
        %dma_start3A_288 = tpu.memref_squeeze %dma_start3A_287 : memref<1x5x64x128xf32, #tpu.memory_space<vmem>> -> memref<5x64x128xf32, #tpu.memory_space<vmem>>
        %dma_start3A_289 = arith.constant 0 : i32
        %dma_start3A_290 = arith.constant 0 : i32
        %dma_start3A_291 = tpu.memref_slice %dma_start3A_288[%dma_start3A_283, %dma_start3A_289, %dma_start3A_290] : memref<5x64x128xf32, #tpu.memory_space<vmem>> -> memref<1x64x128xf32, #tpu.memory_space<vmem>>
        %dma_start3A_292 = tpu.memref_squeeze %dma_start3A_291 : memref<1x64x128xf32, #tpu.memory_space<vmem>> -> memref<64x128xf32, #tpu.memory_space<vmem>>
        %dma_start3A_293 = arith.constant 0 : i32
        %dma_start3A_294 = tpu.memref_slice %arg9[%sub3A_281, %dma_start3A_293] : memref<2x320xi32, #tpu.memory_space<vmem>> -> memref<1x320xi32, #tpu.memory_space<vmem>>
        %dma_start3A_295 = tpu.memref_squeeze %dma_start3A_294 : memref<1x320xi32, #tpu.memory_space<vmem>> -> memref<320xi32, #tpu.memory_space<vmem>>
        %dma_start3A_296 = arith.constant 0 : i32
        %dma_start3A_297 = tpu.memref_slice %dma_start3A_295[%dma_start3A_296] : memref<320xi32, #tpu.memory_space<vmem>> -> memref<64xi32, #tpu.memory_space<vmem>>
        %dma_start3A_298 = arith.constant 0 : i32
        %dma_start3A_299 = arith.constant 0 : i32
        %dma_start3A_300 = tpu.memref_slice %arg2[%dma_start3A_298, %dma_start3A_299] : memref<40000x128xf32, #tpu.memory_space<hbm>> -> memref<40000x128xf32, #tpu.memory_space<hbm>>
        tpu.enqueue_indirect_dma source(%dma_start3A_300 : memref<40000x128xf32, #tpu.memory_space<hbm>>) target(%dma_start3A_292 : memref<64x128xf32, #tpu.memory_space<vmem>>) offsets(%dma_start3A_297 : memref<64xi32, #tpu.memory_space<vmem>>) semaphore(%arg12 : memref<!tpu.dma_semaphore, #tpu.memory_space<semaphore_mem>>)
        %dma_start3A_301 = arith.constant 1 : i32
        %dma_start3A_302 = arith.constant 0 : i32
        %dma_start3A_303 = arith.constant 0 : i32
        %dma_start3A_304 = arith.constant 0 : i32
        %dma_start3A_305 = tpu.memref_slice %arg10[%sub3A_281, %dma_start3A_302, %dma_start3A_303, %dma_start3A_304] : memref<2x5x64x128xf32, #tpu.memory_space<vmem>> -> memref<1x5x64x128xf32, #tpu.memory_space<vmem>>
        %dma_start3A_306 = tpu.memref_squeeze %dma_start3A_305 : memref<1x5x64x128xf32, #tpu.memory_space<vmem>> -> memref<5x64x128xf32, #tpu.memory_space<vmem>>
        %dma_start3A_307 = arith.constant 0 : i32
        %dma_start3A_308 = arith.constant 0 : i32
        %dma_start3A_309 = tpu.memref_slice %dma_start3A_306[%dma_start3A_301, %dma_start3A_307, %dma_start3A_308] : memref<5x64x128xf32, #tpu.memory_space<vmem>> -> memref<1x64x128xf32, #tpu.memory_space<vmem>>
        %dma_start3A_310 = tpu.memref_squeeze %dma_start3A_309 : memref<1x64x128xf32, #tpu.memory_space<vmem>> -> memref<64x128xf32, #tpu.memory_space<vmem>>
        %dma_start3A_311 = arith.constant 0 : i32
        %dma_start3A_312 = tpu.memref_slice %arg9[%sub3A_281, %dma_start3A_311] : memref<2x320xi32, #tpu.memory_space<vmem>> -> memref<1x320xi32, #tpu.memory_space<vmem>>
        %dma_start3A_313 = tpu.memref_squeeze %dma_start3A_312 : memref<1x320xi32, #tpu.memory_space<vmem>> -> memref<320xi32, #tpu.memory_space<vmem>>
        %dma_start3A_314 = arith.constant 64 : i32
        %dma_start3A_315 = tpu.memref_slice %dma_start3A_313[%dma_start3A_314] : memref<320xi32, #tpu.memory_space<vmem>> -> memref<64xi32, #tpu.memory_space<vmem>>
        %dma_start3A_316 = arith.constant 0 : i32
        %dma_start3A_317 = arith.constant 0 : i32
        %dma_start3A_318 = tpu.memref_slice %arg3[%dma_start3A_316, %dma_start3A_317] : memref<40000x128xf32, #tpu.memory_space<hbm>> -> memref<40000x128xf32, #tpu.memory_space<hbm>>
        tpu.enqueue_indirect_dma source(%dma_start3A_318 : memref<40000x128xf32, #tpu.memory_space<hbm>>) target(%dma_start3A_310 : memref<64x128xf32, #tpu.memory_space<vmem>>) offsets(%dma_start3A_315 : memref<64xi32, #tpu.memory_space<vmem>>) semaphore(%arg12 : memref<!tpu.dma_semaphore, #tpu.memory_space<semaphore_mem>>)
        %dma_start3A_319 = arith.constant 2 : i32
        %dma_start3A_320 = arith.constant 0 : i32
        %dma_start3A_321 = arith.constant 0 : i32
        %dma_start3A_322 = arith.constant 0 : i32
        %dma_start3A_323 = tpu.memref_slice %arg10[%sub3A_281, %dma_start3A_320, %dma_start3A_321, %dma_start3A_322] : memref<2x5x64x128xf32, #tpu.memory_space<vmem>> -> memref<1x5x64x128xf32, #tpu.memory_space<vmem>>
        %dma_start3A_324 = tpu.memref_squeeze %dma_start3A_323 : memref<1x5x64x128xf32, #tpu.memory_space<vmem>> -> memref<5x64x128xf32, #tpu.memory_space<vmem>>
        %dma_start3A_325 = arith.constant 0 : i32
        %dma_start3A_326 = arith.constant 0 : i32
        %dma_start3A_327 = tpu.memref_slice %dma_start3A_324[%dma_start3A_319, %dma_start3A_325, %dma_start3A_326] : memref<5x64x128xf32, #tpu.memory_space<vmem>> -> memref<1x64x128xf32, #tpu.memory_space<vmem>>
        %dma_start3A_328 = tpu.memref_squeeze %dma_start3A_327 : memref<1x64x128xf32, #tpu.memory_space<vmem>> -> memref<64x128xf32, #tpu.memory_space<vmem>>
        %dma_start3A_329 = arith.constant 0 : i32
        %dma_start3A_330 = tpu.memref_slice %arg9[%sub3A_281, %dma_start3A_329] : memref<2x320xi32, #tpu.memory_space<vmem>> -> memref<1x320xi32, #tpu.memory_space<vmem>>
        %dma_start3A_331 = tpu.memref_squeeze %dma_start3A_330 : memref<1x320xi32, #tpu.memory_space<vmem>> -> memref<320xi32, #tpu.memory_space<vmem>>
        %dma_start3A_332 = arith.constant 128 : i32
        %dma_start3A_333 = tpu.memref_slice %dma_start3A_331[%dma_start3A_332] : memref<320xi32, #tpu.memory_space<vmem>> -> memref<64xi32, #tpu.memory_space<vmem>>
        %dma_start3A_334 = arith.constant 0 : i32
        %dma_start3A_335 = arith.constant 0 : i32
        %dma_start3A_336 = tpu.memref_slice %arg4[%dma_start3A_334, %dma_start3A_335] : memref<40000x128xf32, #tpu.memory_space<hbm>> -> memref<40000x128xf32, #tpu.memory_space<hbm>>
        tpu.enqueue_indirect_dma source(%dma_start3A_336 : memref<40000x128xf32, #tpu.memory_space<hbm>>) target(%dma_start3A_328 : memref<64x128xf32, #tpu.memory_space<vmem>>) offsets(%dma_start3A_333 : memref<64xi32, #tpu.memory_space<vmem>>) semaphore(%arg12 : memref<!tpu.dma_semaphore, #tpu.memory_space<semaphore_mem>>)
        %dma_start3A_337 = arith.constant 3 : i32
        %dma_start3A_338 = arith.constant 0 : i32
        %dma_start3A_339 = arith.constant 0 : i32
        %dma_start3A_340 = arith.constant 0 : i32
        %dma_start3A_341 = tpu.memref_slice %arg10[%sub3A_281, %dma_start3A_338, %dma_start3A_339, %dma_start3A_340] : memref<2x5x64x128xf32, #tpu.memory_space<vmem>> -> memref<1x5x64x128xf32, #tpu.memory_space<vmem>>
        %dma_start3A_342 = tpu.memref_squeeze %dma_start3A_341 : memref<1x5x64x128xf32, #tpu.memory_space<vmem>> -> memref<5x64x128xf32, #tpu.memory_space<vmem>>
        %dma_start3A_343 = arith.constant 0 : i32
        %dma_start3A_344 = arith.constant 0 : i32
        %dma_start3A_345 = tpu.memref_slice %dma_start3A_342[%dma_start3A_337, %dma_start3A_343, %dma_start3A_344] : memref<5x64x128xf32, #tpu.memory_space<vmem>> -> memref<1x64x128xf32, #tpu.memory_space<vmem>>
        %dma_start3A_346 = tpu.memref_squeeze %dma_start3A_345 : memref<1x64x128xf32, #tpu.memory_space<vmem>> -> memref<64x128xf32, #tpu.memory_space<vmem>>
        %dma_start3A_347 = arith.constant 0 : i32
        %dma_start3A_348 = tpu.memref_slice %arg9[%sub3A_281, %dma_start3A_347] : memref<2x320xi32, #tpu.memory_space<vmem>> -> memref<1x320xi32, #tpu.memory_space<vmem>>
        %dma_start3A_349 = tpu.memref_squeeze %dma_start3A_348 : memref<1x320xi32, #tpu.memory_space<vmem>> -> memref<320xi32, #tpu.memory_space<vmem>>
        %dma_start3A_350 = arith.constant 192 : i32
        %dma_start3A_351 = tpu.memref_slice %dma_start3A_349[%dma_start3A_350] : memref<320xi32, #tpu.memory_space<vmem>> -> memref<64xi32, #tpu.memory_space<vmem>>
        %dma_start3A_352 = arith.constant 0 : i32
        %dma_start3A_353 = arith.constant 0 : i32
        %dma_start3A_354 = tpu.memref_slice %arg5[%dma_start3A_352, %dma_start3A_353] : memref<40000x128xf32, #tpu.memory_space<hbm>> -> memref<40000x128xf32, #tpu.memory_space<hbm>>
        tpu.enqueue_indirect_dma source(%dma_start3A_354 : memref<40000x128xf32, #tpu.memory_space<hbm>>) target(%dma_start3A_346 : memref<64x128xf32, #tpu.memory_space<vmem>>) offsets(%dma_start3A_351 : memref<64xi32, #tpu.memory_space<vmem>>) semaphore(%arg12 : memref<!tpu.dma_semaphore, #tpu.memory_space<semaphore_mem>>)
        %dma_start3A_355 = arith.constant 4 : i32
        %dma_start3A_356 = arith.constant 0 : i32
        %dma_start3A_357 = arith.constant 0 : i32
        %dma_start3A_358 = arith.constant 0 : i32
        %dma_start3A_359 = tpu.memref_slice %arg10[%sub3A_281, %dma_start3A_356, %dma_start3A_357, %dma_start3A_358] : memref<2x5x64x128xf32, #tpu.memory_space<vmem>> -> memref<1x5x64x128xf32, #tpu.memory_space<vmem>>
        %dma_start3A_360 = tpu.memref_squeeze %dma_start3A_359 : memref<1x5x64x128xf32, #tpu.memory_space<vmem>> -> memref<5x64x128xf32, #tpu.memory_space<vmem>>
        %dma_start3A_361 = arith.constant 0 : i32
        %dma_start3A_362 = arith.constant 0 : i32
        %dma_start3A_363 = tpu.memref_slice %dma_start3A_360[%dma_start3A_355, %dma_start3A_361, %dma_start3A_362] : memref<5x64x128xf32, #tpu.memory_space<vmem>> -> memref<1x64x128xf32, #tpu.memory_space<vmem>>
        %dma_start3A_364 = tpu.memref_squeeze %dma_start3A_363 : memref<1x64x128xf32, #tpu.memory_space<vmem>> -> memref<64x128xf32, #tpu.memory_space<vmem>>
        %dma_start3A_365 = arith.constant 0 : i32
        %dma_start3A_366 = tpu.memref_slice %arg9[%sub3A_281, %dma_start3A_365] : memref<2x320xi32, #tpu.memory_space<vmem>> -> memref<1x320xi32, #tpu.memory_space<vmem>>
        %dma_start3A_367 = tpu.memref_squeeze %dma_start3A_366 : memref<1x320xi32, #tpu.memory_space<vmem>> -> memref<320xi32, #tpu.memory_space<vmem>>
        %dma_start3A_368 = arith.constant 256 : i32
        %dma_start3A_369 = tpu.memref_slice %dma_start3A_367[%dma_start3A_368] : memref<320xi32, #tpu.memory_space<vmem>> -> memref<64xi32, #tpu.memory_space<vmem>>
        %dma_start3A_370 = arith.constant 0 : i32
        %dma_start3A_371 = arith.constant 0 : i32
        %dma_start3A_372 = tpu.memref_slice %arg6[%dma_start3A_370, %dma_start3A_371] : memref<40000x128xf32, #tpu.memory_space<hbm>> -> memref<40000x128xf32, #tpu.memory_space<hbm>>
        tpu.enqueue_indirect_dma source(%dma_start3A_372 : memref<40000x128xf32, #tpu.memory_space<hbm>>) target(%dma_start3A_364 : memref<64x128xf32, #tpu.memory_space<vmem>>) offsets(%dma_start3A_369 : memref<64xi32, #tpu.memory_space<vmem>>) semaphore(%arg12 : memref<!tpu.dma_semaphore, #tpu.memory_space<semaphore_mem>>)
      } else {
      }
      %dma_wait3A_164 = arith.constant 0 : i32
      %dma_wait3A_165 = arith.constant 0 : i32
      %dma_wait3A_166 = arith.constant 0 : i32
      %dma_wait3A_167 = arith.constant 0 : i32
      %dma_wait3A_168 = tpu.memref_slice %arg10[%rem3A_160, %dma_wait3A_165, %dma_wait3A_166, %dma_wait3A_167] : memref<2x5x64x128xf32, #tpu.memory_space<vmem>> -> memref<1x5x64x128xf32, #tpu.memory_space<vmem>>
      %dma_wait3A_169 = tpu.memref_squeeze %dma_wait3A_168 : memref<1x5x64x128xf32, #tpu.memory_space<vmem>> -> memref<5x64x128xf32, #tpu.memory_space<vmem>>
      %dma_wait3A_170 = arith.constant 0 : i32
      %dma_wait3A_171 = arith.constant 0 : i32
      %dma_wait3A_172 = tpu.memref_slice %dma_wait3A_169[%dma_wait3A_164, %dma_wait3A_170, %dma_wait3A_171] : memref<5x64x128xf32, #tpu.memory_space<vmem>> -> memref<1x64x128xf32, #tpu.memory_space<vmem>>
      %dma_wait3A_173 = tpu.memref_squeeze %dma_wait3A_172 : memref<1x64x128xf32, #tpu.memory_space<vmem>> -> memref<64x128xf32, #tpu.memory_space<vmem>>
      %dma_wait3A_174 = arith.constant 0 : i32
      %dma_wait3A_175 = tpu.memref_slice %arg9[%rem3A_160, %dma_wait3A_174] : memref<2x320xi32, #tpu.memory_space<vmem>> -> memref<1x320xi32, #tpu.memory_space<vmem>>
      %dma_wait3A_176 = tpu.memref_squeeze %dma_wait3A_175 : memref<1x320xi32, #tpu.memory_space<vmem>> -> memref<320xi32, #tpu.memory_space<vmem>>
      %dma_wait3A_177 = arith.constant 0 : i32
      %dma_wait3A_178 = tpu.memref_slice %dma_wait3A_176[%dma_wait3A_177] : memref<320xi32, #tpu.memory_space<vmem>> -> memref<64xi32, #tpu.memory_space<vmem>>
      %dma_wait3A_179 = arith.constant 0 : i32
      %dma_wait3A_180 = arith.constant 0 : i32
      %dma_wait3A_181 = tpu.memref_slice %arg2[%dma_wait3A_179, %dma_wait3A_180] : memref<40000x128xf32, #tpu.memory_space<hbm>> -> memref<40000x128xf32, #tpu.memory_space<hbm>>
      tpu.wait_indirect_dma semaphore(%arg12 : memref<!tpu.dma_semaphore, #tpu.memory_space<semaphore_mem>>) src(%dma_wait3A_181 : memref<40000x128xf32, #tpu.memory_space<hbm>>) dst(%dma_wait3A_173 : memref<64x128xf32, #tpu.memory_space<vmem>>)
      %dma_wait3A_182 = arith.constant 1 : i32
      %dma_wait3A_183 = arith.constant 0 : i32
      %dma_wait3A_184 = arith.constant 0 : i32
      %dma_wait3A_185 = arith.constant 0 : i32
      %dma_wait3A_186 = tpu.memref_slice %arg10[%rem3A_160, %dma_wait3A_183, %dma_wait3A_184, %dma_wait3A_185] : memref<2x5x64x128xf32, #tpu.memory_space<vmem>> -> memref<1x5x64x128xf32, #tpu.memory_space<vmem>>
      %dma_wait3A_187 = tpu.memref_squeeze %dma_wait3A_186 : memref<1x5x64x128xf32, #tpu.memory_space<vmem>> -> memref<5x64x128xf32, #tpu.memory_space<vmem>>
      %dma_wait3A_188 = arith.constant 0 : i32
      %dma_wait3A_189 = arith.constant 0 : i32
      %dma_wait3A_190 = tpu.memref_slice %dma_wait3A_187[%dma_wait3A_182, %dma_wait3A_188, %dma_wait3A_189] : memref<5x64x128xf32, #tpu.memory_space<vmem>> -> memref<1x64x128xf32, #tpu.memory_space<vmem>>
      %dma_wait3A_191 = tpu.memref_squeeze %dma_wait3A_190 : memref<1x64x128xf32, #tpu.memory_space<vmem>> -> memref<64x128xf32, #tpu.memory_space<vmem>>
      %dma_wait3A_192 = arith.constant 0 : i32
      %dma_wait3A_193 = tpu.memref_slice %arg9[%rem3A_160, %dma_wait3A_192] : memref<2x320xi32, #tpu.memory_space<vmem>> -> memref<1x320xi32, #tpu.memory_space<vmem>>
      %dma_wait3A_194 = tpu.memref_squeeze %dma_wait3A_193 : memref<1x320xi32, #tpu.memory_space<vmem>> -> memref<320xi32, #tpu.memory_space<vmem>>
      %dma_wait3A_195 = arith.constant 64 : i32
      %dma_wait3A_196 = tpu.memref_slice %dma_wait3A_194[%dma_wait3A_195] : memref<320xi32, #tpu.memory_space<vmem>> -> memref<64xi32, #tpu.memory_space<vmem>>
      %dma_wait3A_197 = arith.constant 0 : i32
      %dma_wait3A_198 = arith.constant 0 : i32
      %dma_wait3A_199 = tpu.memref_slice %arg3[%dma_wait3A_197, %dma_wait3A_198] : memref<40000x128xf32, #tpu.memory_space<hbm>> -> memref<40000x128xf32, #tpu.memory_space<hbm>>
      tpu.wait_indirect_dma semaphore(%arg12 : memref<!tpu.dma_semaphore, #tpu.memory_space<semaphore_mem>>) src(%dma_wait3A_199 : memref<40000x128xf32, #tpu.memory_space<hbm>>) dst(%dma_wait3A_191 : memref<64x128xf32, #tpu.memory_space<vmem>>)
      %dma_wait3A_200 = arith.constant 2 : i32
      %dma_wait3A_201 = arith.constant 0 : i32
      %dma_wait3A_202 = arith.constant 0 : i32
      %dma_wait3A_203 = arith.constant 0 : i32
      %dma_wait3A_204 = tpu.memref_slice %arg10[%rem3A_160, %dma_wait3A_201, %dma_wait3A_202, %dma_wait3A_203] : memref<2x5x64x128xf32, #tpu.memory_space<vmem>> -> memref<1x5x64x128xf32, #tpu.memory_space<vmem>>
      %dma_wait3A_205 = tpu.memref_squeeze %dma_wait3A_204 : memref<1x5x64x128xf32, #tpu.memory_space<vmem>> -> memref<5x64x128xf32, #tpu.memory_space<vmem>>
      %dma_wait3A_206 = arith.constant 0 : i32
      %dma_wait3A_207 = arith.constant 0 : i32
      %dma_wait3A_208 = tpu.memref_slice %dma_wait3A_205[%dma_wait3A_200, %dma_wait3A_206, %dma_wait3A_207] : memref<5x64x128xf32, #tpu.memory_space<vmem>> -> memref<1x64x128xf32, #tpu.memory_space<vmem>>
      %dma_wait3A_209 = tpu.memref_squeeze %dma_wait3A_208 : memref<1x64x128xf32, #tpu.memory_space<vmem>> -> memref<64x128xf32, #tpu.memory_space<vmem>>
      %dma_wait3A_210 = arith.constant 0 : i32
      %dma_wait3A_211 = tpu.memref_slice %arg9[%rem3A_160, %dma_wait3A_210] : memref<2x320xi32, #tpu.memory_space<vmem>> -> memref<1x320xi32, #tpu.memory_space<vmem>>
      %dma_wait3A_212 = tpu.memref_squeeze %dma_wait3A_211 : memref<1x320xi32, #tpu.memory_space<vmem>> -> memref<320xi32, #tpu.memory_space<vmem>>
      %dma_wait3A_213 = arith.constant 128 : i32
      %dma_wait3A_214 = tpu.memref_slice %dma_wait3A_212[%dma_wait3A_213] : memref<320xi32, #tpu.memory_space<vmem>> -> memref<64xi32, #tpu.memory_space<vmem>>
      %dma_wait3A_215 = arith.constant 0 : i32
      %dma_wait3A_216 = arith.constant 0 : i32
      %dma_wait3A_217 = tpu.memref_slice %arg4[%dma_wait3A_215, %dma_wait3A_216] : memref<40000x128xf32, #tpu.memory_space<hbm>> -> memref<40000x128xf32, #tpu.memory_space<hbm>>
      tpu.wait_indirect_dma semaphore(%arg12 : memref<!tpu.dma_semaphore, #tpu.memory_space<semaphore_mem>>) src(%dma_wait3A_217 : memref<40000x128xf32, #tpu.memory_space<hbm>>) dst(%dma_wait3A_209 : memref<64x128xf32, #tpu.memory_space<vmem>>)
      %dma_wait3A_218 = arith.constant 3 : i32
      %dma_wait3A_219 = arith.constant 0 : i32
      %dma_wait3A_220 = arith.constant 0 : i32
      %dma_wait3A_221 = arith.constant 0 : i32
      %dma_wait3A_222 = tpu.memref_slice %arg10[%rem3A_160, %dma_wait3A_219, %dma_wait3A_220, %dma_wait3A_221] : memref<2x5x64x128xf32, #tpu.memory_space<vmem>> -> memref<1x5x64x128xf32, #tpu.memory_space<vmem>>
      %dma_wait3A_223 = tpu.memref_squeeze %dma_wait3A_222 : memref<1x5x64x128xf32, #tpu.memory_space<vmem>> -> memref<5x64x128xf32, #tpu.memory_space<vmem>>
      %dma_wait3A_224 = arith.constant 0 : i32
      %dma_wait3A_225 = arith.constant 0 : i32
      %dma_wait3A_226 = tpu.memref_slice %dma_wait3A_223[%dma_wait3A_218, %dma_wait3A_224, %dma_wait3A_225] : memref<5x64x128xf32, #tpu.memory_space<vmem>> -> memref<1x64x128xf32, #tpu.memory_space<vmem>>
      %dma_wait3A_227 = tpu.memref_squeeze %dma_wait3A_226 : memref<1x64x128xf32, #tpu.memory_space<vmem>> -> memref<64x128xf32, #tpu.memory_space<vmem>>
      %dma_wait3A_228 = arith.constant 0 : i32
      %dma_wait3A_229 = tpu.memref_slice %arg9[%rem3A_160, %dma_wait3A_228] : memref<2x320xi32, #tpu.memory_space<vmem>> -> memref<1x320xi32, #tpu.memory_space<vmem>>
      %dma_wait3A_230 = tpu.memref_squeeze %dma_wait3A_229 : memref<1x320xi32, #tpu.memory_space<vmem>> -> memref<320xi32, #tpu.memory_space<vmem>>
      %dma_wait3A_231 = arith.constant 192 : i32
      %dma_wait3A_232 = tpu.memref_slice %dma_wait3A_230[%dma_wait3A_231] : memref<320xi32, #tpu.memory_space<vmem>> -> memref<64xi32, #tpu.memory_space<vmem>>
      %dma_wait3A_233 = arith.constant 0 : i32
      %dma_wait3A_234 = arith.constant 0 : i32
      %dma_wait3A_235 = tpu.memref_slice %arg5[%dma_wait3A_233, %dma_wait3A_234] : memref<40000x128xf32, #tpu.memory_space<hbm>> -> memref<40000x128xf32, #tpu.memory_space<hbm>>
      tpu.wait_indirect_dma semaphore(%arg12 : memref<!tpu.dma_semaphore, #tpu.memory_space<semaphore_mem>>) src(%dma_wait3A_235 : memref<40000x128xf32, #tpu.memory_space<hbm>>) dst(%dma_wait3A_227 : memref<64x128xf32, #tpu.memory_space<vmem>>)
      %dma_wait3A_236 = arith.constant 4 : i32
      %dma_wait3A_237 = arith.constant 0 : i32
      %dma_wait3A_238 = arith.constant 0 : i32
      %dma_wait3A_239 = arith.constant 0 : i32
      %dma_wait3A_240 = tpu.memref_slice %arg10[%rem3A_160, %dma_wait3A_237, %dma_wait3A_238, %dma_wait3A_239] : memref<2x5x64x128xf32, #tpu.memory_space<vmem>> -> memref<1x5x64x128xf32, #tpu.memory_space<vmem>>
      %dma_wait3A_241 = tpu.memref_squeeze %dma_wait3A_240 : memref<1x5x64x128xf32, #tpu.memory_space<vmem>> -> memref<5x64x128xf32, #tpu.memory_space<vmem>>
      %dma_wait3A_242 = arith.constant 0 : i32
      %dma_wait3A_243 = arith.constant 0 : i32
      %dma_wait3A_244 = tpu.memref_slice %dma_wait3A_241[%dma_wait3A_236, %dma_wait3A_242, %dma_wait3A_243] : memref<5x64x128xf32, #tpu.memory_space<vmem>> -> memref<1x64x128xf32, #tpu.memory_space<vmem>>
      %dma_wait3A_245 = tpu.memref_squeeze %dma_wait3A_244 : memref<1x64x128xf32, #tpu.memory_space<vmem>> -> memref<64x128xf32, #tpu.memory_space<vmem>>
      %dma_wait3A_246 = arith.constant 0 : i32
      %dma_wait3A_247 = tpu.memref_slice %arg9[%rem3A_160, %dma_wait3A_246] : memref<2x320xi32, #tpu.memory_space<vmem>> -> memref<1x320xi32, #tpu.memory_space<vmem>>
      %dma_wait3A_248 = tpu.memref_squeeze %dma_wait3A_247 : memref<1x320xi32, #tpu.memory_space<vmem>> -> memref<320xi32, #tpu.memory_space<vmem>>
      %dma_wait3A_249 = arith.constant 256 : i32
      %dma_wait3A_250 = tpu.memref_slice %dma_wait3A_248[%dma_wait3A_249] : memref<320xi32, #tpu.memory_space<vmem>> -> memref<64xi32, #tpu.memory_space<vmem>>
      %dma_wait3A_251 = arith.constant 0 : i32
      %dma_wait3A_252 = arith.constant 0 : i32
      %dma_wait3A_253 = tpu.memref_slice %arg6[%dma_wait3A_251, %dma_wait3A_252] : memref<40000x128xf32, #tpu.memory_space<hbm>> -> memref<40000x128xf32, #tpu.memory_space<hbm>>
      tpu.wait_indirect_dma semaphore(%arg12 : memref<!tpu.dma_semaphore, #tpu.memory_space<semaphore_mem>>) src(%dma_wait3A_253 : memref<40000x128xf32, #tpu.memory_space<hbm>>) dst(%dma_wait3A_245 : memref<64x128xf32, #tpu.memory_space<vmem>>)
      %ge3A = arith.constant 2 : i32
      %ge3A_254 = arith.cmpi sge, %while3A_158, %ge3A : i32
      %convert_element_type3A_255 = arith.extui %ge3A_254 : i1 to i32
      %cond3A_256 = arith.constant 0 : i32
      %cond3A_257 = arith.cmpi ne, %convert_element_type3A_255, %cond3A_256 : i32
      scf.if %cond3A_257 {
        %sub3A_278 = arith.constant 2 : i32
        %sub3A_279 = arith.subi %while3A_158, %sub3A_278 : i32
        %add3A_280 = arith.addi %select_n3A, %sub3A_279 : i32
        %mul3A_281 = arith.constant 64 : i32
        %mul3A_282 = arith.muli %add3A_280, %mul3A_281 : i32
        %dma_wait3A_283 = arith.constant 0 : i32
        %dma_wait3A_284 = arith.constant 0 : i32
        %dma_wait3A_285 = tpu.memref_slice %arg11[%rem3A_160, %dma_wait3A_283, %dma_wait3A_284] : memref<2x64x128xf32, #tpu.memory_space<vmem>> -> memref<1x64x128xf32, #tpu.memory_space<vmem>>
        %dma_wait3A_286 = tpu.memref_squeeze %dma_wait3A_285 : memref<1x64x128xf32, #tpu.memory_space<vmem>> -> memref<64x128xf32, #tpu.memory_space<vmem>>
        %dma_wait3A_287 = arith.constant 0 : i32
        %dma_wait3A_288 = tpu.memref_slice %arg8[%mul3A_282, %dma_wait3A_287] : memref<40960x128xf32, #tpu.memory_space<hbm>> -> memref<64x128xf32, #tpu.memory_space<hbm>>
        %dma_wait3A_289 = arith.constant 0 : i32
        %dma_wait3A_290 = tpu.memref_slice %arg8[%mul3A_282, %dma_wait3A_289] : memref<40960x128xf32, #tpu.memory_space<hbm>> -> memref<64x128xf32, #tpu.memory_space<hbm>>
        %dma_wait3A_291 = arith.constant 0 : i32
        %dma_wait3A_292 = arith.constant 0 : i32
        %dma_wait3A_293 = tpu.memref_slice %arg11[%rem3A_160, %dma_wait3A_291, %dma_wait3A_292] : memref<2x64x128xf32, #tpu.memory_space<vmem>> -> memref<1x64x128xf32, #tpu.memory_space<vmem>>
        %dma_wait3A_294 = tpu.memref_squeeze %dma_wait3A_293 : memref<1x64x128xf32, #tpu.memory_space<vmem>> -> memref<64x128xf32, #tpu.memory_space<vmem>>
        tpu.wait_dma2 semaphore(%arg13 : memref<!tpu.dma_semaphore, #tpu.memory_space<semaphore_mem>>) src(%dma_wait3A_294 : memref<64x128xf32, #tpu.memory_space<vmem>>) dst(%dma_wait3A_290 : memref<64x128xf32, #tpu.memory_space<hbm>>)
      } else {
      }
      %scan3A = arith.constant 0 : i32
      %scan3A_258 = arith.constant 0 : i32
      %scan3A_259 = arith.constant 64 : i32
      %scan3A_260 = arith.addi %scan3A_258, %scan3A_259 : i32
      %scan3A_261 = arith.constant 1 : i32
      scf.for %scan3A_278 = %scan3A_258 to %scan3A_260 step %scan3A_261  : i32 {
        %get3A = arith.constant 0 : i32
        %get3A_279 = arith.index_cast %rem3A_160 : i32 to index
        %get3A_280 = arith.index_cast %get3A : i32 to index
        %get3A_281 = arith.index_cast %scan3A_278 : i32 to index
        %get3A_282 = arith.constant 0 : index
        %get3A_283 = tpu.vector_load %arg10[%get3A_279, %get3A_280, %get3A_281, %get3A_282] {strides = array<i32>} : memref<2x5x64x128xf32, #tpu.memory_space<vmem>>, vector<1x1x1x16xf32>,
        %get3A_284 = vector.shape_cast %get3A_283 : vector<1x1x1x16xf32> to vector<16xf32>
        %get3A_285 = arith.constant 1 : i32
        %get3A_286 = arith.index_cast %rem3A_160 : i32 to index
        %get3A_287 = arith.index_cast %get3A_285 : i32 to index
        %get3A_288 = arith.index_cast %scan3A_278 : i32 to index
        %get3A_289 = arith.constant 0 : index
        %get3A_290 = tpu.vector_load %arg10[%get3A_286, %get3A_287, %get3A_288, %get3A_289] {strides = array<i32>} : memref<2x5x64x128xf32, #tpu.memory_space<vmem>>, vector<1x1x1x16xf32>,
        %get3A_291 = vector.shape_cast %get3A_290 : vector<1x1x1x16xf32> to vector<16xf32>
        %add3A_292 = arith.addf %get3A_284, %get3A_291 : vector<16xf32>
        %get3A_293 = arith.constant 2 : i32
        %get3A_294 = arith.index_cast %rem3A_160 : i32 to index
        %get3A_295 = arith.index_cast %get3A_293 : i32 to index
        %get3A_296 = arith.index_cast %scan3A_278 : i32 to index
        %get3A_297 = arith.constant 0 : index
        %get3A_298 = tpu.vector_load %arg10[%get3A_294, %get3A_295, %get3A_296, %get3A_297] {strides = array<i32>} : memref<2x5x64x128xf32, #tpu.memory_space<vmem>>, vector<1x1x1x16xf32>,
        %get3A_299 = vector.shape_cast %get3A_298 : vector<1x1x1x16xf32> to vector<16xf32>
        %get3A_300 = arith.constant 3 : i32
        %get3A_301 = arith.index_cast %rem3A_160 : i32 to index
        %get3A_302 = arith.index_cast %get3A_300 : i32 to index
        %get3A_303 = arith.index_cast %scan3A_278 : i32 to index
        %get3A_304 = arith.constant 0 : index
        %get3A_305 = tpu.vector_load %arg10[%get3A_301, %get3A_302, %get3A_303, %get3A_304] {strides = array<i32>} : memref<2x5x64x128xf32, #tpu.memory_space<vmem>>, vector<1x1x1x16xf32>,
        %get3A_306 = vector.shape_cast %get3A_305 : vector<1x1x1x16xf32> to vector<16xf32>
        %add3A_307 = arith.addf %get3A_299, %get3A_306 : vector<16xf32>
        %add3A_308 = arith.addf %add3A_292, %add3A_307 : vector<16xf32>
        %get3A_309 = arith.constant 4 : i32
        %get3A_310 = arith.index_cast %rem3A_160 : i32 to index
        %get3A_311 = arith.index_cast %get3A_309 : i32 to index
        %get3A_312 = arith.index_cast %scan3A_278 : i32 to index
        %get3A_313 = arith.constant 0 : index
        %get3A_314 = tpu.vector_load %arg10[%get3A_310, %get3A_311, %get3A_312, %get3A_313] {strides = array<i32>} : memref<2x5x64x128xf32, #tpu.memory_space<vmem>>, vector<1x1x1x16xf32>,
        %get3A_315 = vector.shape_cast %get3A_314 : vector<1x1x1x16xf32> to vector<16xf32>
        %add3A_316 = arith.addf %add3A_308, %get3A_315 : vector<16xf32>
        %swap3A = arith.index_cast %rem3A_160 : i32 to index
        %swap3A_317 = arith.index_cast %scan3A_278 : i32 to index
        %swap3A_318 = arith.constant 0 : index
        %swap3A_319 = tpu.vector_load %arg11[%swap3A, %swap3A_317, %swap3A_318] {strides = array<i32>} : memref<2x64x128xf32, #tpu.memory_space<vmem>>, vector<1x1x16xf32>,
        %swap3A_320 = vector.shape_cast %swap3A_319 : vector<1x1x16xf32> to vector<16xf32>
        %swap3A_321 = vector.shape_cast %add3A_316 : vector<16xf32> to vector<1x1x16xf32>
        tpu.vector_store %arg11[%swap3A, %swap3A_317, %swap3A_318], %swap3A_321 {strides = array<i32>} : memref<2x64x128xf32, #tpu.memory_space<vmem>>, vector<1x1x16xf32>,
        %get3A_322 = arith.constant 0 : i32
        %get3A_323 = arith.index_cast %rem3A_160 : i32 to index
        %get3A_324 = arith.index_cast %get3A_322 : i32 to index
        %get3A_325 = arith.index_cast %scan3A_278 : i32 to index
        %get3A_326 = arith.constant 16 : index
        %get3A_327 = tpu.vector_load %arg10[%get3A_323, %get3A_324, %get3A_325, %get3A_326] {strides = array<i32>} : memref<2x5x64x128xf32, #tpu.memory_space<vmem>>, vector<1x1x1x16xf32>,
        %get3A_328 = vector.shape_cast %get3A_327 : vector<1x1x1x16xf32> to vector<16xf32>
        %get3A_329 = arith.constant 1 : i32
        %get3A_330 = arith.index_cast %rem3A_160 : i32 to index
        %get3A_331 = arith.index_cast %get3A_329 : i32 to index
        %get3A_332 = arith.index_cast %scan3A_278 : i32 to index
        %get3A_333 = arith.constant 16 : index
        %get3A_334 = tpu.vector_load %arg10[%get3A_330, %get3A_331, %get3A_332, %get3A_333] {strides = array<i32>} : memref<2x5x64x128xf32, #tpu.memory_space<vmem>>, vector<1x1x1x16xf32>,
        %get3A_335 = vector.shape_cast %get3A_334 : vector<1x1x1x16xf32> to vector<16xf32>
        %add3A_336 = arith.addf %get3A_328, %get3A_335 : vector<16xf32>
        %get3A_337 = arith.constant 2 : i32
        %get3A_338 = arith.index_cast %rem3A_160 : i32 to index
        %get3A_339 = arith.index_cast %get3A_337 : i32 to index
        %get3A_340 = arith.index_cast %scan3A_278 : i32 to index
        %get3A_341 = arith.constant 16 : index
        %get3A_342 = tpu.vector_load %arg10[%get3A_338, %get3A_339, %get3A_340, %get3A_341] {strides = array<i32>} : memref<2x5x64x128xf32, #tpu.memory_space<vmem>>, vector<1x1x1x16xf32>,
        %get3A_343 = vector.shape_cast %get3A_342 : vector<1x1x1x16xf32> to vector<16xf32>
        %get3A_344 = arith.constant 3 : i32
        %get3A_345 = arith.index_cast %rem3A_160 : i32 to index
        %get3A_346 = arith.index_cast %get3A_344 : i32 to index
        %get3A_347 = arith.index_cast %scan3A_278 : i32 to index
        %get3A_348 = arith.constant 16 : index
        %get3A_349 = tpu.vector_load %arg10[%get3A_345, %get3A_346, %get3A_347, %get3A_348] {strides = array<i32>} : memref<2x5x64x128xf32, #tpu.memory_space<vmem>>, vector<1x1x1x16xf32>,
        %get3A_350 = vector.shape_cast %get3A_349 : vector<1x1x1x16xf32> to vector<16xf32>
        %add3A_351 = arith.addf %get3A_343, %get3A_350 : vector<16xf32>
        %add3A_352 = arith.addf %add3A_336, %add3A_351 : vector<16xf32>
        %get3A_353 = arith.constant 4 : i32
        %get3A_354 = arith.index_cast %rem3A_160 : i32 to index
        %get3A_355 = arith.index_cast %get3A_353 : i32 to index
        %get3A_356 = arith.index_cast %scan3A_278 : i32 to index
        %get3A_357 = arith.constant 16 : index
        %get3A_358 = tpu.vector_load %arg10[%get3A_354, %get3A_355, %get3A_356, %get3A_357] {strides = array<i32>} : memref<2x5x64x128xf32, #tpu.memory_space<vmem>>, vector<1x1x1x16xf32>,
        %get3A_359 = vector.shape_cast %get3A_358 : vector<1x1x1x16xf32> to vector<16xf32>
        %add3A_360 = arith.addf %add3A_352, %get3A_359 : vector<16xf32>
        %swap3A_361 = arith.index_cast %rem3A_160 : i32 to index
        %swap3A_362 = arith.index_cast %scan3A_278 : i32 to index
        %swap3A_363 = arith.constant 16 : index
        %swap3A_364 = tpu.vector_load %arg11[%swap3A_361, %swap3A_362, %swap3A_363] {strides = array<i32>} : memref<2x64x128xf32, #tpu.memory_space<vmem>>, vector<1x1x16xf32>,
        %swap3A_365 = vector.shape_cast %swap3A_364 : vector<1x1x16xf32> to vector<16xf32>
        %swap3A_366 = vector.shape_cast %add3A_360 : vector<16xf32> to vector<1x1x16xf32>
        tpu.vector_store %arg11[%swap3A_361, %swap3A_362, %swap3A_363], %swap3A_366 {strides = array<i32>} : memref<2x64x128xf32, #tpu.memory_space<vmem>>, vector<1x1x16xf32>,
        %get3A_367 = arith.constant 0 : i32
        %get3A_368 = arith.index_cast %rem3A_160 : i32 to index
        %get3A_369 = arith.index_cast %get3A_367 : i32 to index
        %get3A_370 = arith.index_cast %scan3A_278 : i32 to index
        %get3A_371 = arith.constant 32 : index
        %get3A_372 = tpu.vector_load %arg10[%get3A_368, %get3A_369, %get3A_370, %get3A_371] {strides = array<i32>} : memref<2x5x64x128xf32, #tpu.memory_space<vmem>>, vector<1x1x1x16xf32>,
        %get3A_373 = vector.shape_cast %get3A_372 : vector<1x1x1x16xf32> to vector<16xf32>
        %get3A_374 = arith.constant 1 : i32
        %get3A_375 = arith.index_cast %rem3A_160 : i32 to index
        %get3A_376 = arith.index_cast %get3A_374 : i32 to index
        %get3A_377 = arith.index_cast %scan3A_278 : i32 to index
        %get3A_378 = arith.constant 32 : index
        %get3A_379 = tpu.vector_load %arg10[%get3A_375, %get3A_376, %get3A_377, %get3A_378] {strides = array<i32>} : memref<2x5x64x128xf32, #tpu.memory_space<vmem>>, vector<1x1x1x16xf32>,
        %get3A_380 = vector.shape_cast %get3A_379 : vector<1x1x1x16xf32> to vector<16xf32>
        %add3A_381 = arith.addf %get3A_373, %get3A_380 : vector<16xf32>
        %get3A_382 = arith.constant 2 : i32
        %get3A_383 = arith.index_cast %rem3A_160 : i32 to index
        %get3A_384 = arith.index_cast %get3A_382 : i32 to index
        %get3A_385 = arith.index_cast %scan3A_278 : i32 to index
        %get3A_386 = arith.constant 32 : index
        %get3A_387 = tpu.vector_load %arg10[%get3A_383, %get3A_384, %get3A_385, %get3A_386] {strides = array<i32>} : memref<2x5x64x128xf32, #tpu.memory_space<vmem>>, vector<1x1x1x16xf32>,
        %get3A_388 = vector.shape_cast %get3A_387 : vector<1x1x1x16xf32> to vector<16xf32>
        %get3A_389 = arith.constant 3 : i32
        %get3A_390 = arith.index_cast %rem3A_160 : i32 to index
        %get3A_391 = arith.index_cast %get3A_389 : i32 to index
        %get3A_392 = arith.index_cast %scan3A_278 : i32 to index
        %get3A_393 = arith.constant 32 : index
        %get3A_394 = tpu.vector_load %arg10[%get3A_390, %get3A_391, %get3A_392, %get3A_393] {strides = array<i32>} : memref<2x5x64x128xf32, #tpu.memory_space<vmem>>, vector<1x1x1x16xf32>,
        %get3A_395 = vector.shape_cast %get3A_394 : vector<1x1x1x16xf32> to vector<16xf32>
        %add3A_396 = arith.addf %get3A_388, %get3A_395 : vector<16xf32>
        %add3A_397 = arith.addf %add3A_381, %add3A_396 : vector<16xf32>
        %get3A_398 = arith.constant 4 : i32
        %get3A_399 = arith.index_cast %rem3A_160 : i32 to index
        %get3A_400 = arith.index_cast %get3A_398 : i32 to index
        %get3A_401 = arith.index_cast %scan3A_278 : i32 to index
        %get3A_402 = arith.constant 32 : index
        %get3A_403 = tpu.vector_load %arg10[%get3A_399, %get3A_400, %get3A_401, %get3A_402] {strides = array<i32>} : memref<2x5x64x128xf32, #tpu.memory_space<vmem>>, vector<1x1x1x16xf32>,
        %get3A_404 = vector.shape_cast %get3A_403 : vector<1x1x1x16xf32> to vector<16xf32>
        %add3A_405 = arith.addf %add3A_397, %get3A_404 : vector<16xf32>
        %swap3A_406 = arith.index_cast %rem3A_160 : i32 to index
        %swap3A_407 = arith.index_cast %scan3A_278 : i32 to index
        %swap3A_408 = arith.constant 32 : index
        %swap3A_409 = tpu.vector_load %arg11[%swap3A_406, %swap3A_407, %swap3A_408] {strides = array<i32>} : memref<2x64x128xf32, #tpu.memory_space<vmem>>, vector<1x1x16xf32>,
        %swap3A_410 = vector.shape_cast %swap3A_409 : vector<1x1x16xf32> to vector<16xf32>
        %swap3A_411 = vector.shape_cast %add3A_405 : vector<16xf32> to vector<1x1x16xf32>
        tpu.vector_store %arg11[%swap3A_406, %swap3A_407, %swap3A_408], %swap3A_411 {strides = array<i32>} : memref<2x64x128xf32, #tpu.memory_space<vmem>>, vector<1x1x16xf32>,
        %get3A_412 = arith.constant 0 : i32
        %get3A_413 = arith.index_cast %rem3A_160 : i32 to index
        %get3A_414 = arith.index_cast %get3A_412 : i32 to index
        %get3A_415 = arith.index_cast %scan3A_278 : i32 to index
        %get3A_416 = arith.constant 48 : index
        %get3A_417 = tpu.vector_load %arg10[%get3A_413, %get3A_414, %get3A_415, %get3A_416] {strides = array<i32>} : memref<2x5x64x128xf32, #tpu.memory_space<vmem>>, vector<1x1x1x16xf32>,
        %get3A_418 = vector.shape_cast %get3A_417 : vector<1x1x1x16xf32> to vector<16xf32>
        %get3A_419 = arith.constant 1 : i32
        %get3A_420 = arith.index_cast %rem3A_160 : i32 to index
        %get3A_421 = arith.index_cast %get3A_419 : i32 to index
        %get3A_422 = arith.index_cast %scan3A_278 : i32 to index
        %get3A_423 = arith.constant 48 : index
        %get3A_424 = tpu.vector_load %arg10[%get3A_420, %get3A_421, %get3A_422, %get3A_423] {strides = array<i32>} : memref<2x5x64x128xf32, #tpu.memory_space<vmem>>, vector<1x1x1x16xf32>,
        %get3A_425 = vector.shape_cast %get3A_424 : vector<1x1x1x16xf32> to vector<16xf32>
        %add3A_426 = arith.addf %get3A_418, %get3A_425 : vector<16xf32>
        %get3A_427 = arith.constant 2 : i32
        %get3A_428 = arith.index_cast %rem3A_160 : i32 to index
        %get3A_429 = arith.index_cast %get3A_427 : i32 to index
        %get3A_430 = arith.index_cast %scan3A_278 : i32 to index
        %get3A_431 = arith.constant 48 : index
        %get3A_432 = tpu.vector_load %arg10[%get3A_428, %get3A_429, %get3A_430, %get3A_431] {strides = array<i32>} : memref<2x5x64x128xf32, #tpu.memory_space<vmem>>, vector<1x1x1x16xf32>,
        %get3A_433 = vector.shape_cast %get3A_432 : vector<1x1x1x16xf32> to vector<16xf32>
        %get3A_434 = arith.constant 3 : i32
        %get3A_435 = arith.index_cast %rem3A_160 : i32 to index
        %get3A_436 = arith.index_cast %get3A_434 : i32 to index
        %get3A_437 = arith.index_cast %scan3A_278 : i32 to index
        %get3A_438 = arith.constant 48 : index
        %get3A_439 = tpu.vector_load %arg10[%get3A_435, %get3A_436, %get3A_437, %get3A_438] {strides = array<i32>} : memref<2x5x64x128xf32, #tpu.memory_space<vmem>>, vector<1x1x1x16xf32>,
        %get3A_440 = vector.shape_cast %get3A_439 : vector<1x1x1x16xf32> to vector<16xf32>
        %add3A_441 = arith.addf %get3A_433, %get3A_440 : vector<16xf32>
        %add3A_442 = arith.addf %add3A_426, %add3A_441 : vector<16xf32>
        %get3A_443 = arith.constant 4 : i32
        %get3A_444 = arith.index_cast %rem3A_160 : i32 to index
        %get3A_445 = arith.index_cast %get3A_443 : i32 to index
        %get3A_446 = arith.index_cast %scan3A_278 : i32 to index
        %get3A_447 = arith.constant 48 : index
        %get3A_448 = tpu.vector_load %arg10[%get3A_444, %get3A_445, %get3A_446, %get3A_447] {strides = array<i32>} : memref<2x5x64x128xf32, #tpu.memory_space<vmem>>, vector<1x1x1x16xf32>,
        %get3A_449 = vector.shape_cast %get3A_448 : vector<1x1x1x16xf32> to vector<16xf32>
        %add3A_450 = arith.addf %add3A_442, %get3A_449 : vector<16xf32>
        %swap3A_451 = arith.index_cast %rem3A_160 : i32 to index
        %swap3A_452 = arith.index_cast %scan3A_278 : i32 to index
        %swap3A_453 = arith.constant 48 : index
        %swap3A_454 = tpu.vector_load %arg11[%swap3A_451, %swap3A_452, %swap3A_453] {strides = array<i32>} : memref<2x64x128xf32, #tpu.memory_space<vmem>>, vector<1x1x16xf32>,
        %swap3A_455 = vector.shape_cast %swap3A_454 : vector<1x1x16xf32> to vector<16xf32>
        %swap3A_456 = vector.shape_cast %add3A_450 : vector<16xf32> to vector<1x1x16xf32>
        tpu.vector_store %arg11[%swap3A_451, %swap3A_452, %swap3A_453], %swap3A_456 {strides = array<i32>} : memref<2x64x128xf32, #tpu.memory_space<vmem>>, vector<1x1x16xf32>,
        %get3A_457 = arith.constant 0 : i32
        %get3A_458 = arith.index_cast %rem3A_160 : i32 to index
        %get3A_459 = arith.index_cast %get3A_457 : i32 to index
        %get3A_460 = arith.index_cast %scan3A_278 : i32 to index
        %get3A_461 = arith.constant 64 : index
        %get3A_462 = tpu.vector_load %arg10[%get3A_458, %get3A_459, %get3A_460, %get3A_461] {strides = array<i32>} : memref<2x5x64x128xf32, #tpu.memory_space<vmem>>, vector<1x1x1x16xf32>,
        %get3A_463 = vector.shape_cast %get3A_462 : vector<1x1x1x16xf32> to vector<16xf32>
        %get3A_464 = arith.constant 1 : i32
        %get3A_465 = arith.index_cast %rem3A_160 : i32 to index
        %get3A_466 = arith.index_cast %get3A_464 : i32 to index
        %get3A_467 = arith.index_cast %scan3A_278 : i32 to index
        %get3A_468 = arith.constant 64 : index
        %get3A_469 = tpu.vector_load %arg10[%get3A_465, %get3A_466, %get3A_467, %get3A_468] {strides = array<i32>} : memref<2x5x64x128xf32, #tpu.memory_space<vmem>>, vector<1x1x1x16xf32>,
        %get3A_470 = vector.shape_cast %get3A_469 : vector<1x1x1x16xf32> to vector<16xf32>
        %add3A_471 = arith.addf %get3A_463, %get3A_470 : vector<16xf32>
        %get3A_472 = arith.constant 2 : i32
        %get3A_473 = arith.index_cast %rem3A_160 : i32 to index
        %get3A_474 = arith.index_cast %get3A_472 : i32 to index
        %get3A_475 = arith.index_cast %scan3A_278 : i32 to index
        %get3A_476 = arith.constant 64 : index
        %get3A_477 = tpu.vector_load %arg10[%get3A_473, %get3A_474, %get3A_475, %get3A_476] {strides = array<i32>} : memref<2x5x64x128xf32, #tpu.memory_space<vmem>>, vector<1x1x1x16xf32>,
        %get3A_478 = vector.shape_cast %get3A_477 : vector<1x1x1x16xf32> to vector<16xf32>
        %get3A_479 = arith.constant 3 : i32
        %get3A_480 = arith.index_cast %rem3A_160 : i32 to index
        %get3A_481 = arith.index_cast %get3A_479 : i32 to index
        %get3A_482 = arith.index_cast %scan3A_278 : i32 to index
        %get3A_483 = arith.constant 64 : index
        %get3A_484 = tpu.vector_load %arg10[%get3A_480, %get3A_481, %get3A_482, %get3A_483] {strides = array<i32>} : memref<2x5x64x128xf32, #tpu.memory_space<vmem>>, vector<1x1x1x16xf32>,
        %get3A_485 = vector.shape_cast %get3A_484 : vector<1x1x1x16xf32> to vector<16xf32>
        %add3A_486 = arith.addf %get3A_478, %get3A_485 : vector<16xf32>
        %add3A_487 = arith.addf %add3A_471, %add3A_486 : vector<16xf32>
        %get3A_488 = arith.constant 4 : i32
        %get3A_489 = arith.index_cast %rem3A_160 : i32 to index
        %get3A_490 = arith.index_cast %get3A_488 : i32 to index
        %get3A_491 = arith.index_cast %scan3A_278 : i32 to index
        %get3A_492 = arith.constant 64 : index
        %get3A_493 = tpu.vector_load %arg10[%get3A_489, %get3A_490, %get3A_491, %get3A_492] {strides = array<i32>} : memref<2x5x64x128xf32, #tpu.memory_space<vmem>>, vector<1x1x1x16xf32>,
        %get3A_494 = vector.shape_cast %get3A_493 : vector<1x1x1x16xf32> to vector<16xf32>
        %add3A_495 = arith.addf %add3A_487, %get3A_494 : vector<16xf32>
        %swap3A_496 = arith.index_cast %rem3A_160 : i32 to index
        %swap3A_497 = arith.index_cast %scan3A_278 : i32 to index
        %swap3A_498 = arith.constant 64 : index
        %swap3A_499 = tpu.vector_load %arg11[%swap3A_496, %swap3A_497, %swap3A_498] {strides = array<i32>} : memref<2x64x128xf32, #tpu.memory_space<vmem>>, vector<1x1x16xf32>,
        %swap3A_500 = vector.shape_cast %swap3A_499 : vector<1x1x16xf32> to vector<16xf32>
        %swap3A_501 = vector.shape_cast %add3A_495 : vector<16xf32> to vector<1x1x16xf32>
        tpu.vector_store %arg11[%swap3A_496, %swap3A_497, %swap3A_498], %swap3A_501 {strides = array<i32>} : memref<2x64x128xf32, #tpu.memory_space<vmem>>, vector<1x1x16xf32>,
        %get3A_502 = arith.constant 0 : i32
        %get3A_503 = arith.index_cast %rem3A_160 : i32 to index
        %get3A_504 = arith.index_cast %get3A_502 : i32 to index
        %get3A_505 = arith.index_cast %scan3A_278 : i32 to index
        %get3A_506 = arith.constant 80 : index
        %get3A_507 = tpu.vector_load %arg10[%get3A_503, %get3A_504, %get3A_505, %get3A_506] {strides = array<i32>} : memref<2x5x64x128xf32, #tpu.memory_space<vmem>>, vector<1x1x1x16xf32>,
        %get3A_508 = vector.shape_cast %get3A_507 : vector<1x1x1x16xf32> to vector<16xf32>
        %get3A_509 = arith.constant 1 : i32
        %get3A_510 = arith.index_cast %rem3A_160 : i32 to index
        %get3A_511 = arith.index_cast %get3A_509 : i32 to index
        %get3A_512 = arith.index_cast %scan3A_278 : i32 to index
        %get3A_513 = arith.constant 80 : index
        %get3A_514 = tpu.vector_load %arg10[%get3A_510, %get3A_511, %get3A_512, %get3A_513] {strides = array<i32>} : memref<2x5x64x128xf32, #tpu.memory_space<vmem>>, vector<1x1x1x16xf32>,
        %get3A_515 = vector.shape_cast %get3A_514 : vector<1x1x1x16xf32> to vector<16xf32>
        %add3A_516 = arith.addf %get3A_508, %get3A_515 : vector<16xf32>
        %get3A_517 = arith.constant 2 : i32
        %get3A_518 = arith.index_cast %rem3A_160 : i32 to index
        %get3A_519 = arith.index_cast %get3A_517 : i32 to index
        %get3A_520 = arith.index_cast %scan3A_278 : i32 to index
        %get3A_521 = arith.constant 80 : index
        %get3A_522 = tpu.vector_load %arg10[%get3A_518, %get3A_519, %get3A_520, %get3A_521] {strides = array<i32>} : memref<2x5x64x128xf32, #tpu.memory_space<vmem>>, vector<1x1x1x16xf32>,
        %get3A_523 = vector.shape_cast %get3A_522 : vector<1x1x1x16xf32> to vector<16xf32>
        %get3A_524 = arith.constant 3 : i32
        %get3A_525 = arith.index_cast %rem3A_160 : i32 to index
        %get3A_526 = arith.index_cast %get3A_524 : i32 to index
        %get3A_527 = arith.index_cast %scan3A_278 : i32 to index
        %get3A_528 = arith.constant 80 : index
        %get3A_529 = tpu.vector_load %arg10[%get3A_525, %get3A_526, %get3A_527, %get3A_528] {strides = array<i32>} : memref<2x5x64x128xf32, #tpu.memory_space<vmem>>, vector<1x1x1x16xf32>,
        %get3A_530 = vector.shape_cast %get3A_529 : vector<1x1x1x16xf32> to vector<16xf32>
        %add3A_531 = arith.addf %get3A_523, %get3A_530 : vector<16xf32>
        %add3A_532 = arith.addf %add3A_516, %add3A_531 : vector<16xf32>
        %get3A_533 = arith.constant 4 : i32
        %get3A_534 = arith.index_cast %rem3A_160 : i32 to index
        %get3A_535 = arith.index_cast %get3A_533 : i32 to index
        %get3A_536 = arith.index_cast %scan3A_278 : i32 to index
        %get3A_537 = arith.constant 80 : index
        %get3A_538 = tpu.vector_load %arg10[%get3A_534, %get3A_535, %get3A_536, %get3A_537] {strides = array<i32>} : memref<2x5x64x128xf32, #tpu.memory_space<vmem>>, vector<1x1x1x16xf32>,
        %get3A_539 = vector.shape_cast %get3A_538 : vector<1x1x1x16xf32> to vector<16xf32>
        %add3A_540 = arith.addf %add3A_532, %get3A_539 : vector<16xf32>
        %swap3A_541 = arith.index_cast %rem3A_160 : i32 to index
        %swap3A_542 = arith.index_cast %scan3A_278 : i32 to index
        %swap3A_543 = arith.constant 80 : index
        %swap3A_544 = tpu.vector_load %arg11[%swap3A_541, %swap3A_542, %swap3A_543] {strides = array<i32>} : memref<2x64x128xf32, #tpu.memory_space<vmem>>, vector<1x1x16xf32>,
        %swap3A_545 = vector.shape_cast %swap3A_544 : vector<1x1x16xf32> to vector<16xf32>
        %swap3A_546 = vector.shape_cast %add3A_540 : vector<16xf32> to vector<1x1x16xf32>
        tpu.vector_store %arg11[%swap3A_541, %swap3A_542, %swap3A_543], %swap3A_546 {strides = array<i32>} : memref<2x64x128xf32, #tpu.memory_space<vmem>>, vector<1x1x16xf32>,
        %get3A_547 = arith.constant 0 : i32
        %get3A_548 = arith.index_cast %rem3A_160 : i32 to index
        %get3A_549 = arith.index_cast %get3A_547 : i32 to index
        %get3A_550 = arith.index_cast %scan3A_278 : i32 to index
        %get3A_551 = arith.constant 96 : index
        %get3A_552 = tpu.vector_load %arg10[%get3A_548, %get3A_549, %get3A_550, %get3A_551] {strides = array<i32>} : memref<2x5x64x128xf32, #tpu.memory_space<vmem>>, vector<1x1x1x16xf32>,
        %get3A_553 = vector.shape_cast %get3A_552 : vector<1x1x1x16xf32> to vector<16xf32>
        %get3A_554 = arith.constant 1 : i32
        %get3A_555 = arith.index_cast %rem3A_160 : i32 to index
        %get3A_556 = arith.index_cast %get3A_554 : i32 to index
        %get3A_557 = arith.index_cast %scan3A_278 : i32 to index
        %get3A_558 = arith.constant 96 : index
        %get3A_559 = tpu.vector_load %arg10[%get3A_555, %get3A_556, %get3A_557, %get3A_558] {strides = array<i32>} : memref<2x5x64x128xf32, #tpu.memory_space<vmem>>, vector<1x1x1x16xf32>,
        %get3A_560 = vector.shape_cast %get3A_559 : vector<1x1x1x16xf32> to vector<16xf32>
        %add3A_561 = arith.addf %get3A_553, %get3A_560 : vector<16xf32>
        %get3A_562 = arith.constant 2 : i32
        %get3A_563 = arith.index_cast %rem3A_160 : i32 to index
        %get3A_564 = arith.index_cast %get3A_562 : i32 to index
        %get3A_565 = arith.index_cast %scan3A_278 : i32 to index
        %get3A_566 = arith.constant 96 : index
        %get3A_567 = tpu.vector_load %arg10[%get3A_563, %get3A_564, %get3A_565, %get3A_566] {strides = array<i32>} : memref<2x5x64x128xf32, #tpu.memory_space<vmem>>, vector<1x1x1x16xf32>,
        %get3A_568 = vector.shape_cast %get3A_567 : vector<1x1x1x16xf32> to vector<16xf32>
        %get3A_569 = arith.constant 3 : i32
        %get3A_570 = arith.index_cast %rem3A_160 : i32 to index
        %get3A_571 = arith.index_cast %get3A_569 : i32 to index
        %get3A_572 = arith.index_cast %scan3A_278 : i32 to index
        %get3A_573 = arith.constant 96 : index
        %get3A_574 = tpu.vector_load %arg10[%get3A_570, %get3A_571, %get3A_572, %get3A_573] {strides = array<i32>} : memref<2x5x64x128xf32, #tpu.memory_space<vmem>>, vector<1x1x1x16xf32>,
        %get3A_575 = vector.shape_cast %get3A_574 : vector<1x1x1x16xf32> to vector<16xf32>
        %add3A_576 = arith.addf %get3A_568, %get3A_575 : vector<16xf32>
        %add3A_577 = arith.addf %add3A_561, %add3A_576 : vector<16xf32>
        %get3A_578 = arith.constant 4 : i32
        %get3A_579 = arith.index_cast %rem3A_160 : i32 to index
        %get3A_580 = arith.index_cast %get3A_578 : i32 to index
        %get3A_581 = arith.index_cast %scan3A_278 : i32 to index
        %get3A_582 = arith.constant 96 : index
        %get3A_583 = tpu.vector_load %arg10[%get3A_579, %get3A_580, %get3A_581, %get3A_582] {strides = array<i32>} : memref<2x5x64x128xf32, #tpu.memory_space<vmem>>, vector<1x1x1x16xf32>,
        %get3A_584 = vector.shape_cast %get3A_583 : vector<1x1x1x16xf32> to vector<16xf32>
        %add3A_585 = arith.addf %add3A_577, %get3A_584 : vector<16xf32>
        %swap3A_586 = arith.index_cast %rem3A_160 : i32 to index
        %swap3A_587 = arith.index_cast %scan3A_278 : i32 to index
        %swap3A_588 = arith.constant 96 : index
        %swap3A_589 = tpu.vector_load %arg11[%swap3A_586, %swap3A_587, %swap3A_588] {strides = array<i32>} : memref<2x64x128xf32, #tpu.memory_space<vmem>>, vector<1x1x16xf32>,
        %swap3A_590 = vector.shape_cast %swap3A_589 : vector<1x1x16xf32> to vector<16xf32>
        %swap3A_591 = vector.shape_cast %add3A_585 : vector<16xf32> to vector<1x1x16xf32>
        tpu.vector_store %arg11[%swap3A_586, %swap3A_587, %swap3A_588], %swap3A_591 {strides = array<i32>} : memref<2x64x128xf32, #tpu.memory_space<vmem>>, vector<1x1x16xf32>,
        %get3A_592 = arith.constant 0 : i32
        %get3A_593 = arith.index_cast %rem3A_160 : i32 to index
        %get3A_594 = arith.index_cast %get3A_592 : i32 to index
        %get3A_595 = arith.index_cast %scan3A_278 : i32 to index
        %get3A_596 = arith.constant 112 : index
        %get3A_597 = tpu.vector_load %arg10[%get3A_593, %get3A_594, %get3A_595, %get3A_596] {strides = array<i32>} : memref<2x5x64x128xf32, #tpu.memory_space<vmem>>, vector<1x1x1x16xf32>,
        %get3A_598 = vector.shape_cast %get3A_597 : vector<1x1x1x16xf32> to vector<16xf32>
        %get3A_599 = arith.constant 1 : i32
        %get3A_600 = arith.index_cast %rem3A_160 : i32 to index
        %get3A_601 = arith.index_cast %get3A_599 : i32 to index
        %get3A_602 = arith.index_cast %scan3A_278 : i32 to index
        %get3A_603 = arith.constant 112 : index
        %get3A_604 = tpu.vector_load %arg10[%get3A_600, %get3A_601, %get3A_602, %get3A_603] {strides = array<i32>} : memref<2x5x64x128xf32, #tpu.memory_space<vmem>>, vector<1x1x1x16xf32>,
        %get3A_605 = vector.shape_cast %get3A_604 : vector<1x1x1x16xf32> to vector<16xf32>
        %add3A_606 = arith.addf %get3A_598, %get3A_605 : vector<16xf32>
        %get3A_607 = arith.constant 2 : i32
        %get3A_608 = arith.index_cast %rem3A_160 : i32 to index
        %get3A_609 = arith.index_cast %get3A_607 : i32 to index
        %get3A_610 = arith.index_cast %scan3A_278 : i32 to index
        %get3A_611 = arith.constant 112 : index
        %get3A_612 = tpu.vector_load %arg10[%get3A_608, %get3A_609, %get3A_610, %get3A_611] {strides = array<i32>} : memref<2x5x64x128xf32, #tpu.memory_space<vmem>>, vector<1x1x1x16xf32>,
        %get3A_613 = vector.shape_cast %get3A_612 : vector<1x1x1x16xf32> to vector<16xf32>
        %get3A_614 = arith.constant 3 : i32
        %get3A_615 = arith.index_cast %rem3A_160 : i32 to index
        %get3A_616 = arith.index_cast %get3A_614 : i32 to index
        %get3A_617 = arith.index_cast %scan3A_278 : i32 to index
        %get3A_618 = arith.constant 112 : index
        %get3A_619 = tpu.vector_load %arg10[%get3A_615, %get3A_616, %get3A_617, %get3A_618] {strides = array<i32>} : memref<2x5x64x128xf32, #tpu.memory_space<vmem>>, vector<1x1x1x16xf32>,
        %get3A_620 = vector.shape_cast %get3A_619 : vector<1x1x1x16xf32> to vector<16xf32>
        %add3A_621 = arith.addf %get3A_613, %get3A_620 : vector<16xf32>
        %add3A_622 = arith.addf %add3A_606, %add3A_621 : vector<16xf32>
        %get3A_623 = arith.constant 4 : i32
        %get3A_624 = arith.index_cast %rem3A_160 : i32 to index
        %get3A_625 = arith.index_cast %get3A_623 : i32 to index
        %get3A_626 = arith.index_cast %scan3A_278 : i32 to index
        %get3A_627 = arith.constant 112 : index
        %get3A_628 = tpu.vector_load %arg10[%get3A_624, %get3A_625, %get3A_626, %get3A_627] {strides = array<i32>} : memref<2x5x64x128xf32, #tpu.memory_space<vmem>>, vector<1x1x1x16xf32>,
        %get3A_629 = vector.shape_cast %get3A_628 : vector<1x1x1x16xf32> to vector<16xf32>
        %add3A_630 = arith.addf %add3A_622, %get3A_629 : vector<16xf32>
        %swap3A_631 = arith.index_cast %rem3A_160 : i32 to index
        %swap3A_632 = arith.index_cast %scan3A_278 : i32 to index
        %swap3A_633 = arith.constant 112 : index
        %swap3A_634 = tpu.vector_load %arg11[%swap3A_631, %swap3A_632, %swap3A_633] {strides = array<i32>} : memref<2x64x128xf32, #tpu.memory_space<vmem>>, vector<1x1x16xf32>,
        %swap3A_635 = vector.shape_cast %swap3A_634 : vector<1x1x16xf32> to vector<16xf32>
        %swap3A_636 = vector.shape_cast %add3A_630 : vector<16xf32> to vector<1x1x16xf32>
        tpu.vector_store %arg11[%swap3A_631, %swap3A_632, %swap3A_633], %swap3A_636 {strides = array<i32>} : memref<2x64x128xf32, #tpu.memory_space<vmem>>, vector<1x1x16xf32>,
      }
      %scan3A_262 = arith.constant 64 : i32
      %add3A_263 = arith.addi %select_n3A, %while3A_158 : i32
      %mul3A_264 = arith.constant 64 : i32
      %mul3A_265 = arith.muli %add3A_263, %mul3A_264 : i32
      %dma_start3A_266 = arith.constant 0 : i32
      %dma_start3A_267 = arith.constant 0 : i32
      %dma_start3A_268 = tpu.memref_slice %arg11[%rem3A_160, %dma_start3A_266, %dma_start3A_267] : memref<2x64x128xf32, #tpu.memory_space<vmem>> -> memref<1x64x128xf32, #tpu.memory_space<vmem>>
      %dma_start3A_269 = tpu.memref_squeeze %dma_start3A_268 : memref<1x64x128xf32, #tpu.memory_space<vmem>> -> memref<64x128xf32, #tpu.memory_space<vmem>>
      %dma_start3A_270 = arith.constant 0 : i32
      %dma_start3A_271 = tpu.memref_slice %arg8[%mul3A_265, %dma_start3A_270] : memref<40960x128xf32, #tpu.memory_space<hbm>> -> memref<64x128xf32, #tpu.memory_space<hbm>>
      %dma_start3A_272 = arith.constant 0 : i32
      %dma_start3A_273 = tpu.memref_slice %arg8[%mul3A_265, %dma_start3A_272] : memref<40960x128xf32, #tpu.memory_space<hbm>> -> memref<64x128xf32, #tpu.memory_space<hbm>>
      %dma_start3A_274 = arith.constant 0 : i32
      %dma_start3A_275 = arith.constant 0 : i32
      %dma_start3A_276 = tpu.memref_slice %arg11[%rem3A_160, %dma_start3A_274, %dma_start3A_275] : memref<2x64x128xf32, #tpu.memory_space<vmem>> -> memref<1x64x128xf32, #tpu.memory_space<vmem>>
      %dma_start3A_277 = tpu.memref_squeeze %dma_start3A_276 : memref<1x64x128xf32, #tpu.memory_space<vmem>> -> memref<64x128xf32, #tpu.memory_space<vmem>>
      tpu.enqueue_dma source(%dma_start3A_277 : memref<64x128xf32, #tpu.memory_space<vmem>>) target(%dma_start3A_273 : memref<64x128xf32, #tpu.memory_space<hbm>>) target_semaphore(%arg13 : memref<!tpu.dma_semaphore, #tpu.memory_space<semaphore_mem>>)
    }
    %while3A_118 = arith.constant 1 : i32
    scf.for %while3A_158 = %while3A_116 to %while3A_112 step %while3A_118  : i32 {
      %rem3A_159 = arith.constant 2 : i32
      %rem3A_160 = arith.remsi %while3A_158, %rem3A_159 : i32
      %sub3A_161 = arith.constant 1 : i32
      %sub3A_162 = arith.subi %select_n3A_8, %sub3A_161 : i32
      %lt3A = arith.cmpi slt, %while3A_158, %sub3A_162 : i32
      %convert_element_type3A = arith.extui %lt3A : i1 to i32
      %cond3A = arith.constant 0 : i32
      %cond3A_163 = arith.cmpi ne, %convert_element_type3A, %cond3A : i32
      scf.if %cond3A_163 {
        %add3A_278 = arith.constant 1 : i32
        %add3A_279 = arith.addi %while3A_158, %add3A_278 : i32
        %sub3A_280 = arith.constant 1 : i32
        %sub3A_281 = arith.subi %sub3A_280, %rem3A_160 : i32
        %add3A_282 = arith.addi %select_n3A, %add3A_279 : i32
        "tpu.region"() ({
          %run_scoped3A_373 = tpu.sem_alloc : memref<!tpu.dma_semaphore, #tpu.memory_space<semaphore_mem>>
          %dma_start3A_374 = arith.constant 0 : i32
          %dma_start3A_375 = tpu.memref_slice %arg9[%sub3A_281, %dma_start3A_374] : memref<2x320xi32, #tpu.memory_space<vmem>> -> memref<1x320xi32, #tpu.memory_space<vmem>>
          %dma_start3A_376 = tpu.memref_squeeze %dma_start3A_375 : memref<1x320xi32, #tpu.memory_space<vmem>> -> memref<320xi32, #tpu.memory_space<vmem>>
          %dma_start3A_377 = arith.constant 0 : i32
          %dma_start3A_378 = tpu.memref_slice %arg7[%add3A_282, %dma_start3A_377] : memref<640x320xi32, #tpu.memory_space<hbm>> -> memref<1x320xi32, #tpu.memory_space<hbm>>
          %dma_start3A_379 = tpu.memref_squeeze %dma_start3A_378 : memref<1x320xi32, #tpu.memory_space<hbm>> -> memref<320xi32, #tpu.memory_space<hbm>>
          %dma_start3A_380 = arith.constant 0 : i32
          %dma_start3A_381 = tpu.memref_slice %arg9[%sub3A_281, %dma_start3A_380] : memref<2x320xi32, #tpu.memory_space<vmem>> -> memref<1x320xi32, #tpu.memory_space<vmem>>
          %dma_start3A_382 = tpu.memref_squeeze %dma_start3A_381 : memref<1x320xi32, #tpu.memory_space<vmem>> -> memref<320xi32, #tpu.memory_space<vmem>>
          %dma_start3A_383 = arith.constant 0 : i32
          %dma_start3A_384 = tpu.memref_slice %arg7[%add3A_282, %dma_start3A_383] : memref<640x320xi32, #tpu.memory_space<hbm>> -> memref<1x320xi32, #tpu.memory_space<hbm>>
          %dma_start3A_385 = tpu.memref_squeeze %dma_start3A_384 : memref<1x320xi32, #tpu.memory_space<hbm>> -> memref<320xi32, #tpu.memory_space<hbm>>
          tpu.enqueue_dma source(%dma_start3A_385 : memref<320xi32, #tpu.memory_space<hbm>>) target(%dma_start3A_382 : memref<320xi32, #tpu.memory_space<vmem>>) target_semaphore(%run_scoped3A_373 : memref<!tpu.dma_semaphore, #tpu.memory_space<semaphore_mem>>)
          %dma_wait3A_386 = arith.constant 0 : i32
          %dma_wait3A_387 = tpu.memref_slice %arg9[%sub3A_281, %dma_wait3A_386] : memref<2x320xi32, #tpu.memory_space<vmem>> -> memref<1x320xi32, #tpu.memory_space<vmem>>
          %dma_wait3A_388 = tpu.memref_squeeze %dma_wait3A_387 : memref<1x320xi32, #tpu.memory_space<vmem>> -> memref<320xi32, #tpu.memory_space<vmem>>
          %dma_wait3A_389 = arith.constant 0 : i32
          %dma_wait3A_390 = tpu.memref_slice %arg7[%add3A_282, %dma_wait3A_389] : memref<640x320xi32, #tpu.memory_space<hbm>> -> memref<1x320xi32, #tpu.memory_space<hbm>>
          %dma_wait3A_391 = tpu.memref_squeeze %dma_wait3A_390 : memref<1x320xi32, #tpu.memory_space<hbm>> -> memref<320xi32, #tpu.memory_space<hbm>>
          %dma_wait3A_392 = arith.constant 0 : i32
          %dma_wait3A_393 = tpu.memref_slice %arg9[%sub3A_281, %dma_wait3A_392] : memref<2x320xi32, #tpu.memory_space<vmem>> -> memref<1x320xi32, #tpu.memory_space<vmem>>
          %dma_wait3A_394 = tpu.memref_squeeze %dma_wait3A_393 : memref<1x320xi32, #tpu.memory_space<vmem>> -> memref<320xi32, #tpu.memory_space<vmem>>
          %dma_wait3A_395 = arith.constant 0 : i32
          %dma_wait3A_396 = tpu.memref_slice %arg7[%add3A_282, %dma_wait3A_395] : memref<640x320xi32, #tpu.memory_space<hbm>> -> memref<1x320xi32, #tpu.memory_space<hbm>>
          %dma_wait3A_397 = tpu.memref_squeeze %dma_wait3A_396 : memref<1x320xi32, #tpu.memory_space<hbm>> -> memref<320xi32, #tpu.memory_space<hbm>>
          tpu.wait_dma2 semaphore(%run_scoped3A_373 : memref<!tpu.dma_semaphore, #tpu.memory_space<semaphore_mem>>) src(%dma_wait3A_397 : memref<320xi32, #tpu.memory_space<hbm>>) dst(%dma_wait3A_394 : memref<320xi32, #tpu.memory_space<vmem>>)
          tpu.yield
        }) : () -> ()
        %dma_start3A_283 = arith.constant 0 : i32
        %dma_start3A_284 = arith.constant 0 : i32
        %dma_start3A_285 = arith.constant 0 : i32
        %dma_start3A_286 = arith.constant 0 : i32
        %dma_start3A_287 = tpu.memref_slice %arg10[%sub3A_281, %dma_start3A_284, %dma_start3A_285, %dma_start3A_286] : memref<2x5x64x128xf32, #tpu.memory_space<vmem>> -> memref<1x5x64x128xf32, #tpu.memory_space<vmem>>
        %dma_start3A_288 = tpu.memref_squeeze %dma_start3A_287 : memref<1x5x64x128xf32, #tpu.memory_space<vmem>> -> memref<5x64x128xf32, #tpu.memory_space<vmem>>
        %dma_start3A_289 = arith.constant 0 : i32
        %dma_start3A_290 = arith.constant 0 : i32
        %dma_start3A_291 = tpu.memref_slice %dma_start3A_288[%dma_start3A_283, %dma_start3A_289, %dma_start3A_290] : memref<5x64x128xf32, #tpu.memory_space<vmem>> -> memref<1x64x128xf32, #tpu.memory_space<vmem>>
        %dma_start3A_292 = tpu.memref_squeeze %dma_start3A_291 : memref<1x64x128xf32, #tpu.memory_space<vmem>> -> memref<64x128xf32, #tpu.memory_space<vmem>>
        %dma_start3A_293 = arith.constant 0 : i32
        %dma_start3A_294 = tpu.memref_slice %arg9[%sub3A_281, %dma_start3A_293] : memref<2x320xi32, #tpu.memory_space<vmem>> -> memref<1x320xi32, #tpu.memory_space<vmem>>
        %dma_start3A_295 = tpu.memref_squeeze %dma_start3A_294 : memref<1x320xi32, #tpu.memory_space<vmem>> -> memref<320xi32, #tpu.memory_space<vmem>>
        %dma_start3A_296 = arith.constant 0 : i32
        %dma_start3A_297 = tpu.memref_slice %dma_start3A_295[%dma_start3A_296] : memref<320xi32, #tpu.memory_space<vmem>> -> memref<64xi32, #tpu.memory_space<vmem>>
        %dma_start3A_298 = arith.constant 0 : i32
        %dma_start3A_299 = arith.constant 0 : i32
        %dma_start3A_300 = tpu.memref_slice %arg2[%dma_start3A_298, %dma_start3A_299] : memref<40000x128xf32, #tpu.memory_space<hbm>> -> memref<40000x128xf32, #tpu.memory_space<hbm>>
        tpu.enqueue_indirect_dma source(%dma_start3A_300 : memref<40000x128xf32, #tpu.memory_space<hbm>>) target(%dma_start3A_292 : memref<64x128xf32, #tpu.memory_space<vmem>>) offsets(%dma_start3A_297 : memref<64xi32, #tpu.memory_space<vmem>>) semaphore(%arg12 : memref<!tpu.dma_semaphore, #tpu.memory_space<semaphore_mem>>)
        %dma_start3A_301 = arith.constant 1 : i32
        %dma_start3A_302 = arith.constant 0 : i32
        %dma_start3A_303 = arith.constant 0 : i32
        %dma_start3A_304 = arith.constant 0 : i32
        %dma_start3A_305 = tpu.memref_slice %arg10[%sub3A_281, %dma_start3A_302, %dma_start3A_303, %dma_start3A_304] : memref<2x5x64x128xf32, #tpu.memory_space<vmem>> -> memref<1x5x64x128xf32, #tpu.memory_space<vmem>>
        %dma_start3A_306 = tpu.memref_squeeze %dma_start3A_305 : memref<1x5x64x128xf32, #tpu.memory_space<vmem>> -> memref<5x64x128xf32, #tpu.memory_space<vmem>>
        %dma_start3A_307 = arith.constant 0 : i32
        %dma_start3A_308 = arith.constant 0 : i32
        %dma_start3A_309 = tpu.memref_slice %dma_start3A_306[%dma_start3A_301, %dma_start3A_307, %dma_start3A_308] : memref<5x64x128xf32, #tpu.memory_space<vmem>> -> memref<1x64x128xf32, #tpu.memory_space<vmem>>
        %dma_start3A_310 = tpu.memref_squeeze %dma_start3A_309 : memref<1x64x128xf32, #tpu.memory_space<vmem>> -> memref<64x128xf32, #tpu.memory_space<vmem>>
        %dma_start3A_311 = arith.constant 0 : i32
        %dma_start3A_312 = tpu.memref_slice %arg9[%sub3A_281, %dma_start3A_311] : memref<2x320xi32, #tpu.memory_space<vmem>> -> memref<1x320xi32, #tpu.memory_space<vmem>>
        %dma_start3A_313 = tpu.memref_squeeze %dma_start3A_312 : memref<1x320xi32, #tpu.memory_space<vmem>> -> memref<320xi32, #tpu.memory_space<vmem>>
        %dma_start3A_314 = arith.constant 64 : i32
        %dma_start3A_315 = tpu.memref_slice %dma_start3A_313[%dma_start3A_314] : memref<320xi32, #tpu.memory_space<vmem>> -> memref<64xi32, #tpu.memory_space<vmem>>
        %dma_start3A_316 = arith.constant 0 : i32
        %dma_start3A_317 = arith.constant 0 : i32
        %dma_start3A_318 = tpu.memref_slice %arg3[%dma_start3A_316, %dma_start3A_317] : memref<40000x128xf32, #tpu.memory_space<hbm>> -> memref<40000x128xf32, #tpu.memory_space<hbm>>
        tpu.enqueue_indirect_dma source(%dma_start3A_318 : memref<40000x128xf32, #tpu.memory_space<hbm>>) target(%dma_start3A_310 : memref<64x128xf32, #tpu.memory_space<vmem>>) offsets(%dma_start3A_315 : memref<64xi32, #tpu.memory_space<vmem>>) semaphore(%arg12 : memref<!tpu.dma_semaphore, #tpu.memory_space<semaphore_mem>>)
        %dma_start3A_319 = arith.constant 2 : i32
        %dma_start3A_320 = arith.constant 0 : i32
        %dma_start3A_321 = arith.constant 0 : i32
        %dma_start3A_322 = arith.constant 0 : i32
        %dma_start3A_323 = tpu.memref_slice %arg10[%sub3A_281, %dma_start3A_320, %dma_start3A_321, %dma_start3A_322] : memref<2x5x64x128xf32, #tpu.memory_space<vmem>> -> memref<1x5x64x128xf32, #tpu.memory_space<vmem>>
        %dma_start3A_324 = tpu.memref_squeeze %dma_start3A_323 : memref<1x5x64x128xf32, #tpu.memory_space<vmem>> -> memref<5x64x128xf32, #tpu.memory_space<vmem>>
        %dma_start3A_325 = arith.constant 0 : i32
        %dma_start3A_326 = arith.constant 0 : i32
        %dma_start3A_327 = tpu.memref_slice %dma_start3A_324[%dma_start3A_319, %dma_start3A_325, %dma_start3A_326] : memref<5x64x128xf32, #tpu.memory_space<vmem>> -> memref<1x64x128xf32, #tpu.memory_space<vmem>>
        %dma_start3A_328 = tpu.memref_squeeze %dma_start3A_327 : memref<1x64x128xf32, #tpu.memory_space<vmem>> -> memref<64x128xf32, #tpu.memory_space<vmem>>
        %dma_start3A_329 = arith.constant 0 : i32
        %dma_start3A_330 = tpu.memref_slice %arg9[%sub3A_281, %dma_start3A_329] : memref<2x320xi32, #tpu.memory_space<vmem>> -> memref<1x320xi32, #tpu.memory_space<vmem>>
        %dma_start3A_331 = tpu.memref_squeeze %dma_start3A_330 : memref<1x320xi32, #tpu.memory_space<vmem>> -> memref<320xi32, #tpu.memory_space<vmem>>
        %dma_start3A_332 = arith.constant 128 : i32
        %dma_start3A_333 = tpu.memref_slice %dma_start3A_331[%dma_start3A_332] : memref<320xi32, #tpu.memory_space<vmem>> -> memref<64xi32, #tpu.memory_space<vmem>>
        %dma_start3A_334 = arith.constant 0 : i32
        %dma_start3A_335 = arith.constant 0 : i32
        %dma_start3A_336 = tpu.memref_slice %arg4[%dma_start3A_334, %dma_start3A_335] : memref<40000x128xf32, #tpu.memory_space<hbm>> -> memref<40000x128xf32, #tpu.memory_space<hbm>>
        tpu.enqueue_indirect_dma source(%dma_start3A_336 : memref<40000x128xf32, #tpu.memory_space<hbm>>) target(%dma_start3A_328 : memref<64x128xf32, #tpu.memory_space<vmem>>) offsets(%dma_start3A_333 : memref<64xi32, #tpu.memory_space<vmem>>) semaphore(%arg12 : memref<!tpu.dma_semaphore, #tpu.memory_space<semaphore_mem>>)
        %dma_start3A_337 = arith.constant 3 : i32
        %dma_start3A_338 = arith.constant 0 : i32
        %dma_start3A_339 = arith.constant 0 : i32
        %dma_start3A_340 = arith.constant 0 : i32
        %dma_start3A_341 = tpu.memref_slice %arg10[%sub3A_281, %dma_start3A_338, %dma_start3A_339, %dma_start3A_340] : memref<2x5x64x128xf32, #tpu.memory_space<vmem>> -> memref<1x5x64x128xf32, #tpu.memory_space<vmem>>
        %dma_start3A_342 = tpu.memref_squeeze %dma_start3A_341 : memref<1x5x64x128xf32, #tpu.memory_space<vmem>> -> memref<5x64x128xf32, #tpu.memory_space<vmem>>
        %dma_start3A_343 = arith.constant 0 : i32
        %dma_start3A_344 = arith.constant 0 : i32
        %dma_start3A_345 = tpu.memref_slice %dma_start3A_342[%dma_start3A_337, %dma_start3A_343, %dma_start3A_344] : memref<5x64x128xf32, #tpu.memory_space<vmem>> -> memref<1x64x128xf32, #tpu.memory_space<vmem>>
        %dma_start3A_346 = tpu.memref_squeeze %dma_start3A_345 : memref<1x64x128xf32, #tpu.memory_space<vmem>> -> memref<64x128xf32, #tpu.memory_space<vmem>>
        %dma_start3A_347 = arith.constant 0 : i32
        %dma_start3A_348 = tpu.memref_slice %arg9[%sub3A_281, %dma_start3A_347] : memref<2x320xi32, #tpu.memory_space<vmem>> -> memref<1x320xi32, #tpu.memory_space<vmem>>
        %dma_start3A_349 = tpu.memref_squeeze %dma_start3A_348 : memref<1x320xi32, #tpu.memory_space<vmem>> -> memref<320xi32, #tpu.memory_space<vmem>>
        %dma_start3A_350 = arith.constant 192 : i32
        %dma_start3A_351 = tpu.memref_slice %dma_start3A_349[%dma_start3A_350] : memref<320xi32, #tpu.memory_space<vmem>> -> memref<64xi32, #tpu.memory_space<vmem>>
        %dma_start3A_352 = arith.constant 0 : i32
        %dma_start3A_353 = arith.constant 0 : i32
        %dma_start3A_354 = tpu.memref_slice %arg5[%dma_start3A_352, %dma_start3A_353] : memref<40000x128xf32, #tpu.memory_space<hbm>> -> memref<40000x128xf32, #tpu.memory_space<hbm>>
        tpu.enqueue_indirect_dma source(%dma_start3A_354 : memref<40000x128xf32, #tpu.memory_space<hbm>>) target(%dma_start3A_346 : memref<64x128xf32, #tpu.memory_space<vmem>>) offsets(%dma_start3A_351 : memref<64xi32, #tpu.memory_space<vmem>>) semaphore(%arg12 : memref<!tpu.dma_semaphore, #tpu.memory_space<semaphore_mem>>)
        %dma_start3A_355 = arith.constant 4 : i32
        %dma_start3A_356 = arith.constant 0 : i32
        %dma_start3A_357 = arith.constant 0 : i32
        %dma_start3A_358 = arith.constant 0 : i32
        %dma_start3A_359 = tpu.memref_slice %arg10[%sub3A_281, %dma_start3A_356, %dma_start3A_357, %dma_start3A_358] : memref<2x5x64x128xf32, #tpu.memory_space<vmem>> -> memref<1x5x64x128xf32, #tpu.memory_space<vmem>>
        %dma_start3A_360 = tpu.memref_squeeze %dma_start3A_359 : memref<1x5x64x128xf32, #tpu.memory_space<vmem>> -> memref<5x64x128xf32, #tpu.memory_space<vmem>>
        %dma_start3A_361 = arith.constant 0 : i32
        %dma_start3A_362 = arith.constant 0 : i32
        %dma_start3A_363 = tpu.memref_slice %dma_start3A_360[%dma_start3A_355, %dma_start3A_361, %dma_start3A_362] : memref<5x64x128xf32, #tpu.memory_space<vmem>> -> memref<1x64x128xf32, #tpu.memory_space<vmem>>
        %dma_start3A_364 = tpu.memref_squeeze %dma_start3A_363 : memref<1x64x128xf32, #tpu.memory_space<vmem>> -> memref<64x128xf32, #tpu.memory_space<vmem>>
        %dma_start3A_365 = arith.constant 0 : i32
        %dma_start3A_366 = tpu.memref_slice %arg9[%sub3A_281, %dma_start3A_365] : memref<2x320xi32, #tpu.memory_space<vmem>> -> memref<1x320xi32, #tpu.memory_space<vmem>>
        %dma_start3A_367 = tpu.memref_squeeze %dma_start3A_366 : memref<1x320xi32, #tpu.memory_space<vmem>> -> memref<320xi32, #tpu.memory_space<vmem>>
        %dma_start3A_368 = arith.constant 256 : i32
        %dma_start3A_369 = tpu.memref_slice %dma_start3A_367[%dma_start3A_368] : memref<320xi32, #tpu.memory_space<vmem>> -> memref<64xi32, #tpu.memory_space<vmem>>
        %dma_start3A_370 = arith.constant 0 : i32
        %dma_start3A_371 = arith.constant 0 : i32
        %dma_start3A_372 = tpu.memref_slice %arg6[%dma_start3A_370, %dma_start3A_371] : memref<40000x128xf32, #tpu.memory_space<hbm>> -> memref<40000x128xf32, #tpu.memory_space<hbm>>
        tpu.enqueue_indirect_dma source(%dma_start3A_372 : memref<40000x128xf32, #tpu.memory_space<hbm>>) target(%dma_start3A_364 : memref<64x128xf32, #tpu.memory_space<vmem>>) offsets(%dma_start3A_369 : memref<64xi32, #tpu.memory_space<vmem>>) semaphore(%arg12 : memref<!tpu.dma_semaphore, #tpu.memory_space<semaphore_mem>>)
      } else {
      }
      %dma_wait3A_164 = arith.constant 0 : i32
      %dma_wait3A_165 = arith.constant 0 : i32
      %dma_wait3A_166 = arith.constant 0 : i32
      %dma_wait3A_167 = arith.constant 0 : i32
      %dma_wait3A_168 = tpu.memref_slice %arg10[%rem3A_160, %dma_wait3A_165, %dma_wait3A_166, %dma_wait3A_167] : memref<2x5x64x128xf32, #tpu.memory_space<vmem>> -> memref<1x5x64x128xf32, #tpu.memory_space<vmem>>
      %dma_wait3A_169 = tpu.memref_squeeze %dma_wait3A_168 : memref<1x5x64x128xf32, #tpu.memory_space<vmem>> -> memref<5x64x128xf32, #tpu.memory_space<vmem>>
      %dma_wait3A_170 = arith.constant 0 : i32
      %dma_wait3A_171 = arith.constant 0 : i32
      %dma_wait3A_172 = tpu.memref_slice %dma_wait3A_169[%dma_wait3A_164, %dma_wait3A_170, %dma_wait3A_171] : memref<5x64x128xf32, #tpu.memory_space<vmem>> -> memref<1x64x128xf32, #tpu.memory_space<vmem>>
      %dma_wait3A_173 = tpu.memref_squeeze %dma_wait3A_172 : memref<1x64x128xf32, #tpu.memory_space<vmem>> -> memref<64x128xf32, #tpu.memory_space<vmem>>
      %dma_wait3A_174 = arith.constant 0 : i32
      %dma_wait3A_175 = tpu.memref_slice %arg9[%rem3A_160, %dma_wait3A_174] : memref<2x320xi32, #tpu.memory_space<vmem>> -> memref<1x320xi32, #tpu.memory_space<vmem>>
      %dma_wait3A_176 = tpu.memref_squeeze %dma_wait3A_175 : memref<1x320xi32, #tpu.memory_space<vmem>> -> memref<320xi32, #tpu.memory_space<vmem>>
      %dma_wait3A_177 = arith.constant 0 : i32
      %dma_wait3A_178 = tpu.memref_slice %dma_wait3A_176[%dma_wait3A_177] : memref<320xi32, #tpu.memory_space<vmem>> -> memref<64xi32, #tpu.memory_space<vmem>>
      %dma_wait3A_179 = arith.constant 0 : i32
      %dma_wait3A_180 = arith.constant 0 : i32
      %dma_wait3A_181 = tpu.memref_slice %arg2[%dma_wait3A_179, %dma_wait3A_180] : memref<40000x128xf32, #tpu.memory_space<hbm>> -> memref<40000x128xf32, #tpu.memory_space<hbm>>
      tpu.wait_indirect_dma semaphore(%arg12 : memref<!tpu.dma_semaphore, #tpu.memory_space<semaphore_mem>>) src(%dma_wait3A_181 : memref<40000x128xf32, #tpu.memory_space<hbm>>) dst(%dma_wait3A_173 : memref<64x128xf32, #tpu.memory_space<vmem>>)
      %dma_wait3A_182 = arith.constant 1 : i32
      %dma_wait3A_183 = arith.constant 0 : i32
      %dma_wait3A_184 = arith.constant 0 : i32
      %dma_wait3A_185 = arith.constant 0 : i32
      %dma_wait3A_186 = tpu.memref_slice %arg10[%rem3A_160, %dma_wait3A_183, %dma_wait3A_184, %dma_wait3A_185] : memref<2x5x64x128xf32, #tpu.memory_space<vmem>> -> memref<1x5x64x128xf32, #tpu.memory_space<vmem>>
      %dma_wait3A_187 = tpu.memref_squeeze %dma_wait3A_186 : memref<1x5x64x128xf32, #tpu.memory_space<vmem>> -> memref<5x64x128xf32, #tpu.memory_space<vmem>>
      %dma_wait3A_188 = arith.constant 0 : i32
      %dma_wait3A_189 = arith.constant 0 : i32
      %dma_wait3A_190 = tpu.memref_slice %dma_wait3A_187[%dma_wait3A_182, %dma_wait3A_188, %dma_wait3A_189] : memref<5x64x128xf32, #tpu.memory_space<vmem>> -> memref<1x64x128xf32, #tpu.memory_space<vmem>>
      %dma_wait3A_191 = tpu.memref_squeeze %dma_wait3A_190 : memref<1x64x128xf32, #tpu.memory_space<vmem>> -> memref<64x128xf32, #tpu.memory_space<vmem>>
      %dma_wait3A_192 = arith.constant 0 : i32
      %dma_wait3A_193 = tpu.memref_slice %arg9[%rem3A_160, %dma_wait3A_192] : memref<2x320xi32, #tpu.memory_space<vmem>> -> memref<1x320xi32, #tpu.memory_space<vmem>>
      %dma_wait3A_194 = tpu.memref_squeeze %dma_wait3A_193 : memref<1x320xi32, #tpu.memory_space<vmem>> -> memref<320xi32, #tpu.memory_space<vmem>>
      %dma_wait3A_195 = arith.constant 64 : i32
      %dma_wait3A_196 = tpu.memref_slice %dma_wait3A_194[%dma_wait3A_195] : memref<320xi32, #tpu.memory_space<vmem>> -> memref<64xi32, #tpu.memory_space<vmem>>
      %dma_wait3A_197 = arith.constant 0 : i32
      %dma_wait3A_198 = arith.constant 0 : i32
      %dma_wait3A_199 = tpu.memref_slice %arg3[%dma_wait3A_197, %dma_wait3A_198] : memref<40000x128xf32, #tpu.memory_space<hbm>> -> memref<40000x128xf32, #tpu.memory_space<hbm>>
      tpu.wait_indirect_dma semaphore(%arg12 : memref<!tpu.dma_semaphore, #tpu.memory_space<semaphore_mem>>) src(%dma_wait3A_199 : memref<40000x128xf32, #tpu.memory_space<hbm>>) dst(%dma_wait3A_191 : memref<64x128xf32, #tpu.memory_space<vmem>>)
      %dma_wait3A_200 = arith.constant 2 : i32
      %dma_wait3A_201 = arith.constant 0 : i32
      %dma_wait3A_202 = arith.constant 0 : i32
      %dma_wait3A_203 = arith.constant 0 : i32
      %dma_wait3A_204 = tpu.memref_slice %arg10[%rem3A_160, %dma_wait3A_201, %dma_wait3A_202, %dma_wait3A_203] : memref<2x5x64x128xf32, #tpu.memory_space<vmem>> -> memref<1x5x64x128xf32, #tpu.memory_space<vmem>>
      %dma_wait3A_205 = tpu.memref_squeeze %dma_wait3A_204 : memref<1x5x64x128xf32, #tpu.memory_space<vmem>> -> memref<5x64x128xf32, #tpu.memory_space<vmem>>
      %dma_wait3A_206 = arith.constant 0 : i32
      %dma_wait3A_207 = arith.constant 0 : i32
      %dma_wait3A_208 = tpu.memref_slice %dma_wait3A_205[%dma_wait3A_200, %dma_wait3A_206, %dma_wait3A_207] : memref<5x64x128xf32, #tpu.memory_space<vmem>> -> memref<1x64x128xf32, #tpu.memory_space<vmem>>
      %dma_wait3A_209 = tpu.memref_squeeze %dma_wait3A_208 : memref<1x64x128xf32, #tpu.memory_space<vmem>> -> memref<64x128xf32, #tpu.memory_space<vmem>>
      %dma_wait3A_210 = arith.constant 0 : i32
      %dma_wait3A_211 = tpu.memref_slice %arg9[%rem3A_160, %dma_wait3A_210] : memref<2x320xi32, #tpu.memory_space<vmem>> -> memref<1x320xi32, #tpu.memory_space<vmem>>
      %dma_wait3A_212 = tpu.memref_squeeze %dma_wait3A_211 : memref<1x320xi32, #tpu.memory_space<vmem>> -> memref<320xi32, #tpu.memory_space<vmem>>
      %dma_wait3A_213 = arith.constant 128 : i32
      %dma_wait3A_214 = tpu.memref_slice %dma_wait3A_212[%dma_wait3A_213] : memref<320xi32, #tpu.memory_space<vmem>> -> memref<64xi32, #tpu.memory_space<vmem>>
      %dma_wait3A_215 = arith.constant 0 : i32
      %dma_wait3A_216 = arith.constant 0 : i32
      %dma_wait3A_217 = tpu.memref_slice %arg4[%dma_wait3A_215, %dma_wait3A_216] : memref<40000x128xf32, #tpu.memory_space<hbm>> -> memref<40000x128xf32, #tpu.memory_space<hbm>>
      tpu.wait_indirect_dma semaphore(%arg12 : memref<!tpu.dma_semaphore, #tpu.memory_space<semaphore_mem>>) src(%dma_wait3A_217 : memref<40000x128xf32, #tpu.memory_space<hbm>>) dst(%dma_wait3A_209 : memref<64x128xf32, #tpu.memory_space<vmem>>)
      %dma_wait3A_218 = arith.constant 3 : i32
      %dma_wait3A_219 = arith.constant 0 : i32
      %dma_wait3A_220 = arith.constant 0 : i32
      %dma_wait3A_221 = arith.constant 0 : i32
      %dma_wait3A_222 = tpu.memref_slice %arg10[%rem3A_160, %dma_wait3A_219, %dma_wait3A_220, %dma_wait3A_221] : memref<2x5x64x128xf32, #tpu.memory_space<vmem>> -> memref<1x5x64x128xf32, #tpu.memory_space<vmem>>
      %dma_wait3A_223 = tpu.memref_squeeze %dma_wait3A_222 : memref<1x5x64x128xf32, #tpu.memory_space<vmem>> -> memref<5x64x128xf32, #tpu.memory_space<vmem>>
      %dma_wait3A_224 = arith.constant 0 : i32
      %dma_wait3A_225 = arith.constant 0 : i32
      %dma_wait3A_226 = tpu.memref_slice %dma_wait3A_223[%dma_wait3A_218, %dma_wait3A_224, %dma_wait3A_225] : memref<5x64x128xf32, #tpu.memory_space<vmem>> -> memref<1x64x128xf32, #tpu.memory_space<vmem>>
      %dma_wait3A_227 = tpu.memref_squeeze %dma_wait3A_226 : memref<1x64x128xf32, #tpu.memory_space<vmem>> -> memref<64x128xf32, #tpu.memory_space<vmem>>
      %dma_wait3A_228 = arith.constant 0 : i32
      %dma_wait3A_229 = tpu.memref_slice %arg9[%rem3A_160, %dma_wait3A_228] : memref<2x320xi32, #tpu.memory_space<vmem>> -> memref<1x320xi32, #tpu.memory_space<vmem>>
      %dma_wait3A_230 = tpu.memref_squeeze %dma_wait3A_229 : memref<1x320xi32, #tpu.memory_space<vmem>> -> memref<320xi32, #tpu.memory_space<vmem>>
      %dma_wait3A_231 = arith.constant 192 : i32
      %dma_wait3A_232 = tpu.memref_slice %dma_wait3A_230[%dma_wait3A_231] : memref<320xi32, #tpu.memory_space<vmem>> -> memref<64xi32, #tpu.memory_space<vmem>>
      %dma_wait3A_233 = arith.constant 0 : i32
      %dma_wait3A_234 = arith.constant 0 : i32
      %dma_wait3A_235 = tpu.memref_slice %arg5[%dma_wait3A_233, %dma_wait3A_234] : memref<40000x128xf32, #tpu.memory_space<hbm>> -> memref<40000x128xf32, #tpu.memory_space<hbm>>
      tpu.wait_indirect_dma semaphore(%arg12 : memref<!tpu.dma_semaphore, #tpu.memory_space<semaphore_mem>>) src(%dma_wait3A_235 : memref<40000x128xf32, #tpu.memory_space<hbm>>) dst(%dma_wait3A_227 : memref<64x128xf32, #tpu.memory_space<vmem>>)
      %dma_wait3A_236 = arith.constant 4 : i32
      %dma_wait3A_237 = arith.constant 0 : i32
      %dma_wait3A_238 = arith.constant 0 : i32
      %dma_wait3A_239 = arith.constant 0 : i32
      %dma_wait3A_240 = tpu.memref_slice %arg10[%rem3A_160, %dma_wait3A_237, %dma_wait3A_238, %dma_wait3A_239] : memref<2x5x64x128xf32, #tpu.memory_space<vmem>> -> memref<1x5x64x128xf32, #tpu.memory_space<vmem>>
      %dma_wait3A_241 = tpu.memref_squeeze %dma_wait3A_240 : memref<1x5x64x128xf32, #tpu.memory_space<vmem>> -> memref<5x64x128xf32, #tpu.memory_space<vmem>>
      %dma_wait3A_242 = arith.constant 0 : i32
      %dma_wait3A_243 = arith.constant 0 : i32
      %dma_wait3A_244 = tpu.memref_slice %dma_wait3A_241[%dma_wait3A_236, %dma_wait3A_242, %dma_wait3A_243] : memref<5x64x128xf32, #tpu.memory_space<vmem>> -> memref<1x64x128xf32, #tpu.memory_space<vmem>>
      %dma_wait3A_245 = tpu.memref_squeeze %dma_wait3A_244 : memref<1x64x128xf32, #tpu.memory_space<vmem>> -> memref<64x128xf32, #tpu.memory_space<vmem>>
      %dma_wait3A_246 = arith.constant 0 : i32
      %dma_wait3A_247 = tpu.memref_slice %arg9[%rem3A_160, %dma_wait3A_246] : memref<2x320xi32, #tpu.memory_space<vmem>> -> memref<1x320xi32, #tpu.memory_space<vmem>>
      %dma_wait3A_248 = tpu.memref_squeeze %dma_wait3A_247 : memref<1x320xi32, #tpu.memory_space<vmem>> -> memref<320xi32, #tpu.memory_space<vmem>>
      %dma_wait3A_249 = arith.constant 256 : i32
      %dma_wait3A_250 = tpu.memref_slice %dma_wait3A_248[%dma_wait3A_249] : memref<320xi32, #tpu.memory_space<vmem>> -> memref<64xi32, #tpu.memory_space<vmem>>
      %dma_wait3A_251 = arith.constant 0 : i32
      %dma_wait3A_252 = arith.constant 0 : i32
      %dma_wait3A_253 = tpu.memref_slice %arg6[%dma_wait3A_251, %dma_wait3A_252] : memref<40000x128xf32, #tpu.memory_space<hbm>> -> memref<40000x128xf32, #tpu.memory_space<hbm>>
      tpu.wait_indirect_dma semaphore(%arg12 : memref<!tpu.dma_semaphore, #tpu.memory_space<semaphore_mem>>) src(%dma_wait3A_253 : memref<40000x128xf32, #tpu.memory_space<hbm>>) dst(%dma_wait3A_245 : memref<64x128xf32, #tpu.memory_space<vmem>>)
      %ge3A = arith.constant 2 : i32
      %ge3A_254 = arith.cmpi sge, %while3A_158, %ge3A : i32
      %convert_element_type3A_255 = arith.extui %ge3A_254 : i1 to i32
      %cond3A_256 = arith.constant 0 : i32
      %cond3A_257 = arith.cmpi ne, %convert_element_type3A_255, %cond3A_256 : i32
      scf.if %cond3A_257 {
        %sub3A_278 = arith.constant 2 : i32
        %sub3A_279 = arith.subi %while3A_158, %sub3A_278 : i32
        %add3A_280 = arith.addi %select_n3A, %sub3A_279 : i32
        %mul3A_281 = arith.constant 64 : i32
        %mul3A_282 = arith.muli %add3A_280, %mul3A_281 : i32
        %dma_wait3A_283 = arith.constant 0 : i32
        %dma_wait3A_284 = arith.constant 0 : i32
        %dma_wait3A_285 = tpu.memref_slice %arg11[%rem3A_160, %dma_wait3A_283, %dma_wait3A_284] : memref<2x64x128xf32, #tpu.memory_space<vmem>> -> memref<1x64x128xf32, #tpu.memory_space<vmem>>
        %dma_wait3A_286 = tpu.memref_squeeze %dma_wait3A_285 : memref<1x64x128xf32, #tpu.memory_space<vmem>> -> memref<64x128xf32, #tpu.memory_space<vmem>>
        %dma_wait3A_287 = arith.constant 0 : i32
        %dma_wait3A_288 = tpu.memref_slice %arg8[%mul3A_282, %dma_wait3A_287] : memref<40960x128xf32, #tpu.memory_space<hbm>> -> memref<64x128xf32, #tpu.memory_space<hbm>>
        %dma_wait3A_289 = arith.constant 0 : i32
        %dma_wait3A_290 = tpu.memref_slice %arg8[%mul3A_282, %dma_wait3A_289] : memref<40960x128xf32, #tpu.memory_space<hbm>> -> memref<64x128xf32, #tpu.memory_space<hbm>>
        %dma_wait3A_291 = arith.constant 0 : i32
        %dma_wait3A_292 = arith.constant 0 : i32
        %dma_wait3A_293 = tpu.memref_slice %arg11[%rem3A_160, %dma_wait3A_291, %dma_wait3A_292] : memref<2x64x128xf32, #tpu.memory_space<vmem>> -> memref<1x64x128xf32, #tpu.memory_space<vmem>>
        %dma_wait3A_294 = tpu.memref_squeeze %dma_wait3A_293 : memref<1x64x128xf32, #tpu.memory_space<vmem>> -> memref<64x128xf32, #tpu.memory_space<vmem>>
        tpu.wait_dma2 semaphore(%arg13 : memref<!tpu.dma_semaphore, #tpu.memory_space<semaphore_mem>>) src(%dma_wait3A_294 : memref<64x128xf32, #tpu.memory_space<vmem>>) dst(%dma_wait3A_290 : memref<64x128xf32, #tpu.memory_space<hbm>>)
      } else {
      }
      %scan3A = arith.constant 0 : i32
      %scan3A_258 = arith.constant 0 : i32
      %scan3A_259 = arith.constant 64 : i32
      %scan3A_260 = arith.addi %scan3A_258, %scan3A_259 : i32
      %scan3A_261 = arith.constant 1 : i32
      scf.for %scan3A_278 = %scan3A_258 to %scan3A_260 step %scan3A_261  : i32 {
        %get3A = arith.constant 0 : i32
        %get3A_279 = arith.index_cast %rem3A_160 : i32 to index
        %get3A_280 = arith.index_cast %get3A : i32 to index
        %get3A_281 = arith.index_cast %scan3A_278 : i32 to index
        %get3A_282 = arith.constant 0 : index
        %get3A_283 = tpu.vector_load %arg10[%get3A_279, %get3A_280, %get3A_281, %get3A_282] {strides = array<i32>} : memref<2x5x64x128xf32, #tpu.memory_space<vmem>>, vector<1x1x1x16xf32>,
        %get3A_284 = vector.shape_cast %get3A_283 : vector<1x1x1x16xf32> to vector<16xf32>
        %get3A_285 = arith.constant 1 : i32
        %get3A_286 = arith.index_cast %rem3A_160 : i32 to index
        %get3A_287 = arith.index_cast %get3A_285 : i32 to index
        %get3A_288 = arith.index_cast %scan3A_278 : i32 to index
        %get3A_289 = arith.constant 0 : index
        %get3A_290 = tpu.vector_load %arg10[%get3A_286, %get3A_287, %get3A_288, %get3A_289] {strides = array<i32>} : memref<2x5x64x128xf32, #tpu.memory_space<vmem>>, vector<1x1x1x16xf32>,
        %get3A_291 = vector.shape_cast %get3A_290 : vector<1x1x1x16xf32> to vector<16xf32>
        %add3A_292 = arith.addf %get3A_284, %get3A_291 : vector<16xf32>
        %get3A_293 = arith.constant 2 : i32
        %get3A_294 = arith.index_cast %rem3A_160 : i32 to index
        %get3A_295 = arith.index_cast %get3A_293 : i32 to index
        %get3A_296 = arith.index_cast %scan3A_278 : i32 to index
        %get3A_297 = arith.constant 0 : index
        %get3A_298 = tpu.vector_load %arg10[%get3A_294, %get3A_295, %get3A_296, %get3A_297] {strides = array<i32>} : memref<2x5x64x128xf32, #tpu.memory_space<vmem>>, vector<1x1x1x16xf32>,
        %get3A_299 = vector.shape_cast %get3A_298 : vector<1x1x1x16xf32> to vector<16xf32>
        %get3A_300 = arith.constant 3 : i32
        %get3A_301 = arith.index_cast %rem3A_160 : i32 to index
        %get3A_302 = arith.index_cast %get3A_300 : i32 to index
        %get3A_303 = arith.index_cast %scan3A_278 : i32 to index
        %get3A_304 = arith.constant 0 : index
        %get3A_305 = tpu.vector_load %arg10[%get3A_301, %get3A_302, %get3A_303, %get3A_304] {strides = array<i32>} : memref<2x5x64x128xf32, #tpu.memory_space<vmem>>, vector<1x1x1x16xf32>,
        %get3A_306 = vector.shape_cast %get3A_305 : vector<1x1x1x16xf32> to vector<16xf32>
        %add3A_307 = arith.addf %get3A_299, %get3A_306 : vector<16xf32>
        %add3A_308 = arith.addf %add3A_292, %add3A_307 : vector<16xf32>
        %get3A_309 = arith.constant 4 : i32
        %get3A_310 = arith.index_cast %rem3A_160 : i32 to index
        %get3A_311 = arith.index_cast %get3A_309 : i32 to index
        %get3A_312 = arith.index_cast %scan3A_278 : i32 to index
        %get3A_313 = arith.constant 0 : index
        %get3A_314 = tpu.vector_load %arg10[%get3A_310, %get3A_311, %get3A_312, %get3A_313] {strides = array<i32>} : memref<2x5x64x128xf32, #tpu.memory_space<vmem>>, vector<1x1x1x16xf32>,
        %get3A_315 = vector.shape_cast %get3A_314 : vector<1x1x1x16xf32> to vector<16xf32>
        %add3A_316 = arith.addf %add3A_308, %get3A_315 : vector<16xf32>
        %swap3A = arith.index_cast %rem3A_160 : i32 to index
        %swap3A_317 = arith.index_cast %scan3A_278 : i32 to index
        %swap3A_318 = arith.constant 0 : index
        %swap3A_319 = tpu.vector_load %arg11[%swap3A, %swap3A_317, %swap3A_318] {strides = array<i32>} : memref<2x64x128xf32, #tpu.memory_space<vmem>>, vector<1x1x16xf32>,
        %swap3A_320 = vector.shape_cast %swap3A_319 : vector<1x1x16xf32> to vector<16xf32>
        %swap3A_321 = vector.shape_cast %add3A_316 : vector<16xf32> to vector<1x1x16xf32>
        tpu.vector_store %arg11[%swap3A, %swap3A_317, %swap3A_318], %swap3A_321 {strides = array<i32>} : memref<2x64x128xf32, #tpu.memory_space<vmem>>, vector<1x1x16xf32>,
        %get3A_322 = arith.constant 0 : i32
        %get3A_323 = arith.index_cast %rem3A_160 : i32 to index
        %get3A_324 = arith.index_cast %get3A_322 : i32 to index
        %get3A_325 = arith.index_cast %scan3A_278 : i32 to index
        %get3A_326 = arith.constant 16 : index
        %get3A_327 = tpu.vector_load %arg10[%get3A_323, %get3A_324, %get3A_325, %get3A_326] {strides = array<i32>} : memref<2x5x64x128xf32, #tpu.memory_space<vmem>>, vector<1x1x1x16xf32>,
        %get3A_328 = vector.shape_cast %get3A_327 : vector<1x1x1x16xf32> to vector<16xf32>
        %get3A_329 = arith.constant 1 : i32
        %get3A_330 = arith.index_cast %rem3A_160 : i32 to index
        %get3A_331 = arith.index_cast %get3A_329 : i32 to index
        %get3A_332 = arith.index_cast %scan3A_278 : i32 to index
        %get3A_333 = arith.constant 16 : index
        %get3A_334 = tpu.vector_load %arg10[%get3A_330, %get3A_331, %get3A_332, %get3A_333] {strides = array<i32>} : memref<2x5x64x128xf32, #tpu.memory_space<vmem>>, vector<1x1x1x16xf32>,
        %get3A_335 = vector.shape_cast %get3A_334 : vector<1x1x1x16xf32> to vector<16xf32>
        %add3A_336 = arith.addf %get3A_328, %get3A_335 : vector<16xf32>
        %get3A_337 = arith.constant 2 : i32
        %get3A_338 = arith.index_cast %rem3A_160 : i32 to index
        %get3A_339 = arith.index_cast %get3A_337 : i32 to index
        %get3A_340 = arith.index_cast %scan3A_278 : i32 to index
        %get3A_341 = arith.constant 16 : index
        %get3A_342 = tpu.vector_load %arg10[%get3A_338, %get3A_339, %get3A_340, %get3A_341] {strides = array<i32>} : memref<2x5x64x128xf32, #tpu.memory_space<vmem>>, vector<1x1x1x16xf32>,
        %get3A_343 = vector.shape_cast %get3A_342 : vector<1x1x1x16xf32> to vector<16xf32>
        %get3A_344 = arith.constant 3 : i32
        %get3A_345 = arith.index_cast %rem3A_160 : i32 to index
        %get3A_346 = arith.index_cast %get3A_344 : i32 to index
        %get3A_347 = arith.index_cast %scan3A_278 : i32 to index
        %get3A_348 = arith.constant 16 : index
        %get3A_349 = tpu.vector_load %arg10[%get3A_345, %get3A_346, %get3A_347, %get3A_348] {strides = array<i32>} : memref<2x5x64x128xf32, #tpu.memory_space<vmem>>, vector<1x1x1x16xf32>,
        %get3A_350 = vector.shape_cast %get3A_349 : vector<1x1x1x16xf32> to vector<16xf32>
        %add3A_351 = arith.addf %get3A_343, %get3A_350 : vector<16xf32>
        %add3A_352 = arith.addf %add3A_336, %add3A_351 : vector<16xf32>
        %get3A_353 = arith.constant 4 : i32
        %get3A_354 = arith.index_cast %rem3A_160 : i32 to index
        %get3A_355 = arith.index_cast %get3A_353 : i32 to index
        %get3A_356 = arith.index_cast %scan3A_278 : i32 to index
        %get3A_357 = arith.constant 16 : index
        %get3A_358 = tpu.vector_load %arg10[%get3A_354, %get3A_355, %get3A_356, %get3A_357] {strides = array<i32>} : memref<2x5x64x128xf32, #tpu.memory_space<vmem>>, vector<1x1x1x16xf32>,
        %get3A_359 = vector.shape_cast %get3A_358 : vector<1x1x1x16xf32> to vector<16xf32>
        %add3A_360 = arith.addf %add3A_352, %get3A_359 : vector<16xf32>
        %swap3A_361 = arith.index_cast %rem3A_160 : i32 to index
        %swap3A_362 = arith.index_cast %scan3A_278 : i32 to index
        %swap3A_363 = arith.constant 16 : index
        %swap3A_364 = tpu.vector_load %arg11[%swap3A_361, %swap3A_362, %swap3A_363] {strides = array<i32>} : memref<2x64x128xf32, #tpu.memory_space<vmem>>, vector<1x1x16xf32>,
        %swap3A_365 = vector.shape_cast %swap3A_364 : vector<1x1x16xf32> to vector<16xf32>
        %swap3A_366 = vector.shape_cast %add3A_360 : vector<16xf32> to vector<1x1x16xf32>
        tpu.vector_store %arg11[%swap3A_361, %swap3A_362, %swap3A_363], %swap3A_366 {strides = array<i32>} : memref<2x64x128xf32, #tpu.memory_space<vmem>>, vector<1x1x16xf32>,
        %get3A_367 = arith.constant 0 : i32
        %get3A_368 = arith.index_cast %rem3A_160 : i32 to index
        %get3A_369 = arith.index_cast %get3A_367 : i32 to index
        %get3A_370 = arith.index_cast %scan3A_278 : i32 to index
        %get3A_371 = arith.constant 32 : index
        %get3A_372 = tpu.vector_load %arg10[%get3A_368, %get3A_369, %get3A_370, %get3A_371] {strides = array<i32>} : memref<2x5x64x128xf32, #tpu.memory_space<vmem>>, vector<1x1x1x16xf32>,
        %get3A_373 = vector.shape_cast %get3A_372 : vector<1x1x1x16xf32> to vector<16xf32>
        %get3A_374 = arith.constant 1 : i32
        %get3A_375 = arith.index_cast %rem3A_160 : i32 to index
        %get3A_376 = arith.index_cast %get3A_374 : i32 to index
        %get3A_377 = arith.index_cast %scan3A_278 : i32 to index
        %get3A_378 = arith.constant 32 : index
        %get3A_379 = tpu.vector_load %arg10[%get3A_375, %get3A_376, %get3A_377, %get3A_378] {strides = array<i32>} : memref<2x5x64x128xf32, #tpu.memory_space<vmem>>, vector<1x1x1x16xf32>,
        %get3A_380 = vector.shape_cast %get3A_379 : vector<1x1x1x16xf32> to vector<16xf32>
        %add3A_381 = arith.addf %get3A_373, %get3A_380 : vector<16xf32>
        %get3A_382 = arith.constant 2 : i32
        %get3A_383 = arith.index_cast %rem3A_160 : i32 to index
        %get3A_384 = arith.index_cast %get3A_382 : i32 to index
        %get3A_385 = arith.index_cast %scan3A_278 : i32 to index
        %get3A_386 = arith.constant 32 : index
        %get3A_387 = tpu.vector_load %arg10[%get3A_383, %get3A_384, %get3A_385, %get3A_386] {strides = array<i32>} : memref<2x5x64x128xf32, #tpu.memory_space<vmem>>, vector<1x1x1x16xf32>,
        %get3A_388 = vector.shape_cast %get3A_387 : vector<1x1x1x16xf32> to vector<16xf32>
        %get3A_389 = arith.constant 3 : i32
        %get3A_390 = arith.index_cast %rem3A_160 : i32 to index
        %get3A_391 = arith.index_cast %get3A_389 : i32 to index
        %get3A_392 = arith.index_cast %scan3A_278 : i32 to index
        %get3A_393 = arith.constant 32 : index
        %get3A_394 = tpu.vector_load %arg10[%get3A_390, %get3A_391, %get3A_392, %get3A_393] {strides = array<i32>} : memref<2x5x64x128xf32, #tpu.memory_space<vmem>>, vector<1x1x1x16xf32>,
        %get3A_395 = vector.shape_cast %get3A_394 : vector<1x1x1x16xf32> to vector<16xf32>
        %add3A_396 = arith.addf %get3A_388, %get3A_395 : vector<16xf32>
        %add3A_397 = arith.addf %add3A_381, %add3A_396 : vector<16xf32>
        %get3A_398 = arith.constant 4 : i32
        %get3A_399 = arith.index_cast %rem3A_160 : i32 to index
        %get3A_400 = arith.index_cast %get3A_398 : i32 to index
        %get3A_401 = arith.index_cast %scan3A_278 : i32 to index
        %get3A_402 = arith.constant 32 : index
        %get3A_403 = tpu.vector_load %arg10[%get3A_399, %get3A_400, %get3A_401, %get3A_402] {strides = array<i32>} : memref<2x5x64x128xf32, #tpu.memory_space<vmem>>, vector<1x1x1x16xf32>,
        %get3A_404 = vector.shape_cast %get3A_403 : vector<1x1x1x16xf32> to vector<16xf32>
        %add3A_405 = arith.addf %add3A_397, %get3A_404 : vector<16xf32>
        %swap3A_406 = arith.index_cast %rem3A_160 : i32 to index
        %swap3A_407 = arith.index_cast %scan3A_278 : i32 to index
        %swap3A_408 = arith.constant 32 : index
        %swap3A_409 = tpu.vector_load %arg11[%swap3A_406, %swap3A_407, %swap3A_408] {strides = array<i32>} : memref<2x64x128xf32, #tpu.memory_space<vmem>>, vector<1x1x16xf32>,
        %swap3A_410 = vector.shape_cast %swap3A_409 : vector<1x1x16xf32> to vector<16xf32>
        %swap3A_411 = vector.shape_cast %add3A_405 : vector<16xf32> to vector<1x1x16xf32>
        tpu.vector_store %arg11[%swap3A_406, %swap3A_407, %swap3A_408], %swap3A_411 {strides = array<i32>} : memref<2x64x128xf32, #tpu.memory_space<vmem>>, vector<1x1x16xf32>,
        %get3A_412 = arith.constant 0 : i32
        %get3A_413 = arith.index_cast %rem3A_160 : i32 to index
        %get3A_414 = arith.index_cast %get3A_412 : i32 to index
        %get3A_415 = arith.index_cast %scan3A_278 : i32 to index
        %get3A_416 = arith.constant 48 : index
        %get3A_417 = tpu.vector_load %arg10[%get3A_413, %get3A_414, %get3A_415, %get3A_416] {strides = array<i32>} : memref<2x5x64x128xf32, #tpu.memory_space<vmem>>, vector<1x1x1x16xf32>,
        %get3A_418 = vector.shape_cast %get3A_417 : vector<1x1x1x16xf32> to vector<16xf32>
        %get3A_419 = arith.constant 1 : i32
        %get3A_420 = arith.index_cast %rem3A_160 : i32 to index
        %get3A_421 = arith.index_cast %get3A_419 : i32 to index
        %get3A_422 = arith.index_cast %scan3A_278 : i32 to index
        %get3A_423 = arith.constant 48 : index
        %get3A_424 = tpu.vector_load %arg10[%get3A_420, %get3A_421, %get3A_422, %get3A_423] {strides = array<i32>} : memref<2x5x64x128xf32, #tpu.memory_space<vmem>>, vector<1x1x1x16xf32>,
        %get3A_425 = vector.shape_cast %get3A_424 : vector<1x1x1x16xf32> to vector<16xf32>
        %add3A_426 = arith.addf %get3A_418, %get3A_425 : vector<16xf32>
        %get3A_427 = arith.constant 2 : i32
        %get3A_428 = arith.index_cast %rem3A_160 : i32 to index
        %get3A_429 = arith.index_cast %get3A_427 : i32 to index
        %get3A_430 = arith.index_cast %scan3A_278 : i32 to index
        %get3A_431 = arith.constant 48 : index
        %get3A_432 = tpu.vector_load %arg10[%get3A_428, %get3A_429, %get3A_430, %get3A_431] {strides = array<i32>} : memref<2x5x64x128xf32, #tpu.memory_space<vmem>>, vector<1x1x1x16xf32>,
        %get3A_433 = vector.shape_cast %get3A_432 : vector<1x1x1x16xf32> to vector<16xf32>
        %get3A_434 = arith.constant 3 : i32
        %get3A_435 = arith.index_cast %rem3A_160 : i32 to index
        %get3A_436 = arith.index_cast %get3A_434 : i32 to index
        %get3A_437 = arith.index_cast %scan3A_278 : i32 to index
        %get3A_438 = arith.constant 48 : index
        %get3A_439 = tpu.vector_load %arg10[%get3A_435, %get3A_436, %get3A_437, %get3A_438] {strides = array<i32>} : memref<2x5x64x128xf32, #tpu.memory_space<vmem>>, vector<1x1x1x16xf32>,
        %get3A_440 = vector.shape_cast %get3A_439 : vector<1x1x1x16xf32> to vector<16xf32>
        %add3A_441 = arith.addf %get3A_433, %get3A_440 : vector<16xf32>
        %add3A_442 = arith.addf %add3A_426, %add3A_441 : vector<16xf32>
        %get3A_443 = arith.constant 4 : i32
        %get3A_444 = arith.index_cast %rem3A_160 : i32 to index
        %get3A_445 = arith.index_cast %get3A_443 : i32 to index
        %get3A_446 = arith.index_cast %scan3A_278 : i32 to index
        %get3A_447 = arith.constant 48 : index
        %get3A_448 = tpu.vector_load %arg10[%get3A_444, %get3A_445, %get3A_446, %get3A_447] {strides = array<i32>} : memref<2x5x64x128xf32, #tpu.memory_space<vmem>>, vector<1x1x1x16xf32>,
        %get3A_449 = vector.shape_cast %get3A_448 : vector<1x1x1x16xf32> to vector<16xf32>
        %add3A_450 = arith.addf %add3A_442, %get3A_449 : vector<16xf32>
        %swap3A_451 = arith.index_cast %rem3A_160 : i32 to index
        %swap3A_452 = arith.index_cast %scan3A_278 : i32 to index
        %swap3A_453 = arith.constant 48 : index
        %swap3A_454 = tpu.vector_load %arg11[%swap3A_451, %swap3A_452, %swap3A_453] {strides = array<i32>} : memref<2x64x128xf32, #tpu.memory_space<vmem>>, vector<1x1x16xf32>,
        %swap3A_455 = vector.shape_cast %swap3A_454 : vector<1x1x16xf32> to vector<16xf32>
        %swap3A_456 = vector.shape_cast %add3A_450 : vector<16xf32> to vector<1x1x16xf32>
        tpu.vector_store %arg11[%swap3A_451, %swap3A_452, %swap3A_453], %swap3A_456 {strides = array<i32>} : memref<2x64x128xf32, #tpu.memory_space<vmem>>, vector<1x1x16xf32>,
        %get3A_457 = arith.constant 0 : i32
        %get3A_458 = arith.index_cast %rem3A_160 : i32 to index
        %get3A_459 = arith.index_cast %get3A_457 : i32 to index
        %get3A_460 = arith.index_cast %scan3A_278 : i32 to index
        %get3A_461 = arith.constant 64 : index
        %get3A_462 = tpu.vector_load %arg10[%get3A_458, %get3A_459, %get3A_460, %get3A_461] {strides = array<i32>} : memref<2x5x64x128xf32, #tpu.memory_space<vmem>>, vector<1x1x1x16xf32>,
        %get3A_463 = vector.shape_cast %get3A_462 : vector<1x1x1x16xf32> to vector<16xf32>
        %get3A_464 = arith.constant 1 : i32
        %get3A_465 = arith.index_cast %rem3A_160 : i32 to index
        %get3A_466 = arith.index_cast %get3A_464 : i32 to index
        %get3A_467 = arith.index_cast %scan3A_278 : i32 to index
        %get3A_468 = arith.constant 64 : index
        %get3A_469 = tpu.vector_load %arg10[%get3A_465, %get3A_466, %get3A_467, %get3A_468] {strides = array<i32>} : memref<2x5x64x128xf32, #tpu.memory_space<vmem>>, vector<1x1x1x16xf32>,
        %get3A_470 = vector.shape_cast %get3A_469 : vector<1x1x1x16xf32> to vector<16xf32>
        %add3A_471 = arith.addf %get3A_463, %get3A_470 : vector<16xf32>
        %get3A_472 = arith.constant 2 : i32
        %get3A_473 = arith.index_cast %rem3A_160 : i32 to index
        %get3A_474 = arith.index_cast %get3A_472 : i32 to index
        %get3A_475 = arith.index_cast %scan3A_278 : i32 to index
        %get3A_476 = arith.constant 64 : index
        %get3A_477 = tpu.vector_load %arg10[%get3A_473, %get3A_474, %get3A_475, %get3A_476] {strides = array<i32>} : memref<2x5x64x128xf32, #tpu.memory_space<vmem>>, vector<1x1x1x16xf32>,
        %get3A_478 = vector.shape_cast %get3A_477 : vector<1x1x1x16xf32> to vector<16xf32>
        %get3A_479 = arith.constant 3 : i32
        %get3A_480 = arith.index_cast %rem3A_160 : i32 to index
        %get3A_481 = arith.index_cast %get3A_479 : i32 to index
        %get3A_482 = arith.index_cast %scan3A_278 : i32 to index
        %get3A_483 = arith.constant 64 : index
        %get3A_484 = tpu.vector_load %arg10[%get3A_480, %get3A_481, %get3A_482, %get3A_483] {strides = array<i32>} : memref<2x5x64x128xf32, #tpu.memory_space<vmem>>, vector<1x1x1x16xf32>,
        %get3A_485 = vector.shape_cast %get3A_484 : vector<1x1x1x16xf32> to vector<16xf32>
        %add3A_486 = arith.addf %get3A_478, %get3A_485 : vector<16xf32>
        %add3A_487 = arith.addf %add3A_471, %add3A_486 : vector<16xf32>
        %get3A_488 = arith.constant 4 : i32
        %get3A_489 = arith.index_cast %rem3A_160 : i32 to index
        %get3A_490 = arith.index_cast %get3A_488 : i32 to index
        %get3A_491 = arith.index_cast %scan3A_278 : i32 to index
        %get3A_492 = arith.constant 64 : index
        %get3A_493 = tpu.vector_load %arg10[%get3A_489, %get3A_490, %get3A_491, %get3A_492] {strides = array<i32>} : memref<2x5x64x128xf32, #tpu.memory_space<vmem>>, vector<1x1x1x16xf32>,
        %get3A_494 = vector.shape_cast %get3A_493 : vector<1x1x1x16xf32> to vector<16xf32>
        %add3A_495 = arith.addf %add3A_487, %get3A_494 : vector<16xf32>
        %swap3A_496 = arith.index_cast %rem3A_160 : i32 to index
        %swap3A_497 = arith.index_cast %scan3A_278 : i32 to index
        %swap3A_498 = arith.constant 64 : index
        %swap3A_499 = tpu.vector_load %arg11[%swap3A_496, %swap3A_497, %swap3A_498] {strides = array<i32>} : memref<2x64x128xf32, #tpu.memory_space<vmem>>, vector<1x1x16xf32>,
        %swap3A_500 = vector.shape_cast %swap3A_499 : vector<1x1x16xf32> to vector<16xf32>
        %swap3A_501 = vector.shape_cast %add3A_495 : vector<16xf32> to vector<1x1x16xf32>
        tpu.vector_store %arg11[%swap3A_496, %swap3A_497, %swap3A_498], %swap3A_501 {strides = array<i32>} : memref<2x64x128xf32, #tpu.memory_space<vmem>>, vector<1x1x16xf32>,
        %get3A_502 = arith.constant 0 : i32
        %get3A_503 = arith.index_cast %rem3A_160 : i32 to index
        %get3A_504 = arith.index_cast %get3A_502 : i32 to index
        %get3A_505 = arith.index_cast %scan3A_278 : i32 to index
        %get3A_506 = arith.constant 80 : index
        %get3A_507 = tpu.vector_load %arg10[%get3A_503, %get3A_504, %get3A_505, %get3A_506] {strides = array<i32>} : memref<2x5x64x128xf32, #tpu.memory_space<vmem>>, vector<1x1x1x16xf32>,
        %get3A_508 = vector.shape_cast %get3A_507 : vector<1x1x1x16xf32> to vector<16xf32>
        %get3A_509 = arith.constant 1 : i32
        %get3A_510 = arith.index_cast %rem3A_160 : i32 to index
        %get3A_511 = arith.index_cast %get3A_509 : i32 to index
        %get3A_512 = arith.index_cast %scan3A_278 : i32 to index
        %get3A_513 = arith.constant 80 : index
        %get3A_514 = tpu.vector_load %arg10[%get3A_510, %get3A_511, %get3A_512, %get3A_513] {strides = array<i32>} : memref<2x5x64x128xf32, #tpu.memory_space<vmem>>, vector<1x1x1x16xf32>,
        %get3A_515 = vector.shape_cast %get3A_514 : vector<1x1x1x16xf32> to vector<16xf32>
        %add3A_516 = arith.addf %get3A_508, %get3A_515 : vector<16xf32>
        %get3A_517 = arith.constant 2 : i32
        %get3A_518 = arith.index_cast %rem3A_160 : i32 to index
        %get3A_519 = arith.index_cast %get3A_517 : i32 to index
        %get3A_520 = arith.index_cast %scan3A_278 : i32 to index
        %get3A_521 = arith.constant 80 : index
        %get3A_522 = tpu.vector_load %arg10[%get3A_518, %get3A_519, %get3A_520, %get3A_521] {strides = array<i32>} : memref<2x5x64x128xf32, #tpu.memory_space<vmem>>, vector<1x1x1x16xf32>,
        %get3A_523 = vector.shape_cast %get3A_522 : vector<1x1x1x16xf32> to vector<16xf32>
        %get3A_524 = arith.constant 3 : i32
        %get3A_525 = arith.index_cast %rem3A_160 : i32 to index
        %get3A_526 = arith.index_cast %get3A_524 : i32 to index
        %get3A_527 = arith.index_cast %scan3A_278 : i32 to index
        %get3A_528 = arith.constant 80 : index
        %get3A_529 = tpu.vector_load %arg10[%get3A_525, %get3A_526, %get3A_527, %get3A_528] {strides = array<i32>} : memref<2x5x64x128xf32, #tpu.memory_space<vmem>>, vector<1x1x1x16xf32>,
        %get3A_530 = vector.shape_cast %get3A_529 : vector<1x1x1x16xf32> to vector<16xf32>
        %add3A_531 = arith.addf %get3A_523, %get3A_530 : vector<16xf32>
        %add3A_532 = arith.addf %add3A_516, %add3A_531 : vector<16xf32>
        %get3A_533 = arith.constant 4 : i32
        %get3A_534 = arith.index_cast %rem3A_160 : i32 to index
        %get3A_535 = arith.index_cast %get3A_533 : i32 to index
        %get3A_536 = arith.index_cast %scan3A_278 : i32 to index
        %get3A_537 = arith.constant 80 : index
        %get3A_538 = tpu.vector_load %arg10[%get3A_534, %get3A_535, %get3A_536, %get3A_537] {strides = array<i32>} : memref<2x5x64x128xf32, #tpu.memory_space<vmem>>, vector<1x1x1x16xf32>,
        %get3A_539 = vector.shape_cast %get3A_538 : vector<1x1x1x16xf32> to vector<16xf32>
        %add3A_540 = arith.addf %add3A_532, %get3A_539 : vector<16xf32>
        %swap3A_541 = arith.index_cast %rem3A_160 : i32 to index
        %swap3A_542 = arith.index_cast %scan3A_278 : i32 to index
        %swap3A_543 = arith.constant 80 : index
        %swap3A_544 = tpu.vector_load %arg11[%swap3A_541, %swap3A_542, %swap3A_543] {strides = array<i32>} : memref<2x64x128xf32, #tpu.memory_space<vmem>>, vector<1x1x16xf32>,
        %swap3A_545 = vector.shape_cast %swap3A_544 : vector<1x1x16xf32> to vector<16xf32>
        %swap3A_546 = vector.shape_cast %add3A_540 : vector<16xf32> to vector<1x1x16xf32>
        tpu.vector_store %arg11[%swap3A_541, %swap3A_542, %swap3A_543], %swap3A_546 {strides = array<i32>} : memref<2x64x128xf32, #tpu.memory_space<vmem>>, vector<1x1x16xf32>,
        %get3A_547 = arith.constant 0 : i32
        %get3A_548 = arith.index_cast %rem3A_160 : i32 to index
        %get3A_549 = arith.index_cast %get3A_547 : i32 to index
        %get3A_550 = arith.index_cast %scan3A_278 : i32 to index
        %get3A_551 = arith.constant 96 : index
        %get3A_552 = tpu.vector_load %arg10[%get3A_548, %get3A_549, %get3A_550, %get3A_551] {strides = array<i32>} : memref<2x5x64x128xf32, #tpu.memory_space<vmem>>, vector<1x1x1x16xf32>,
        %get3A_553 = vector.shape_cast %get3A_552 : vector<1x1x1x16xf32> to vector<16xf32>
        %get3A_554 = arith.constant 1 : i32
        %get3A_555 = arith.index_cast %rem3A_160 : i32 to index
        %get3A_556 = arith.index_cast %get3A_554 : i32 to index
        %get3A_557 = arith.index_cast %scan3A_278 : i32 to index
        %get3A_558 = arith.constant 96 : index
        %get3A_559 = tpu.vector_load %arg10[%get3A_555, %get3A_556, %get3A_557, %get3A_558] {strides = array<i32>} : memref<2x5x64x128xf32, #tpu.memory_space<vmem>>, vector<1x1x1x16xf32>,
        %get3A_560 = vector.shape_cast %get3A_559 : vector<1x1x1x16xf32> to vector<16xf32>
        %add3A_561 = arith.addf %get3A_553, %get3A_560 : vector<16xf32>
        %get3A_562 = arith.constant 2 : i32
        %get3A_563 = arith.index_cast %rem3A_160 : i32 to index
        %get3A_564 = arith.index_cast %get3A_562 : i32 to index
        %get3A_565 = arith.index_cast %scan3A_278 : i32 to index
        %get3A_566 = arith.constant 96 : index
        %get3A_567 = tpu.vector_load %arg10[%get3A_563, %get3A_564, %get3A_565, %get3A_566] {strides = array<i32>} : memref<2x5x64x128xf32, #tpu.memory_space<vmem>>, vector<1x1x1x16xf32>,
        %get3A_568 = vector.shape_cast %get3A_567 : vector<1x1x1x16xf32> to vector<16xf32>
        %get3A_569 = arith.constant 3 : i32
        %get3A_570 = arith.index_cast %rem3A_160 : i32 to index
        %get3A_571 = arith.index_cast %get3A_569 : i32 to index
        %get3A_572 = arith.index_cast %scan3A_278 : i32 to index
        %get3A_573 = arith.constant 96 : index
        %get3A_574 = tpu.vector_load %arg10[%get3A_570, %get3A_571, %get3A_572, %get3A_573] {strides = array<i32>} : memref<2x5x64x128xf32, #tpu.memory_space<vmem>>, vector<1x1x1x16xf32>,
        %get3A_575 = vector.shape_cast %get3A_574 : vector<1x1x1x16xf32> to vector<16xf32>
        %add3A_576 = arith.addf %get3A_568, %get3A_575 : vector<16xf32>
        %add3A_577 = arith.addf %add3A_561, %add3A_576 : vector<16xf32>
        %get3A_578 = arith.constant 4 : i32
        %get3A_579 = arith.index_cast %rem3A_160 : i32 to index
        %get3A_580 = arith.index_cast %get3A_578 : i32 to index
        %get3A_581 = arith.index_cast %scan3A_278 : i32 to index
        %get3A_582 = arith.constant 96 : index
        %get3A_583 = tpu.vector_load %arg10[%get3A_579, %get3A_580, %get3A_581, %get3A_582] {strides = array<i32>} : memref<2x5x64x128xf32, #tpu.memory_space<vmem>>, vector<1x1x1x16xf32>,
        %get3A_584 = vector.shape_cast %get3A_583 : vector<1x1x1x16xf32> to vector<16xf32>
        %add3A_585 = arith.addf %add3A_577, %get3A_584 : vector<16xf32>
        %swap3A_586 = arith.index_cast %rem3A_160 : i32 to index
        %swap3A_587 = arith.index_cast %scan3A_278 : i32 to index
        %swap3A_588 = arith.constant 96 : index
        %swap3A_589 = tpu.vector_load %arg11[%swap3A_586, %swap3A_587, %swap3A_588] {strides = array<i32>} : memref<2x64x128xf32, #tpu.memory_space<vmem>>, vector<1x1x16xf32>,
        %swap3A_590 = vector.shape_cast %swap3A_589 : vector<1x1x16xf32> to vector<16xf32>
        %swap3A_591 = vector.shape_cast %add3A_585 : vector<16xf32> to vector<1x1x16xf32>
        tpu.vector_store %arg11[%swap3A_586, %swap3A_587, %swap3A_588], %swap3A_591 {strides = array<i32>} : memref<2x64x128xf32, #tpu.memory_space<vmem>>, vector<1x1x16xf32>,
        %get3A_592 = arith.constant 0 : i32
        %get3A_593 = arith.index_cast %rem3A_160 : i32 to index
        %get3A_594 = arith.index_cast %get3A_592 : i32 to index
        %get3A_595 = arith.index_cast %scan3A_278 : i32 to index
        %get3A_596 = arith.constant 112 : index
        %get3A_597 = tpu.vector_load %arg10[%get3A_593, %get3A_594, %get3A_595, %get3A_596] {strides = array<i32>} : memref<2x5x64x128xf32, #tpu.memory_space<vmem>>, vector<1x1x1x16xf32>,
        %get3A_598 = vector.shape_cast %get3A_597 : vector<1x1x1x16xf32> to vector<16xf32>
        %get3A_599 = arith.constant 1 : i32
        %get3A_600 = arith.index_cast %rem3A_160 : i32 to index
        %get3A_601 = arith.index_cast %get3A_599 : i32 to index
        %get3A_602 = arith.index_cast %scan3A_278 : i32 to index
        %get3A_603 = arith.constant 112 : index
        %get3A_604 = tpu.vector_load %arg10[%get3A_600, %get3A_601, %get3A_602, %get3A_603] {strides = array<i32>} : memref<2x5x64x128xf32, #tpu.memory_space<vmem>>, vector<1x1x1x16xf32>,
        %get3A_605 = vector.shape_cast %get3A_604 : vector<1x1x1x16xf32> to vector<16xf32>
        %add3A_606 = arith.addf %get3A_598, %get3A_605 : vector<16xf32>
        %get3A_607 = arith.constant 2 : i32
        %get3A_608 = arith.index_cast %rem3A_160 : i32 to index
        %get3A_609 = arith.index_cast %get3A_607 : i32 to index
        %get3A_610 = arith.index_cast %scan3A_278 : i32 to index
        %get3A_611 = arith.constant 112 : index
        %get3A_612 = tpu.vector_load %arg10[%get3A_608, %get3A_609, %get3A_610, %get3A_611] {strides = array<i32>} : memref<2x5x64x128xf32, #tpu.memory_space<vmem>>, vector<1x1x1x16xf32>,
        %get3A_613 = vector.shape_cast %get3A_612 : vector<1x1x1x16xf32> to vector<16xf32>
        %get3A_614 = arith.constant 3 : i32
        %get3A_615 = arith.index_cast %rem3A_160 : i32 to index
        %get3A_616 = arith.index_cast %get3A_614 : i32 to index
        %get3A_617 = arith.index_cast %scan3A_278 : i32 to index
        %get3A_618 = arith.constant 112 : index
        %get3A_619 = tpu.vector_load %arg10[%get3A_615, %get3A_616, %get3A_617, %get3A_618] {strides = array<i32>} : memref<2x5x64x128xf32, #tpu.memory_space<vmem>>, vector<1x1x1x16xf32>,
        %get3A_620 = vector.shape_cast %get3A_619 : vector<1x1x1x16xf32> to vector<16xf32>
        %add3A_621 = arith.addf %get3A_613, %get3A_620 : vector<16xf32>
        %add3A_622 = arith.addf %add3A_606, %add3A_621 : vector<16xf32>
        %get3A_623 = arith.constant 4 : i32
        %get3A_624 = arith.index_cast %rem3A_160 : i32 to index
        %get3A_625 = arith.index_cast %get3A_623 : i32 to index
        %get3A_626 = arith.index_cast %scan3A_278 : i32 to index
        %get3A_627 = arith.constant 112 : index
        %get3A_628 = tpu.vector_load %arg10[%get3A_624, %get3A_625, %get3A_626, %get3A_627] {strides = array<i32>} : memref<2x5x64x128xf32, #tpu.memory_space<vmem>>, vector<1x1x1x16xf32>,
        %get3A_629 = vector.shape_cast %get3A_628 : vector<1x1x1x16xf32> to vector<16xf32>
        %add3A_630 = arith.addf %add3A_622, %get3A_629 : vector<16xf32>
        %swap3A_631 = arith.index_cast %rem3A_160 : i32 to index
        %swap3A_632 = arith.index_cast %scan3A_278 : i32 to index
        %swap3A_633 = arith.constant 112 : index
        %swap3A_634 = tpu.vector_load %arg11[%swap3A_631, %swap3A_632, %swap3A_633] {strides = array<i32>} : memref<2x64x128xf32, #tpu.memory_space<vmem>>, vector<1x1x16xf32>,
        %swap3A_635 = vector.shape_cast %swap3A_634 : vector<1x1x16xf32> to vector<16xf32>
        %swap3A_636 = vector.shape_cast %add3A_630 : vector<16xf32> to vector<1x1x16xf32>
        tpu.vector_store %arg11[%swap3A_631, %swap3A_632, %swap3A_633], %swap3A_636 {strides = array<i32>} : memref<2x64x128xf32, #tpu.memory_space<vmem>>, vector<1x1x16xf32>,
      }
      %scan3A_262 = arith.constant 64 : i32
      %add3A_263 = arith.addi %select_n3A, %while3A_158 : i32
      %mul3A_264 = arith.constant 64 : i32
      %mul3A_265 = arith.muli %add3A_263, %mul3A_264 : i32
      %dma_start3A_266 = arith.constant 0 : i32
      %dma_start3A_267 = arith.constant 0 : i32
      %dma_start3A_268 = tpu.memref_slice %arg11[%rem3A_160, %dma_start3A_266, %dma_start3A_267] : memref<2x64x128xf32, #tpu.memory_space<vmem>> -> memref<1x64x128xf32, #tpu.memory_space<vmem>>
      %dma_start3A_269 = tpu.memref_squeeze %dma_start3A_268 : memref<1x64x128xf32, #tpu.memory_space<vmem>> -> memref<64x128xf32, #tpu.memory_space<vmem>>
      %dma_start3A_270 = arith.constant 0 : i32
      %dma_start3A_271 = tpu.memref_slice %arg8[%mul3A_265, %dma_start3A_270] : memref<40960x128xf32, #tpu.memory_space<hbm>> -> memref<64x128xf32, #tpu.memory_space<hbm>>
      %dma_start3A_272 = arith.constant 0 : i32
      %dma_start3A_273 = tpu.memref_slice %arg8[%mul3A_265, %dma_start3A_272] : memref<40960x128xf32, #tpu.memory_space<hbm>> -> memref<64x128xf32, #tpu.memory_space<hbm>>
      %dma_start3A_274 = arith.constant 0 : i32
      %dma_start3A_275 = arith.constant 0 : i32
      %dma_start3A_276 = tpu.memref_slice %arg11[%rem3A_160, %dma_start3A_274, %dma_start3A_275] : memref<2x64x128xf32, #tpu.memory_space<vmem>> -> memref<1x64x128xf32, #tpu.memory_space<vmem>>
      %dma_start3A_277 = tpu.memref_squeeze %dma_start3A_276 : memref<1x64x128xf32, #tpu.memory_space<vmem>> -> memref<64x128xf32, #tpu.memory_space<vmem>>
      tpu.enqueue_dma source(%dma_start3A_277 : memref<64x128xf32, #tpu.memory_space<vmem>>) target(%dma_start3A_273 : memref<64x128xf32, #tpu.memory_space<hbm>>) target_semaphore(%arg13 : memref<!tpu.dma_semaphore, #tpu.memory_space<semaphore_mem>>)
    }
    %sub3A = arith.constant 2 : i32
    %sub3A_119 = arith.subi %select_n3A_8, %sub3A : i32
    %sub3A_120 = arith.constant 2 : i32
    %sub3A_121 = arith.subi %select_n3A_8, %sub3A_120 : i32
    %rem3A = arith.constant 2 : i32
    %rem3A_122 = arith.remsi %sub3A_121, %rem3A : i32
    %add3A_123 = arith.addi %select_n3A, %sub3A_119 : i32
    %mul3A_124 = arith.constant 64 : i32
    %mul3A_125 = arith.muli %add3A_123, %mul3A_124 : i32
    %dma_wait3A = arith.constant 0 : i32
    %dma_wait3A_126 = arith.constant 0 : i32
    %dma_wait3A_127 = tpu.memref_slice %arg11[%rem3A_122, %dma_wait3A, %dma_wait3A_126] : memref<2x64x128xf32, #tpu.memory_space<vmem>> -> memref<1x64x128xf32, #tpu.memory_space<vmem>>
    %dma_wait3A_128 = tpu.memref_squeeze %dma_wait3A_127 : memref<1x64x128xf32, #tpu.memory_space<vmem>> -> memref<64x128xf32, #tpu.memory_space<vmem>>
    %dma_wait3A_129 = arith.constant 0 : i32
    %dma_wait3A_130 = tpu.memref_slice %arg8[%mul3A_125, %dma_wait3A_129] : memref<40960x128xf32, #tpu.memory_space<hbm>> -> memref<64x128xf32, #tpu.memory_space<hbm>>
    %dma_wait3A_131 = arith.constant 0 : i32
    %dma_wait3A_132 = tpu.memref_slice %arg8[%mul3A_125, %dma_wait3A_131] : memref<40960x128xf32, #tpu.memory_space<hbm>> -> memref<64x128xf32, #tpu.memory_space<hbm>>
    %dma_wait3A_133 = arith.constant 0 : i32
    %dma_wait3A_134 = arith.constant 0 : i32
    %dma_wait3A_135 = tpu.memref_slice %arg11[%rem3A_122, %dma_wait3A_133, %dma_wait3A_134] : memref<2x64x128xf32, #tpu.memory_space<vmem>> -> memref<1x64x128xf32, #tpu.memory_space<vmem>>
    %dma_wait3A_136 = tpu.memref_squeeze %dma_wait3A_135 : memref<1x64x128xf32, #tpu.memory_space<vmem>> -> memref<64x128xf32, #tpu.memory_space<vmem>>
    tpu.wait_dma2 semaphore(%arg13 : memref<!tpu.dma_semaphore, #tpu.memory_space<semaphore_mem>>) src(%dma_wait3A_136 : memref<64x128xf32, #tpu.memory_space<vmem>>) dst(%dma_wait3A_132 : memref<64x128xf32, #tpu.memory_space<hbm>>)
    %sub3A_137 = arith.constant 1 : i32
    %sub3A_138 = arith.subi %select_n3A_8, %sub3A_137 : i32
    %sub3A_139 = arith.constant 1 : i32
    %sub3A_140 = arith.subi %select_n3A_8, %sub3A_139 : i32
    %rem3A_141 = arith.constant 2 : i32
    %rem3A_142 = arith.remsi %sub3A_140, %rem3A_141 : i32
    %add3A_143 = arith.addi %select_n3A, %sub3A_138 : i32
    %mul3A_144 = arith.constant 64 : i32
    %mul3A_145 = arith.muli %add3A_143, %mul3A_144 : i32
    %dma_wait3A_146 = arith.constant 0 : i32
    %dma_wait3A_147 = arith.constant 0 : i32
    %dma_wait3A_148 = tpu.memref_slice %arg11[%rem3A_142, %dma_wait3A_146, %dma_wait3A_147] : memref<2x64x128xf32, #tpu.memory_space<vmem>> -> memref<1x64x128xf32, #tpu.memory_space<vmem>>
    %dma_wait3A_149 = tpu.memref_squeeze %dma_wait3A_148 : memref<1x64x128xf32, #tpu.memory_space<vmem>> -> memref<64x128xf32, #tpu.memory_space<vmem>>
    %dma_wait3A_150 = arith.constant 0 : i32
    %dma_wait3A_151 = tpu.memref_slice %arg8[%mul3A_145, %dma_wait3A_150] : memref<40960x128xf32, #tpu.memory_space<hbm>> -> memref<64x128xf32, #tpu.memory_space<hbm>>
    %dma_wait3A_152 = arith.constant 0 : i32
    %dma_wait3A_153 = tpu.memref_slice %arg8[%mul3A_145, %dma_wait3A_152] : memref<40960x128xf32, #tpu.memory_space<hbm>> -> memref<64x128xf32, #tpu.memory_space<hbm>>
    %dma_wait3A_154 = arith.constant 0 : i32
    %dma_wait3A_155 = arith.constant 0 : i32
    %dma_wait3A_156 = tpu.memref_slice %arg11[%rem3A_142, %dma_wait3A_154, %dma_wait3A_155] : memref<2x64x128xf32, #tpu.memory_space<vmem>> -> memref<1x64x128xf32, #tpu.memory_space<vmem>>
    %dma_wait3A_157 = tpu.memref_squeeze %dma_wait3A_156 : memref<1x64x128xf32, #tpu.memory_space<vmem>> -> memref<64x128xf32, #tpu.memory_space<vmem>>
    tpu.wait_dma2 semaphore(%arg13 : memref<!tpu.dma_semaphore, #tpu.memory_space<semaphore_mem>>) src(%dma_wait3A_157 : memref<64x128xf32, #tpu.memory_space<vmem>>) dst(%dma_wait3A_153 : memref<64x128xf32, #tpu.memory_space<hbm>>)
    return
  }
}

module attributes {stable_mosaic.version = 14 : i64} {
  func.func @_mm_body(%arg0: i32, %arg1: memref<2000x256xf32, #tpu.memory_space<vmem>>, %arg2: memref<256x896xbf16, #tpu.memory_space<vmem>>, %arg3: memref<256x896xbf16, #tpu.memory_space<vmem>>, %arg4: memref<2000x128xf32, #tpu.memory_space<vmem>>, %arg5: memref<2000x128xf32, #tpu.memory_space<vmem>>, %arg6: memref<2000x128xf32, #tpu.memory_space<vmem>>, %arg7: memref<2000x128xf32, #tpu.memory_space<vmem>>, %arg8: memref<2000x128xf32, #tpu.memory_space<vmem>>, %arg9: memref<2000x128xf32, #tpu.memory_space<vmem>>, %arg10: memref<2000x128xf32, #tpu.memory_space<vmem>>) attributes {dimension_semantics = [#tpu.dimension_semantics<arbitrary>], iteration_bounds = array<i64: 20>, scalar_prefetch = 0 : i64, scratch_operands = 0 : i64, tpu.core_type = #tpu.core_type<tc>, window_params = [{transform_indices = @transform_0, window_bounds = array<i64: 2000, 256>}, {pipeline_mode = #tpu.pipeline_mode<synchronous>, transform_indices = @transform_1, window_bounds = array<i64: 256, 896>}, {pipeline_mode = #tpu.pipeline_mode<synchronous>, transform_indices = @transform_2, window_bounds = array<i64: 256, 896>}, {transform_indices = @transform_3, window_bounds = array<i64: 2000, 128>}, {transform_indices = @transform_4, window_bounds = array<i64: 2000, 128>}, {transform_indices = @transform_5, window_bounds = array<i64: 2000, 128>}, {transform_indices = @transform_6, window_bounds = array<i64: 2000, 128>}, {transform_indices = @transform_7, window_bounds = array<i64: 2000, 128>}, {transform_indices = @transform_8, window_bounds = array<i64: 2000, 128>}, {transform_indices = @transform_9, window_bounds = array<i64: 2000, 128>}]} {
    %get3A = arith.constant 0 : index
    %get3A_0 = arith.constant 0 : index
    %get3A_1 = vector.load %arg1[%get3A, %get3A_0] : memref<2000x256xf32, #tpu.memory_space<vmem>>, vector<2000x256xf32>
    %get3A_2 = arith.constant 0 : index
    %get3A_3 = arith.constant 0 : index
    %get3A_4 = vector.load %arg2[%get3A_2, %get3A_3] : memref<256x896xbf16, #tpu.memory_space<vmem>>, vector<256x896xbf16>
    %get3A_5 = arith.constant 0 : index
    %get3A_6 = arith.constant 0 : index
    %get3A_7 = vector.load %arg3[%get3A_5, %get3A_6] : memref<256x896xbf16, #tpu.memory_space<vmem>>, vector<256x896xbf16>
    %convert_element_type3A = arith.truncf %get3A_1 : vector<2000x256xf32> to vector<2000x256xbf16>
    %convert_element_type3A_8 = arith.extf %convert_element_type3A : vector<2000x256xbf16> to vector<2000x256xf32>
    %sub3A = arith.subf %get3A_1, %convert_element_type3A_8 : vector<2000x256xf32>
    %convert_element_type3A_9 = arith.truncf %sub3A : vector<2000x256xf32> to vector<2000x256xbf16>
    %dot_general3A = arith.constant dense<0.000000e+00> : vector<2000x896xf32>
    %dot_general3A_10 = tpu.matmul %convert_element_type3A, %get3A_4, %dot_general3A {dimension_numbers = #tpu.dot_dimension_numbers<[1], [0], [0], [1], [0, 0, 1, 1], [], []>, transpose_lhs_hint = false} : vector<2000x256xbf16>, vector<256x896xbf16>, vector<2000x896xf32> -> vector<2000x896xf32>
    %dot_general3A_11 = arith.constant dense<0.000000e+00> : vector<2000x896xf32>
    %dot_general3A_12 = tpu.matmul %convert_element_type3A, %get3A_7, %dot_general3A_11 {dimension_numbers = #tpu.dot_dimension_numbers<[1], [0], [0], [1], [0, 0, 1, 1], [], []>, transpose_lhs_hint = false} : vector<2000x256xbf16>, vector<256x896xbf16>, vector<2000x896xf32> -> vector<2000x896xf32>
    %add3A = arith.addf %dot_general3A_10, %dot_general3A_12 : vector<2000x896xf32>
    %dot_general3A_13 = arith.constant dense<0.000000e+00> : vector<2000x896xf32>
    %dot_general3A_14 = tpu.matmul %convert_element_type3A_9, %get3A_4, %dot_general3A_13 {dimension_numbers = #tpu.dot_dimension_numbers<[1], [0], [0], [1], [0, 0, 1, 1], [], []>, transpose_lhs_hint = false} : vector<2000x256xbf16>, vector<256x896xbf16>, vector<2000x896xf32> -> vector<2000x896xf32>
    %add3A_15 = arith.addf %add3A, %dot_general3A_14 : vector<2000x896xf32>
    %slice3A = vector.extract_strided_slice %add3A_15 {offsets = [0, 0], sizes = [2000, 128], strides = [1, 1]} : vector<2000x896xf32> to vector<2000x128xf32>
    %swap3A = arith.constant 0 : index
    %swap3A_16 = arith.constant 0 : index
    %swap3A_17 = vector.load %arg4[%swap3A, %swap3A_16] : memref<2000x128xf32, #tpu.memory_space<vmem>>, vector<2000x128xf32>
    tpu.vector_store %arg4[%swap3A, %swap3A_16], %slice3A {strides = array<i32>} : memref<2000x128xf32, #tpu.memory_space<vmem>>, vector<2000x128xf32>,
    %slice3A_18 = vector.extract_strided_slice %add3A_15 {offsets = [0, 128], sizes = [2000, 128], strides = [1, 1]} : vector<2000x896xf32> to vector<2000x128xf32>
    %swap3A_19 = arith.constant 0 : index
    %swap3A_20 = arith.constant 0 : index
    %swap3A_21 = vector.load %arg5[%swap3A_19, %swap3A_20] : memref<2000x128xf32, #tpu.memory_space<vmem>>, vector<2000x128xf32>
    tpu.vector_store %arg5[%swap3A_19, %swap3A_20], %slice3A_18 {strides = array<i32>} : memref<2000x128xf32, #tpu.memory_space<vmem>>, vector<2000x128xf32>,
    %slice3A_22 = vector.extract_strided_slice %add3A_15 {offsets = [0, 256], sizes = [2000, 128], strides = [1, 1]} : vector<2000x896xf32> to vector<2000x128xf32>
    %swap3A_23 = arith.constant 0 : index
    %swap3A_24 = arith.constant 0 : index
    %swap3A_25 = vector.load %arg6[%swap3A_23, %swap3A_24] : memref<2000x128xf32, #tpu.memory_space<vmem>>, vector<2000x128xf32>
    tpu.vector_store %arg6[%swap3A_23, %swap3A_24], %slice3A_22 {strides = array<i32>} : memref<2000x128xf32, #tpu.memory_space<vmem>>, vector<2000x128xf32>,
    %slice3A_26 = vector.extract_strided_slice %add3A_15 {offsets = [0, 384], sizes = [2000, 128], strides = [1, 1]} : vector<2000x896xf32> to vector<2000x128xf32>
    %swap3A_27 = arith.constant 0 : index
    %swap3A_28 = arith.constant 0 : index
    %swap3A_29 = vector.load %arg7[%swap3A_27, %swap3A_28] : memref<2000x128xf32, #tpu.memory_space<vmem>>, vector<2000x128xf32>
    tpu.vector_store %arg7[%swap3A_27, %swap3A_28], %slice3A_26 {strides = array<i32>} : memref<2000x128xf32, #tpu.memory_space<vmem>>, vector<2000x128xf32>,
    %slice3A_30 = vector.extract_strided_slice %add3A_15 {offsets = [0, 512], sizes = [2000, 128], strides = [1, 1]} : vector<2000x896xf32> to vector<2000x128xf32>
    %swap3A_31 = arith.constant 0 : index
    %swap3A_32 = arith.constant 0 : index
    %swap3A_33 = vector.load %arg8[%swap3A_31, %swap3A_32] : memref<2000x128xf32, #tpu.memory_space<vmem>>, vector<2000x128xf32>
    tpu.vector_store %arg8[%swap3A_31, %swap3A_32], %slice3A_30 {strides = array<i32>} : memref<2000x128xf32, #tpu.memory_space<vmem>>, vector<2000x128xf32>,
    %slice3A_34 = vector.extract_strided_slice %add3A_15 {offsets = [0, 640], sizes = [2000, 128], strides = [1, 1]} : vector<2000x896xf32> to vector<2000x128xf32>
    %swap3A_35 = arith.constant 0 : index
    %swap3A_36 = arith.constant 0 : index
    %swap3A_37 = vector.load %arg9[%swap3A_35, %swap3A_36] : memref<2000x128xf32, #tpu.memory_space<vmem>>, vector<2000x128xf32>
    tpu.vector_store %arg9[%swap3A_35, %swap3A_36], %slice3A_34 {strides = array<i32>} : memref<2000x128xf32, #tpu.memory_space<vmem>>, vector<2000x128xf32>,
    %slice3A_38 = vector.extract_strided_slice %add3A_15 {offsets = [0, 768], sizes = [2000, 128], strides = [1, 1]} : vector<2000x896xf32> to vector<2000x128xf32>
    %swap3A_39 = arith.constant 0 : index
    %swap3A_40 = arith.constant 0 : index
    %swap3A_41 = vector.load %arg10[%swap3A_39, %swap3A_40] : memref<2000x128xf32, #tpu.memory_space<vmem>>, vector<2000x128xf32>
    tpu.vector_store %arg10[%swap3A_39, %swap3A_40], %slice3A_38 {strides = array<i32>} : memref<2000x128xf32, #tpu.memory_space<vmem>>, vector<2000x128xf32>,
    return
  }
  func.func @transform_0(%arg0: i32) -> (i32, i32) {
    %c0_i32 = arith.constant 0 : i32
    %c0_i32_0 = arith.constant 0 : i32
    return %arg0, %c0_i32 : i32, i32
  }
  func.func @transform_1(%arg0: i32) -> (i32, i32) {
    %c0_i32 = arith.constant 0 : i32
    %c0_i32_0 = arith.constant 0 : i32
    %c0_i32_1 = arith.constant 0 : i32
    return %c0_i32, %c0_i32_0 : i32, i32
  }
  func.func @transform_2(%arg0: i32) -> (i32, i32) {
    %c0_i32 = arith.constant 0 : i32
    %c0_i32_0 = arith.constant 0 : i32
    %c0_i32_1 = arith.constant 0 : i32
    return %c0_i32, %c0_i32_0 : i32, i32
  }
  func.func @transform_3(%arg0: i32) -> (i32, i32) {
    %c0_i32 = arith.constant 0 : i32
    %c0_i32_0 = arith.constant 0 : i32
    return %arg0, %c0_i32 : i32, i32
  }
  func.func @transform_4(%arg0: i32) -> (i32, i32) {
    %c0_i32 = arith.constant 0 : i32
    %c0_i32_0 = arith.constant 0 : i32
    return %arg0, %c0_i32 : i32, i32
  }
  func.func @transform_5(%arg0: i32) -> (i32, i32) {
    %c0_i32 = arith.constant 0 : i32
    %c0_i32_0 = arith.constant 0 : i32
    return %arg0, %c0_i32 : i32, i32
  }
  func.func @transform_6(%arg0: i32) -> (i32, i32) {
    %c0_i32 = arith.constant 0 : i32
    %c0_i32_0 = arith.constant 0 : i32
    return %arg0, %c0_i32 : i32, i32
  }
  func.func @transform_7(%arg0: i32) -> (i32, i32) {
    %c0_i32 = arith.constant 0 : i32
    %c0_i32_0 = arith.constant 0 : i32
    return %arg0, %c0_i32 : i32, i32
  }
  func.func @transform_8(%arg0: i32) -> (i32, i32) {
    %c0_i32 = arith.constant 0 : i32
    %c0_i32_0 = arith.constant 0 : i32
    return %arg0, %c0_i32 : i32, i32
  }
  func.func @transform_9(%arg0: i32) -> (i32, i32) {
    %c0_i32 = arith.constant 0 : i32
    %c0_i32_0 = arith.constant 0 : i32
    return %arg0, %c0_i32 : i32, i32
  }
}

module attributes {stable_mosaic.version = 14 : i64} {
  func.func @_stats2_body(%arg0: i32, %arg1: memref<10000x128xf32, #tpu.memory_space<vmem>>, %arg2: memref<10000x128xf32, #tpu.memory_space<vmem>>, %arg3: memref<1x8x128xf32, #tpu.memory_space<vmem>>, %arg4: memref<1x8x128xf32, #tpu.memory_space<vmem>>) attributes {dimension_semantics = [#tpu.dimension_semantics<arbitrary>], iteration_bounds = array<i64: 4>, scalar_prefetch = 0 : i64, scratch_operands = 0 : i64, tpu.core_type = #tpu.core_type<tc>, window_params = [{transform_indices = @transform_0, window_bounds = array<i64: 10000, 128>}, {transform_indices = @transform_1, window_bounds = array<i64: 10000, 128>}, {transform_indices = @transform_2, window_bounds = array<i64: 1, 8, 128>}, {transform_indices = @transform_3, window_bounds = array<i64: 1, 8, 128>}]} {
    %get3A = arith.constant 0 : index
    %get3A_0 = arith.constant 0 : index
    %get3A_1 = vector.load %arg1[%get3A, %get3A_0] : memref<10000x128xf32, #tpu.memory_space<vmem>>, vector<10000x128xf32>
    %get3A_2 = arith.constant 0 : index
    %get3A_3 = arith.constant 0 : index
    %get3A_4 = vector.load %arg2[%get3A_2, %get3A_3] : memref<10000x128xf32, #tpu.memory_space<vmem>>, vector<10000x128xf32>
    %add3A = arith.addf %get3A_1, %get3A_4 : vector<10000x128xf32>
    %reduce_sum3A = arith.constant dense<0.000000e+00> : vector<128xf32>
    %reduce_sum3A_5 = vector.multi_reduction <add>, %add3A, %reduce_sum3A [0] : vector<10000x128xf32> to vector<128xf32>
    %broadcast_in_dim3A = vector.shape_cast %reduce_sum3A_5 : vector<128xf32> to vector<1x128xf32>
    %div3A = arith.constant 1.000000e+04 : f32
    %div3A_6 = vector.broadcast %div3A : f32 to vector<1x128xf32>
    %div3A_7 = arith.divf %broadcast_in_dim3A, %div3A_6 : vector<1x128xf32>
    %sub3A = vector.broadcast %div3A_7 : vector<1x128xf32> to vector<10000x128xf32>
    %sub3A_8 = arith.subf %add3A, %sub3A : vector<10000x128xf32>
    %sub3A_9 = vector.broadcast %div3A_7 : vector<1x128xf32> to vector<10000x128xf32>
    %sub3A_10 = arith.subf %add3A, %sub3A_9 : vector<10000x128xf32>
    %mul3A = arith.mulf %sub3A_8, %sub3A_10 : vector<10000x128xf32>
    %reduce_sum3A_11 = arith.constant dense<0.000000e+00> : vector<128xf32>
    %reduce_sum3A_12 = vector.multi_reduction <add>, %mul3A, %reduce_sum3A_11 [0] : vector<10000x128xf32> to vector<128xf32>
    %broadcast_in_dim3A_13 = vector.shape_cast %reduce_sum3A_12 : vector<128xf32> to vector<1x128xf32>
    %div3A_14 = arith.constant 1.000000e+04 : f32
    %div3A_15 = vector.broadcast %div3A_14 : f32 to vector<1x128xf32>
    %div3A_16 = arith.divf %broadcast_in_dim3A_13, %div3A_15 : vector<1x128xf32>
    %broadcast_in_dim3A_17 = vector.shape_cast %div3A_7 : vector<1x128xf32> to vector<1x1x128xf32>
    %broadcast_in_dim3A_18 = vector.shape_cast %broadcast_in_dim3A_17 : vector<1x1x128xf32> to vector<1x1x128xf32>
    %broadcast_in_dim3A_19 = vector.broadcast %broadcast_in_dim3A_18 : vector<1x1x128xf32> to vector<1x8x128xf32>
    %swap3A = arith.constant 0 : index
    %swap3A_20 = arith.constant 0 : index
    %swap3A_21 = arith.constant 0 : index
    %swap3A_22 = vector.load %arg3[%swap3A, %swap3A_20, %swap3A_21] : memref<1x8x128xf32, #tpu.memory_space<vmem>>, vector<1x8x128xf32>
    tpu.vector_store %arg3[%swap3A, %swap3A_20, %swap3A_21], %broadcast_in_dim3A_19 {strides = array<i32>} : memref<1x8x128xf32, #tpu.memory_space<vmem>>, vector<1x8x128xf32>,
    %add3A_23 = arith.constant 9.99999974E-6 : f32
    %add3A_24 = vector.broadcast %add3A_23 : f32 to vector<1x128xf32>
    %add3A_25 = arith.addf %div3A_16, %add3A_24 : vector<1x128xf32>
    %rsqrt3A = math.rsqrt %add3A_25 : vector<1x128xf32>
    %broadcast_in_dim3A_26 = vector.shape_cast %rsqrt3A : vector<1x128xf32> to vector<1x1x128xf32>
    %broadcast_in_dim3A_27 = vector.shape_cast %broadcast_in_dim3A_26 : vector<1x1x128xf32> to vector<1x1x128xf32>
    %broadcast_in_dim3A_28 = vector.broadcast %broadcast_in_dim3A_27 : vector<1x1x128xf32> to vector<1x8x128xf32>
    %swap3A_29 = arith.constant 0 : index
    %swap3A_30 = arith.constant 0 : index
    %swap3A_31 = arith.constant 0 : index
    %swap3A_32 = vector.load %arg4[%swap3A_29, %swap3A_30, %swap3A_31] : memref<1x8x128xf32, #tpu.memory_space<vmem>>, vector<1x8x128xf32>
    tpu.vector_store %arg4[%swap3A_29, %swap3A_30, %swap3A_31], %broadcast_in_dim3A_28 {strides = array<i32>} : memref<1x8x128xf32, #tpu.memory_space<vmem>>, vector<1x8x128xf32>,
    return
  }
  func.func @transform_0(%arg0: i32) -> (i32, i32) {
    %c0_i32 = arith.constant 0 : i32
    %c0_i32_0 = arith.constant 0 : i32
    return %arg0, %c0_i32 : i32, i32
  }
  func.func @transform_1(%arg0: i32) -> (i32, i32) {
    %c0_i32 = arith.constant 0 : i32
    %c0_i32_0 = arith.constant 0 : i32
    return %arg0, %c0_i32 : i32, i32
  }
  func.func @transform_2(%arg0: i32) -> (i32, i32, i32) {
    %c0_i32 = arith.constant 0 : i32
    %c0_i32_0 = arith.constant 0 : i32
    %c0_i32_1 = arith.constant 0 : i32
    return %arg0, %c0_i32, %c0_i32_0 : i32, i32, i32
  }
  func.func @transform_3(%arg0: i32) -> (i32, i32, i32) {
    %c0_i32 = arith.constant 0 : i32
    %c0_i32_0 = arith.constant 0 : i32
    %c0_i32_1 = arith.constant 0 : i32
    return %arg0, %c0_i32, %c0_i32_0 : i32, i32, i32
  }
}

module attributes {stable_mosaic.version = 14 : i64} {
  func.func @_stats3_body(%arg0: i32, %arg1: memref<10000x128xf32, #tpu.memory_space<vmem>>, %arg2: memref<10000x128xf32, #tpu.memory_space<vmem>>, %arg3: memref<10000x128xf32, #tpu.memory_space<vmem>>, %arg4: memref<1x8x128xf32, #tpu.memory_space<vmem>>, %arg5: memref<1x8x128xf32, #tpu.memory_space<vmem>>, %arg6: memref<1x8x128xf32, #tpu.memory_space<vmem>>, %arg7: memref<1x8x128xf32, #tpu.memory_space<vmem>>) attributes {dimension_semantics = [#tpu.dimension_semantics<arbitrary>], iteration_bounds = array<i64: 4>, scalar_prefetch = 0 : i64, scratch_operands = 0 : i64, tpu.core_type = #tpu.core_type<tc>, window_params = [{transform_indices = @transform_0, window_bounds = array<i64: 10000, 128>}, {transform_indices = @transform_1, window_bounds = array<i64: 10000, 128>}, {transform_indices = @transform_2, window_bounds = array<i64: 10000, 128>}, {transform_indices = @transform_3, window_bounds = array<i64: 1, 8, 128>}, {transform_indices = @transform_4, window_bounds = array<i64: 1, 8, 128>}, {transform_indices = @transform_5, window_bounds = array<i64: 1, 8, 128>}, {transform_indices = @transform_6, window_bounds = array<i64: 1, 8, 128>}]} {
    %get3A = arith.constant 0 : index
    %get3A_0 = arith.constant 0 : index
    %get3A_1 = vector.load %arg1[%get3A, %get3A_0] : memref<10000x128xf32, #tpu.memory_space<vmem>>, vector<10000x128xf32>
    %get3A_2 = arith.constant 0 : index
    %get3A_3 = arith.constant 0 : index
    %get3A_4 = vector.load %arg2[%get3A_2, %get3A_3] : memref<10000x128xf32, #tpu.memory_space<vmem>>, vector<10000x128xf32>
    %add3A = arith.addf %get3A_1, %get3A_4 : vector<10000x128xf32>
    %reduce_sum3A = arith.constant dense<0.000000e+00> : vector<128xf32>
    %reduce_sum3A_5 = vector.multi_reduction <add>, %add3A, %reduce_sum3A [0] : vector<10000x128xf32> to vector<128xf32>
    %broadcast_in_dim3A = vector.shape_cast %reduce_sum3A_5 : vector<128xf32> to vector<1x128xf32>
    %div3A = arith.constant 1.000000e+04 : f32
    %div3A_6 = vector.broadcast %div3A : f32 to vector<1x128xf32>
    %div3A_7 = arith.divf %broadcast_in_dim3A, %div3A_6 : vector<1x128xf32>
    %sub3A = vector.broadcast %div3A_7 : vector<1x128xf32> to vector<10000x128xf32>
    %sub3A_8 = arith.subf %add3A, %sub3A : vector<10000x128xf32>
    %sub3A_9 = vector.broadcast %div3A_7 : vector<1x128xf32> to vector<10000x128xf32>
    %sub3A_10 = arith.subf %add3A, %sub3A_9 : vector<10000x128xf32>
    %mul3A = arith.mulf %sub3A_8, %sub3A_10 : vector<10000x128xf32>
    %reduce_sum3A_11 = arith.constant dense<0.000000e+00> : vector<128xf32>
    %reduce_sum3A_12 = vector.multi_reduction <add>, %mul3A, %reduce_sum3A_11 [0] : vector<10000x128xf32> to vector<128xf32>
    %broadcast_in_dim3A_13 = vector.shape_cast %reduce_sum3A_12 : vector<128xf32> to vector<1x128xf32>
    %div3A_14 = arith.constant 1.000000e+04 : f32
    %div3A_15 = vector.broadcast %div3A_14 : f32 to vector<1x128xf32>
    %div3A_16 = arith.divf %broadcast_in_dim3A_13, %div3A_15 : vector<1x128xf32>
    %broadcast_in_dim3A_17 = vector.shape_cast %div3A_7 : vector<1x128xf32> to vector<1x1x128xf32>
    %broadcast_in_dim3A_18 = vector.shape_cast %broadcast_in_dim3A_17 : vector<1x1x128xf32> to vector<1x1x128xf32>
    %broadcast_in_dim3A_19 = vector.broadcast %broadcast_in_dim3A_18 : vector<1x1x128xf32> to vector<1x8x128xf32>
    %swap3A = arith.constant 0 : index
    %swap3A_20 = arith.constant 0 : index
    %swap3A_21 = arith.constant 0 : index
    %swap3A_22 = vector.load %arg4[%swap3A, %swap3A_20, %swap3A_21] : memref<1x8x128xf32, #tpu.memory_space<vmem>>, vector<1x8x128xf32>
    tpu.vector_store %arg4[%swap3A, %swap3A_20, %swap3A_21], %broadcast_in_dim3A_19 {strides = array<i32>} : memref<1x8x128xf32, #tpu.memory_space<vmem>>, vector<1x8x128xf32>,
    %add3A_23 = arith.constant 9.99999974E-6 : f32
    %add3A_24 = vector.broadcast %add3A_23 : f32 to vector<1x128xf32>
    %add3A_25 = arith.addf %div3A_16, %add3A_24 : vector<1x128xf32>
    %rsqrt3A = math.rsqrt %add3A_25 : vector<1x128xf32>
    %broadcast_in_dim3A_26 = vector.shape_cast %rsqrt3A : vector<1x128xf32> to vector<1x1x128xf32>
    %broadcast_in_dim3A_27 = vector.shape_cast %broadcast_in_dim3A_26 : vector<1x1x128xf32> to vector<1x1x128xf32>
    %broadcast_in_dim3A_28 = vector.broadcast %broadcast_in_dim3A_27 : vector<1x1x128xf32> to vector<1x8x128xf32>
    %swap3A_29 = arith.constant 0 : index
    %swap3A_30 = arith.constant 0 : index
    %swap3A_31 = arith.constant 0 : index
    %swap3A_32 = vector.load %arg5[%swap3A_29, %swap3A_30, %swap3A_31] : memref<1x8x128xf32, #tpu.memory_space<vmem>>, vector<1x8x128xf32>
    tpu.vector_store %arg5[%swap3A_29, %swap3A_30, %swap3A_31], %broadcast_in_dim3A_28 {strides = array<i32>} : memref<1x8x128xf32, #tpu.memory_space<vmem>>, vector<1x8x128xf32>,
    %get3A_33 = arith.constant 0 : index
    %get3A_34 = arith.constant 0 : index
    %get3A_35 = vector.load %arg3[%get3A_33, %get3A_34] : memref<10000x128xf32, #tpu.memory_space<vmem>>, vector<10000x128xf32>
    %reduce_sum3A_36 = arith.constant dense<0.000000e+00> : vector<128xf32>
    %reduce_sum3A_37 = vector.multi_reduction <add>, %get3A_35, %reduce_sum3A_36 [0] : vector<10000x128xf32> to vector<128xf32>
    %broadcast_in_dim3A_38 = vector.shape_cast %reduce_sum3A_37 : vector<128xf32> to vector<1x128xf32>
    %div3A_39 = arith.constant 1.000000e+04 : f32
    %div3A_40 = vector.broadcast %div3A_39 : f32 to vector<1x128xf32>
    %div3A_41 = arith.divf %broadcast_in_dim3A_38, %div3A_40 : vector<1x128xf32>
    %sub3A_42 = vector.broadcast %div3A_41 : vector<1x128xf32> to vector<10000x128xf32>
    %sub3A_43 = arith.subf %get3A_35, %sub3A_42 : vector<10000x128xf32>
    %sub3A_44 = vector.broadcast %div3A_41 : vector<1x128xf32> to vector<10000x128xf32>
    %sub3A_45 = arith.subf %get3A_35, %sub3A_44 : vector<10000x128xf32>
    %mul3A_46 = arith.mulf %sub3A_43, %sub3A_45 : vector<10000x128xf32>
    %reduce_sum3A_47 = arith.constant dense<0.000000e+00> : vector<128xf32>
    %reduce_sum3A_48 = vector.multi_reduction <add>, %mul3A_46, %reduce_sum3A_47 [0] : vector<10000x128xf32> to vector<128xf32>
    %broadcast_in_dim3A_49 = vector.shape_cast %reduce_sum3A_48 : vector<128xf32> to vector<1x128xf32>
    %div3A_50 = arith.constant 1.000000e+04 : f32
    %div3A_51 = vector.broadcast %div3A_50 : f32 to vector<1x128xf32>
    %div3A_52 = arith.divf %broadcast_in_dim3A_49, %div3A_51 : vector<1x128xf32>
    %broadcast_in_dim3A_53 = vector.shape_cast %div3A_41 : vector<1x128xf32> to vector<1x1x128xf32>
    %broadcast_in_dim3A_54 = vector.shape_cast %broadcast_in_dim3A_53 : vector<1x1x128xf32> to vector<1x1x128xf32>
    %broadcast_in_dim3A_55 = vector.broadcast %broadcast_in_dim3A_54 : vector<1x1x128xf32> to vector<1x8x128xf32>
    %swap3A_56 = arith.constant 0 : index
    %swap3A_57 = arith.constant 0 : index
    %swap3A_58 = arith.constant 0 : index
    %swap3A_59 = vector.load %arg6[%swap3A_56, %swap3A_57, %swap3A_58] : memref<1x8x128xf32, #tpu.memory_space<vmem>>, vector<1x8x128xf32>
    tpu.vector_store %arg6[%swap3A_56, %swap3A_57, %swap3A_58], %broadcast_in_dim3A_55 {strides = array<i32>} : memref<1x8x128xf32, #tpu.memory_space<vmem>>, vector<1x8x128xf32>,
    %add3A_60 = arith.constant 9.99999974E-6 : f32
    %add3A_61 = vector.broadcast %add3A_60 : f32 to vector<1x128xf32>
    %add3A_62 = arith.addf %div3A_52, %add3A_61 : vector<1x128xf32>
    %rsqrt3A_63 = math.rsqrt %add3A_62 : vector<1x128xf32>
    %broadcast_in_dim3A_64 = vector.shape_cast %rsqrt3A_63 : vector<1x128xf32> to vector<1x1x128xf32>
    %broadcast_in_dim3A_65 = vector.shape_cast %broadcast_in_dim3A_64 : vector<1x1x128xf32> to vector<1x1x128xf32>
    %broadcast_in_dim3A_66 = vector.broadcast %broadcast_in_dim3A_65 : vector<1x1x128xf32> to vector<1x8x128xf32>
    %swap3A_67 = arith.constant 0 : index
    %swap3A_68 = arith.constant 0 : index
    %swap3A_69 = arith.constant 0 : index
    %swap3A_70 = vector.load %arg7[%swap3A_67, %swap3A_68, %swap3A_69] : memref<1x8x128xf32, #tpu.memory_space<vmem>>, vector<1x8x128xf32>
    tpu.vector_store %arg7[%swap3A_67, %swap3A_68, %swap3A_69], %broadcast_in_dim3A_66 {strides = array<i32>} : memref<1x8x128xf32, #tpu.memory_space<vmem>>, vector<1x8x128xf32>,
    return
  }
  func.func @transform_0(%arg0: i32) -> (i32, i32) {
    %c0_i32 = arith.constant 0 : i32
    %c0_i32_0 = arith.constant 0 : i32
    return %arg0, %c0_i32 : i32, i32
  }
  func.func @transform_1(%arg0: i32) -> (i32, i32) {
    %c0_i32 = arith.constant 0 : i32
    %c0_i32_0 = arith.constant 0 : i32
    return %arg0, %c0_i32 : i32, i32
  }
  func.func @transform_2(%arg0: i32) -> (i32, i32) {
    %c0_i32 = arith.constant 0 : i32
    %c0_i32_0 = arith.constant 0 : i32
    return %arg0, %c0_i32 : i32, i32
  }
  func.func @transform_3(%arg0: i32) -> (i32, i32, i32) {
    %c0_i32 = arith.constant 0 : i32
    %c0_i32_0 = arith.constant 0 : i32
    %c0_i32_1 = arith.constant 0 : i32
    return %arg0, %c0_i32, %c0_i32_0 : i32, i32, i32
  }
  func.func @transform_4(%arg0: i32) -> (i32, i32, i32) {
    %c0_i32 = arith.constant 0 : i32
    %c0_i32_0 = arith.constant 0 : i32
    %c0_i32_1 = arith.constant 0 : i32
    return %arg0, %c0_i32, %c0_i32_0 : i32, i32, i32
  }
  func.func @transform_5(%arg0: i32) -> (i32, i32, i32) {
    %c0_i32 = arith.constant 0 : i32
    %c0_i32_0 = arith.constant 0 : i32
    %c0_i32_1 = arith.constant 0 : i32
    return %arg0, %c0_i32, %c0_i32_0 : i32, i32, i32
  }
  func.func @transform_6(%arg0: i32) -> (i32, i32, i32) {
    %c0_i32 = arith.constant 0 : i32
    %c0_i32_0 = arith.constant 0 : i32
    %c0_i32_1 = arith.constant 0 : i32
    return %arg0, %c0_i32, %c0_i32_0 : i32, i32, i32
  }
}

module attributes {stable_mosaic.version = 14 : i64} {
  func.func @_norm_mm_body(%arg0: i32, %arg1: memref<2000x128xf32, #tpu.memory_space<vmem>>, %arg2: memref<2000x128xf32, #tpu.memory_space<vmem>>, %arg3: memref<1x8x128xf32, #tpu.memory_space<vmem>>, %arg4: memref<1x8x128xf32, #tpu.memory_space<vmem>>, %arg5: memref<128x768xbf16, #tpu.memory_space<vmem>>, %arg6: memref<128x768xbf16, #tpu.memory_space<vmem>>, %arg7: memref<2000x128xf32, #tpu.memory_space<vmem>>, %arg8: memref<2000x128xf32, #tpu.memory_space<vmem>>, %arg9: memref<2000x128xf32, #tpu.memory_space<vmem>>, %arg10: memref<2000x128xf32, #tpu.memory_space<vmem>>, %arg11: memref<2000x128xf32, #tpu.memory_space<vmem>>, %arg12: memref<2000x128xf32, #tpu.memory_space<vmem>>) attributes {dimension_semantics = [#tpu.dimension_semantics<arbitrary>], iteration_bounds = array<i64: 20>, scalar_prefetch = 0 : i64, scratch_operands = 0 : i64, tpu.core_type = #tpu.core_type<tc>, window_params = [{transform_indices = @transform_0, window_bounds = array<i64: 2000, 128>}, {transform_indices = @transform_1, window_bounds = array<i64: 2000, 128>}, {transform_indices = @transform_2, window_bounds = array<i64: 1, 8, 128>}, {transform_indices = @transform_3, window_bounds = array<i64: 1, 8, 128>}, {pipeline_mode = #tpu.pipeline_mode<synchronous>, transform_indices = @transform_4, window_bounds = array<i64: 128, 768>}, {pipeline_mode = #tpu.pipeline_mode<synchronous>, transform_indices = @transform_5, window_bounds = array<i64: 128, 768>}, {transform_indices = @transform_6, window_bounds = array<i64: 2000, 128>}, {transform_indices = @transform_7, window_bounds = array<i64: 2000, 128>}, {transform_indices = @transform_8, window_bounds = array<i64: 2000, 128>}, {transform_indices = @transform_9, window_bounds = array<i64: 2000, 128>}, {transform_indices = @transform_10, window_bounds = array<i64: 2000, 128>}, {transform_indices = @transform_11, window_bounds = array<i64: 2000, 128>}]} {
    %get3A = arith.constant 0 : index
    %get3A_0 = arith.constant 0 : index
    %get3A_1 = vector.load %arg1[%get3A, %get3A_0] : memref<2000x128xf32, #tpu.memory_space<vmem>>, vector<2000x128xf32>
    %get3A_2 = arith.constant 0 : index
    %get3A_3 = arith.constant 0 : index
    %get3A_4 = vector.load %arg2[%get3A_2, %get3A_3] : memref<2000x128xf32, #tpu.memory_space<vmem>>, vector<2000x128xf32>
    %add3A = arith.addf %get3A_1, %get3A_4 : vector<2000x128xf32>
    %get3A_5 = arith.constant 0 : index
    %get3A_6 = arith.constant 0 : index
    %get3A_7 = arith.constant 0 : index
    %get3A_8 = vector.load %arg3[%get3A_5, %get3A_6, %get3A_7] : memref<1x8x128xf32, #tpu.memory_space<vmem>>, vector<1x1x128xf32>
    %get3A_9 = vector.shape_cast %get3A_8 : vector<1x1x128xf32> to vector<1x128xf32>
    %sub3A = vector.broadcast %get3A_9 : vector<1x128xf32> to vector<2000x128xf32>
    %sub3A_10 = arith.subf %add3A, %sub3A : vector<2000x128xf32>
    %get3A_11 = arith.constant 0 : index
    %get3A_12 = arith.constant 0 : index
    %get3A_13 = arith.constant 0 : index
    %get3A_14 = vector.load %arg4[%get3A_11, %get3A_12, %get3A_13] : memref<1x8x128xf32, #tpu.memory_space<vmem>>, vector<1x1x128xf32>
    %get3A_15 = vector.shape_cast %get3A_14 : vector<1x1x128xf32> to vector<1x128xf32>
    %mul3A = vector.broadcast %get3A_15 : vector<1x128xf32> to vector<2000x128xf32>
    %mul3A_16 = arith.mulf %sub3A_10, %mul3A : vector<2000x128xf32>
    %ge3A = arith.constant 0.000000e+00 : f32
    %ge3A_17 = vector.broadcast %ge3A : f32 to vector<2000x128xf32>
    %ge3A_18 = arith.cmpf oge, %mul3A_16, %ge3A_17 : vector<2000x128xf32>
    %mul3A_19 = arith.constant 0.00999999977 : f32
    %mul3A_20 = vector.broadcast %mul3A_19 : f32 to vector<2000x128xf32>
    %mul3A_21 = arith.mulf %mul3A_20, %mul3A_16 : vector<2000x128xf32>
    %select_n3A = arith.select %ge3A_18, %mul3A_16, %mul3A_21 : vector<2000x128xi1>, vector<2000x128xf32>
    %get3A_22 = arith.constant 0 : index
    %get3A_23 = arith.constant 0 : index
    %get3A_24 = vector.load %arg5[%get3A_22, %get3A_23] : memref<128x768xbf16, #tpu.memory_space<vmem>>, vector<128x768xbf16>
    %get3A_25 = arith.constant 0 : index
    %get3A_26 = arith.constant 0 : index
    %get3A_27 = vector.load %arg6[%get3A_25, %get3A_26] : memref<128x768xbf16, #tpu.memory_space<vmem>>, vector<128x768xbf16>
    %convert_element_type3A = arith.truncf %select_n3A : vector<2000x128xf32> to vector<2000x128xbf16>
    %convert_element_type3A_28 = arith.extf %convert_element_type3A : vector<2000x128xbf16> to vector<2000x128xf32>
    %sub3A_29 = arith.subf %select_n3A, %convert_element_type3A_28 : vector<2000x128xf32>
    %convert_element_type3A_30 = arith.truncf %sub3A_29 : vector<2000x128xf32> to vector<2000x128xbf16>
    %dot_general3A = arith.constant dense<0.000000e+00> : vector<2000x768xf32>
    %dot_general3A_31 = tpu.matmul %convert_element_type3A, %get3A_24, %dot_general3A {dimension_numbers = #tpu.dot_dimension_numbers<[1], [0], [0], [1], [0, 0, 1, 1], [], []>, transpose_lhs_hint = false} : vector<2000x128xbf16>, vector<128x768xbf16>, vector<2000x768xf32> -> vector<2000x768xf32>
    %dot_general3A_32 = arith.constant dense<0.000000e+00> : vector<2000x768xf32>
    %dot_general3A_33 = tpu.matmul %convert_element_type3A, %get3A_27, %dot_general3A_32 {dimension_numbers = #tpu.dot_dimension_numbers<[1], [0], [0], [1], [0, 0, 1, 1], [], []>, transpose_lhs_hint = false} : vector<2000x128xbf16>, vector<128x768xbf16>, vector<2000x768xf32> -> vector<2000x768xf32>
    %add3A_34 = arith.addf %dot_general3A_31, %dot_general3A_33 : vector<2000x768xf32>
    %dot_general3A_35 = arith.constant dense<0.000000e+00> : vector<2000x768xf32>
    %dot_general3A_36 = tpu.matmul %convert_element_type3A_30, %get3A_24, %dot_general3A_35 {dimension_numbers = #tpu.dot_dimension_numbers<[1], [0], [0], [1], [0, 0, 1, 1], [], []>, transpose_lhs_hint = false} : vector<2000x128xbf16>, vector<128x768xbf16>, vector<2000x768xf32> -> vector<2000x768xf32>
    %add3A_37 = arith.addf %add3A_34, %dot_general3A_36 : vector<2000x768xf32>
    %slice3A = vector.extract_strided_slice %add3A_37 {offsets = [0, 0], sizes = [2000, 128], strides = [1, 1]} : vector<2000x768xf32> to vector<2000x128xf32>
    %swap3A = arith.constant 0 : index
    %swap3A_38 = arith.constant 0 : index
    %swap3A_39 = vector.load %arg7[%swap3A, %swap3A_38] : memref<2000x128xf32, #tpu.memory_space<vmem>>, vector<2000x128xf32>
    tpu.vector_store %arg7[%swap3A, %swap3A_38], %slice3A {strides = array<i32>} : memref<2000x128xf32, #tpu.memory_space<vmem>>, vector<2000x128xf32>,
    %slice3A_40 = vector.extract_strided_slice %add3A_37 {offsets = [0, 128], sizes = [2000, 128], strides = [1, 1]} : vector<2000x768xf32> to vector<2000x128xf32>
    %swap3A_41 = arith.constant 0 : index
    %swap3A_42 = arith.constant 0 : index
    %swap3A_43 = vector.load %arg8[%swap3A_41, %swap3A_42] : memref<2000x128xf32, #tpu.memory_space<vmem>>, vector<2000x128xf32>
    tpu.vector_store %arg8[%swap3A_41, %swap3A_42], %slice3A_40 {strides = array<i32>} : memref<2000x128xf32, #tpu.memory_space<vmem>>, vector<2000x128xf32>,
    %slice3A_44 = vector.extract_strided_slice %add3A_37 {offsets = [0, 256], sizes = [2000, 128], strides = [1, 1]} : vector<2000x768xf32> to vector<2000x128xf32>
    %swap3A_45 = arith.constant 0 : index
    %swap3A_46 = arith.constant 0 : index
    %swap3A_47 = vector.load %arg9[%swap3A_45, %swap3A_46] : memref<2000x128xf32, #tpu.memory_space<vmem>>, vector<2000x128xf32>
    tpu.vector_store %arg9[%swap3A_45, %swap3A_46], %slice3A_44 {strides = array<i32>} : memref<2000x128xf32, #tpu.memory_space<vmem>>, vector<2000x128xf32>,
    %slice3A_48 = vector.extract_strided_slice %add3A_37 {offsets = [0, 384], sizes = [2000, 128], strides = [1, 1]} : vector<2000x768xf32> to vector<2000x128xf32>
    %swap3A_49 = arith.constant 0 : index
    %swap3A_50 = arith.constant 0 : index
    %swap3A_51 = vector.load %arg10[%swap3A_49, %swap3A_50] : memref<2000x128xf32, #tpu.memory_space<vmem>>, vector<2000x128xf32>
    tpu.vector_store %arg10[%swap3A_49, %swap3A_50], %slice3A_48 {strides = array<i32>} : memref<2000x128xf32, #tpu.memory_space<vmem>>, vector<2000x128xf32>,
    %slice3A_52 = vector.extract_strided_slice %add3A_37 {offsets = [0, 512], sizes = [2000, 128], strides = [1, 1]} : vector<2000x768xf32> to vector<2000x128xf32>
    %swap3A_53 = arith.constant 0 : index
    %swap3A_54 = arith.constant 0 : index
    %swap3A_55 = vector.load %arg11[%swap3A_53, %swap3A_54] : memref<2000x128xf32, #tpu.memory_space<vmem>>, vector<2000x128xf32>
    tpu.vector_store %arg11[%swap3A_53, %swap3A_54], %slice3A_52 {strides = array<i32>} : memref<2000x128xf32, #tpu.memory_space<vmem>>, vector<2000x128xf32>,
    %slice3A_56 = vector.extract_strided_slice %add3A_37 {offsets = [0, 640], sizes = [2000, 128], strides = [1, 1]} : vector<2000x768xf32> to vector<2000x128xf32>
    %swap3A_57 = arith.constant 0 : index
    %swap3A_58 = arith.constant 0 : index
    %swap3A_59 = vector.load %arg12[%swap3A_57, %swap3A_58] : memref<2000x128xf32, #tpu.memory_space<vmem>>, vector<2000x128xf32>
    tpu.vector_store %arg12[%swap3A_57, %swap3A_58], %slice3A_56 {strides = array<i32>} : memref<2000x128xf32, #tpu.memory_space<vmem>>, vector<2000x128xf32>,
    return
  }
  func.func @transform_0(%arg0: i32) -> (i32, i32) {
    %c0_i32 = arith.constant 0 : i32
    %c0_i32_0 = arith.constant 0 : i32
    return %arg0, %c0_i32 : i32, i32
  }
  func.func @transform_1(%arg0: i32) -> (i32, i32) {
    %c0_i32 = arith.constant 0 : i32
    %c0_i32_0 = arith.constant 0 : i32
    return %arg0, %c0_i32 : i32, i32
  }
  func.func @transform_2(%arg0: i32) -> (i32, i32, i32) {
    %jit3A = arith.constant 5 : i32
    %div3A = arith.divsi %arg0, %jit3A : i32
    %sign3A = arith.constant 0 : i32
    %sign3A_0 = arith.cmpi sgt, %arg0, %sign3A : i32
    %sign3A_1 = arith.extui %sign3A_0 : i1 to i32
    %sign3A_2 = arith.constant 0 : i32
    %sign3A_3 = arith.cmpi slt, %arg0, %sign3A_2 : i32
    %sign3A_4 = arith.extui %sign3A_3 : i1 to i32
    %sign3A_5 = arith.subi %sign3A_1, %sign3A_4 : i32
    %sign3A_6 = arith.constant 0 : i32
    %sign3A_7 = arith.cmpi sgt, %jit3A, %sign3A_6 : i32
    %sign3A_8 = arith.extui %sign3A_7 : i1 to i32
    %sign3A_9 = arith.constant 0 : i32
    %sign3A_10 = arith.cmpi slt, %jit3A, %sign3A_9 : i32
    %sign3A_11 = arith.extui %sign3A_10 : i1 to i32
    %sign3A_12 = arith.subi %sign3A_8, %sign3A_11 : i32
    %ne3A = arith.cmpi ne, %sign3A_5, %sign3A_12 : i32
    %rem3A = arith.remsi %arg0, %jit3A : i32
    %ne3A_13 = arith.constant 0 : i32
    %ne3A_14 = arith.cmpi ne, %rem3A, %ne3A_13 : i32
    %and3A = arith.andi %ne3A, %ne3A_14 : i1
    %sub3A = arith.constant 1 : i32
    %sub3A_15 = arith.subi %div3A, %sub3A : i32
    %select_n3A = arith.select %and3A, %sub3A_15, %div3A : i32
    %c0_i32 = arith.constant 0 : i32
    %c0_i32_16 = arith.constant 0 : i32
    %c0_i32_17 = arith.constant 0 : i32
    return %select_n3A, %c0_i32, %c0_i32_16 : i32, i32, i32
  }
  func.func @transform_3(%arg0: i32) -> (i32, i32, i32) {
    %jit3A = arith.constant 5 : i32
    %div3A = arith.divsi %arg0, %jit3A : i32
    %sign3A = arith.constant 0 : i32
    %sign3A_0 = arith.cmpi sgt, %arg0, %sign3A : i32
    %sign3A_1 = arith.extui %sign3A_0 : i1 to i32
    %sign3A_2 = arith.constant 0 : i32
    %sign3A_3 = arith.cmpi slt, %arg0, %sign3A_2 : i32
    %sign3A_4 = arith.extui %sign3A_3 : i1 to i32
    %sign3A_5 = arith.subi %sign3A_1, %sign3A_4 : i32
    %sign3A_6 = arith.constant 0 : i32
    %sign3A_7 = arith.cmpi sgt, %jit3A, %sign3A_6 : i32
    %sign3A_8 = arith.extui %sign3A_7 : i1 to i32
    %sign3A_9 = arith.constant 0 : i32
    %sign3A_10 = arith.cmpi slt, %jit3A, %sign3A_9 : i32
    %sign3A_11 = arith.extui %sign3A_10 : i1 to i32
    %sign3A_12 = arith.subi %sign3A_8, %sign3A_11 : i32
    %ne3A = arith.cmpi ne, %sign3A_5, %sign3A_12 : i32
    %rem3A = arith.remsi %arg0, %jit3A : i32
    %ne3A_13 = arith.constant 0 : i32
    %ne3A_14 = arith.cmpi ne, %rem3A, %ne3A_13 : i32
    %and3A = arith.andi %ne3A, %ne3A_14 : i1
    %sub3A = arith.constant 1 : i32
    %sub3A_15 = arith.subi %div3A, %sub3A : i32
    %select_n3A = arith.select %and3A, %sub3A_15, %div3A : i32
    %c0_i32 = arith.constant 0 : i32
    %c0_i32_16 = arith.constant 0 : i32
    %c0_i32_17 = arith.constant 0 : i32
    return %select_n3A, %c0_i32, %c0_i32_16 : i32, i32, i32
  }
  func.func @transform_4(%arg0: i32) -> (i32, i32) {
    %c0_i32 = arith.constant 0 : i32
    %c0_i32_0 = arith.constant 0 : i32
    %c0_i32_1 = arith.constant 0 : i32
    return %c0_i32, %c0_i32_0 : i32, i32
  }
  func.func @transform_5(%arg0: i32) -> (i32, i32) {
    %c0_i32 = arith.constant 0 : i32
    %c0_i32_0 = arith.constant 0 : i32
    %c0_i32_1 = arith.constant 0 : i32
    return %c0_i32, %c0_i32_0 : i32, i32
  }
  func.func @transform_6(%arg0: i32) -> (i32, i32) {
    %c0_i32 = arith.constant 0 : i32
    %c0_i32_0 = arith.constant 0 : i32
    return %arg0, %c0_i32 : i32, i32
  }
  func.func @transform_7(%arg0: i32) -> (i32, i32) {
    %c0_i32 = arith.constant 0 : i32
    %c0_i32_0 = arith.constant 0 : i32
    return %arg0, %c0_i32 : i32, i32
  }
  func.func @transform_8(%arg0: i32) -> (i32, i32) {
    %c0_i32 = arith.constant 0 : i32
    %c0_i32_0 = arith.constant 0 : i32
    return %arg0, %c0_i32 : i32, i32
  }
  func.func @transform_9(%arg0: i32) -> (i32, i32) {
    %c0_i32 = arith.constant 0 : i32
    %c0_i32_0 = arith.constant 0 : i32
    return %arg0, %c0_i32 : i32, i32
  }
  func.func @transform_10(%arg0: i32) -> (i32, i32) {
    %c0_i32 = arith.constant 0 : i32
    %c0_i32_0 = arith.constant 0 : i32
    return %arg0, %c0_i32 : i32, i32
  }
  func.func @transform_11(%arg0: i32) -> (i32, i32) {
    %c0_i32 = arith.constant 0 : i32
    %c0_i32_0 = arith.constant 0 : i32
    return %arg0, %c0_i32 : i32, i32
  }
}

module attributes {stable_mosaic.version = 14 : i64} {
  func.func @_final_body(%arg0: i32, %arg1: memref<2000x128xf32, #tpu.memory_space<vmem>>, %arg2: memref<2000x128xf32, #tpu.memory_space<vmem>>, %arg3: memref<2000x128xf32, #tpu.memory_space<vmem>>, %arg4: memref<1x8x128xf32, #tpu.memory_space<vmem>>, %arg5: memref<1x8x128xf32, #tpu.memory_space<vmem>>, %arg6: memref<1x8x128xf32, #tpu.memory_space<vmem>>, %arg7: memref<1x8x128xf32, #tpu.memory_space<vmem>>, %arg8: memref<8x128xf32, #tpu.memory_space<vmem>>, %arg9: memref<2000x8xf32, #tpu.memory_space<vmem>>) attributes {dimension_semantics = [#tpu.dimension_semantics<arbitrary>], iteration_bounds = array<i64: 20>, scalar_prefetch = 0 : i64, scratch_operands = 0 : i64, tpu.core_type = #tpu.core_type<tc>, window_params = [{transform_indices = @transform_0, window_bounds = array<i64: 2000, 128>}, {transform_indices = @transform_1, window_bounds = array<i64: 2000, 128>}, {transform_indices = @transform_2, window_bounds = array<i64: 2000, 128>}, {transform_indices = @transform_3, window_bounds = array<i64: 1, 8, 128>}, {transform_indices = @transform_4, window_bounds = array<i64: 1, 8, 128>}, {transform_indices = @transform_5, window_bounds = array<i64: 1, 8, 128>}, {transform_indices = @transform_6, window_bounds = array<i64: 1, 8, 128>}, {pipeline_mode = #tpu.pipeline_mode<synchronous>, transform_indices = @transform_7, window_bounds = array<i64: 8, 128>}, {transform_indices = @transform_8, window_bounds = array<i64: 2000, 8>}]} {
    %get3A = arith.constant 0 : index
    %get3A_0 = arith.constant 0 : index
    %get3A_1 = vector.load %arg1[%get3A, %get3A_0] : memref<2000x128xf32, #tpu.memory_space<vmem>>, vector<2000x128xf32>
    %get3A_2 = arith.constant 0 : index
    %get3A_3 = arith.constant 0 : index
    %get3A_4 = vector.load %arg2[%get3A_2, %get3A_3] : memref<2000x128xf32, #tpu.memory_space<vmem>>, vector<2000x128xf32>
    %add3A = arith.addf %get3A_1, %get3A_4 : vector<2000x128xf32>
    %get3A_5 = arith.constant 0 : index
    %get3A_6 = arith.constant 0 : index
    %get3A_7 = arith.constant 0 : index
    %get3A_8 = vector.load %arg4[%get3A_5, %get3A_6, %get3A_7] : memref<1x8x128xf32, #tpu.memory_space<vmem>>, vector<1x1x128xf32>
    %get3A_9 = vector.shape_cast %get3A_8 : vector<1x1x128xf32> to vector<1x128xf32>
    %sub3A = vector.broadcast %get3A_9 : vector<1x128xf32> to vector<2000x128xf32>
    %sub3A_10 = arith.subf %add3A, %sub3A : vector<2000x128xf32>
    %get3A_11 = arith.constant 0 : index
    %get3A_12 = arith.constant 0 : index
    %get3A_13 = arith.constant 0 : index
    %get3A_14 = vector.load %arg5[%get3A_11, %get3A_12, %get3A_13] : memref<1x8x128xf32, #tpu.memory_space<vmem>>, vector<1x1x128xf32>
    %get3A_15 = vector.shape_cast %get3A_14 : vector<1x1x128xf32> to vector<1x128xf32>
    %mul3A = vector.broadcast %get3A_15 : vector<1x128xf32> to vector<2000x128xf32>
    %mul3A_16 = arith.mulf %sub3A_10, %mul3A : vector<2000x128xf32>
    %get3A_17 = arith.constant 0 : index
    %get3A_18 = arith.constant 0 : index
    %get3A_19 = vector.load %arg3[%get3A_17, %get3A_18] : memref<2000x128xf32, #tpu.memory_space<vmem>>, vector<2000x128xf32>
    %get3A_20 = arith.constant 0 : index
    %get3A_21 = arith.constant 0 : index
    %get3A_22 = arith.constant 0 : index
    %get3A_23 = vector.load %arg6[%get3A_20, %get3A_21, %get3A_22] : memref<1x8x128xf32, #tpu.memory_space<vmem>>, vector<1x1x128xf32>
    %get3A_24 = vector.shape_cast %get3A_23 : vector<1x1x128xf32> to vector<1x128xf32>
    %sub3A_25 = vector.broadcast %get3A_24 : vector<1x128xf32> to vector<2000x128xf32>
    %sub3A_26 = arith.subf %get3A_19, %sub3A_25 : vector<2000x128xf32>
    %get3A_27 = arith.constant 0 : index
    %get3A_28 = arith.constant 0 : index
    %get3A_29 = arith.constant 0 : index
    %get3A_30 = vector.load %arg7[%get3A_27, %get3A_28, %get3A_29] : memref<1x8x128xf32, #tpu.memory_space<vmem>>, vector<1x1x128xf32>
    %get3A_31 = vector.shape_cast %get3A_30 : vector<1x1x128xf32> to vector<1x128xf32>
    %mul3A_32 = vector.broadcast %get3A_31 : vector<1x128xf32> to vector<2000x128xf32>
    %mul3A_33 = arith.mulf %sub3A_26, %mul3A_32 : vector<2000x128xf32>
    %add3A_34 = arith.addf %mul3A_16, %mul3A_33 : vector<2000x128xf32>
    %ge3A = arith.constant 0.000000e+00 : f32
    %ge3A_35 = vector.broadcast %ge3A : f32 to vector<2000x128xf32>
    %ge3A_36 = arith.cmpf oge, %add3A_34, %ge3A_35 : vector<2000x128xf32>
    %mul3A_37 = arith.constant 0.00999999977 : f32
    %mul3A_38 = vector.broadcast %mul3A_37 : f32 to vector<2000x128xf32>
    %mul3A_39 = arith.mulf %mul3A_38, %add3A_34 : vector<2000x128xf32>
    %select_n3A = arith.select %ge3A_36, %add3A_34, %mul3A_39 : vector<2000x128xi1>, vector<2000x128xf32>
    %get3A_40 = arith.constant 0 : index
    %get3A_41 = arith.constant 0 : index
    %get3A_42 = vector.load %arg8[%get3A_40, %get3A_41] : memref<8x128xf32, #tpu.memory_space<vmem>>, vector<1x128xf32>
    %mul3A_43 = vector.broadcast %get3A_42 : vector<1x128xf32> to vector<2000x128xf32>
    %mul3A_44 = arith.mulf %select_n3A, %mul3A_43 : vector<2000x128xf32>
    %reduce_sum3A = arith.constant dense<0.000000e+00> : vector<2000xf32>
    %reduce_sum3A_45 = vector.multi_reduction <add>, %mul3A_44, %reduce_sum3A [1] : vector<2000x128xf32> to vector<2000xf32>
    %broadcast_in_dim3A = vector.shape_cast %reduce_sum3A_45 : vector<2000xf32> to vector<2000x1xf32>
    %broadcast_in_dim3A_46 = vector.shape_cast %broadcast_in_dim3A : vector<2000x1xf32> to vector<2000x1xf32>
    %broadcast_in_dim3A_47 = vector.broadcast %broadcast_in_dim3A_46 : vector<2000x1xf32> to vector<2000x8xf32>
    %swap3A = arith.constant 0 : index
    %swap3A_48 = arith.constant 0 : index
    %swap3A_49 = vector.load %arg9[%swap3A, %swap3A_48] : memref<2000x8xf32, #tpu.memory_space<vmem>>, vector<2000x8xf32>
    tpu.vector_store %arg9[%swap3A, %swap3A_48], %broadcast_in_dim3A_47 {strides = array<i32>} : memref<2000x8xf32, #tpu.memory_space<vmem>>, vector<2000x8xf32>,
    return
  }
  func.func @transform_0(%arg0: i32) -> (i32, i32) {
    %c0_i32 = arith.constant 0 : i32
    %c0_i32_0 = arith.constant 0 : i32
    return %arg0, %c0_i32 : i32, i32
  }
  func.func @transform_1(%arg0: i32) -> (i32, i32) {
    %c0_i32 = arith.constant 0 : i32
    %c0_i32_0 = arith.constant 0 : i32
    return %arg0, %c0_i32 : i32, i32
  }
  func.func @transform_2(%arg0: i32) -> (i32, i32) {
    %c0_i32 = arith.constant 0 : i32
    %c0_i32_0 = arith.constant 0 : i32
    return %arg0, %c0_i32 : i32, i32
  }
  func.func @transform_3(%arg0: i32) -> (i32, i32, i32) {
    %jit3A = arith.constant 5 : i32
    %div3A = arith.divsi %arg0, %jit3A : i32
    %sign3A = arith.constant 0 : i32
    %sign3A_0 = arith.cmpi sgt, %arg0, %sign3A : i32
    %sign3A_1 = arith.extui %sign3A_0 : i1 to i32
    %sign3A_2 = arith.constant 0 : i32
    %sign3A_3 = arith.cmpi slt, %arg0, %sign3A_2 : i32
    %sign3A_4 = arith.extui %sign3A_3 : i1 to i32
    %sign3A_5 = arith.subi %sign3A_1, %sign3A_4 : i32
    %sign3A_6 = arith.constant 0 : i32
    %sign3A_7 = arith.cmpi sgt, %jit3A, %sign3A_6 : i32
    %sign3A_8 = arith.extui %sign3A_7 : i1 to i32
    %sign3A_9 = arith.constant 0 : i32
    %sign3A_10 = arith.cmpi slt, %jit3A, %sign3A_9 : i32
    %sign3A_11 = arith.extui %sign3A_10 : i1 to i32
    %sign3A_12 = arith.subi %sign3A_8, %sign3A_11 : i32
    %ne3A = arith.cmpi ne, %sign3A_5, %sign3A_12 : i32
    %rem3A = arith.remsi %arg0, %jit3A : i32
    %ne3A_13 = arith.constant 0 : i32
    %ne3A_14 = arith.cmpi ne, %rem3A, %ne3A_13 : i32
    %and3A = arith.andi %ne3A, %ne3A_14 : i1
    %sub3A = arith.constant 1 : i32
    %sub3A_15 = arith.subi %div3A, %sub3A : i32
    %select_n3A = arith.select %and3A, %sub3A_15, %div3A : i32
    %c0_i32 = arith.constant 0 : i32
    %c0_i32_16 = arith.constant 0 : i32
    %c0_i32_17 = arith.constant 0 : i32
    return %select_n3A, %c0_i32, %c0_i32_16 : i32, i32, i32
  }
  func.func @transform_4(%arg0: i32) -> (i32, i32, i32) {
    %jit3A = arith.constant 5 : i32
    %div3A = arith.divsi %arg0, %jit3A : i32
    %sign3A = arith.constant 0 : i32
    %sign3A_0 = arith.cmpi sgt, %arg0, %sign3A : i32
    %sign3A_1 = arith.extui %sign3A_0 : i1 to i32
    %sign3A_2 = arith.constant 0 : i32
    %sign3A_3 = arith.cmpi slt, %arg0, %sign3A_2 : i32
    %sign3A_4 = arith.extui %sign3A_3 : i1 to i32
    %sign3A_5 = arith.subi %sign3A_1, %sign3A_4 : i32
    %sign3A_6 = arith.constant 0 : i32
    %sign3A_7 = arith.cmpi sgt, %jit3A, %sign3A_6 : i32
    %sign3A_8 = arith.extui %sign3A_7 : i1 to i32
    %sign3A_9 = arith.constant 0 : i32
    %sign3A_10 = arith.cmpi slt, %jit3A, %sign3A_9 : i32
    %sign3A_11 = arith.extui %sign3A_10 : i1 to i32
    %sign3A_12 = arith.subi %sign3A_8, %sign3A_11 : i32
    %ne3A = arith.cmpi ne, %sign3A_5, %sign3A_12 : i32
    %rem3A = arith.remsi %arg0, %jit3A : i32
    %ne3A_13 = arith.constant 0 : i32
    %ne3A_14 = arith.cmpi ne, %rem3A, %ne3A_13 : i32
    %and3A = arith.andi %ne3A, %ne3A_14 : i1
    %sub3A = arith.constant 1 : i32
    %sub3A_15 = arith.subi %div3A, %sub3A : i32
    %select_n3A = arith.select %and3A, %sub3A_15, %div3A : i32
    %c0_i32 = arith.constant 0 : i32
    %c0_i32_16 = arith.constant 0 : i32
    %c0_i32_17 = arith.constant 0 : i32
    return %select_n3A, %c0_i32, %c0_i32_16 : i32, i32, i32
  }
  func.func @transform_5(%arg0: i32) -> (i32, i32, i32) {
    %jit3A = arith.constant 5 : i32
    %div3A = arith.divsi %arg0, %jit3A : i32
    %sign3A = arith.constant 0 : i32
    %sign3A_0 = arith.cmpi sgt, %arg0, %sign3A : i32
    %sign3A_1 = arith.extui %sign3A_0 : i1 to i32
    %sign3A_2 = arith.constant 0 : i32
    %sign3A_3 = arith.cmpi slt, %arg0, %sign3A_2 : i32
    %sign3A_4 = arith.extui %sign3A_3 : i1 to i32
    %sign3A_5 = arith.subi %sign3A_1, %sign3A_4 : i32
    %sign3A_6 = arith.constant 0 : i32
    %sign3A_7 = arith.cmpi sgt, %jit3A, %sign3A_6 : i32
    %sign3A_8 = arith.extui %sign3A_7 : i1 to i32
    %sign3A_9 = arith.constant 0 : i32
    %sign3A_10 = arith.cmpi slt, %jit3A, %sign3A_9 : i32
    %sign3A_11 = arith.extui %sign3A_10 : i1 to i32
    %sign3A_12 = arith.subi %sign3A_8, %sign3A_11 : i32
    %ne3A = arith.cmpi ne, %sign3A_5, %sign3A_12 : i32
    %rem3A = arith.remsi %arg0, %jit3A : i32
    %ne3A_13 = arith.constant 0 : i32
    %ne3A_14 = arith.cmpi ne, %rem3A, %ne3A_13 : i32
    %and3A = arith.andi %ne3A, %ne3A_14 : i1
    %sub3A = arith.constant 1 : i32
    %sub3A_15 = arith.subi %div3A, %sub3A : i32
    %select_n3A = arith.select %and3A, %sub3A_15, %div3A : i32
    %c0_i32 = arith.constant 0 : i32
    %c0_i32_16 = arith.constant 0 : i32
    %c0_i32_17 = arith.constant 0 : i32
    return %select_n3A, %c0_i32, %c0_i32_16 : i32, i32, i32
  }
  func.func @transform_6(%arg0: i32) -> (i32, i32, i32) {
    %jit3A = arith.constant 5 : i32
    %div3A = arith.divsi %arg0, %jit3A : i32
    %sign3A = arith.constant 0 : i32
    %sign3A_0 = arith.cmpi sgt, %arg0, %sign3A : i32
    %sign3A_1 = arith.extui %sign3A_0 : i1 to i32
    %sign3A_2 = arith.constant 0 : i32
    %sign3A_3 = arith.cmpi slt, %arg0, %sign3A_2 : i32
    %sign3A_4 = arith.extui %sign3A_3 : i1 to i32
    %sign3A_5 = arith.subi %sign3A_1, %sign3A_4 : i32
    %sign3A_6 = arith.constant 0 : i32
    %sign3A_7 = arith.cmpi sgt, %jit3A, %sign3A_6 : i32
    %sign3A_8 = arith.extui %sign3A_7 : i1 to i32
    %sign3A_9 = arith.constant 0 : i32
    %sign3A_10 = arith.cmpi slt, %jit3A, %sign3A_9 : i32
    %sign3A_11 = arith.extui %sign3A_10 : i1 to i32
    %sign3A_12 = arith.subi %sign3A_8, %sign3A_11 : i32
    %ne3A = arith.cmpi ne, %sign3A_5, %sign3A_12 : i32
    %rem3A = arith.remsi %arg0, %jit3A : i32
    %ne3A_13 = arith.constant 0 : i32
    %ne3A_14 = arith.cmpi ne, %rem3A, %ne3A_13 : i32
    %and3A = arith.andi %ne3A, %ne3A_14 : i1
    %sub3A = arith.constant 1 : i32
    %sub3A_15 = arith.subi %div3A, %sub3A : i32
    %select_n3A = arith.select %and3A, %sub3A_15, %div3A : i32
    %c0_i32 = arith.constant 0 : i32
    %c0_i32_16 = arith.constant 0 : i32
    %c0_i32_17 = arith.constant 0 : i32
    return %select_n3A, %c0_i32, %c0_i32_16 : i32, i32, i32
  }
  func.func @transform_7(%arg0: i32) -> (i32, i32) {
    %c0_i32 = arith.constant 0 : i32
    %c0_i32_0 = arith.constant 0 : i32
    %c0_i32_1 = arith.constant 0 : i32
    return %c0_i32, %c0_i32_0 : i32, i32
  }
  func.func @transform_8(%arg0: i32) -> (i32, i32) {
    %c0_i32 = arith.constant 0 : i32
    %c0_i32_0 = arith.constant 0 : i32
    return %arg0, %c0_i32 : i32, i32
  }
}

</mosaic_0001>

<sc_bundles>
// kernel: kernel.12.cloned.1.call-start
scs
__scs_entry_jumppad:
0x0: {  	(pc) =	sbr.rel $0x88, $3  }
0x1: {  	(tag) =	ssettag $0x0;
	lr =	simm.s32 $0x1  }
0x2: {  	[smem:$0x3F9B] =	sst lr;
	_ =	strace $0xD0000000  }
0x3: {  	_ = 	snop  }
0x4: {  	_ = 	snop  }
0x5: {  	_ = 	snop  }
0x6: {  	_ = 	snop  }
0x7: {  	_ = 	snop  }
__scs_overlays_trampoline_lowered:
0x8: {  	[smem:$0x3FAA] =	sst s0  }
0x9: {  	[smem:$0x3FAB] =	sst s1  }
0xa: {  	[smem:$0x3FAC] =	sst s2  }
0xb: {  	[smem:$0x3FAD] =	sst s3  }
0xc: {  	[smem:$0x3FAE] =	sst s4  }
0xd: {  	[smem:$0x3FAF] =	sst s5  }
0xe: {  	[smem:$0x3FB0] =	sst s6  }
0xf: {  	[smem:$0x3FB1] =	sst s7  }
0x10: {  	[smem:$0x3FB2] =	sst s8  }
0x11: {  	[smem:$0x3FB3] =	sst s9;
	s0 =	simm.s32 @!p0 $0x0  }
0x12: {  	s1 =	sld [smem:$0x3F99];
	s0 =	simm.s32 @p0 $0x1  }
0x13: {  	[smem:$0x3FB4] =	sst s0;
	s0 =	simm.s32 @!p1 $0x0  }
0x14: {  	s2 =	sld [smem:$0x3F98];
	s0 =	simm.s32 @p1 $0x1  }
0x15: {  	[smem:$0x3FB5] =	sst s0;
	s0 =	simm.s32 @!p2 $0x0  }
0x16: {  	s3 =	sld [smem:$0x3FDB];
	s0 =	simm.s32 @p2 $0x1  }
0x17: {  	s4 =	simm.s32 $0x1BF5;
	[smem:$0x3FB7] =	sst s0  }
0x18: {  	s0 =	sld [smem:$0x3F9A];
	_ =	swait.ge [sflag:s4], $0x0  }
0x19: {  	s7 =	sld [smem:$0x3F9B]  }
0x1a: {  	s8 =	sadd.s32 $0xFFFFE003, lr  }
0x1b: {  	s9 =	sadd.s32 $0xFFFFFEF7, lr;
	s5 =	simm.s32 $0xFFFFFFFF;
	p2 =	slt.u32 s8, $0xFFFFF086  }
0x1c: {  	p1 =	slt.u32 s9, $0xF7A;
	s5 =	simm.s32 @!p2 $0x0  }
0x1d: {  	s5 =	simm.s32 @p1 $0x1;
	p0 =	seq.s32 s7, s2  }
0x1e: {  	s7 =	smul.u32 @!p0 $0xF7A, s2;
	p2 =	seq.s32 @!p0 s5, $0x0  }
0x1f: {  	s9 =	smul.u32 $0xF7A, s1;
	s8 =	simm.s32 @!p0 $0x1BF5;
	p2 =	por !p2, p0  }
0x20: {  	[sflag:s8] =	ssyncset.s32 @!p0 $0xFFFFF086;
	s6 =	sadd.s32 @!p0 s3, s7;
	s7 =	simm.s32 @!p0 $0x108  }
0x21: {  	s3 =	sadd.s32 s3, s9;
	s6 =	sadd.s32 @!p0 $0x88, s6;
	s7 =	simm.s32 @p2 $0x1082  }
0x22: {  	[simem:s7], [sflag:s8] =	dma.local @!p0 [hbm:s6], $0xF7A  }
0x23: {  	s9 =	sor.u32 $0xD0000000, s2;
	s6 =	simm.s32 $0x108;
	_ =	swait.ge @!p0 [sflag:s8], $0x0  }
0x24: {  	s3 =	sadd.s32 $0x88, s3;
	s6 =	simm.s32 @!p1 $0x1082;
	[sflag:s4] =	ssyncset.s32 $0xFFFFF086  }
0x25: {  	[simem:s6], [sflag:s4] =	dma.local [hbm:s3], $0xF7A  }
0x26: {  	[smem:$0x3F9B] =	sst s1;
	(tag) =	ssettag s2;
	_ =	strace s9  }
0x27: {  	s1 =	sld [smem:$0x3FAB]  }
0x28: {  	s2 =	sld [smem:$0x3FAC]  }
0x29: {  	s4 =	sld [smem:$0x3FAE]  }
0x2a: {  	p0 =	seq.s32 s5, $0x0;
	s5 =	sld [smem:$0x3FAF]  }
0x2b: {  	s6 =	sld [smem:$0x3FB0]  }
0x2c: {  	s7 =	sld [smem:$0x3FB1]  }
0x2d: {  	s3 =	simm.s32 $0x108;
	s8 =	sld [smem:$0x3FB2]  }
0x2e: {  	s3 =	simm.s32 @!p0 $0x1082;
	s9 =	sld [smem:$0x3FB3]  }
0x2f: {  	lr =	sadd.s32 s0, s3;
	s0 =	sld [smem:$0x3FAA]  }
0x30: {  	s3 =	sld [smem:$0x3FAD]  }
0x31: {  	[smem:$0x3FB6] =	sst s10  }
0x32: {  	s10 =	sld [smem:$0x3FB4];
	_ =	sdelay $0x3  }
0x33: {  	p0 =	seq.s32 s10, $0x1;
	s10 =	sld [smem:$0x3FB6];
	_ =	sdelay $0x3  }
0x34: {  	[smem:$0x3FB6] =	sst s10  }
0x35: {  	s10 =	sld [smem:$0x3FB5];
	_ =	sdelay $0x3  }
0x36: {  	p1 =	seq.s32 s10, $0x1;
	s10 =	sld [smem:$0x3FB6];
	_ =	sdelay $0x3  }
0x37: {  	[smem:$0x3FB6] =	sst s10  }
0x38: {  	s10 =	sld [smem:$0x3FB7]  }
0x39: {  	_ = 	snop;
	(pc) =	sbr.ind lr, $3  }
0x3a: {  	_ = 	snop  }
0x3b: {  	_ = 	snop  }
0x3c: {  	p2 =	seq.s32 s10, $0x1;
	s10 =	sld [smem:$0x3FB6]  }
0x3d: {  	_ =	shalt  }
0x3e: {  	_ =	shalt  }
0x3f: {  	_ =	shalt  }
0x40: {  	_ =	shalt  }
0x41: {  	_ =	shalt  }
0x42: {  	_ =	shalt  }
0x43: {  	_ =	shalt  }
0x44: {  	_ =	shalt  }
0x45: {  	_ =	shalt  }
0x46: {  	_ =	shalt  }
0x47: {  	_ =	shalt  }
0x48: {  	_ =	shalt  }
0x49: {  	_ =	shalt  }
0x4a: {  	_ =	shalt  }
0x4b: {  	_ =	shalt  }
0x4c: {  	_ =	shalt  }
0x4d: {  	_ =	shalt  }
0x4e: {  	_ =	shalt  }
0x4f: {  	_ =	shalt  }
0x50: {  	_ =	shalt  }
0x51: {  	_ =	shalt  }
0x52: {  	_ =	shalt  }
0x53: {  	_ =	shalt  }
0x54: {  	_ =	shalt  }
0x55: {  	_ =	shalt  }
0x56: {  	_ =	shalt  }
0x57: {  	_ =	shalt  }
0x58: {  	_ =	shalt  }
0x59: {  	_ =	shalt  }
0x5a: {  	_ =	shalt  }
0x5b: {  	_ =	shalt  }
0x5c: {  	_ =	shalt  }
0x5d: {  	_ =	shalt  }
0x5e: {  	_ =	shalt  }
0x5f: {  	_ =	shalt  }
0x60: {  	_ =	shalt  }
0x61: {  	_ =	shalt  }
0x62: {  	_ =	shalt  }
0x63: {  	_ =	shalt  }
0x64: {  	_ =	shalt  }
0x65: {  	_ =	shalt  }
0x66: {  	_ =	shalt  }
0x67: {  	_ =	shalt  }
0x68: {  	_ =	shalt  }
0x69: {  	_ =	shalt  }
0x6a: {  	_ =	shalt  }
0x6b: {  	_ =	shalt  }
0x6c: {  	_ =	shalt  }
0x6d: {  	_ =	shalt  }
0x6e: {  	_ =	shalt  }
0x6f: {  	_ =	shalt  }
0x70: {  	_ =	shalt  }
0x71: {  	_ =	shalt  }
0x72: {  	_ =	shalt  }
0x73: {  	_ =	shalt  }
0x74: {  	_ =	shalt  }
0x75: {  	_ =	shalt  }
0x76: {  	_ =	shalt  }
0x77: {  	_ =	shalt  }
0x78: {  	_ =	shalt  }
0x79: {  	_ =	shalt  }
0x7a: {  	_ =	shalt  }
0x7b: {  	_ =	shalt  }
0x7c: {  	_ =	shalt  }
0x7d: {  	_ =	shalt  }
0x7e: {  	_ =	shalt  }
0x7f: {  	_ =	shalt  }
0x80: {  	_ =	shalt  }
0x81: {  	_ =	shalt  }
0x82: {  	_ =	shalt  }
0x83: {  	_ =	shalt  }
0x84: {  	_ =	shalt  }
0x85: {  	_ =	shalt  }
0x86: {  	_ =	shalt  }
0x87: {  	_ =	shalt  }
.Lfunc_end0:
.L_simem_size_0:
called_computation.1_lowered:
.L_overlay_start_0:
0x88: {  	s2 =	sld [smem:$0x3FD9]  }
0x89: {  	s3 =	sld [smem:$0x3FFE];
	_ =	sdelay $0x1  }
0x8a: {  	s1 =	srdreg.scid  }
0x8b: {  	s0 =	sand.u32 $0x1, s1  }
0x8c: {  	s16 =	sshll.u32 s0, $0xA;
	s2 =	sadd.s32 s3, s2  }
0x8d: {  	s2 =	sadd.s32 s2, s16  }
0x8e: {  	[smem:$0x3FC2] =	sst s2  }
0x8f: {  	_ = 	snop  }
0x90: {  	(tm) =	ssettm $0x1  }
0x91: {  	s17 =	sld [smem:$0x3FFB];
	_ =	sdelay $0x3  }
0x92: {  	_ =	strace s17  }
0x93: {  	s2 =	sld [smem:$0x3FFC];
	_ =	sdelay $0x3  }
0x94: {  	_ =	strace s2  }
0x95: {  	s2 =	sld [smem:$0x3FFD];
	_ =	sdelay $0x3  }
0x96: {  	_ =	strace s2  }
0x97: {  	_ =	strace $0x8FFFFFFF  }
0x98: {  	s18 =	sld [smem:$0x3FDB];
	_ =	sdelay $0x1  }
0x99: {  	s19 =	simm.s32 $_scs_section_size  }
0x9a: {  	s4 =	simm.s32 $_size__tile_overlayer_lowered;
	s5 =	simm.s32 $_tile_overlayer_lowered  }
0x9b: {  	s22 =	simm.s32 $0x1BFF;
	s21 =	sshll.u32 s5, $0x1;
	s2 =	sadd.s32 s19, s18  }
0x9c: {  	s6 =	simm.s32 $0x0;
	s20 =	sshll.u32 s4, $0x1;
	s4 =	sadd.s32 s21, s2  }
0x9d: {  	[timem:s6], [sflag:s22] =	dma.local [hbm:s4], s20  }
0x9e: {  	_ =	swait.ge [sflag:s22], s20  }
0x9f: {  	s3 =	ssub.s32 $0x0, s20;
	[sflag:s22] =	ssyncset.done $0x0  }
0xa0: {  	[sflag:s22] =	ssyncadd.s32 s3;
	_ =	sdelay $0x1  }
0xa1: {  	s23 =	simm.s32 $0x1B8B  }
0xa2: {  	_ =	swait.ge [sflag:s23], $0x1  }
0xa3: {  	[sflag:s23] =	ssyncset.done $0x0  }
0xa4: {  	s25 =	simm.s32 $0x1B8E;
	s24 =	sld [smem:$0x3FFE];
	[sflag:s23] =	ssyncadd.s32 $0xFFFFFFFF  }
0xa5: {  	s26 =	simm.s32 $execute0_lowered;
	[smem:$0x3FD2] =	sst s25  }
0xa6: {  	s4 =	sshll.u32 s26, $0x1;
	_ =	strace $0x80000049;
	[dreg:$0x1] =	wrdreg $0xFFFFFFFF  }
0xa7: {  	s28 =	simm.s32 $_size_execute0_lowered;
	s2 =	sadd.s32 s2, s4;
	[dreg:$0x0] =	wrdreg $0x0  }
0xa8: {  	s4 =	sshll.u32 s28, $0x1;
	[dreg:$0x2] =	wrdreg s2  }
0xa9: {  	[dreg:$0x3] =	wrdreg s4  }
0xaa: {  	[dreg:$0x4] =	wrdreg $0xC0  }
0xab: {  	_ =	task [dreg:s6], $0x5FFFF  }
0xac: {  	[dreg:$0x1] =	wrdreg $0xFFFFFFFF  }
0xad: {  	[dreg:$0x0] =	wrdreg $0x60  }
0xae: {  	[dreg:$0x2] =	wrdreg s24  }
0xaf: {  	[dreg:$0x3] =	wrdreg $0x9  }
0xb0: {  	_ =	task.clear_ibuf [dreg:s6], $0x4FFFF;
	_ =	strace $0x90000049  }
0xb1: {  	s29 =	simm.s32 $0x9;
	_ =	strace $0x8000004B  }
0xb2: {  	_ =	swait.ge [sflag:s29], $0x1  }
0xb3: {  	[sflag:s29] =	ssyncadd.s32 $0xFFFFFFFF  }
0xb4: {  	_ =	strace $0x9000004B  }
0xb5: {  	_ =	sfence  }
0xb6: {  	s30 =	sld [smem:$0x0];
	_ =	sdelay $0x2  }
0xb7: {  	s31 =	sshll.u32 s1, $0xD;
	s1 =	sshrl.u32 s1, $0x2  }
0xb8: {  	s3 =	sand.u32 $0x4000, s31;
	s1 =	sadd.s32 s1, s30  }
0xb9: {  	s0 =	sor.u32 s3, s0;
	s1 =	sshll.u32 s1, $0x11  }
0xba: {  	s0 =	sor.u32 s1, s0  }
0xbb: {  	s0 =	sadd.s32 $0x8F2B, s0  }
0xbc: {  	[sflag:s0] =	ssyncadd.remote.s32 $0x1  }
0xbd: {  	_ =	sfence.sel $0xFFFF  }
0xbe: {  	[dreg:$0x0] =	wrdreg $0xFFFFFFFF;
	(pc) =	sbr.abs _section_cstart, $3  }
0xbf: {  	[dreg:$0x1] =	wrdreg $0xFFFFFFFF  }
0xc0: {  	_ =	task.clear_ibuf [dreg:s6], $0x2FFFF;
	_ =	strace $0x9FFFFFFF  }
0xc1: {  	(tm) =	ssettm $0x7FFFFFFF  }
tec
execute0_lowered:
.L_overlay_start_1:
0x0: {  	(tag) =	ssettag $0x1  }
0x1: {  	s0 =	rddreg [dreg:$0x0]  }
0x2: {  	s2 =	stileid.u32;
	s1 =	srdreg.scid;
	s16 =	simm.s32 $0x100  }
0x3: {  	s17 =	simm.s32 $0x200;
	s18 =	simm.s32 $0x3;
	s19 =	simm.s32 $0x40  }
0x4: {  	s25 =	simm.s32 $0x8300;
	s26 =	simm.s32 $0x1;
	s5 =	smul.u32 $0x14, s2  }
0x5: {  	s28 =	simm.s32 $0x2;
	s29 =	simm.s32 $0x0;
	s1 =	sand.u32 $0x1, s1  }
0x6: {  	s2 =	simm.s32 $0x0;
	p0 =	seq.s32 s1, $0x0;
	s3 =	sadd.s32 $0x140, s5  }
0x7: {  	s4 =	sadd.s32 $0x9400, s0;
	s6 =	sadd.s32 $0x141C00, s0;
	s3 =	smov.u32 @p0 s5  }
0x8: {  	s7 =	sadd.s32 $0x1DE000, s0;
	[smem:$0x7FF] =	sst s2;
	s8 =	sshrl.u32 s3, $0x3  }
0x9: {  	s1 =	ssub.s32 $0x2, s1;
	s9 =	sshll.u32 s3, $0x7;
	s10 =	smul.u32 $0xC00, s8  }
0xa: {  	_ =	strace $0x8000004A;
	s12 =	sshrl.u32 s1, $0x1;
	s11 =	sand.u32 $0x200, s9  }
0xb: {  	s5 =	sadd.s32 $0xA5800, s0;
	s30 =	ssub.s32 s1, s12;
	s11 =	sor.u32 s11, s10  }
0xc: {  	s12 =	sor.u32 $0x1, s3;
	s9 =	sadd.s32 $0x1C00, s0;
	s31 =	sshrl.u32 s11, $0x3  }
0xd: {  	s13 =	smax.u32 s30, $0x1;
	s8 =	sadd.s32 $0x27A400, s0;
	s11 =	sadd.s32 s9, s31  }
0xe: {  	s10 =	sadd.s32 $0x44F000, s0;
	s14 =	sadd.s32 $0x80, s11;
	s15 =	sadd.s32 $0x100, s11  }
.LBB2_1:
0xf: {  	[tilespmem:s2], [sflag:$0x3] =	stream.linear.gather [hbm4b:s11+s2], $0x80, $0x38;
	[tilespmem:$0x18300] =	vst v63  }
0x10: {  	_ = 	snop  }
0x11: {  	[tilespmem:s16], [sflag:$0x3] =	stream.linear.gather [hbm4b:s14+s2], $0x80, $0x38;
	[tilespmem:$0x18300] =	vst v63  }
0x12: {  	_ = 	snop  }
0x13: {  	[tilespmem:s17], [sflag:$0x3] =	stream.linear.gather [hbm4b:s15+s2], $0x80, $0x38;
	[tilespmem:$0x18300] =	vst v63  }
0x14: {  	_ =	swait.ge [sflag:s18], $0x180  }
0x15: {  	[sflag:s18] =	ssyncset.done $0x0  }
0x16: {  	s0 =	simm.s32 $0x300;
	[sflag:s18] =	ssyncadd.s32 $0xFFFFFE80  }
0x17: {  	[tilespmem:s0], [sflag:$0x1] =	stream.indirect.gather [hbm4b:s4+s19], $0x80, s2, s19, $0xb8;
	[tilespmem:$0x18300] =	vst v63  }
0x18: {  	s23 =	simm.s32 $0x2300  }
0x19: {  	[tilespmem:s23], [sflag:$0x1] =	stream.indirect.gather [hbm4b:s5+s19], $0x80, s19, s19, $0xb8;
	[tilespmem:$0x18300] =	vst v63  }
0x1a: {  	s24 =	simm.s32 $0x4300  }
0x1b: {  	[tilespmem:s24], [sflag:$0x1] =	stream.indirect.gather [hbm4b:s6+s19], $0x80, s16, s19, $0xb8;
	[tilespmem:$0x18300] =	vst v63  }
0x1c: {  	s31 =	simm.s32 $0x140;
	s1 =	simm.s32 $0x6300  }
0x1d: {  	[tilespmem:s1], [sflag:$0x1] =	stream.indirect.gather [hbm4b:s7+s19], $0x80, s31, s19, $0xb8;
	[tilespmem:$0x18300] =	vst v63  }
0x1e: {  	p0 =	por $0x0, $0x0;
	s30 =	simm.s32 $0x0  }
0x1f: {  	[tilespmem:s25], [sflag:$0x1] =	stream.indirect.gather [hbm4b:s8+s19], $0x80, s17, s19, $0xb8;
	[tilespmem:$0x18300] =	vst v63  }
.LBB2_2:
0x20: {  	p1 =	seq.s32 s30, $0x13  }
0x21: {  	s0 =	sadd.s32 @!p1 s30, s12  }
0x22: {  	s1 =	sshrl.u32 @!p1 s0, $0x3  }
0x23: {  	s0 =	sshll.u32 @!p1 s0, $0x7;
	s1 =	smul.u32 @!p1 $0xC00, s1  }
0x24: {  	s31 =	sand.u32 @!p1 $0x380, s0  }
0x25: {  	s0 =	sand.u32 $0x1, s30;
	s1 =	sor.u32 @!p1 s31, s1  }
0x26: {  	s31 =	sxor.u32 @!p1 $0x1, s0;
	s1 =	sshrl.u32 @!p1 s1, $0x3  }
0x27: {  	s21 =	simm.s32 @!p1 $0x0;
	s20 =	sshll.u32 @!p1 s31, $0x7;
	s1 =	sadd.s32 @!p1 s9, s1  }
0x28: {  	[tilespmem:s20], [sflag:$0x3] =	stream.linear.gather @!p1 [hbm4b:s1+s21], $0x80, $0x38;
	[tilespmem:$0x18300] =	vst v63  }
0x29: {  	s23 =	sor.u32 @!p1 $0x100, s20;
	s22 =	sadd.s32 @!p1 $0x80, s1  }
0x2a: {  	[tilespmem:s23], [sflag:$0x3] =	stream.linear.gather @!p1 [hbm4b:s22+s21], $0x80, $0x38;
	[tilespmem:$0x18300] =	vst v63  }
0x2b: {  	s1 =	sadd.s32 @!p1 $0x100, s1;
	s22 =	sor.u32 @!p1 $0x200, s20  }
0x2c: {  	[tilespmem:s22], [sflag:$0x3] =	stream.linear.gather @!p1 [hbm4b:s1+s21], $0x80, $0x38;
	[tilespmem:$0x18300] =	vst v63  }
0x2d: {  	s1 =	simm.s32 @!p1 $0x3;
	s21 =	smul.u32 @!p1 $0x28000, s31  }
0x2e: {  	_ =	swait.ge @!p1 [sflag:s1], $0x180  }
0x2f: {  	[sflag:s1] =	ssyncset.done @!p1 $0x0;
	s21 =	sshrl.u32 @!p1 s21, $0x2  }
0x30: {  	s31 =	simm.s32 @!p1 $0x40;
	[sflag:s1] =	ssyncadd.s32 @!p1 $0xFFFFFE80;
	s1 =	sor.u32 @!p1 $0x300, s21  }
0x31: {  	[tilespmem:s1], [sflag:$0x1] =	stream.indirect.gather @!p1 [hbm4b:s4+s31], $0x80, s20, s31, $0xb8;
	[tilespmem:$0x18300] =	vst v63  }
0x32: {  	s24 =	sor.u32 @!p1 $0x40, s20;
	s1 =	sadd.s32 @!p1 $0x2300, s21  }
0x33: {  	[tilespmem:s1], [sflag:$0x1] =	stream.indirect.gather @!p1 [hbm4b:s5+s31], $0x80, s24, s31, $0xb8;
	[tilespmem:$0x18300] =	vst v63  }
0x34: {  	s1 =	sadd.s32 @!p1 $0x4300, s21  }
0x35: {  	[tilespmem:s1], [sflag:$0x1] =	stream.indirect.gather @!p1 [hbm4b:s6+s31], $0x80, s23, s31, $0xb8;
	[tilespmem:$0x18300] =	vst v63  }
0x36: {  	s20 =	sor.u32 @!p1 $0x140, s20;
	s1 =	sadd.s32 @!p1 $0x6300, s21  }
0x37: {  	[tilespmem:s1], [sflag:$0x1] =	stream.indirect.gather @!p1 [hbm4b:s7+s31], $0x80, s20, s31, $0xb8;
	[tilespmem:$0x18300] =	vst v63  }
0x38: {  	s1 =	sadd.s32 @!p1 $0x8300, s21  }
0x39: {  	[tilespmem:s1], [sflag:$0x1] =	stream.indirect.gather @!p1 [hbm4b:s8+s31], $0x80, s22, s31, $0xb8;
	[tilespmem:$0x18300] =	vst v63  }
0x3a: {  	_ =	swait.ge [sflag:s26], $0x2000  }
0x3b: {  	[sflag:s26] =	ssyncset.done $0x0  }
0x3c: {  	[sflag:s26] =	ssyncadd.s32 $0xFFFFE000  }
0x3d: {  	_ =	swait.ge [sflag:s26], $0x2000  }
0x3e: {  	[sflag:s26] =	ssyncset.done $0x0  }
0x3f: {  	[sflag:s26] =	ssyncadd.s32 $0xFFFFE000  }
0x40: {  	_ =	swait.ge [sflag:s26], $0x2000  }
0x41: {  	s1 =	simm.s32 $0x1;
	[sflag:s26] =	ssyncset.done $0x0  }
0x42: {  	s1 =	simm.s32 @!p0 $0x0;
	[sflag:s26] =	ssyncadd.s32 $0xFFFFE000  }
0x43: {  	s24 =	smul.u32 $0x28000, s1;
	_ =	swait.ge [sflag:s26], $0x2000  }
0x44: {  	[sflag:s26] =	ssyncset.done $0x0  }
0x45: {  	s20 =	sshrl.u32 s24, $0x2;
	[sflag:s26] =	ssyncadd.s32 $0xFFFFE000  }
0x46: {  	s20 =	sor.u32 $0x300, s20;
	_ =	swait.ge [sflag:s26], $0x2000  }
0x47: {  	p1 =	slt.u32 s30, $0x2;
	v0 =	vmov s20;
	[sflag:s26] =	ssyncset.done $0x0  }
0x48: {  	s20 =	simm.s32 @!p1 $0x2;
	[sflag:s26] =	ssyncadd.s32 $0xFFFFE000  }
0x49: {  	_ =	swait.ge @!p1 [sflag:s20], $0x2000  }
0x4a: {  	[sflag:s20] =	ssyncset.done @!p1 $0x0  }
0x4b: {  	s31 =	simm.s32 $0x0;
	[sflag:s20] =	ssyncadd.s32 @!p1 $0xFFFFE000  }
0x4c: {  	v1 =	vld.idx.msk [tilespmem:v0+s31+$0x6000 ss:$0x1], $0xffff  }
0x4d: {  	v2 =	vld.idx.msk [tilespmem:v0+s31+$0x0 ss:$0x1], $0xffff  }
0x4e: {  	v3 =	vld.idx.msk [tilespmem:v0+s31+$0x4000 ss:$0x1], $0xffff  }
0x4f: {  	v4 =	vld.idx.msk [tilespmem:v0+s31+$0x2000 ss:$0x1], $0xffff;
	_ =	sdelay $0x3  }
0x50: {  	s1 =	sshll.u32 s1, $0xD;
	v5 =	vld.idx.msk [tilespmem:v0+s31+$0x8000 ss:$0x1], $0xffff  }
0x51: {  	s1 =	sor.u32 $0x14370, s1;
	v3 =	vadd.f32 v1, v3;
	v2 =	vadd.f32 v4, v2  }
0x52: {  	v1 =	vmov s1  }
0x53: {  	v2 =	vadd.f32 v3, v2;
	_ =	sdelay $0x1  }
0x54: {  	v2 =	vadd.f32 v2, v5;
	_ =	sdelay $0x1  }
0x55: {  	[tilespmem:v1+s31+$0xFFFFFF90 ss:$0x1] =	vst.idx.msk $0xffff, v2  }
0x56: {  	v2 =	vld.idx.msk [tilespmem:v0+s31+$0x6010 ss:$0x1], $0xffff  }
0x57: {  	v3 =	vld.idx.msk [tilespmem:v0+s31+$0x2010 ss:$0x1], $0xffff  }
0x58: {  	v4 =	vld.idx.msk [tilespmem:v0+s31+$0x10 ss:$0x1], $0xffff  }
0x59: {  	v5 =	vld.idx.msk [tilespmem:v0+s31+$0x4010 ss:$0x1], $0xffff;
	_ =	sdelay $0x3  }
0x5a: {  	v6 =	vld.idx.msk [tilespmem:v0+s31+$0x8010 ss:$0x1], $0xffff  }
0x5b: {  	v3 =	vadd.f32 v3, v4;
	v2 =	vadd.f32 v2, v5;
	_ =	sdelay $0x1  }
0x5c: {  	v2 =	vadd.f32 v2, v3;
	_ =	sdelay $0x1  }
0x5d: {  	v2 =	vadd.f32 v2, v6;
	_ =	sdelay $0x1  }
0x5e: {  	[tilespmem:v1+s31+$0xFFFFFFA0 ss:$0x1] =	vst.idx.msk $0xffff, v2  }
0x5f: {  	v2 =	vld.idx.msk [tilespmem:v0+s31+$0x4020 ss:$0x1], $0xffff  }
0x60: {  	v3 =	vld.idx.msk [tilespmem:v0+s31+$0x2020 ss:$0x1], $0xffff  }
0x61: {  	v4 =	vld.idx.msk [tilespmem:v0+s31+$0x20 ss:$0x1], $0xffff  }
0x62: {  	v5 =	vld.idx.msk [tilespmem:v0+s31+$0x6020 ss:$0x1], $0xffff;
	_ =	sdelay $0x3  }
0x63: {  	v6 =	vld.idx.msk [tilespmem:v0+s31+$0x8020 ss:$0x1], $0xffff  }
0x64: {  	v3 =	vadd.f32 v3, v4;
	v2 =	vadd.f32 v5, v2;
	_ =	sdelay $0x1  }
0x65: {  	v2 =	vadd.f32 v2, v3;
	_ =	sdelay $0x1  }
0x66: {  	v2 =	vadd.f32 v2, v6;
	_ =	sdelay $0x1  }
0x67: {  	[tilespmem:v1+s31+$0xFFFFFFB0 ss:$0x1] =	vst.idx.msk $0xffff, v2  }
0x68: {  	v2 =	vld.idx.msk [tilespmem:v0+s31+$0x6030 ss:$0x1], $0xffff  }
0x69: {  	v3 =	vld.idx.msk [tilespmem:v0+s31+$0x30 ss:$0x1], $0xffff  }
0x6a: {  	v4 =	vld.idx.msk [tilespmem:v0+s31+$0x2030 ss:$0x1], $0xffff  }
0x6b: {  	v5 =	vld.idx.msk [tilespmem:v0+s31+$0x4030 ss:$0x1], $0xffff;
	_ =	sdelay $0x3  }
0x6c: {  	v6 =	vld.idx.msk [tilespmem:v0+s31+$0x8030 ss:$0x1], $0xffff  }
0x6d: {  	v3 =	vadd.f32 v4, v3;
	v2 =	vadd.f32 v2, v5;
	_ =	sdelay $0x1  }
0x6e: {  	v2 =	vadd.f32 v2, v3;
	_ =	sdelay $0x1  }
0x6f: {  	v2 =	vadd.f32 v2, v6;
	_ =	sdelay $0x1  }
0x70: {  	[tilespmem:v1+s31+$0xFFFFFFC0 ss:$0x1] =	vst.idx.msk $0xffff, v2  }
0x71: {  	v2 =	vld.idx.msk [tilespmem:v0+s31+$0x2040 ss:$0x1], $0xffff  }
0x72: {  	v3 =	vld.idx.msk [tilespmem:v0+s31+$0x6040 ss:$0x1], $0xffff  }
0x73: {  	v4 =	vld.idx.msk [tilespmem:v0+s31+$0x40 ss:$0x1], $0xffff  }
0x74: {  	v5 =	vld.idx.msk [tilespmem:v0+s31+$0x4040 ss:$0x1], $0xffff;
	_ =	sdelay $0x3  }
0x75: {  	v6 =	vld.idx.msk [tilespmem:v0+s31+$0x8040 ss:$0x1], $0xffff  }
0x76: {  	v2 =	vadd.f32 v2, v4;
	v3 =	vadd.f32 v3, v5;
	_ =	sdelay $0x1  }
0x77: {  	v2 =	vadd.f32 v3, v2;
	_ =	sdelay $0x1  }
0x78: {  	v2 =	vadd.f32 v2, v6;
	_ =	sdelay $0x1  }
0x79: {  	[tilespmem:v1+s31+$0xFFFFFFD0 ss:$0x1] =	vst.idx.msk $0xffff, v2  }
0x7a: {  	v2 =	vld.idx.msk [tilespmem:v0+s31+$0x2050 ss:$0x1], $0xffff  }
0x7b: {  	v3 =	vld.idx.msk [tilespmem:v0+s31+$0x6050 ss:$0x1], $0xffff  }
0x7c: {  	v4 =	vld.idx.msk [tilespmem:v0+s31+$0x4050 ss:$0x1], $0xffff  }
0x7d: {  	v5 =	vld.idx.msk [tilespmem:v0+s31+$0x50 ss:$0x1], $0xffff;
	_ =	sdelay $0x3  }
0x7e: {  	v6 =	vld.idx.msk [tilespmem:v0+s31+$0x8050 ss:$0x1], $0xffff  }
0x7f: {  	v3 =	vadd.f32 v3, v4;
	v2 =	vadd.f32 v2, v5;
	_ =	sdelay $0x1  }
0x80: {  	v2 =	vadd.f32 v3, v2;
	_ =	sdelay $0x1  }
0x81: {  	v2 =	vadd.f32 v2, v6;
	_ =	sdelay $0x1  }
0x82: {  	[tilespmem:v1+s31+$0xFFFFFFE0 ss:$0x1] =	vst.idx.msk $0xffff, v2  }
0x83: {  	v2 =	vld.idx.msk [tilespmem:v0+s31+$0x2060 ss:$0x1], $0xffff  }
0x84: {  	v3 =	vld.idx.msk [tilespmem:v0+s31+$0x4060 ss:$0x1], $0xffff  }
0x85: {  	v5 =	vld.idx.msk [tilespmem:v0+s31+$0x60 ss:$0x1], $0xffff  }
0x86: {  	s0 =	sshll.u32 s0, $0xD;
	v6 =	vld.idx.msk [tilespmem:v0+s31+$0x6060 ss:$0x1], $0xffff  }
0x87: {  	s1 =	sor.u32 $0x14300, s0;
	s0 =	simm.s32 $0x200;
	v4 =	vld.idx.msk [tilespmem:v0+s31+$0x8060 ss:$0x1], $0xffff  }
.LBB2_3:
0x88: {  	_ = 	snop  }
0x89: {  	p1 =	sne.s32 s0, $0x7E00;
	s20 =	smov.u32 s0;
	s0 =	sadd.s32 $0x200, s0  }
0x8a: {  	v2 =	vadd.f32 v2, v5  }
0x8b: {  	v3 =	vadd.f32 v6, v3;
	_ =	sdelay $0x1  }
0x8c: {  	v2 =	vadd.f32 v3, v2;
	_ =	sdelay $0x1  }
0x8d: {  	v2 =	vadd.f32 v2, v4;
	_ =	sdelay $0x1  }
0x8e: {  	[tilespmem:v1+s31+$0xFFFFFFF0 ss:$0x1] =	vst.idx.msk $0xffff, v2  }
0x8f: {  	v2 =	vld.idx.msk [tilespmem:v0+s31+$0x6070 ss:$0x1], $0xffff  }
0x90: {  	v3 =	vld.idx.msk [tilespmem:v0+s31+$0x2070 ss:$0x1], $0xffff  }
0x91: {  	v4 =	vld.idx.msk [tilespmem:v0+s31+$0x70 ss:$0x1], $0xffff  }
0x92: {  	v5 =	vld.idx.msk [tilespmem:v0+s31+$0x4070 ss:$0x1], $0xffff  }
0x93: {  	v6 =	vld.idx.msk [tilespmem:v0+s31+$0x8070 ss:$0x1], $0xffff;
	_ =	sdelay $0x3  }
0x94: {  	v3 =	vadd.f32 v3, v4  }
0x95: {  	v2 =	vadd.f32 v2, v5;
	_ =	sdelay $0x1  }
0x96: {  	v2 =	vadd.f32 v2, v3;
	_ =	sdelay $0x1  }
0x97: {  	v2 =	vadd.f32 v2, v6;
	_ =	sdelay $0x1  }
0x98: {  	[tilespmem:v1+s31+$0x0 ss:$0x1] =	vst.idx.msk $0xffff, v2;
	s31 =	sshra.s32 s20, $0x2  }
0x99: {  	v2 =	vld.idx.msk [tilespmem:v0+s31+$0x6000 ss:$0x1], $0xffff  }
0x9a: {  	v3 =	vld.idx.msk [tilespmem:v0+s31+$0x0 ss:$0x1], $0xffff  }
0x9b: {  	v4 =	vld.idx.msk [tilespmem:v0+s31+$0x4000 ss:$0x1], $0xffff  }
0x9c: {  	v5 =	vld.idx.msk [tilespmem:v0+s31+$0x2000 ss:$0x1], $0xffff;
	_ =	sdelay $0x3  }
0x9d: {  	v6 =	vld.idx.msk [tilespmem:v0+s31+$0x8000 ss:$0x1], $0xffff  }
0x9e: {  	v2 =	vadd.f32 v2, v4  }
0x9f: {  	v3 =	vadd.f32 v5, v3;
	_ =	sdelay $0x1  }
0xa0: {  	v2 =	vadd.f32 v2, v3;
	_ =	sdelay $0x1  }
0xa1: {  	v2 =	vadd.f32 v2, v6;
	_ =	sdelay $0x1  }
0xa2: {  	[tilespmem:v1+s31+$0xFFFFFF90 ss:$0x1] =	vst.idx.msk $0xffff, v2  }
0xa3: {  	v2 =	vld.idx.msk [tilespmem:v0+s31+$0x6010 ss:$0x1], $0xffff  }
0xa4: {  	v3 =	vld.idx.msk [tilespmem:v0+s31+$0x2010 ss:$0x1], $0xffff  }
0xa5: {  	v4 =	vld.idx.msk [tilespmem:v0+s31+$0x10 ss:$0x1], $0xffff  }
0xa6: {  	v5 =	vld.idx.msk [tilespmem:v0+s31+$0x4010 ss:$0x1], $0xffff;
	_ =	sdelay $0x3  }
0xa7: {  	v6 =	vld.idx.msk [tilespmem:v0+s31+$0x8010 ss:$0x1], $0xffff  }
0xa8: {  	v3 =	vadd.f32 v3, v4  }
0xa9: {  	v2 =	vadd.f32 v2, v5;
	_ =	sdelay $0x1  }
0xaa: {  	v2 =	vadd.f32 v2, v3;
	_ =	sdelay $0x1  }
0xab: {  	v2 =	vadd.f32 v2, v6;
	_ =	sdelay $0x1  }
0xac: {  	[tilespmem:v1+s31+$0xFFFFFFA0 ss:$0x1] =	vst.idx.msk $0xffff, v2  }
0xad: {  	v2 =	vld.idx.msk [tilespmem:v0+s31+$0x4020 ss:$0x1], $0xffff  }
0xae: {  	v3 =	vld.idx.msk [tilespmem:v0+s31+$0x2020 ss:$0x1], $0xffff  }
0xaf: {  	v4 =	vld.idx.msk [tilespmem:v0+s31+$0x20 ss:$0x1], $0xffff  }
0xb0: {  	v5 =	vld.idx.msk [tilespmem:v0+s31+$0x6020 ss:$0x1], $0xffff;
	_ =	sdelay $0x3  }
0xb1: {  	v6 =	vld.idx.msk [tilespmem:v0+s31+$0x8020 ss:$0x1], $0xffff  }
0xb2: {  	v3 =	vadd.f32 v3, v4  }
0xb3: {  	v2 =	vadd.f32 v5, v2;
	_ =	sdelay $0x1  }
0xb4: {  	v2 =	vadd.f32 v2, v3;
	_ =	sdelay $0x1  }
0xb5: {  	v2 =	vadd.f32 v2, v6;
	_ =	sdelay $0x1  }
0xb6: {  	[tilespmem:v1+s31+$0xFFFFFFB0 ss:$0x1] =	vst.idx.msk $0xffff, v2  }
0xb7: {  	v2 =	vld.idx.msk [tilespmem:v0+s31+$0x6030 ss:$0x1], $0xffff  }
0xb8: {  	v3 =	vld.idx.msk [tilespmem:v0+s31+$0x30 ss:$0x1], $0xffff  }
0xb9: {  	v4 =	vld.idx.msk [tilespmem:v0+s31+$0x2030 ss:$0x1], $0xffff  }
0xba: {  	v5 =	vld.idx.msk [tilespmem:v0+s31+$0x4030 ss:$0x1], $0xffff;
	_ =	sdelay $0x3  }
0xbb: {  	v6 =	vld.idx.msk [tilespmem:v0+s31+$0x8030 ss:$0x1], $0xffff  }
0xbc: {  	v3 =	vadd.f32 v4, v3  }
0xbd: {  	v2 =	vadd.f32 v2, v5;
	_ =	sdelay $0x1  }
0xbe: {  	v2 =	vadd.f32 v2, v3;
	_ =	sdelay $0x1  }
0xbf: {  	v2 =	vadd.f32 v2, v6;
	_ =	sdelay $0x1  }
0xc0: {  	[tilespmem:v1+s31+$0xFFFFFFC0 ss:$0x1] =	vst.idx.msk $0xffff, v2  }
0xc1: {  	v2 =	vld.idx.msk [tilespmem:v0+s31+$0x2040 ss:$0x1], $0xffff  }
0xc2: {  	v3 =	vld.idx.msk [tilespmem:v0+s31+$0x6040 ss:$0x1], $0xffff  }
0xc3: {  	v4 =	vld.idx.msk [tilespmem:v0+s31+$0x40 ss:$0x1], $0xffff  }
0xc4: {  	v5 =	vld.idx.msk [tilespmem:v0+s31+$0x4040 ss:$0x1], $0xffff;
	_ =	sdelay $0x3  }
0xc5: {  	v6 =	vld.idx.msk [tilespmem:v0+s31+$0x8040 ss:$0x1], $0xffff  }
0xc6: {  	v2 =	vadd.f32 v2, v4  }
0xc7: {  	v3 =	vadd.f32 v3, v5;
	_ =	sdelay $0x1  }
0xc8: {  	v2 =	vadd.f32 v3, v2;
	_ =	sdelay $0x1  }
0xc9: {  	v2 =	vadd.f32 v2, v6;
	_ =	sdelay $0x1  }
0xca: {  	[tilespmem:v1+s31+$0xFFFFFFD0 ss:$0x1] =	vst.idx.msk $0xffff, v2  }
0xcb: {  	v2 =	vld.idx.msk [tilespmem:v0+s31+$0x2050 ss:$0x1], $0xffff  }
0xcc: {  	v3 =	vld.idx.msk [tilespmem:v0+s31+$0x6050 ss:$0x1], $0xffff  }
0xcd: {  	v4 =	vld.idx.msk [tilespmem:v0+s31+$0x4050 ss:$0x1], $0xffff  }
0xce: {  	v5 =	vld.idx.msk [tilespmem:v0+s31+$0x50 ss:$0x1], $0xffff  }
0xcf: {  	v6 =	vld.idx.msk [tilespmem:v0+s31+$0x8050 ss:$0x1], $0xffff;
	_ =	sdelay $0x3  }
0xd0: {  	v3 =	vadd.f32 v3, v4  }
0xd1: {  	v2 =	vadd.f32 v2, v5;
	_ =	sdelay $0x1  }
0xd2: {  	v2 =	vadd.f32 v3, v2;
	_ =	sdelay $0x1  }
0xd3: {  	v2 =	vadd.f32 v2, v6;
	_ =	sdelay $0x1  }
0xd4: {  	[tilespmem:v1+s31+$0xFFFFFFE0 ss:$0x1] =	vst.idx.msk $0xffff, v2  }
.Ltmp0:
0xd5: {  	v2 =	vld.idx.msk [tilespmem:v0+s31+$0x2060 ss:$0x1], $0xffff;
	(pc) =	sbr.rel @p1 .LBB2_3-.Ltmp0, $4  }
0xd6: {  	v3 =	vld.idx.msk [tilespmem:v0+s31+$0x4060 ss:$0x1], $0xffff  }
0xd7: {  	v5 =	vld.idx.msk [tilespmem:v0+s31+$0x60 ss:$0x1], $0xffff  }
0xd8: {  	v6 =	vld.idx.msk [tilespmem:v0+s31+$0x6060 ss:$0x1], $0xffff  }
0xd9: {  	v4 =	vld.idx.msk [tilespmem:v0+s31+$0x8060 ss:$0x1], $0xffff  }
0xda: {  	_ =	sdelay $0x2  }
0xdb: {  	v2 =	vadd.f32 v2, v5;
	v3 =	vadd.f32 v6, v3;
	_ =	sdelay $0x1  }
0xdc: {  	v2 =	vadd.f32 v3, v2;
	_ =	sdelay $0x1  }
0xdd: {  	v2 =	vadd.f32 v2, v4;
	_ =	sdelay $0x1  }
0xde: {  	[tilespmem:v1+s31+$0xFFFFFFF0 ss:$0x1] =	vst.idx.msk $0xffff, v2  }
0xdf: {  	v2 =	vld.idx.msk [tilespmem:v0+s31+$0x6070 ss:$0x1], $0xffff  }
0xe0: {  	v60 =	vld.idx.msk [tilespmem:v0+s31+$0x2070 ss:$0x1], $0xffff  }
0xe1: {  	v61 =	vld.idx.msk [tilespmem:v0+s31+$0x70 ss:$0x1], $0xffff  }
0xe2: {  	v62 =	vld.idx.msk [tilespmem:v0+s31+$0x4070 ss:$0x1], $0xffff;
	_ =	sdelay $0x3  }
0xe3: {  	v63 =	vld.idx.msk [tilespmem:v0+s31+$0x8070 ss:$0x1], $0xffff  }
0xe4: {  	v3 =	vadd.f32 v60, v61;
	v2 =	vadd.f32 v2, v62  }
0xe5: {  	s0 =	sadd.s32 s3, s30;
	s30 =	sadd.s32 $0x1, s30  }
0xe6: {  	p1 =	sne.s32 s30, $0x14;
	v2 =	vadd.f32 v2, v3  }
.Ltmp1:
0xe7: {  	_ = 	snop;
	(pc) =	sbr.rel @p1 .LBB2_2-.Ltmp1, $4  }
0xe8: {  	v0 =	vadd.f32 v2, v63  }
0xe9: {  	s0 =	sshll.u32 s0, $0xA  }
0xea: {  	p0 =	por !p0, !p0;
	s0 =	sadd.s32 s10, s0;
	[tilespmem:v1+s31+$0x0 ss:$0x1] =	vst.idx.msk $0xffff, v0  }
0xeb: {  	[hbm4b:s0+s2] =	stream.linear.scatter [tilespmem:s1], [sflag:$0x2], $0x2000, $0x38;
	[tilespmem:$0x18300] =	vst v63  }
0xec: {  	s29 =	sadd.s32 $0x1, s29  }
0xed: {  	_ =	swait.ge [sflag:s28], $0x2000;
	p0 =	sne.s32 s29, s13  }
.Ltmp2:
0xee: {  	[sflag:s28] =	ssyncset.done $0x0;
	(pc) =	sbr.rel @p0 .LBB2_1-.Ltmp2, $4  }
0xef: {  	[sflag:s28] =	ssyncadd.s32 $0xFFFFE000  }
0xf0: {  	_ =	swait.ge [sflag:s28], $0x2000  }
0xf1: {  	[sflag:s28] =	ssyncset.done $0x0  }
0xf2: {  	[sflag:s28] =	ssyncadd.s32 $0xFFFFE000  }
0xf3: {  	_ =	sfence.sel $0x180000  }
0xf4: {  	[bflag:$0x0] =	sbarrier.arrive $0xFFFF  }
0xf5: {  	_ =	strace $0x9000004A  }
0xf6: {  	s0 =	stileid.u32;
	[bflag:$0x2] =	sbarrier.arrive $0xFFFF  }
0xf7: {  	p0 =	sne.s32 s0, $0x0;
	s0 =	rddreg [dreg:$0x1]  }
0xf8: {  	s0 =	sadd.s32 @!p0 $0x100000, s0  }
0xf9: {  	[sflag:s0] =	ssyncadd.tile.s32 @!p0 $0x1;
	_ =	shalt  }
.Lfunc_end2:
_tile_overlayer_lowered:
.L_overlay_start_2:
0xfa: {  	(tag) =	ssettag $0x2  }
0xfb: {  	s0 =	rddreg [dreg:$0x0];
	s2 =	stileid.u32  }
0xfc: {  	s1 =	rddreg [dreg:$0x1];
	p0 =	sne.s32 s2, $0x0  }
0xfd: {  	s3 =	rddreg [dreg:$0x2];
	[bflag:$0x3] =	sbarrier.arrive $0xFFFF;
	s2 =	simm.s32 @!p0 $0x1C03  }
0xfe: {  	[timem:s3], [sflag:s2] =	dma.local @!p0 [hbm:s0], s1  }
0xff: {  	s0 =	simm.s32 @!p0 $0x3  }
0x100: {  	_ =	swait.ge @!p0 [sflag:s0], s1  }
0x101: {  	s1 =	ssub.s32 @!p0 $0x0, s1;
	[sflag:s0] =	ssyncset.done @!p0 $0x0  }
0x102: {  	[sflag:s0] =	ssyncadd.s32 @!p0 s1  }
0x103: {  	[bflag:$0x3] =	sbarrier.arrive $0xFFFF  }
0x104: {  	_ =	shalt  }

// kernel: kernel.9.cloned.1.call-start
scs
__scs_entry_jumppad:
0x0: {  	(pc) =	sbr.rel $0x88, $3  }
0x1: {  	(tag) =	ssettag $0x0;
	lr =	simm.s32 $0x1  }
0x2: {  	[smem:$0x3F9B] =	sst lr;
	_ =	strace $0xD0000000  }
0x3: {  	_ = 	snop  }
0x4: {  	_ = 	snop  }
0x5: {  	_ = 	snop  }
0x6: {  	_ = 	snop  }
0x7: {  	_ = 	snop  }
__scs_overlays_trampoline_lowered:
0x8: {  	[smem:$0x3FAA] =	sst s0  }
0x9: {  	[smem:$0x3FAB] =	sst s1  }
0xa: {  	[smem:$0x3FAC] =	sst s2  }
0xb: {  	[smem:$0x3FAD] =	sst s3  }
0xc: {  	[smem:$0x3FAE] =	sst s4  }
0xd: {  	[smem:$0x3FAF] =	sst s5  }
0xe: {  	[smem:$0x3FB0] =	sst s6  }
0xf: {  	[smem:$0x3FB1] =	sst s7  }
0x10: {  	[smem:$0x3FB2] =	sst s8  }
0x11: {  	[smem:$0x3FB3] =	sst s9;
	s0 =	simm.s32 @!p0 $0x0  }
0x12: {  	s1 =	sld [smem:$0x3F99];
	s0 =	simm.s32 @p0 $0x1  }
0x13: {  	[smem:$0x3FB4] =	sst s0;
	s0 =	simm.s32 @!p1 $0x0  }
0x14: {  	s2 =	sld [smem:$0x3F98];
	s0 =	simm.s32 @p1 $0x1  }
0x15: {  	[smem:$0x3FB5] =	sst s0;
	s0 =	simm.s32 @!p2 $0x0  }
0x16: {  	s3 =	sld [smem:$0x3FDB];
	s0 =	simm.s32 @p2 $0x1  }
0x17: {  	s4 =	simm.s32 $0x1BF5;
	[smem:$0x3FB7] =	sst s0  }
0x18: {  	s0 =	sld [smem:$0x3F9A];
	_ =	swait.ge [sflag:s4], $0x0  }
0x19: {  	s7 =	sld [smem:$0x3F9B]  }
0x1a: {  	s8 =	sadd.s32 $0xFFFFE003, lr  }
0x1b: {  	s9 =	sadd.s32 $0xFFFFFEF7, lr;
	s5 =	simm.s32 $0xFFFFFFFF;
	p2 =	slt.u32 s8, $0xFFFFF086  }
0x1c: {  	p1 =	slt.u32 s9, $0xF7A;
	s5 =	simm.s32 @!p2 $0x0  }
0x1d: {  	s5 =	simm.s32 @p1 $0x1;
	p0 =	seq.s32 s7, s2  }
0x1e: {  	s7 =	smul.u32 @!p0 $0xF7A, s2;
	p2 =	seq.s32 @!p0 s5, $0x0  }
0x1f: {  	s9 =	smul.u32 $0xF7A, s1;
	s8 =	simm.s32 @!p0 $0x1BF5;
	p2 =	por !p2, p0  }
0x20: {  	[sflag:s8] =	ssyncset.s32 @!p0 $0xFFFFF086;
	s6 =	sadd.s32 @!p0 s3, s7;
	s7 =	simm.s32 @!p0 $0x108  }
0x21: {  	s3 =	sadd.s32 s3, s9;
	s6 =	sadd.s32 @!p0 $0x88, s6;
	s7 =	simm.s32 @p2 $0x1082  }
0x22: {  	[simem:s7], [sflag:s8] =	dma.local @!p0 [hbm:s6], $0xF7A  }
0x23: {  	s9 =	sor.u32 $0xD0000000, s2;
	s6 =	simm.s32 $0x108;
	_ =	swait.ge @!p0 [sflag:s8], $0x0  }
0x24: {  	s3 =	sadd.s32 $0x88, s3;
	s6 =	simm.s32 @!p1 $0x1082;
	[sflag:s4] =	ssyncset.s32 $0xFFFFF086  }
0x25: {  	[simem:s6], [sflag:s4] =	dma.local [hbm:s3], $0xF7A  }
0x26: {  	[smem:$0x3F9B] =	sst s1;
	(tag) =	ssettag s2;
	_ =	strace s9  }
0x27: {  	s1 =	sld [smem:$0x3FAB]  }
0x28: {  	s2 =	sld [smem:$0x3FAC]  }
0x29: {  	s4 =	sld [smem:$0x3FAE]  }
0x2a: {  	p0 =	seq.s32 s5, $0x0;
	s5 =	sld [smem:$0x3FAF]  }
0x2b: {  	s6 =	sld [smem:$0x3FB0]  }
0x2c: {  	s7 =	sld [smem:$0x3FB1]  }
0x2d: {  	s3 =	simm.s32 $0x108;
	s8 =	sld [smem:$0x3FB2]  }
0x2e: {  	s3 =	simm.s32 @!p0 $0x1082;
	s9 =	sld [smem:$0x3FB3]  }
0x2f: {  	lr =	sadd.s32 s0, s3;
	s0 =	sld [smem:$0x3FAA]  }
0x30: {  	s3 =	sld [smem:$0x3FAD]  }
0x31: {  	[smem:$0x3FB6] =	sst s10  }
0x32: {  	s10 =	sld [smem:$0x3FB4];
	_ =	sdelay $0x3  }
0x33: {  	p0 =	seq.s32 s10, $0x1;
	s10 =	sld [smem:$0x3FB6];
	_ =	sdelay $0x3  }
0x34: {  	[smem:$0x3FB6] =	sst s10  }
0x35: {  	s10 =	sld [smem:$0x3FB5];
	_ =	sdelay $0x3  }
0x36: {  	p1 =	seq.s32 s10, $0x1;
	s10 =	sld [smem:$0x3FB6];
	_ =	sdelay $0x3  }
0x37: {  	[smem:$0x3FB6] =	sst s10  }
0x38: {  	s10 =	sld [smem:$0x3FB7]  }
0x39: {  	_ = 	snop;
	(pc) =	sbr.ind lr, $3  }
0x3a: {  	_ = 	snop  }
0x3b: {  	_ = 	snop  }
0x3c: {  	p2 =	seq.s32 s10, $0x1;
	s10 =	sld [smem:$0x3FB6]  }
0x3d: {  	_ =	shalt  }
0x3e: {  	_ =	shalt  }
0x3f: {  	_ =	shalt  }
0x40: {  	_ =	shalt  }
0x41: {  	_ =	shalt  }
0x42: {  	_ =	shalt  }
0x43: {  	_ =	shalt  }
0x44: {  	_ =	shalt  }
0x45: {  	_ =	shalt  }
0x46: {  	_ =	shalt  }
0x47: {  	_ =	shalt  }
0x48: {  	_ =	shalt  }
0x49: {  	_ =	shalt  }
0x4a: {  	_ =	shalt  }
0x4b: {  	_ =	shalt  }
0x4c: {  	_ =	shalt  }
0x4d: {  	_ =	shalt  }
0x4e: {  	_ =	shalt  }
0x4f: {  	_ =	shalt  }
0x50: {  	_ =	shalt  }
0x51: {  	_ =	shalt  }
0x52: {  	_ =	shalt  }
0x53: {  	_ =	shalt  }
0x54: {  	_ =	shalt  }
0x55: {  	_ =	shalt  }
0x56: {  	_ =	shalt  }
0x57: {  	_ =	shalt  }
0x58: {  	_ =	shalt  }
0x59: {  	_ =	shalt  }
0x5a: {  	_ =	shalt  }
0x5b: {  	_ =	shalt  }
0x5c: {  	_ =	shalt  }
0x5d: {  	_ =	shalt  }
0x5e: {  	_ =	shalt  }
0x5f: {  	_ =	shalt  }
0x60: {  	_ =	shalt  }
0x61: {  	_ =	shalt  }
0x62: {  	_ =	shalt  }
0x63: {  	_ =	shalt  }
0x64: {  	_ =	shalt  }
0x65: {  	_ =	shalt  }
0x66: {  	_ =	shalt  }
0x67: {  	_ =	shalt  }
0x68: {  	_ =	shalt  }
0x69: {  	_ =	shalt  }
0x6a: {  	_ =	shalt  }
0x6b: {  	_ =	shalt  }
0x6c: {  	_ =	shalt  }
0x6d: {  	_ =	shalt  }
0x6e: {  	_ =	shalt  }
0x6f: {  	_ =	shalt  }
0x70: {  	_ =	shalt  }
0x71: {  	_ =	shalt  }
0x72: {  	_ =	shalt  }
0x73: {  	_ =	shalt  }
0x74: {  	_ =	shalt  }
0x75: {  	_ =	shalt  }
0x76: {  	_ =	shalt  }
0x77: {  	_ =	shalt  }
0x78: {  	_ =	shalt  }
0x79: {  	_ =	shalt  }
0x7a: {  	_ =	shalt  }
0x7b: {  	_ =	shalt  }
0x7c: {  	_ =	shalt  }
0x7d: {  	_ =	shalt  }
0x7e: {  	_ =	shalt  }
0x7f: {  	_ =	shalt  }
0x80: {  	_ =	shalt  }
0x81: {  	_ =	shalt  }
0x82: {  	_ =	shalt  }
0x83: {  	_ =	shalt  }
0x84: {  	_ =	shalt  }
0x85: {  	_ =	shalt  }
0x86: {  	_ =	shalt  }
0x87: {  	_ =	shalt  }
.Lfunc_end0:
.L_simem_size_0:
called_computation_lowered:
.L_overlay_start_0:
0x88: {  	s2 =	sld [smem:$0x3FD9]  }
0x89: {  	s3 =	sld [smem:$0x3FFE];
	_ =	sdelay $0x1  }
0x8a: {  	s1 =	srdreg.scid  }
0x8b: {  	s0 =	sand.u32 $0x1, s1  }
0x8c: {  	s16 =	sshll.u32 s0, $0xA;
	s2 =	sadd.s32 s3, s2  }
0x8d: {  	s2 =	sadd.s32 s2, s16  }
0x8e: {  	[smem:$0x3FC2] =	sst s2  }
0x8f: {  	_ = 	snop  }
0x90: {  	(tm) =	ssettm $0x1  }
0x91: {  	s17 =	sld [smem:$0x3FFB];
	_ =	sdelay $0x3  }
0x92: {  	_ =	strace s17  }
0x93: {  	s2 =	sld [smem:$0x3FFC];
	_ =	sdelay $0x3  }
0x94: {  	_ =	strace s2  }
0x95: {  	s2 =	sld [smem:$0x3FFD];
	_ =	sdelay $0x3  }
0x96: {  	_ =	strace s2  }
0x97: {  	_ =	strace $0x8FFFFFFF  }
0x98: {  	s18 =	sld [smem:$0x3FDB];
	_ =	sdelay $0x1  }
0x99: {  	s19 =	simm.s32 $_scs_section_size  }
0x9a: {  	s4 =	simm.s32 $_size__tile_overlayer_lowered;
	s5 =	simm.s32 $_tile_overlayer_lowered  }
0x9b: {  	s22 =	simm.s32 $0x1BFF;
	s21 =	sshll.u32 s5, $0x1;
	s2 =	sadd.s32 s19, s18  }
0x9c: {  	s6 =	simm.s32 $0x0;
	s20 =	sshll.u32 s4, $0x1;
	s4 =	sadd.s32 s21, s2  }
0x9d: {  	[timem:s6], [sflag:s22] =	dma.local [hbm:s4], s20  }
0x9e: {  	_ =	swait.ge [sflag:s22], s20  }
0x9f: {  	s3 =	ssub.s32 $0x0, s20;
	[sflag:s22] =	ssyncset.done $0x0  }
0xa0: {  	[sflag:s22] =	ssyncadd.s32 s3;
	_ =	sdelay $0x1  }
0xa1: {  	s23 =	simm.s32 $0x1B8B  }
0xa2: {  	_ =	swait.ge [sflag:s23], $0x1  }
0xa3: {  	[sflag:s23] =	ssyncset.done $0x0  }
0xa4: {  	s25 =	simm.s32 $0x1B8E;
	s24 =	sld [smem:$0x3FFE];
	[sflag:s23] =	ssyncadd.s32 $0xFFFFFFFF  }
0xa5: {  	s26 =	simm.s32 $execute0_lowered;
	[smem:$0x3FD2] =	sst s25  }
0xa6: {  	s4 =	sshll.u32 s26, $0x1;
	_ =	strace $0x80000046;
	[dreg:$0x1] =	wrdreg $0xFFFFFFFF  }
0xa7: {  	s28 =	simm.s32 $_size_execute0_lowered;
	s2 =	sadd.s32 s2, s4;
	[dreg:$0x0] =	wrdreg $0x0  }
0xa8: {  	s4 =	sshll.u32 s28, $0x1;
	[dreg:$0x2] =	wrdreg s2  }
0xa9: {  	[dreg:$0x3] =	wrdreg s4  }
0xaa: {  	[dreg:$0x4] =	wrdreg $0xC0  }
0xab: {  	_ =	task [dreg:s6], $0x5FFFF  }
0xac: {  	[dreg:$0x1] =	wrdreg $0xFFFFFFFF  }
0xad: {  	[dreg:$0x0] =	wrdreg $0x60  }
0xae: {  	[dreg:$0x2] =	wrdreg s24  }
0xaf: {  	[dreg:$0x3] =	wrdreg $0x9  }
0xb0: {  	_ =	task.clear_ibuf [dreg:s6], $0x4FFFF;
	_ =	strace $0x90000046  }
0xb1: {  	s29 =	simm.s32 $0x9;
	_ =	strace $0x80000048  }
0xb2: {  	_ =	swait.ge [sflag:s29], $0x1  }
0xb3: {  	[sflag:s29] =	ssyncadd.s32 $0xFFFFFFFF  }
0xb4: {  	_ =	strace $0x90000048  }
0xb5: {  	_ =	sfence  }
0xb6: {  	s30 =	sld [smem:$0x0];
	_ =	sdelay $0x2  }
0xb7: {  	s31 =	sshll.u32 s1, $0xD;
	s1 =	sshrl.u32 s1, $0x2  }
0xb8: {  	s3 =	sand.u32 $0x4000, s31;
	s1 =	sadd.s32 s1, s30  }
0xb9: {  	s0 =	sor.u32 s3, s0;
	s1 =	sshll.u32 s1, $0x11  }
0xba: {  	s0 =	sor.u32 s1, s0  }
0xbb: {  	s0 =	sadd.s32 $0x8F2B, s0  }
0xbc: {  	[sflag:s0] =	ssyncadd.remote.s32 $0x1  }
0xbd: {  	_ =	sfence.sel $0xFFFF  }
0xbe: {  	[dreg:$0x0] =	wrdreg $0xFFFFFFFF;
	(pc) =	sbr.abs _section_cstart, $3  }
0xbf: {  	[dreg:$0x1] =	wrdreg $0xFFFFFFFF  }
0xc0: {  	_ =	task.clear_ibuf [dreg:s6], $0x2FFFF;
	_ =	strace $0x9FFFFFFF  }
0xc1: {  	(tm) =	ssettm $0x7FFFFFFF  }
tec
execute0_lowered:
.L_overlay_start_1:
0x0: {  	(tag) =	ssettag $0x1  }
0x1: {  	s0 =	rddreg [dreg:$0x0]  }
0x2: {  	s2 =	stileid.u32;
	s1 =	srdreg.scid;
	s16 =	simm.s32 $0x100  }
0x3: {  	s17 =	simm.s32 $0x200;
	s18 =	simm.s32 $0x3;
	s19 =	simm.s32 $0x40  }
0x4: {  	s25 =	simm.s32 $0x8300;
	s26 =	simm.s32 $0x1;
	s5 =	smul.u32 $0x14, s2  }
0x5: {  	s28 =	simm.s32 $0x2;
	s29 =	simm.s32 $0x0;
	s1 =	sand.u32 $0x1, s1  }
0x6: {  	s2 =	simm.s32 $0x0;
	p0 =	seq.s32 s1, $0x0;
	s3 =	sadd.s32 $0x140, s5  }
0x7: {  	s4 =	sadd.s32 $0x9400, s0;
	s6 =	sadd.s32 $0x141C00, s0;
	s3 =	smov.u32 @p0 s5  }
0x8: {  	s7 =	sadd.s32 $0x1DE000, s0;
	[smem:$0x7FF] =	sst s2;
	s8 =	sshrl.u32 s3, $0x3  }
0x9: {  	s1 =	ssub.s32 $0x2, s1;
	s9 =	sshll.u32 s3, $0x7;
	s10 =	smul.u32 $0xC00, s8  }
0xa: {  	_ =	strace $0x80000047;
	s12 =	sshrl.u32 s1, $0x1;
	s11 =	sand.u32 $0x200, s9  }
0xb: {  	s5 =	sadd.s32 $0xA5800, s0;
	s30 =	ssub.s32 s1, s12;
	s11 =	sor.u32 s11, s10  }
0xc: {  	s12 =	sor.u32 $0x1, s3;
	s9 =	sadd.s32 $0x1C00, s0;
	s31 =	sshrl.u32 s11, $0x3  }
0xd: {  	s13 =	smax.u32 s30, $0x1;
	s8 =	sadd.s32 $0x27A400, s0;
	s11 =	sadd.s32 s9, s31  }
0xe: {  	s10 =	sadd.s32 $0x44F000, s0;
	s14 =	sadd.s32 $0x80, s11;
	s15 =	sadd.s32 $0x100, s11  }
.LBB2_1:
0xf: {  	[tilespmem:s2], [sflag:$0x3] =	stream.linear.gather [hbm4b:s11+s2], $0x80, $0x38;
	[tilespmem:$0x18300] =	vst v63  }
0x10: {  	_ = 	snop  }
0x11: {  	[tilespmem:s16], [sflag:$0x3] =	stream.linear.gather [hbm4b:s14+s2], $0x80, $0x38;
	[tilespmem:$0x18300] =	vst v63  }
0x12: {  	_ = 	snop  }
0x13: {  	[tilespmem:s17], [sflag:$0x3] =	stream.linear.gather [hbm4b:s15+s2], $0x80, $0x38;
	[tilespmem:$0x18300] =	vst v63  }
0x14: {  	_ =	swait.ge [sflag:s18], $0x180  }
0x15: {  	[sflag:s18] =	ssyncset.done $0x0  }
0x16: {  	s0 =	simm.s32 $0x300;
	[sflag:s18] =	ssyncadd.s32 $0xFFFFFE80  }
0x17: {  	[tilespmem:s0], [sflag:$0x1] =	stream.indirect.gather [hbm4b:s4+s19], $0x80, s2, s19, $0xb8;
	[tilespmem:$0x18300] =	vst v63  }
0x18: {  	s23 =	simm.s32 $0x2300  }
0x19: {  	[tilespmem:s23], [sflag:$0x1] =	stream.indirect.gather [hbm4b:s5+s19], $0x80, s19, s19, $0xb8;
	[tilespmem:$0x18300] =	vst v63  }
0x1a: {  	s24 =	simm.s32 $0x4300  }
0x1b: {  	[tilespmem:s24], [sflag:$0x1] =	stream.indirect.gather [hbm4b:s6+s19], $0x80, s16, s19, $0xb8;
	[tilespmem:$0x18300] =	vst v63  }
0x1c: {  	s31 =	simm.s32 $0x140;
	s1 =	simm.s32 $0x6300  }
0x1d: {  	[tilespmem:s1], [sflag:$0x1] =	stream.indirect.gather [hbm4b:s7+s19], $0x80, s31, s19, $0xb8;
	[tilespmem:$0x18300] =	vst v63  }
0x1e: {  	p0 =	por $0x0, $0x0;
	s30 =	simm.s32 $0x0  }
0x1f: {  	[tilespmem:s25], [sflag:$0x1] =	stream.indirect.gather [hbm4b:s8+s19], $0x80, s17, s19, $0xb8;
	[tilespmem:$0x18300] =	vst v63  }
.LBB2_2:
0x20: {  	p1 =	seq.s32 s30, $0x13  }
0x21: {  	s0 =	sadd.s32 @!p1 s30, s12  }
0x22: {  	s1 =	sshrl.u32 @!p1 s0, $0x3  }
0x23: {  	s0 =	sshll.u32 @!p1 s0, $0x7;
	s1 =	smul.u32 @!p1 $0xC00, s1  }
0x24: {  	s31 =	sand.u32 @!p1 $0x380, s0  }
0x25: {  	s0 =	sand.u32 $0x1, s30;
	s1 =	sor.u32 @!p1 s31, s1  }
0x26: {  	s31 =	sxor.u32 @!p1 $0x1, s0;
	s1 =	sshrl.u32 @!p1 s1, $0x3  }
0x27: {  	s21 =	simm.s32 @!p1 $0x0;
	s20 =	sshll.u32 @!p1 s31, $0x7;
	s1 =	sadd.s32 @!p1 s9, s1  }
0x28: {  	[tilespmem:s20], [sflag:$0x3] =	stream.linear.gather @!p1 [hbm4b:s1+s21], $0x80, $0x38;
	[tilespmem:$0x18300] =	vst v63  }
0x29: {  	s23 =	sor.u32 @!p1 $0x100, s20;
	s22 =	sadd.s32 @!p1 $0x80, s1  }
0x2a: {  	[tilespmem:s23], [sflag:$0x3] =	stream.linear.gather @!p1 [hbm4b:s22+s21], $0x80, $0x38;
	[tilespmem:$0x18300] =	vst v63  }
0x2b: {  	s1 =	sadd.s32 @!p1 $0x100, s1;
	s22 =	sor.u32 @!p1 $0x200, s20  }
0x2c: {  	[tilespmem:s22], [sflag:$0x3] =	stream.linear.gather @!p1 [hbm4b:s1+s21], $0x80, $0x38;
	[tilespmem:$0x18300] =	vst v63  }
0x2d: {  	s1 =	simm.s32 @!p1 $0x3;
	s21 =	smul.u32 @!p1 $0x28000, s31  }
0x2e: {  	_ =	swait.ge @!p1 [sflag:s1], $0x180  }
0x2f: {  	[sflag:s1] =	ssyncset.done @!p1 $0x0;
	s21 =	sshrl.u32 @!p1 s21, $0x2  }
0x30: {  	s31 =	simm.s32 @!p1 $0x40;
	[sflag:s1] =	ssyncadd.s32 @!p1 $0xFFFFFE80;
	s1 =	sor.u32 @!p1 $0x300, s21  }
0x31: {  	[tilespmem:s1], [sflag:$0x1] =	stream.indirect.gather @!p1 [hbm4b:s4+s31], $0x80, s20, s31, $0xb8;
	[tilespmem:$0x18300] =	vst v63  }
0x32: {  	s24 =	sor.u32 @!p1 $0x40, s20;
	s1 =	sadd.s32 @!p1 $0x2300, s21  }
0x33: {  	[tilespmem:s1], [sflag:$0x1] =	stream.indirect.gather @!p1 [hbm4b:s5+s31], $0x80, s24, s31, $0xb8;
	[tilespmem:$0x18300] =	vst v63  }
0x34: {  	s1 =	sadd.s32 @!p1 $0x4300, s21  }
0x35: {  	[tilespmem:s1], [sflag:$0x1] =	stream.indirect.gather @!p1 [hbm4b:s6+s31], $0x80, s23, s31, $0xb8;
	[tilespmem:$0x18300] =	vst v63  }
0x36: {  	s20 =	sor.u32 @!p1 $0x140, s20;
	s1 =	sadd.s32 @!p1 $0x6300, s21  }
0x37: {  	[tilespmem:s1], [sflag:$0x1] =	stream.indirect.gather @!p1 [hbm4b:s7+s31], $0x80, s20, s31, $0xb8;
	[tilespmem:$0x18300] =	vst v63  }
0x38: {  	s1 =	sadd.s32 @!p1 $0x8300, s21  }
0x39: {  	[tilespmem:s1], [sflag:$0x1] =	stream.indirect.gather @!p1 [hbm4b:s8+s31], $0x80, s22, s31, $0xb8;
	[tilespmem:$0x18300] =	vst v63  }
0x3a: {  	_ =	swait.ge [sflag:s26], $0x2000  }
0x3b: {  	[sflag:s26] =	ssyncset.done $0x0  }
0x3c: {  	[sflag:s26] =	ssyncadd.s32 $0xFFFFE000  }
0x3d: {  	_ =	swait.ge [sflag:s26], $0x2000  }
0x3e: {  	[sflag:s26] =	ssyncset.done $0x0  }
0x3f: {  	[sflag:s26] =	ssyncadd.s32 $0xFFFFE000  }
0x40: {  	_ =	swait.ge [sflag:s26], $0x2000  }
0x41: {  	s1 =	simm.s32 $0x1;
	[sflag:s26] =	ssyncset.done $0x0  }
0x42: {  	s1 =	simm.s32 @!p0 $0x0;
	[sflag:s26] =	ssyncadd.s32 $0xFFFFE000  }
0x43: {  	s24 =	smul.u32 $0x28000, s1;
	_ =	swait.ge [sflag:s26], $0x2000  }
0x44: {  	[sflag:s26] =	ssyncset.done $0x0  }
0x45: {  	s20 =	sshrl.u32 s24, $0x2;
	[sflag:s26] =	ssyncadd.s32 $0xFFFFE000  }
0x46: {  	s20 =	sor.u32 $0x300, s20;
	_ =	swait.ge [sflag:s26], $0x2000  }
0x47: {  	p1 =	slt.u32 s30, $0x2;
	v0 =	vmov s20;
	[sflag:s26] =	ssyncset.done $0x0  }
0x48: {  	s20 =	simm.s32 @!p1 $0x2;
	[sflag:s26] =	ssyncadd.s32 $0xFFFFE000  }
0x49: {  	_ =	swait.ge @!p1 [sflag:s20], $0x2000  }
0x4a: {  	[sflag:s20] =	ssyncset.done @!p1 $0x0  }
0x4b: {  	s31 =	simm.s32 $0x0;
	[sflag:s20] =	ssyncadd.s32 @!p1 $0xFFFFE000  }
0x4c: {  	v1 =	vld.idx.msk [tilespmem:v0+s31+$0x6000 ss:$0x1], $0xffff  }
0x4d: {  	v2 =	vld.idx.msk [tilespmem:v0+s31+$0x0 ss:$0x1], $0xffff  }
0x4e: {  	v3 =	vld.idx.msk [tilespmem:v0+s31+$0x4000 ss:$0x1], $0xffff  }
0x4f: {  	v4 =	vld.idx.msk [tilespmem:v0+s31+$0x2000 ss:$0x1], $0xffff;
	_ =	sdelay $0x3  }
0x50: {  	s1 =	sshll.u32 s1, $0xD;
	v5 =	vld.idx.msk [tilespmem:v0+s31+$0x8000 ss:$0x1], $0xffff  }
0x51: {  	s1 =	sor.u32 $0x14370, s1;
	v3 =	vadd.f32 v1, v3;
	v2 =	vadd.f32 v4, v2  }
0x52: {  	v1 =	vmov s1  }
0x53: {  	v2 =	vadd.f32 v3, v2;
	_ =	sdelay $0x1  }
0x54: {  	v2 =	vadd.f32 v2, v5;
	_ =	sdelay $0x1  }
0x55: {  	[tilespmem:v1+s31+$0xFFFFFF90 ss:$0x1] =	vst.idx.msk $0xffff, v2  }
0x56: {  	v2 =	vld.idx.msk [tilespmem:v0+s31+$0x6010 ss:$0x1], $0xffff  }
0x57: {  	v3 =	vld.idx.msk [tilespmem:v0+s31+$0x2010 ss:$0x1], $0xffff  }
0x58: {  	v4 =	vld.idx.msk [tilespmem:v0+s31+$0x10 ss:$0x1], $0xffff  }
0x59: {  	v5 =	vld.idx.msk [tilespmem:v0+s31+$0x4010 ss:$0x1], $0xffff;
	_ =	sdelay $0x3  }
0x5a: {  	v6 =	vld.idx.msk [tilespmem:v0+s31+$0x8010 ss:$0x1], $0xffff  }
0x5b: {  	v3 =	vadd.f32 v3, v4;
	v2 =	vadd.f32 v2, v5;
	_ =	sdelay $0x1  }
0x5c: {  	v2 =	vadd.f32 v2, v3;
	_ =	sdelay $0x1  }
0x5d: {  	v2 =	vadd.f32 v2, v6;
	_ =	sdelay $0x1  }
0x5e: {  	[tilespmem:v1+s31+$0xFFFFFFA0 ss:$0x1] =	vst.idx.msk $0xffff, v2  }
0x5f: {  	v2 =	vld.idx.msk [tilespmem:v0+s31+$0x4020 ss:$0x1], $0xffff  }
0x60: {  	v3 =	vld.idx.msk [tilespmem:v0+s31+$0x2020 ss:$0x1], $0xffff  }
0x61: {  	v4 =	vld.idx.msk [tilespmem:v0+s31+$0x20 ss:$0x1], $0xffff  }
0x62: {  	v5 =	vld.idx.msk [tilespmem:v0+s31+$0x6020 ss:$0x1], $0xffff;
	_ =	sdelay $0x3  }
0x63: {  	v6 =	vld.idx.msk [tilespmem:v0+s31+$0x8020 ss:$0x1], $0xffff  }
0x64: {  	v3 =	vadd.f32 v3, v4;
	v2 =	vadd.f32 v5, v2;
	_ =	sdelay $0x1  }
0x65: {  	v2 =	vadd.f32 v2, v3;
	_ =	sdelay $0x1  }
0x66: {  	v2 =	vadd.f32 v2, v6;
	_ =	sdelay $0x1  }
0x67: {  	[tilespmem:v1+s31+$0xFFFFFFB0 ss:$0x1] =	vst.idx.msk $0xffff, v2  }
0x68: {  	v2 =	vld.idx.msk [tilespmem:v0+s31+$0x6030 ss:$0x1], $0xffff  }
0x69: {  	v3 =	vld.idx.msk [tilespmem:v0+s31+$0x30 ss:$0x1], $0xffff  }
0x6a: {  	v4 =	vld.idx.msk [tilespmem:v0+s31+$0x2030 ss:$0x1], $0xffff  }
0x6b: {  	v5 =	vld.idx.msk [tilespmem:v0+s31+$0x4030 ss:$0x1], $0xffff;
	_ =	sdelay $0x3  }
0x6c: {  	v6 =	vld.idx.msk [tilespmem:v0+s31+$0x8030 ss:$0x1], $0xffff  }
0x6d: {  	v3 =	vadd.f32 v4, v3;
	v2 =	vadd.f32 v2, v5;
	_ =	sdelay $0x1  }
0x6e: {  	v2 =	vadd.f32 v2, v3;
	_ =	sdelay $0x1  }
0x6f: {  	v2 =	vadd.f32 v2, v6;
	_ =	sdelay $0x1  }
0x70: {  	[tilespmem:v1+s31+$0xFFFFFFC0 ss:$0x1] =	vst.idx.msk $0xffff, v2  }
0x71: {  	v2 =	vld.idx.msk [tilespmem:v0+s31+$0x2040 ss:$0x1], $0xffff  }
0x72: {  	v3 =	vld.idx.msk [tilespmem:v0+s31+$0x6040 ss:$0x1], $0xffff  }
0x73: {  	v4 =	vld.idx.msk [tilespmem:v0+s31+$0x40 ss:$0x1], $0xffff  }
0x74: {  	v5 =	vld.idx.msk [tilespmem:v0+s31+$0x4040 ss:$0x1], $0xffff;
	_ =	sdelay $0x3  }
0x75: {  	v6 =	vld.idx.msk [tilespmem:v0+s31+$0x8040 ss:$0x1], $0xffff  }
0x76: {  	v2 =	vadd.f32 v2, v4;
	v3 =	vadd.f32 v3, v5;
	_ =	sdelay $0x1  }
0x77: {  	v2 =	vadd.f32 v3, v2;
	_ =	sdelay $0x1  }
0x78: {  	v2 =	vadd.f32 v2, v6;
	_ =	sdelay $0x1  }
0x79: {  	[tilespmem:v1+s31+$0xFFFFFFD0 ss:$0x1] =	vst.idx.msk $0xffff, v2  }
0x7a: {  	v2 =	vld.idx.msk [tilespmem:v0+s31+$0x2050 ss:$0x1], $0xffff  }
0x7b: {  	v3 =	vld.idx.msk [tilespmem:v0+s31+$0x6050 ss:$0x1], $0xffff  }
0x7c: {  	v4 =	vld.idx.msk [tilespmem:v0+s31+$0x4050 ss:$0x1], $0xffff  }
0x7d: {  	v5 =	vld.idx.msk [tilespmem:v0+s31+$0x50 ss:$0x1], $0xffff;
	_ =	sdelay $0x3  }
0x7e: {  	v6 =	vld.idx.msk [tilespmem:v0+s31+$0x8050 ss:$0x1], $0xffff  }
0x7f: {  	v3 =	vadd.f32 v3, v4;
	v2 =	vadd.f32 v2, v5;
	_ =	sdelay $0x1  }
0x80: {  	v2 =	vadd.f32 v3, v2;
	_ =	sdelay $0x1  }
0x81: {  	v2 =	vadd.f32 v2, v6;
	_ =	sdelay $0x1  }
0x82: {  	[tilespmem:v1+s31+$0xFFFFFFE0 ss:$0x1] =	vst.idx.msk $0xffff, v2  }
0x83: {  	v2 =	vld.idx.msk [tilespmem:v0+s31+$0x2060 ss:$0x1], $0xffff  }
0x84: {  	v3 =	vld.idx.msk [tilespmem:v0+s31+$0x4060 ss:$0x1], $0xffff  }
0x85: {  	v5 =	vld.idx.msk [tilespmem:v0+s31+$0x60 ss:$0x1], $0xffff  }
0x86: {  	s0 =	sshll.u32 s0, $0xD;
	v6 =	vld.idx.msk [tilespmem:v0+s31+$0x6060 ss:$0x1], $0xffff  }
0x87: {  	s1 =	sor.u32 $0x14300, s0;
	s0 =	simm.s32 $0x200;
	v4 =	vld.idx.msk [tilespmem:v0+s31+$0x8060 ss:$0x1], $0xffff  }
.LBB2_3:
0x88: {  	_ = 	snop  }
0x89: {  	p1 =	sne.s32 s0, $0x7E00;
	s20 =	smov.u32 s0;
	s0 =	sadd.s32 $0x200, s0  }
0x8a: {  	v2 =	vadd.f32 v2, v5  }
0x8b: {  	v3 =	vadd.f32 v6, v3;
	_ =	sdelay $0x1  }
0x8c: {  	v2 =	vadd.f32 v3, v2;
	_ =	sdelay $0x1  }
0x8d: {  	v2 =	vadd.f32 v2, v4;
	_ =	sdelay $0x1  }
0x8e: {  	[tilespmem:v1+s31+$0xFFFFFFF0 ss:$0x1] =	vst.idx.msk $0xffff, v2  }
0x8f: {  	v2 =	vld.idx.msk [tilespmem:v0+s31+$0x6070 ss:$0x1], $0xffff  }
0x90: {  	v3 =	vld.idx.msk [tilespmem:v0+s31+$0x2070 ss:$0x1], $0xffff  }
0x91: {  	v4 =	vld.idx.msk [tilespmem:v0+s31+$0x70 ss:$0x1], $0xffff  }
0x92: {  	v5 =	vld.idx.msk [tilespmem:v0+s31+$0x4070 ss:$0x1], $0xffff  }
0x93: {  	v6 =	vld.idx.msk [tilespmem:v0+s31+$0x8070 ss:$0x1], $0xffff;
	_ =	sdelay $0x3  }
0x94: {  	v3 =	vadd.f32 v3, v4  }
0x95: {  	v2 =	vadd.f32 v2, v5;
	_ =	sdelay $0x1  }
0x96: {  	v2 =	vadd.f32 v2, v3;
	_ =	sdelay $0x1  }
0x97: {  	v2 =	vadd.f32 v2, v6;
	_ =	sdelay $0x1  }
0x98: {  	[tilespmem:v1+s31+$0x0 ss:$0x1] =	vst.idx.msk $0xffff, v2;
	s31 =	sshra.s32 s20, $0x2  }
0x99: {  	v2 =	vld.idx.msk [tilespmem:v0+s31+$0x6000 ss:$0x1], $0xffff  }
0x9a: {  	v3 =	vld.idx.msk [tilespmem:v0+s31+$0x0 ss:$0x1], $0xffff  }
0x9b: {  	v4 =	vld.idx.msk [tilespmem:v0+s31+$0x4000 ss:$0x1], $0xffff  }
0x9c: {  	v5 =	vld.idx.msk [tilespmem:v0+s31+$0x2000 ss:$0x1], $0xffff;
	_ =	sdelay $0x3  }
0x9d: {  	v6 =	vld.idx.msk [tilespmem:v0+s31+$0x8000 ss:$0x1], $0xffff  }
0x9e: {  	v2 =	vadd.f32 v2, v4  }
0x9f: {  	v3 =	vadd.f32 v5, v3;
	_ =	sdelay $0x1  }
0xa0: {  	v2 =	vadd.f32 v2, v3;
	_ =	sdelay $0x1  }
0xa1: {  	v2 =	vadd.f32 v2, v6;
	_ =	sdelay $0x1  }
0xa2: {  	[tilespmem:v1+s31+$0xFFFFFF90 ss:$0x1] =	vst.idx.msk $0xffff, v2  }
0xa3: {  	v2 =	vld.idx.msk [tilespmem:v0+s31+$0x6010 ss:$0x1], $0xffff  }
0xa4: {  	v3 =	vld.idx.msk [tilespmem:v0+s31+$0x2010 ss:$0x1], $0xffff  }
0xa5: {  	v4 =	vld.idx.msk [tilespmem:v0+s31+$0x10 ss:$0x1], $0xffff  }
0xa6: {  	v5 =	vld.idx.msk [tilespmem:v0+s31+$0x4010 ss:$0x1], $0xffff;
	_ =	sdelay $0x3  }
0xa7: {  	v6 =	vld.idx.msk [tilespmem:v0+s31+$0x8010 ss:$0x1], $0xffff  }
0xa8: {  	v3 =	vadd.f32 v3, v4  }
0xa9: {  	v2 =	vadd.f32 v2, v5;
	_ =	sdelay $0x1  }
0xaa: {  	v2 =	vadd.f32 v2, v3;
	_ =	sdelay $0x1  }
0xab: {  	v2 =	vadd.f32 v2, v6;
	_ =	sdelay $0x1  }
0xac: {  	[tilespmem:v1+s31+$0xFFFFFFA0 ss:$0x1] =	vst.idx.msk $0xffff, v2  }
0xad: {  	v2 =	vld.idx.msk [tilespmem:v0+s31+$0x4020 ss:$0x1], $0xffff  }
0xae: {  	v3 =	vld.idx.msk [tilespmem:v0+s31+$0x2020 ss:$0x1], $0xffff  }
0xaf: {  	v4 =	vld.idx.msk [tilespmem:v0+s31+$0x20 ss:$0x1], $0xffff  }
0xb0: {  	v5 =	vld.idx.msk [tilespmem:v0+s31+$0x6020 ss:$0x1], $0xffff;
	_ =	sdelay $0x3  }
0xb1: {  	v6 =	vld.idx.msk [tilespmem:v0+s31+$0x8020 ss:$0x1], $0xffff  }
0xb2: {  	v3 =	vadd.f32 v3, v4  }
0xb3: {  	v2 =	vadd.f32 v5, v2;
	_ =	sdelay $0x1  }
0xb4: {  	v2 =	vadd.f32 v2, v3;
	_ =	sdelay $0x1  }
0xb5: {  	v2 =	vadd.f32 v2, v6;
	_ =	sdelay $0x1  }
0xb6: {  	[tilespmem:v1+s31+$0xFFFFFFB0 ss:$0x1] =	vst.idx.msk $0xffff, v2  }
0xb7: {  	v2 =	vld.idx.msk [tilespmem:v0+s31+$0x6030 ss:$0x1], $0xffff  }
0xb8: {  	v3 =	vld.idx.msk [tilespmem:v0+s31+$0x30 ss:$0x1], $0xffff  }
0xb9: {  	v4 =	vld.idx.msk [tilespmem:v0+s31+$0x2030 ss:$0x1], $0xffff  }
0xba: {  	v5 =	vld.idx.msk [tilespmem:v0+s31+$0x4030 ss:$0x1], $0xffff;
	_ =	sdelay $0x3  }
0xbb: {  	v6 =	vld.idx.msk [tilespmem:v0+s31+$0x8030 ss:$0x1], $0xffff  }
0xbc: {  	v3 =	vadd.f32 v4, v3  }
0xbd: {  	v2 =	vadd.f32 v2, v5;
	_ =	sdelay $0x1  }
0xbe: {  	v2 =	vadd.f32 v2, v3;
	_ =	sdelay $0x1  }
0xbf: {  	v2 =	vadd.f32 v2, v6;
	_ =	sdelay $0x1  }
0xc0: {  	[tilespmem:v1+s31+$0xFFFFFFC0 ss:$0x1] =	vst.idx.msk $0xffff, v2  }
0xc1: {  	v2 =	vld.idx.msk [tilespmem:v0+s31+$0x2040 ss:$0x1], $0xffff  }
0xc2: {  	v3 =	vld.idx.msk [tilespmem:v0+s31+$0x6040 ss:$0x1], $0xffff  }
0xc3: {  	v4 =	vld.idx.msk [tilespmem:v0+s31+$0x40 ss:$0x1], $0xffff  }
0xc4: {  	v5 =	vld.idx.msk [tilespmem:v0+s31+$0x4040 ss:$0x1], $0xffff;
	_ =	sdelay $0x3  }
0xc5: {  	v6 =	vld.idx.msk [tilespmem:v0+s31+$0x8040 ss:$0x1], $0xffff  }
0xc6: {  	v2 =	vadd.f32 v2, v4  }
0xc7: {  	v3 =	vadd.f32 v3, v5;
	_ =	sdelay $0x1  }
0xc8: {  	v2 =	vadd.f32 v3, v2;
	_ =	sdelay $0x1  }
0xc9: {  	v2 =	vadd.f32 v2, v6;
	_ =	sdelay $0x1  }
0xca: {  	[tilespmem:v1+s31+$0xFFFFFFD0 ss:$0x1] =	vst.idx.msk $0xffff, v2  }
0xcb: {  	v2 =	vld.idx.msk [tilespmem:v0+s31+$0x2050 ss:$0x1], $0xffff  }
0xcc: {  	v3 =	vld.idx.msk [tilespmem:v0+s31+$0x6050 ss:$0x1], $0xffff  }
0xcd: {  	v4 =	vld.idx.msk [tilespmem:v0+s31+$0x4050 ss:$0x1], $0xffff  }
0xce: {  	v5 =	vld.idx.msk [tilespmem:v0+s31+$0x50 ss:$0x1], $0xffff  }
0xcf: {  	v6 =	vld.idx.msk [tilespmem:v0+s31+$0x8050 ss:$0x1], $0xffff;
	_ =	sdelay $0x3  }
0xd0: {  	v3 =	vadd.f32 v3, v4  }
0xd1: {  	v2 =	vadd.f32 v2, v5;
	_ =	sdelay $0x1  }
0xd2: {  	v2 =	vadd.f32 v3, v2;
	_ =	sdelay $0x1  }
0xd3: {  	v2 =	vadd.f32 v2, v6;
	_ =	sdelay $0x1  }
0xd4: {  	[tilespmem:v1+s31+$0xFFFFFFE0 ss:$0x1] =	vst.idx.msk $0xffff, v2  }
.Ltmp0:
0xd5: {  	v2 =	vld.idx.msk [tilespmem:v0+s31+$0x2060 ss:$0x1], $0xffff;
	(pc) =	sbr.rel @p1 .LBB2_3-.Ltmp0, $4  }
0xd6: {  	v3 =	vld.idx.msk [tilespmem:v0+s31+$0x4060 ss:$0x1], $0xffff  }
0xd7: {  	v5 =	vld.idx.msk [tilespmem:v0+s31+$0x60 ss:$0x1], $0xffff  }
0xd8: {  	v6 =	vld.idx.msk [tilespmem:v0+s31+$0x6060 ss:$0x1], $0xffff  }
0xd9: {  	v4 =	vld.idx.msk [tilespmem:v0+s31+$0x8060 ss:$0x1], $0xffff  }
0xda: {  	_ =	sdelay $0x2  }
0xdb: {  	v2 =	vadd.f32 v2, v5;
	v3 =	vadd.f32 v6, v3;
	_ =	sdelay $0x1  }
0xdc: {  	v2 =	vadd.f32 v3, v2;
	_ =	sdelay $0x1  }
0xdd: {  	v2 =	vadd.f32 v2, v4;
	_ =	sdelay $0x1  }
0xde: {  	[tilespmem:v1+s31+$0xFFFFFFF0 ss:$0x1] =	vst.idx.msk $0xffff, v2  }
0xdf: {  	v2 =	vld.idx.msk [tilespmem:v0+s31+$0x6070 ss:$0x1], $0xffff  }
0xe0: {  	v60 =	vld.idx.msk [tilespmem:v0+s31+$0x2070 ss:$0x1], $0xffff  }
0xe1: {  	v61 =	vld.idx.msk [tilespmem:v0+s31+$0x70 ss:$0x1], $0xffff  }
0xe2: {  	v62 =	vld.idx.msk [tilespmem:v0+s31+$0x4070 ss:$0x1], $0xffff;
	_ =	sdelay $0x3  }
0xe3: {  	v63 =	vld.idx.msk [tilespmem:v0+s31+$0x8070 ss:$0x1], $0xffff  }
0xe4: {  	v3 =	vadd.f32 v60, v61;
	v2 =	vadd.f32 v2, v62  }
0xe5: {  	s0 =	sadd.s32 s3, s30;
	s30 =	sadd.s32 $0x1, s30  }
0xe6: {  	p1 =	sne.s32 s30, $0x14;
	v2 =	vadd.f32 v2, v3  }
.Ltmp1:
0xe7: {  	_ = 	snop;
	(pc) =	sbr.rel @p1 .LBB2_2-.Ltmp1, $4  }
0xe8: {  	v0 =	vadd.f32 v2, v63  }
0xe9: {  	s0 =	sshll.u32 s0, $0xA  }
0xea: {  	p0 =	por !p0, !p0;
	s0 =	sadd.s32 s10, s0;
	[tilespmem:v1+s31+$0x0 ss:$0x1] =	vst.idx.msk $0xffff, v0  }
0xeb: {  	[hbm4b:s0+s2] =	stream.linear.scatter [tilespmem:s1], [sflag:$0x2], $0x2000, $0x38;
	[tilespmem:$0x18300] =	vst v63  }
0xec: {  	s29 =	sadd.s32 $0x1, s29  }
0xed: {  	_ =	swait.ge [sflag:s28], $0x2000;
	p0 =	sne.s32 s29, s13  }
.Ltmp2:
0xee: {  	[sflag:s28] =	ssyncset.done $0x0;
	(pc) =	sbr.rel @p0 .LBB2_1-.Ltmp2, $4  }
0xef: {  	[sflag:s28] =	ssyncadd.s32 $0xFFFFE000  }
0xf0: {  	_ =	swait.ge [sflag:s28], $0x2000  }
0xf1: {  	[sflag:s28] =	ssyncset.done $0x0  }
0xf2: {  	[sflag:s28] =	ssyncadd.s32 $0xFFFFE000  }
0xf3: {  	_ =	sfence.sel $0x180000  }
0xf4: {  	[bflag:$0x0] =	sbarrier.arrive $0xFFFF  }
0xf5: {  	_ =	strace $0x90000047  }
0xf6: {  	s0 =	stileid.u32;
	[bflag:$0x2] =	sbarrier.arrive $0xFFFF  }
0xf7: {  	p0 =	sne.s32 s0, $0x0;
	s0 =	rddreg [dreg:$0x1]  }
0xf8: {  	s0 =	sadd.s32 @!p0 $0x100000, s0  }
0xf9: {  	[sflag:s0] =	ssyncadd.tile.s32 @!p0 $0x1;
	_ =	shalt  }
.Lfunc_end2:
_tile_overlayer_lowered:
.L_overlay_start_2:
0xfa: {  	(tag) =	ssettag $0x2  }
0xfb: {  	s0 =	rddreg [dreg:$0x0];
	s2 =	stileid.u32  }
0xfc: {  	s1 =	rddreg [dreg:$0x1];
	p0 =	sne.s32 s2, $0x0  }
0xfd: {  	s3 =	rddreg [dreg:$0x2];
	[bflag:$0x3] =	sbarrier.arrive $0xFFFF;
	s2 =	simm.s32 @!p0 $0x1C03  }
0xfe: {  	[timem:s3], [sflag:s2] =	dma.local @!p0 [hbm:s0], s1  }
0xff: {  	s0 =	simm.s32 @!p0 $0x3  }
0x100: {  	_ =	swait.ge @!p0 [sflag:s0], s1  }
0x101: {  	s1 =	ssub.s32 @!p0 $0x0, s1;
	[sflag:s0] =	ssyncset.done @!p0 $0x0  }
0x102: {  	[sflag:s0] =	ssyncadd.s32 @!p0 s1  }
0x103: {  	[bflag:$0x3] =	sbarrier.arrive $0xFFFF  }
0x104: {  	_ =	shalt  }

</sc_bundles>
